<compile_context>
chip_gen: v7x
topology: tpu7x:2x2x1
jax: 0.10.2.dev20260603
libtpu: 0.0.44.dev20260713+nightly
codegen_flags: <defaults>
</compile_context>

<pallas_src>
import functools

import jax
import jax.numpy as jnp
from jax import lax
from jax.experimental import pallas as pl
from jax.experimental.pallas import tpu as pltpu
from jax.experimental.pallas import tpu_sc as plsc

N = 10000
E = 320000
F = 128
NP = 10240
NC = 2
NS = 16
NW = NC * NS
EPW = E // NW
EB = 80
NB = EPW // EB
GR = 3
NGF = NB // GR
TB = NB % GR
GROWS = GR * EB
RPS = NP // NS
DGR = 5

_mesh = plsc.VectorSubcoreMesh(core_axis_name="c", subcore_axis_name="s")


@functools.partial(
    pl.kernel,
    out_type=jax.ShapeDtypeStruct((NC, NP), jnp.float32),
    mesh=_mesh,
    scratch_types=(
        [
            pltpu.VMEM_SHARED((NP,), jnp.float32),
            pltpu.VMEM((RPS,), jnp.float32),
            pltpu.VMEM((EB,), jnp.float32),
        ]
        + [pltpu.VMEM((EB,), jnp.int32) for _ in range(DGR)]
        + [pltpu.SemaphoreType.DMA for _ in range(2 * DGR)]
    ),
)
def _deg_kernel(row_hbm, degp_hbm, acc, zbuf, onesv, *rest):
  idxv = rest[:DGR]
  isem = rest[DGR:2 * DGR]
  ssem = rest[2 * DGR:3 * DGR]
  c = lax.axis_index("c")
  s = lax.axis_index("s")
  wid = c * NS + s
  base = wid * EPW

  z = jnp.zeros((16,), dtype=jnp.float32)
  for i in range(RPS // 16):
    zbuf[pl.ds(16 * i, 16)] = z
  o = jnp.ones((16,), dtype=jnp.float32)
  for i in range(EB // 16):
    onesv[pl.ds(16 * i, 16)] = o
  pltpu.sync_copy(zbuf, acc.at[pl.ds(RPS * s, RPS)])
  plsc.subcore_barrier()

  def dgroup(g, drain):
    il = []
    for r in range(DGR):
      if drain:
        pltpu.make_async_copy(row_hbm.at[pl.ds(0, EB)], idxv[r],
                              ssem[r]).wait()
      off = base + EB * (g * DGR + r)
      il.append(pltpu.async_copy(row_hbm.at[pl.ds(off, EB)], idxv[r],
                                 isem[r]))
    for r in range(DGR):
      il[r].wait()
      pltpu.async_copy(onesv, acc.at[idxv[r]], ssem[r], add=True)

  dgroup(0, False)

  def body(g, carry):
    dgroup(g, True)
    return carry

  lax.fori_loop(1, NB // DGR, body, 0)
  for r in range(DGR):
    pltpu.make_async_copy(row_hbm.at[pl.ds(0, EB)], idxv[r], ssem[r]).wait()
  plsc.subcore_barrier()
  pltpu.sync_copy(acc.at[pl.ds(RPS * s, RPS)], zbuf)
  pltpu.sync_copy(zbuf, degp_hbm.at[c, pl.ds(RPS * s, RPS)])


@functools.partial(
    pl.kernel,
    out_type=jax.ShapeDtypeStruct((NC, NP, F), jnp.float32),
    mesh=_mesh,
    scratch_types=(
        [
            pltpu.VMEM_SHARED((NP, F), jnp.float32),
            pltpu.VMEM((GROWS, F), jnp.float32),
        ]
        + [pltpu.VMEM((EPW,), jnp.int32)]
        + [pltpu.VMEM((40, F), jnp.float32)]
        + [pltpu.VMEM((EB,), jnp.int32) for _ in range(GR)]
        + [pltpu.SemaphoreType.DMA for _ in range(3 * GR)]
    ),
)
def _scatter_kernel(tab_hbm, row_hbm, col_hbm, out_hbm, acc, rows_v, *rest):
  ridx = rest[0]
  zbuf = rest[1]
  cidx = rest[2:2 + GR]
  sems = rest[2 + GR:]
  cisem = sems[:GR]
  gsem = sems[GR:2 * GR]
  ssem = sems[2 * GR:3 * GR]
  c = lax.axis_index("c")
  s = lax.axis_index("s")
  wid = c * NS + s
  base = wid * EPW

  pltpu.async_copy(row_hbm.at[pl.ds(base, EPW)], ridx, cisem[0]).wait()
  g0gd, g0cl = [], []
  for r in range(GR):
    g0gd.append(pltpu.async_copy(tab_hbm.at[ridx.at[pl.ds(EB * r, EB)]],
                                 rows_v.at[pl.ds(EB * r, EB)], gsem[r]))
    g0cl.append(pltpu.async_copy(col_hbm.at[pl.ds(base + EB * r, EB)],
                                 cidx[r], cisem[r]))

  def zrow(r, carry):
    z = jnp.zeros((16,), dtype=jnp.float32)
    for k in range(F // 16):
      zbuf[r, pl.ds(16 * k, 16)] = z
    return carry

  lax.fori_loop(0, 40, zrow, 0)
  zd = []
  for j in range(RPS // 40):
    zd.append(pltpu.async_copy(zbuf, acc.at[pl.ds(RPS * s + 40 * j, 40)],
                               ssem[j % GR]))
  for d in zd:
    d.wait()
  plsc.subcore_barrier()
  for r in range(GR):
    g0gd[r].wait()
    g0cl[r].wait()
    pltpu.async_copy(rows_v.at[pl.ds(EB * r, EB)], acc.at[cidx[r]],
                     ssem[r], add=True)

  def drain_scatter(r):
    pltpu.make_async_copy(tab_hbm.at[pl.ds(0, EB)],
                          rows_v.at[pl.ds(EB * r, EB)], ssem[r]).wait()

  def group(g, nr, drain):
    cl, gd = [], []
    for r in range(nr):
      if drain:
        drain_scatter(r)
      off = base + EB * (g * GR + r)
      cl.append(pltpu.async_copy(col_hbm.at[pl.ds(off, EB)], cidx[r],
                                 cisem[r]))
      gd.append(
          pltpu.async_copy(tab_hbm.at[ridx.at[pl.ds(EB * (g * GR + r), EB)]],
                           rows_v.at[pl.ds(EB * r, EB)], gsem[r]))
    for r in range(nr):
      gd[r].wait()
      cl[r].wait()
      pltpu.async_copy(rows_v.at[pl.ds(EB * r, EB)], acc.at[cidx[r]],
                       ssem[r], add=True)

  def body(g, carry):
    group(g, GR, True)
    return carry

  lax.fori_loop(1, NGF, body, 0)
  if TB:
    group(NGF, TB, True)
  for r in range(GR):
    drain_scatter(r)
  plsc.subcore_barrier()
  dd = []
  for j in range(RPS // 160):
    off = RPS * s + 160 * j
    dd.append(pltpu.async_copy(acc.at[pl.ds(off, 160)],
                               out_hbm.at[c, pl.ds(off, 160)], gsem[j % GR]))
  for d in dd:
    d.wait()


def _mlp_body(x_ref, w1_ref, b1_ref, w2_ref, b2_ref, degp_ref, h_ref,
              g0_ref):
  i = pl.program_id(0)
  h1 = lax.dot_general(x_ref[...], w1_ref[...], (((1,), (1,)), ((), ())),
                       preferred_element_type=jnp.float32)
  h1 = jnp.maximum(h1 + b1_ref[...], 0.0)
  h = lax.dot_general(h1, w2_ref[...], (((1,), (1,)), ((), ())),
                      preferred_element_type=jnp.float32)
  h = h + b2_ref[...]
  h_ref[...] = h
  dp = degp_ref[:, pl.ds(i * _BLK, _BLK)]
  deg = jnp.sum(dp, axis=0)
  dis = jnp.where(deg > 0, lax.rsqrt(deg), 0.0)
  g0_ref[...] = h * dis[:, None]


def _scale_body(p_ref, degp_ref, g1_ref):
  i = pl.program_id(0)
  ps = p_ref[0] + p_ref[1]
  dp = degp_ref[:, pl.ds(i * _BLK, _BLK)]
  deg = jnp.sum(dp, axis=0)
  dis2 = jnp.where(deg > 0, 1.0 / deg, 0.0)
  g1_ref[...] = ps * dis2[:, None]


def _final_body(q_ref, degp_ref, h_ref, o_ref):
  i = pl.program_id(0)
  qs = q_ref[0] + q_ref[1]
  dp = degp_ref[:, pl.ds(i * _BLK, _BLK)]
  deg = jnp.sum(dp, axis=0)
  dis = jnp.where(deg > 0, lax.rsqrt(deg), 0.0)
  o_ref[...] = 0.1 * h_ref[...] + 0.081 * (qs * dis[:, None])


_BLK = 2048
_GRID = NP // _BLK
_full_deg_spec = pl.BlockSpec((NC, NP), lambda i: (0, 0))
_row_spec = pl.BlockSpec((_BLK, F), lambda i: (i, 0))
_w_spec = pl.BlockSpec((F, F), lambda i: (0, 0))
_b_spec = pl.BlockSpec((1, F), lambda i: (0, 0))
_p_spec = pl.BlockSpec((NC, _BLK, F), lambda i: (0, i, 0))

_mlp_call = pl.pallas_call(
    _mlp_body,
    grid=(_GRID,),
    in_specs=[_row_spec, _w_spec, _b_spec, _w_spec, _b_spec, _full_deg_spec],
    out_specs=[_row_spec, _row_spec],
    out_shape=[
        jax.ShapeDtypeStruct((NP, F), jnp.float32),
        jax.ShapeDtypeStruct((NP, F), jnp.float32),
    ],
)

_scale_call = pl.pallas_call(
    _scale_body,
    grid=(_GRID,),
    in_specs=[_p_spec, _full_deg_spec],
    out_specs=_row_spec,
    out_shape=jax.ShapeDtypeStruct((NP, F), jnp.float32),
)

_final_call = pl.pallas_call(
    _final_body,
    grid=(_GRID,),
    in_specs=[_p_spec, _full_deg_spec, _row_spec],
    out_specs=_row_spec,
    out_shape=jax.ShapeDtypeStruct((NP, F), jnp.float32),
)


@jax.jit
def kernel(x, edge_index, W1, b1, W2, b2):
  row = edge_index[0]
  col = edge_index[1]
  x_pad = jnp.pad(x, ((0, NP - N), (0, 0)))
  degp = _deg_kernel(row)
  h, g0 = _mlp_call(x_pad, W1, b1.reshape(1, F), W2, b2.reshape(1, F), degp)
  p = _scatter_kernel(g0, row, col)
  g1 = _scale_call(p, degp)
  q = _scatter_kernel(g1, row, col)
  out = _final_call(q, degp, h)
  return out[:N]

# --- scband reference (transcript-rebuilt; emitter-appended) ---
"""Pipeline reference for scband-event-encoder-44083544326599 (READ-ONLY COPY).

The authoritative reference and input builder live on the scoring server;
editing this copy changes nothing except your own understanding.
"""

import jax, jax.numpy as jnp
import numpy as np

N = 10000
E = 320000
HGCN = 128
HID = 128
K = 4
ALPHA = 0.1


def setup_inputs(seed: int = 0) -> dict:
    key = jax.random.key(seed)
    k1, k2, k3, k4, k5, k6 = jax.random.split(key, 6)
    x = jax.random.normal(k1, (N, HGCN), dtype=jnp.float32)
    edge_index = jax.random.randint(k2, (2, E), 0, N, dtype=jnp.int32)
    # Linear layers (torch Linear: y = x @ W.T + b), kaiming-uniform-ish scale
    lim1 = 1.0 / np.sqrt(HGCN)
    W1 = jax.random.uniform(k3, (HID, HGCN), dtype=jnp.float32, minval=-lim1, maxval=lim1)
    b1 = jax.random.uniform(k4, (HID,), dtype=jnp.float32, minval=-lim1, maxval=lim1)
    lim2 = 1.0 / np.sqrt(HID)
    W2 = jax.random.uniform(k5, (HGCN, HID), dtype=jnp.float32, minval=-lim2, maxval=lim2)
    b2 = jax.random.uniform(k6, (HGCN,), dtype=jnp.float32, minval=-lim2, maxval=lim2)
    return {"x": x, "edge_index": edge_index, "W1": W1, "b1": b1, "W2": W2, "b2": b2}


def _propagate(row, col, norm, h):
    # MessagePassing aggr='add', flow source_to_target: gather x_j = h[row],
    # weight by norm, scatter-add at col.
    msg = norm[:, None] * jnp.take(h, row, axis=0)
    return jnp.zeros_like(h).at[col].add(msg)


def reference(x, edge_index, W1, b1, W2, b2):
    # dropout p=0.0 -> identity
    h = jax.nn.relu(x @ W1.T + b1)
    h = h @ W2.T + b2

    n = h.shape[0]
    row = edge_index[0]
    col = edge_index[1]
    w = jnp.ones(row.shape[0], dtype=h.dtype)
    # get_laplacian(normalization='sym'): deg from scatter-add over row
    deg = jnp.zeros(n, dtype=h.dtype).at[row].add(w)
    deg_inv_sqrt = jnp.where(deg > 0, 1.0 / jnp.sqrt(deg), 0.0)
    a_norm = deg_inv_sqrt[row] * w * deg_inv_sqrt[col]
    # get_laplacian returns edges with weight -a_norm plus self-loops of weight 1
    # (norm1 = [-a_norm, ones]); then EvenProp does add_self_loops(ei1, -norm1, fill=1):
    # norm2 = [a_norm, -ones, ones] over edges + two copies of self-loops.
    loop = jnp.arange(n, dtype=row.dtype)
    r2 = jnp.concatenate([row, loop, loop])
    c2 = jnp.concatenate([col, loop, loop])
    norm2 = jnp.concatenate([a_norm, -jnp.ones(n, h.dtype), jnp.ones(n, h.dtype)])

    temp = ALPHA * (1.0 - ALPHA) ** (2 * jnp.arange(K // 2 + 1, dtype=h.dtype))
    hidden = h * temp[0]
    xk = _propagate(r2, c2, norm2, h)
    xk = _propagate(r2, c2, norm2, xk)
    hidden = hidden + temp[1] * xk
    # loop breaks after first iteration in the original code
    return hidden

if __name__ == "__main__":
    import jax
    _d = setup_inputs()
    print(jax.jit(kernel)(*tuple(_d.values())))

</pallas_src>

<mosaic_0001>
#map = affine_map<(d0, d1) -> (0, 0)>
#map1 = affine_map<(d0, d1) -> (0)>
#map2 = affine_map<(d0, d1) -> (0, 0, 0)>
module attributes {stable_mosaic.version = 14 : i64} {
  func.func @_scatter_kernel(%arg0: i32, %arg1: i32, %arg2: memref<10240x128xf32, #tpu.memory_space<hbm>>, %arg3: memref<320000xi32, #tpu.memory_space<hbm>>, %arg4: memref<320000xi32, #tpu.memory_space<hbm>>, %arg5: memref<2x10240x128xf32, #tpu.memory_space<hbm>>, %arg6: memref<10240x128xf32, #tpu.memory_space<vmem_shared>>, %arg7: memref<240x128xf32, #tpu.memory_space<vmem>>, %arg8: memref<10000xi32, #tpu.memory_space<vmem>>, %arg9: memref<40x128xf32, #tpu.memory_space<vmem>>, %arg10: memref<80xi32, #tpu.memory_space<vmem>>, %arg11: memref<80xi32, #tpu.memory_space<vmem>>, %arg12: memref<80xi32, #tpu.memory_space<vmem>>, %arg13: memref<!tpu.dma_semaphore, #tpu.memory_space<semaphore_mem>>, %arg14: memref<!tpu.dma_semaphore, #tpu.memory_space<semaphore_mem>>, %arg15: memref<!tpu.dma_semaphore, #tpu.memory_space<semaphore_mem>>, %arg16: memref<!tpu.dma_semaphore, #tpu.memory_space<semaphore_mem>>, %arg17: memref<!tpu.dma_semaphore, #tpu.memory_space<semaphore_mem>>, %arg18: memref<!tpu.dma_semaphore, #tpu.memory_space<semaphore_mem>>, %arg19: memref<!tpu.dma_semaphore, #tpu.memory_space<semaphore_mem>>, %arg20: memref<!tpu.dma_semaphore, #tpu.memory_space<semaphore_mem>>, %arg21: memref<!tpu.dma_semaphore, #tpu.memory_space<semaphore_mem>>) attributes {dimension_semantics = [#tpu.dimension_semantics<core_parallel>, #tpu.dimension_semantics<subcore_parallel>], iteration_bounds = array<i64: 2, 16>, scalar_prefetch = 0 : i64, scratch_operands = 16 : i64, tpu.core_type = #tpu.core_type<sc_vector_subcore>, window_params = [{transform_indices = #map}, {transform_indices = #map1}, {transform_indices = #map1}, {transform_indices = #map2}]} {
    %mul3A = arith.constant 16 : i32
    %mul3A_0 = arith.muli %arg0, %mul3A : i32
    %add3A = arith.addi %mul3A_0, %arg1 : i32
    %mul3A_1 = arith.constant 10000 : i32
    %mul3A_2 = arith.muli %add3A, %mul3A_1 : i32
    %dma_start3A = tpu.memref_slice %arg3[%mul3A_2] : memref<320000xi32, #tpu.memory_space<hbm>> -> memref<10000xi32, #tpu.memory_space<hbm>>
    %dma_start3A_3 = tpu.memref_slice %arg3[%mul3A_2] : memref<320000xi32, #tpu.memory_space<hbm>> -> memref<10000xi32, #tpu.memory_space<hbm>>
    tpu.enqueue_dma source(%dma_start3A_3 : memref<10000xi32, #tpu.memory_space<hbm>>) target(%arg8 : memref<10000xi32, #tpu.memory_space<vmem>>) target_semaphore(%arg13 : memref<!tpu.dma_semaphore, #tpu.memory_space<semaphore_mem>>)
    %dma_wait3A = tpu.memref_slice %arg3[%mul3A_2] : memref<320000xi32, #tpu.memory_space<hbm>> -> memref<10000xi32, #tpu.memory_space<hbm>>
    %dma_wait3A_4 = tpu.memref_slice %arg3[%mul3A_2] : memref<320000xi32, #tpu.memory_space<hbm>> -> memref<10000xi32, #tpu.memory_space<hbm>>
    tpu.wait_dma2 semaphore(%arg13 : memref<!tpu.dma_semaphore, #tpu.memory_space<semaphore_mem>>) src(%dma_wait3A_4 : memref<10000xi32, #tpu.memory_space<hbm>>) dst(%arg8 : memref<10000xi32, #tpu.memory_space<vmem>>)
    %dma_start3A_5 = arith.constant 0 : i32
    %dma_start3A_6 = arith.constant 0 : i32
    %dma_start3A_7 = tpu.memref_slice %arg7[%dma_start3A_5, %dma_start3A_6] : memref<240x128xf32, #tpu.memory_space<vmem>> -> memref<80x128xf32, #tpu.memory_space<vmem>>
    %dma_start3A_8 = arith.constant 0 : i32
    %dma_start3A_9 = tpu.memref_slice %arg8[%dma_start3A_8] : memref<10000xi32, #tpu.memory_space<vmem>> -> memref<80xi32, #tpu.memory_space<vmem>>
    %dma_start3A_10 = arith.constant 0 : i32
    %dma_start3A_11 = arith.constant 0 : i32
    %dma_start3A_12 = tpu.memref_slice %arg2[%dma_start3A_10, %dma_start3A_11] : memref<10240x128xf32, #tpu.memory_space<hbm>> -> memref<10240x128xf32, #tpu.memory_space<hbm>>
    tpu.enqueue_indirect_dma source(%dma_start3A_12 : memref<10240x128xf32, #tpu.memory_space<hbm>>) target(%dma_start3A_7 : memref<80x128xf32, #tpu.memory_space<vmem>>) offsets(%dma_start3A_9 : memref<80xi32, #tpu.memory_space<vmem>>) semaphore(%arg16 : memref<!tpu.dma_semaphore, #tpu.memory_space<semaphore_mem>>)
    %add3A_13 = arith.constant 0 : i32
    %add3A_14 = arith.addi %mul3A_2, %add3A_13 : i32
    %dma_start3A_15 = tpu.memref_slice %arg4[%add3A_14] : memref<320000xi32, #tpu.memory_space<hbm>> -> memref<80xi32, #tpu.memory_space<hbm>>
    %dma_start3A_16 = tpu.memref_slice %arg4[%add3A_14] : memref<320000xi32, #tpu.memory_space<hbm>> -> memref<80xi32, #tpu.memory_space<hbm>>
    tpu.enqueue_dma source(%dma_start3A_16 : memref<80xi32, #tpu.memory_space<hbm>>) target(%arg10 : memref<80xi32, #tpu.memory_space<vmem>>) target_semaphore(%arg13 : memref<!tpu.dma_semaphore, #tpu.memory_space<semaphore_mem>>)
    %dma_start3A_17 = arith.constant 80 : i32
    %dma_start3A_18 = arith.constant 0 : i32
    %dma_start3A_19 = tpu.memref_slice %arg7[%dma_start3A_17, %dma_start3A_18] : memref<240x128xf32, #tpu.memory_space<vmem>> -> memref<80x128xf32, #tpu.memory_space<vmem>>
    %dma_start3A_20 = arith.constant 80 : i32
    %dma_start3A_21 = tpu.memref_slice %arg8[%dma_start3A_20] : memref<10000xi32, #tpu.memory_space<vmem>> -> memref<80xi32, #tpu.memory_space<vmem>>
    %dma_start3A_22 = arith.constant 0 : i32
    %dma_start3A_23 = arith.constant 0 : i32
    %dma_start3A_24 = tpu.memref_slice %arg2[%dma_start3A_22, %dma_start3A_23] : memref<10240x128xf32, #tpu.memory_space<hbm>> -> memref<10240x128xf32, #tpu.memory_space<hbm>>
    tpu.enqueue_indirect_dma source(%dma_start3A_24 : memref<10240x128xf32, #tpu.memory_space<hbm>>) target(%dma_start3A_19 : memref<80x128xf32, #tpu.memory_space<vmem>>) offsets(%dma_start3A_21 : memref<80xi32, #tpu.memory_space<vmem>>) semaphore(%arg17 : memref<!tpu.dma_semaphore, #tpu.memory_space<semaphore_mem>>)
    %add3A_25 = arith.constant 80 : i32
    %add3A_26 = arith.addi %mul3A_2, %add3A_25 : i32
    %dma_start3A_27 = tpu.memref_slice %arg4[%add3A_26] : memref<320000xi32, #tpu.memory_space<hbm>> -> memref<80xi32, #tpu.memory_space<hbm>>
    %dma_start3A_28 = tpu.memref_slice %arg4[%add3A_26] : memref<320000xi32, #tpu.memory_space<hbm>> -> memref<80xi32, #tpu.memory_space<hbm>>
    tpu.enqueue_dma source(%dma_start3A_28 : memref<80xi32, #tpu.memory_space<hbm>>) target(%arg11 : memref<80xi32, #tpu.memory_space<vmem>>) target_semaphore(%arg14 : memref<!tpu.dma_semaphore, #tpu.memory_space<semaphore_mem>>)
    %dma_start3A_29 = arith.constant 160 : i32
    %dma_start3A_30 = arith.constant 0 : i32
    %dma_start3A_31 = tpu.memref_slice %arg7[%dma_start3A_29, %dma_start3A_30] : memref<240x128xf32, #tpu.memory_space<vmem>> -> memref<80x128xf32, #tpu.memory_space<vmem>>
    %dma_start3A_32 = arith.constant 160 : i32
    %dma_start3A_33 = tpu.memref_slice %arg8[%dma_start3A_32] : memref<10000xi32, #tpu.memory_space<vmem>> -> memref<80xi32, #tpu.memory_space<vmem>>
    %dma_start3A_34 = arith.constant 0 : i32
    %dma_start3A_35 = arith.constant 0 : i32
    %dma_start3A_36 = tpu.memref_slice %arg2[%dma_start3A_34, %dma_start3A_35] : memref<10240x128xf32, #tpu.memory_space<hbm>> -> memref<10240x128xf32, #tpu.memory_space<hbm>>
    tpu.enqueue_indirect_dma source(%dma_start3A_36 : memref<10240x128xf32, #tpu.memory_space<hbm>>) target(%dma_start3A_31 : memref<80x128xf32, #tpu.memory_space<vmem>>) offsets(%dma_start3A_33 : memref<80xi32, #tpu.memory_space<vmem>>) semaphore(%arg18 : memref<!tpu.dma_semaphore, #tpu.memory_space<semaphore_mem>>)
    %add3A_37 = arith.constant 160 : i32
    %add3A_38 = arith.addi %mul3A_2, %add3A_37 : i32
    %dma_start3A_39 = tpu.memref_slice %arg4[%add3A_38] : memref<320000xi32, #tpu.memory_space<hbm>> -> memref<80xi32, #tpu.memory_space<hbm>>
    %dma_start3A_40 = tpu.memref_slice %arg4[%add3A_38] : memref<320000xi32, #tpu.memory_space<hbm>> -> memref<80xi32, #tpu.memory_space<hbm>>
    tpu.enqueue_dma source(%dma_start3A_40 : memref<80xi32, #tpu.memory_space<hbm>>) target(%arg12 : memref<80xi32, #tpu.memory_space<vmem>>) target_semaphore(%arg15 : memref<!tpu.dma_semaphore, #tpu.memory_space<semaphore_mem>>)
    %scan3A = arith.constant 0 : i32
    %scan3A_41 = arith.constant 0 : i32
    %scan3A_42 = arith.constant 40 : i32
    %scan3A_43 = arith.addi %scan3A_41, %scan3A_42 : i32
    %scan3A_44 = arith.constant 1 : i32
    scf.for %scan3A_465 = %scan3A_41 to %scan3A_43 step %scan3A_44  : i32 {
      %broadcast_in_dim3A = arith.constant 0.000000e+00 : f32
      %broadcast_in_dim3A_466 = vector.broadcast %broadcast_in_dim3A : f32 to vector<16xf32>
      %swap3A = arith.index_cast %scan3A_465 : i32 to index
      %swap3A_467 = arith.constant 0 : index
      %swap3A_468 = tpu.vector_load %arg9[%swap3A, %swap3A_467] {strides = array<i32>} : memref<40x128xf32, #tpu.memory_space<vmem>>, vector<1x16xf32>,
      %swap3A_469 = vector.shape_cast %swap3A_468 : vector<1x16xf32> to vector<16xf32>
      %swap3A_470 = vector.shape_cast %broadcast_in_dim3A_466 : vector<16xf32> to vector<1x16xf32>
      tpu.vector_store %arg9[%swap3A, %swap3A_467], %swap3A_470 {strides = array<i32>} : memref<40x128xf32, #tpu.memory_space<vmem>>, vector<1x16xf32>,
      %swap3A_471 = arith.index_cast %scan3A_465 : i32 to index
      %swap3A_472 = arith.constant 16 : index
      %swap3A_473 = tpu.vector_load %arg9[%swap3A_471, %swap3A_472] {strides = array<i32>} : memref<40x128xf32, #tpu.memory_space<vmem>>, vector<1x16xf32>,
      %swap3A_474 = vector.shape_cast %swap3A_473 : vector<1x16xf32> to vector<16xf32>
      %swap3A_475 = vector.shape_cast %broadcast_in_dim3A_466 : vector<16xf32> to vector<1x16xf32>
      tpu.vector_store %arg9[%swap3A_471, %swap3A_472], %swap3A_475 {strides = array<i32>} : memref<40x128xf32, #tpu.memory_space<vmem>>, vector<1x16xf32>,
      %swap3A_476 = arith.index_cast %scan3A_465 : i32 to index
      %swap3A_477 = arith.constant 32 : index
      %swap3A_478 = tpu.vector_load %arg9[%swap3A_476, %swap3A_477] {strides = array<i32>} : memref<40x128xf32, #tpu.memory_space<vmem>>, vector<1x16xf32>,
      %swap3A_479 = vector.shape_cast %swap3A_478 : vector<1x16xf32> to vector<16xf32>
      %swap3A_480 = vector.shape_cast %broadcast_in_dim3A_466 : vector<16xf32> to vector<1x16xf32>
      tpu.vector_store %arg9[%swap3A_476, %swap3A_477], %swap3A_480 {strides = array<i32>} : memref<40x128xf32, #tpu.memory_space<vmem>>, vector<1x16xf32>,
      %swap3A_481 = arith.index_cast %scan3A_465 : i32 to index
      %swap3A_482 = arith.constant 48 : index
      %swap3A_483 = tpu.vector_load %arg9[%swap3A_481, %swap3A_482] {strides = array<i32>} : memref<40x128xf32, #tpu.memory_space<vmem>>, vector<1x16xf32>,
      %swap3A_484 = vector.shape_cast %swap3A_483 : vector<1x16xf32> to vector<16xf32>
      %swap3A_485 = vector.shape_cast %broadcast_in_dim3A_466 : vector<16xf32> to vector<1x16xf32>
      tpu.vector_store %arg9[%swap3A_481, %swap3A_482], %swap3A_485 {strides = array<i32>} : memref<40x128xf32, #tpu.memory_space<vmem>>, vector<1x16xf32>,
      %swap3A_486 = arith.index_cast %scan3A_465 : i32 to index
      %swap3A_487 = arith.constant 64 : index
      %swap3A_488 = tpu.vector_load %arg9[%swap3A_486, %swap3A_487] {strides = array<i32>} : memref<40x128xf32, #tpu.memory_space<vmem>>, vector<1x16xf32>,
      %swap3A_489 = vector.shape_cast %swap3A_488 : vector<1x16xf32> to vector<16xf32>
      %swap3A_490 = vector.shape_cast %broadcast_in_dim3A_466 : vector<16xf32> to vector<1x16xf32>
      tpu.vector_store %arg9[%swap3A_486, %swap3A_487], %swap3A_490 {strides = array<i32>} : memref<40x128xf32, #tpu.memory_space<vmem>>, vector<1x16xf32>,
      %swap3A_491 = arith.index_cast %scan3A_465 : i32 to index
      %swap3A_492 = arith.constant 80 : index
      %swap3A_493 = tpu.vector_load %arg9[%swap3A_491, %swap3A_492] {strides = array<i32>} : memref<40x128xf32, #tpu.memory_space<vmem>>, vector<1x16xf32>,
      %swap3A_494 = vector.shape_cast %swap3A_493 : vector<1x16xf32> to vector<16xf32>
      %swap3A_495 = vector.shape_cast %broadcast_in_dim3A_466 : vector<16xf32> to vector<1x16xf32>
      tpu.vector_store %arg9[%swap3A_491, %swap3A_492], %swap3A_495 {strides = array<i32>} : memref<40x128xf32, #tpu.memory_space<vmem>>, vector<1x16xf32>,
      %swap3A_496 = arith.index_cast %scan3A_465 : i32 to index
      %swap3A_497 = arith.constant 96 : index
      %swap3A_498 = tpu.vector_load %arg9[%swap3A_496, %swap3A_497] {strides = array<i32>} : memref<40x128xf32, #tpu.memory_space<vmem>>, vector<1x16xf32>,
      %swap3A_499 = vector.shape_cast %swap3A_498 : vector<1x16xf32> to vector<16xf32>
      %swap3A_500 = vector.shape_cast %broadcast_in_dim3A_466 : vector<16xf32> to vector<1x16xf32>
      tpu.vector_store %arg9[%swap3A_496, %swap3A_497], %swap3A_500 {strides = array<i32>} : memref<40x128xf32, #tpu.memory_space<vmem>>, vector<1x16xf32>,
      %swap3A_501 = arith.index_cast %scan3A_465 : i32 to index
      %swap3A_502 = arith.constant 112 : index
      %swap3A_503 = tpu.vector_load %arg9[%swap3A_501, %swap3A_502] {strides = array<i32>} : memref<40x128xf32, #tpu.memory_space<vmem>>, vector<1x16xf32>,
      %swap3A_504 = vector.shape_cast %swap3A_503 : vector<1x16xf32> to vector<16xf32>
      %swap3A_505 = vector.shape_cast %broadcast_in_dim3A_466 : vector<16xf32> to vector<1x16xf32>
      tpu.vector_store %arg9[%swap3A_501, %swap3A_502], %swap3A_505 {strides = array<i32>} : memref<40x128xf32, #tpu.memory_space<vmem>>, vector<1x16xf32>,
    }
    %scan3A_45 = arith.constant 40 : i32
    %mul3A_46 = arith.constant 640 : i32
    %mul3A_47 = arith.muli %mul3A_46, %arg1 : i32
    %add3A_48 = arith.constant 0 : i32
    %add3A_49 = arith.addi %mul3A_47, %add3A_48 : i32
    %dma_start3A_50 = arith.constant 0 : i32
    %dma_start3A_51 = tpu.memref_slice %arg6[%add3A_49, %dma_start3A_50] : memref<10240x128xf32, #tpu.memory_space<vmem_shared>> -> memref<40x128xf32, #tpu.memory_space<vmem_shared>>
    %dma_start3A_52 = arith.constant 0 : i32
    %dma_start3A_53 = tpu.memref_slice %arg6[%add3A_49, %dma_start3A_52] : memref<10240x128xf32, #tpu.memory_space<vmem_shared>> -> memref<40x128xf32, #tpu.memory_space<vmem_shared>>
    tpu.enqueue_dma source(%arg9 : memref<40x128xf32, #tpu.memory_space<vmem>>) target(%dma_start3A_53 : memref<40x128xf32, #tpu.memory_space<vmem_shared>>) target_semaphore(%arg19 : memref<!tpu.dma_semaphore, #tpu.memory_space<semaphore_mem>>)
    %mul3A_54 = arith.constant 640 : i32
    %mul3A_55 = arith.muli %mul3A_54, %arg1 : i32
    %add3A_56 = arith.constant 40 : i32
    %add3A_57 = arith.addi %mul3A_55, %add3A_56 : i32
    %dma_start3A_58 = arith.constant 0 : i32
    %dma_start3A_59 = tpu.memref_slice %arg6[%add3A_57, %dma_start3A_58] : memref<10240x128xf32, #tpu.memory_space<vmem_shared>> -> memref<40x128xf32, #tpu.memory_space<vmem_shared>>
    %dma_start3A_60 = arith.constant 0 : i32
    %dma_start3A_61 = tpu.memref_slice %arg6[%add3A_57, %dma_start3A_60] : memref<10240x128xf32, #tpu.memory_space<vmem_shared>> -> memref<40x128xf32, #tpu.memory_space<vmem_shared>>
    tpu.enqueue_dma source(%arg9 : memref<40x128xf32, #tpu.memory_space<vmem>>) target(%dma_start3A_61 : memref<40x128xf32, #tpu.memory_space<vmem_shared>>) target_semaphore(%arg20 : memref<!tpu.dma_semaphore, #tpu.memory_space<semaphore_mem>>)
    %mul3A_62 = arith.constant 640 : i32
    %mul3A_63 = arith.muli %mul3A_62, %arg1 : i32
    %add3A_64 = arith.constant 80 : i32
    %add3A_65 = arith.addi %mul3A_63, %add3A_64 : i32
    %dma_start3A_66 = arith.constant 0 : i32
    %dma_start3A_67 = tpu.memref_slice %arg6[%add3A_65, %dma_start3A_66] : memref<10240x128xf32, #tpu.memory_space<vmem_shared>> -> memref<40x128xf32, #tpu.memory_space<vmem_shared>>
    %dma_start3A_68 = arith.constant 0 : i32
    %dma_start3A_69 = tpu.memref_slice %arg6[%add3A_65, %dma_start3A_68] : memref<10240x128xf32, #tpu.memory_space<vmem_shared>> -> memref<40x128xf32, #tpu.memory_space<vmem_shared>>
    tpu.enqueue_dma source(%arg9 : memref<40x128xf32, #tpu.memory_space<vmem>>) target(%dma_start3A_69 : memref<40x128xf32, #tpu.memory_space<vmem_shared>>) target_semaphore(%arg21 : memref<!tpu.dma_semaphore, #tpu.memory_space<semaphore_mem>>)
    %mul3A_70 = arith.constant 640 : i32
    %mul3A_71 = arith.muli %mul3A_70, %arg1 : i32
    %add3A_72 = arith.constant 120 : i32
    %add3A_73 = arith.addi %mul3A_71, %add3A_72 : i32
    %dma_start3A_74 = arith.constant 0 : i32
    %dma_start3A_75 = tpu.memref_slice %arg6[%add3A_73, %dma_start3A_74] : memref<10240x128xf32, #tpu.memory_space<vmem_shared>> -> memref<40x128xf32, #tpu.memory_space<vmem_shared>>
    %dma_start3A_76 = arith.constant 0 : i32
    %dma_start3A_77 = tpu.memref_slice %arg6[%add3A_73, %dma_start3A_76] : memref<10240x128xf32, #tpu.memory_space<vmem_shared>> -> memref<40x128xf32, #tpu.memory_space<vmem_shared>>
    tpu.enqueue_dma source(%arg9 : memref<40x128xf32, #tpu.memory_space<vmem>>) target(%dma_start3A_77 : memref<40x128xf32, #tpu.memory_space<vmem_shared>>) target_semaphore(%arg19 : memref<!tpu.dma_semaphore, #tpu.memory_space<semaphore_mem>>)
    %mul3A_78 = arith.constant 640 : i32
    %mul3A_79 = arith.muli %mul3A_78, %arg1 : i32
    %add3A_80 = arith.constant 160 : i32
    %add3A_81 = arith.addi %mul3A_79, %add3A_80 : i32
    %dma_start3A_82 = arith.constant 0 : i32
    %dma_start3A_83 = tpu.memref_slice %arg6[%add3A_81, %dma_start3A_82] : memref<10240x128xf32, #tpu.memory_space<vmem_shared>> -> memref<40x128xf32, #tpu.memory_space<vmem_shared>>
    %dma_start3A_84 = arith.constant 0 : i32
    %dma_start3A_85 = tpu.memref_slice %arg6[%add3A_81, %dma_start3A_84] : memref<10240x128xf32, #tpu.memory_space<vmem_shared>> -> memref<40x128xf32, #tpu.memory_space<vmem_shared>>
    tpu.enqueue_dma source(%arg9 : memref<40x128xf32, #tpu.memory_space<vmem>>) target(%dma_start3A_85 : memref<40x128xf32, #tpu.memory_space<vmem_shared>>) target_semaphore(%arg20 : memref<!tpu.dma_semaphore, #tpu.memory_space<semaphore_mem>>)
    %mul3A_86 = arith.constant 640 : i32
    %mul3A_87 = arith.muli %mul3A_86, %arg1 : i32
    %add3A_88 = arith.constant 200 : i32
    %add3A_89 = arith.addi %mul3A_87, %add3A_88 : i32
    %dma_start3A_90 = arith.constant 0 : i32
    %dma_start3A_91 = tpu.memref_slice %arg6[%add3A_89, %dma_start3A_90] : memref<10240x128xf32, #tpu.memory_space<vmem_shared>> -> memref<40x128xf32, #tpu.memory_space<vmem_shared>>
    %dma_start3A_92 = arith.constant 0 : i32
    %dma_start3A_93 = tpu.memref_slice %arg6[%add3A_89, %dma_start3A_92] : memref<10240x128xf32, #tpu.memory_space<vmem_shared>> -> memref<40x128xf32, #tpu.memory_space<vmem_shared>>
    tpu.enqueue_dma source(%arg9 : memref<40x128xf32, #tpu.memory_space<vmem>>) target(%dma_start3A_93 : memref<40x128xf32, #tpu.memory_space<vmem_shared>>) target_semaphore(%arg21 : memref<!tpu.dma_semaphore, #tpu.memory_space<semaphore_mem>>)
    %mul3A_94 = arith.constant 640 : i32
    %mul3A_95 = arith.muli %mul3A_94, %arg1 : i32
    %add3A_96 = arith.constant 240 : i32
    %add3A_97 = arith.addi %mul3A_95, %add3A_96 : i32
    %dma_start3A_98 = arith.constant 0 : i32
    %dma_start3A_99 = tpu.memref_slice %arg6[%add3A_97, %dma_start3A_98] : memref<10240x128xf32, #tpu.memory_space<vmem_shared>> -> memref<40x128xf32, #tpu.memory_space<vmem_shared>>
    %dma_start3A_100 = arith.constant 0 : i32
    %dma_start3A_101 = tpu.memref_slice %arg6[%add3A_97, %dma_start3A_100] : memref<10240x128xf32, #tpu.memory_space<vmem_shared>> -> memref<40x128xf32, #tpu.memory_space<vmem_shared>>
    tpu.enqueue_dma source(%arg9 : memref<40x128xf32, #tpu.memory_space<vmem>>) target(%dma_start3A_101 : memref<40x128xf32, #tpu.memory_space<vmem_shared>>) target_semaphore(%arg19 : memref<!tpu.dma_semaphore, #tpu.memory_space<semaphore_mem>>)
    %mul3A_102 = arith.constant 640 : i32
    %mul3A_103 = arith.muli %mul3A_102, %arg1 : i32
    %add3A_104 = arith.constant 280 : i32
    %add3A_105 = arith.addi %mul3A_103, %add3A_104 : i32
    %dma_start3A_106 = arith.constant 0 : i32
    %dma_start3A_107 = tpu.memref_slice %arg6[%add3A_105, %dma_start3A_106] : memref<10240x128xf32, #tpu.memory_space<vmem_shared>> -> memref<40x128xf32, #tpu.memory_space<vmem_shared>>
    %dma_start3A_108 = arith.constant 0 : i32
    %dma_start3A_109 = tpu.memref_slice %arg6[%add3A_105, %dma_start3A_108] : memref<10240x128xf32, #tpu.memory_space<vmem_shared>> -> memref<40x128xf32, #tpu.memory_space<vmem_shared>>
    tpu.enqueue_dma source(%arg9 : memref<40x128xf32, #tpu.memory_space<vmem>>) target(%dma_start3A_109 : memref<40x128xf32, #tpu.memory_space<vmem_shared>>) target_semaphore(%arg20 : memref<!tpu.dma_semaphore, #tpu.memory_space<semaphore_mem>>)
    %mul3A_110 = arith.constant 640 : i32
    %mul3A_111 = arith.muli %mul3A_110, %arg1 : i32
    %add3A_112 = arith.constant 320 : i32
    %add3A_113 = arith.addi %mul3A_111, %add3A_112 : i32
    %dma_start3A_114 = arith.constant 0 : i32
    %dma_start3A_115 = tpu.memref_slice %arg6[%add3A_113, %dma_start3A_114] : memref<10240x128xf32, #tpu.memory_space<vmem_shared>> -> memref<40x128xf32, #tpu.memory_space<vmem_shared>>
    %dma_start3A_116 = arith.constant 0 : i32
    %dma_start3A_117 = tpu.memref_slice %arg6[%add3A_113, %dma_start3A_116] : memref<10240x128xf32, #tpu.memory_space<vmem_shared>> -> memref<40x128xf32, #tpu.memory_space<vmem_shared>>
    tpu.enqueue_dma source(%arg9 : memref<40x128xf32, #tpu.memory_space<vmem>>) target(%dma_start3A_117 : memref<40x128xf32, #tpu.memory_space<vmem_shared>>) target_semaphore(%arg21 : memref<!tpu.dma_semaphore, #tpu.memory_space<semaphore_mem>>)
    %mul3A_118 = arith.constant 640 : i32
    %mul3A_119 = arith.muli %mul3A_118, %arg1 : i32
    %add3A_120 = arith.constant 360 : i32
    %add3A_121 = arith.addi %mul3A_119, %add3A_120 : i32
    %dma_start3A_122 = arith.constant 0 : i32
    %dma_start3A_123 = tpu.memref_slice %arg6[%add3A_121, %dma_start3A_122] : memref<10240x128xf32, #tpu.memory_space<vmem_shared>> -> memref<40x128xf32, #tpu.memory_space<vmem_shared>>
    %dma_start3A_124 = arith.constant 0 : i32
    %dma_start3A_125 = tpu.memref_slice %arg6[%add3A_121, %dma_start3A_124] : memref<10240x128xf32, #tpu.memory_space<vmem_shared>> -> memref<40x128xf32, #tpu.memory_space<vmem_shared>>
    tpu.enqueue_dma source(%arg9 : memref<40x128xf32, #tpu.memory_space<vmem>>) target(%dma_start3A_125 : memref<40x128xf32, #tpu.memory_space<vmem_shared>>) target_semaphore(%arg19 : memref<!tpu.dma_semaphore, #tpu.memory_space<semaphore_mem>>)
    %mul3A_126 = arith.constant 640 : i32
    %mul3A_127 = arith.muli %mul3A_126, %arg1 : i32
    %add3A_128 = arith.constant 400 : i32
    %add3A_129 = arith.addi %mul3A_127, %add3A_128 : i32
    %dma_start3A_130 = arith.constant 0 : i32
    %dma_start3A_131 = tpu.memref_slice %arg6[%add3A_129, %dma_start3A_130] : memref<10240x128xf32, #tpu.memory_space<vmem_shared>> -> memref<40x128xf32, #tpu.memory_space<vmem_shared>>
    %dma_start3A_132 = arith.constant 0 : i32
    %dma_start3A_133 = tpu.memref_slice %arg6[%add3A_129, %dma_start3A_132] : memref<10240x128xf32, #tpu.memory_space<vmem_shared>> -> memref<40x128xf32, #tpu.memory_space<vmem_shared>>
    tpu.enqueue_dma source(%arg9 : memref<40x128xf32, #tpu.memory_space<vmem>>) target(%dma_start3A_133 : memref<40x128xf32, #tpu.memory_space<vmem_shared>>) target_semaphore(%arg20 : memref<!tpu.dma_semaphore, #tpu.memory_space<semaphore_mem>>)
    %mul3A_134 = arith.constant 640 : i32
    %mul3A_135 = arith.muli %mul3A_134, %arg1 : i32
    %add3A_136 = arith.constant 440 : i32
    %add3A_137 = arith.addi %mul3A_135, %add3A_136 : i32
    %dma_start3A_138 = arith.constant 0 : i32
    %dma_start3A_139 = tpu.memref_slice %arg6[%add3A_137, %dma_start3A_138] : memref<10240x128xf32, #tpu.memory_space<vmem_shared>> -> memref<40x128xf32, #tpu.memory_space<vmem_shared>>
    %dma_start3A_140 = arith.constant 0 : i32
    %dma_start3A_141 = tpu.memref_slice %arg6[%add3A_137, %dma_start3A_140] : memref<10240x128xf32, #tpu.memory_space<vmem_shared>> -> memref<40x128xf32, #tpu.memory_space<vmem_shared>>
    tpu.enqueue_dma source(%arg9 : memref<40x128xf32, #tpu.memory_space<vmem>>) target(%dma_start3A_141 : memref<40x128xf32, #tpu.memory_space<vmem_shared>>) target_semaphore(%arg21 : memref<!tpu.dma_semaphore, #tpu.memory_space<semaphore_mem>>)
    %mul3A_142 = arith.constant 640 : i32
    %mul3A_143 = arith.muli %mul3A_142, %arg1 : i32
    %add3A_144 = arith.constant 480 : i32
    %add3A_145 = arith.addi %mul3A_143, %add3A_144 : i32
    %dma_start3A_146 = arith.constant 0 : i32
    %dma_start3A_147 = tpu.memref_slice %arg6[%add3A_145, %dma_start3A_146] : memref<10240x128xf32, #tpu.memory_space<vmem_shared>> -> memref<40x128xf32, #tpu.memory_space<vmem_shared>>
    %dma_start3A_148 = arith.constant 0 : i32
    %dma_start3A_149 = tpu.memref_slice %arg6[%add3A_145, %dma_start3A_148] : memref<10240x128xf32, #tpu.memory_space<vmem_shared>> -> memref<40x128xf32, #tpu.memory_space<vmem_shared>>
    tpu.enqueue_dma source(%arg9 : memref<40x128xf32, #tpu.memory_space<vmem>>) target(%dma_start3A_149 : memref<40x128xf32, #tpu.memory_space<vmem_shared>>) target_semaphore(%arg19 : memref<!tpu.dma_semaphore, #tpu.memory_space<semaphore_mem>>)
    %mul3A_150 = arith.constant 640 : i32
    %mul3A_151 = arith.muli %mul3A_150, %arg1 : i32
    %add3A_152 = arith.constant 520 : i32
    %add3A_153 = arith.addi %mul3A_151, %add3A_152 : i32
    %dma_start3A_154 = arith.constant 0 : i32
    %dma_start3A_155 = tpu.memref_slice %arg6[%add3A_153, %dma_start3A_154] : memref<10240x128xf32, #tpu.memory_space<vmem_shared>> -> memref<40x128xf32, #tpu.memory_space<vmem_shared>>
    %dma_start3A_156 = arith.constant 0 : i32
    %dma_start3A_157 = tpu.memref_slice %arg6[%add3A_153, %dma_start3A_156] : memref<10240x128xf32, #tpu.memory_space<vmem_shared>> -> memref<40x128xf32, #tpu.memory_space<vmem_shared>>
    tpu.enqueue_dma source(%arg9 : memref<40x128xf32, #tpu.memory_space<vmem>>) target(%dma_start3A_157 : memref<40x128xf32, #tpu.memory_space<vmem_shared>>) target_semaphore(%arg20 : memref<!tpu.dma_semaphore, #tpu.memory_space<semaphore_mem>>)
    %mul3A_158 = arith.constant 640 : i32
    %mul3A_159 = arith.muli %mul3A_158, %arg1 : i32
    %add3A_160 = arith.constant 560 : i32
    %add3A_161 = arith.addi %mul3A_159, %add3A_160 : i32
    %dma_start3A_162 = arith.constant 0 : i32
    %dma_start3A_163 = tpu.memref_slice %arg6[%add3A_161, %dma_start3A_162] : memref<10240x128xf32, #tpu.memory_space<vmem_shared>> -> memref<40x128xf32, #tpu.memory_space<vmem_shared>>
    %dma_start3A_164 = arith.constant 0 : i32
    %dma_start3A_165 = tpu.memref_slice %arg6[%add3A_161, %dma_start3A_164] : memref<10240x128xf32, #tpu.memory_space<vmem_shared>> -> memref<40x128xf32, #tpu.memory_space<vmem_shared>>
    tpu.enqueue_dma source(%arg9 : memref<40x128xf32, #tpu.memory_space<vmem>>) target(%dma_start3A_165 : memref<40x128xf32, #tpu.memory_space<vmem_shared>>) target_semaphore(%arg21 : memref<!tpu.dma_semaphore, #tpu.memory_space<semaphore_mem>>)
    %mul3A_166 = arith.constant 640 : i32
    %mul3A_167 = arith.muli %mul3A_166, %arg1 : i32
    %add3A_168 = arith.constant 600 : i32
    %add3A_169 = arith.addi %mul3A_167, %add3A_168 : i32
    %dma_start3A_170 = arith.constant 0 : i32
    %dma_start3A_171 = tpu.memref_slice %arg6[%add3A_169, %dma_start3A_170] : memref<10240x128xf32, #tpu.memory_space<vmem_shared>> -> memref<40x128xf32, #tpu.memory_space<vmem_shared>>
    %dma_start3A_172 = arith.constant 0 : i32
    %dma_start3A_173 = tpu.memref_slice %arg6[%add3A_169, %dma_start3A_172] : memref<10240x128xf32, #tpu.memory_space<vmem_shared>> -> memref<40x128xf32, #tpu.memory_space<vmem_shared>>
    tpu.enqueue_dma source(%arg9 : memref<40x128xf32, #tpu.memory_space<vmem>>) target(%dma_start3A_173 : memref<40x128xf32, #tpu.memory_space<vmem_shared>>) target_semaphore(%arg19 : memref<!tpu.dma_semaphore, #tpu.memory_space<semaphore_mem>>)
    %dma_wait3A_174 = arith.constant 0 : i32
    %dma_wait3A_175 = tpu.memref_slice %arg6[%add3A_49, %dma_wait3A_174] : memref<10240x128xf32, #tpu.memory_space<vmem_shared>> -> memref<40x128xf32, #tpu.memory_space<vmem_shared>>
    %dma_wait3A_176 = arith.constant 0 : i32
    %dma_wait3A_177 = tpu.memref_slice %arg6[%add3A_49, %dma_wait3A_176] : memref<10240x128xf32, #tpu.memory_space<vmem_shared>> -> memref<40x128xf32, #tpu.memory_space<vmem_shared>>
    tpu.wait_dma2 semaphore(%arg19 : memref<!tpu.dma_semaphore, #tpu.memory_space<semaphore_mem>>) src(%arg9 : memref<40x128xf32, #tpu.memory_space<vmem>>) dst(%dma_wait3A_177 : memref<40x128xf32, #tpu.memory_space<vmem_shared>>)
    %dma_wait3A_178 = arith.constant 0 : i32
    %dma_wait3A_179 = tpu.memref_slice %arg6[%add3A_57, %dma_wait3A_178] : memref<10240x128xf32, #tpu.memory_space<vmem_shared>> -> memref<40x128xf32, #tpu.memory_space<vmem_shared>>
    %dma_wait3A_180 = arith.constant 0 : i32
    %dma_wait3A_181 = tpu.memref_slice %arg6[%add3A_57, %dma_wait3A_180] : memref<10240x128xf32, #tpu.memory_space<vmem_shared>> -> memref<40x128xf32, #tpu.memory_space<vmem_shared>>
    tpu.wait_dma2 semaphore(%arg20 : memref<!tpu.dma_semaphore, #tpu.memory_space<semaphore_mem>>) src(%arg9 : memref<40x128xf32, #tpu.memory_space<vmem>>) dst(%dma_wait3A_181 : memref<40x128xf32, #tpu.memory_space<vmem_shared>>)
    %dma_wait3A_182 = arith.constant 0 : i32
    %dma_wait3A_183 = tpu.memref_slice %arg6[%add3A_65, %dma_wait3A_182] : memref<10240x128xf32, #tpu.memory_space<vmem_shared>> -> memref<40x128xf32, #tpu.memory_space<vmem_shared>>
    %dma_wait3A_184 = arith.constant 0 : i32
    %dma_wait3A_185 = tpu.memref_slice %arg6[%add3A_65, %dma_wait3A_184] : memref<10240x128xf32, #tpu.memory_space<vmem_shared>> -> memref<40x128xf32, #tpu.memory_space<vmem_shared>>
    tpu.wait_dma2 semaphore(%arg21 : memref<!tpu.dma_semaphore, #tpu.memory_space<semaphore_mem>>) src(%arg9 : memref<40x128xf32, #tpu.memory_space<vmem>>) dst(%dma_wait3A_185 : memref<40x128xf32, #tpu.memory_space<vmem_shared>>)
    %dma_wait3A_186 = arith.constant 0 : i32
    %dma_wait3A_187 = tpu.memref_slice %arg6[%add3A_73, %dma_wait3A_186] : memref<10240x128xf32, #tpu.memory_space<vmem_shared>> -> memref<40x128xf32, #tpu.memory_space<vmem_shared>>
    %dma_wait3A_188 = arith.constant 0 : i32
    %dma_wait3A_189 = tpu.memref_slice %arg6[%add3A_73, %dma_wait3A_188] : memref<10240x128xf32, #tpu.memory_space<vmem_shared>> -> memref<40x128xf32, #tpu.memory_space<vmem_shared>>
    tpu.wait_dma2 semaphore(%arg19 : memref<!tpu.dma_semaphore, #tpu.memory_space<semaphore_mem>>) src(%arg9 : memref<40x128xf32, #tpu.memory_space<vmem>>) dst(%dma_wait3A_189 : memref<40x128xf32, #tpu.memory_space<vmem_shared>>)
    %dma_wait3A_190 = arith.constant 0 : i32
    %dma_wait3A_191 = tpu.memref_slice %arg6[%add3A_81, %dma_wait3A_190] : memref<10240x128xf32, #tpu.memory_space<vmem_shared>> -> memref<40x128xf32, #tpu.memory_space<vmem_shared>>
    %dma_wait3A_192 = arith.constant 0 : i32
    %dma_wait3A_193 = tpu.memref_slice %arg6[%add3A_81, %dma_wait3A_192] : memref<10240x128xf32, #tpu.memory_space<vmem_shared>> -> memref<40x128xf32, #tpu.memory_space<vmem_shared>>
    tpu.wait_dma2 semaphore(%arg20 : memref<!tpu.dma_semaphore, #tpu.memory_space<semaphore_mem>>) src(%arg9 : memref<40x128xf32, #tpu.memory_space<vmem>>) dst(%dma_wait3A_193 : memref<40x128xf32, #tpu.memory_space<vmem_shared>>)
    %dma_wait3A_194 = arith.constant 0 : i32
    %dma_wait3A_195 = tpu.memref_slice %arg6[%add3A_89, %dma_wait3A_194] : memref<10240x128xf32, #tpu.memory_space<vmem_shared>> -> memref<40x128xf32, #tpu.memory_space<vmem_shared>>
    %dma_wait3A_196 = arith.constant 0 : i32
    %dma_wait3A_197 = tpu.memref_slice %arg6[%add3A_89, %dma_wait3A_196] : memref<10240x128xf32, #tpu.memory_space<vmem_shared>> -> memref<40x128xf32, #tpu.memory_space<vmem_shared>>
    tpu.wait_dma2 semaphore(%arg21 : memref<!tpu.dma_semaphore, #tpu.memory_space<semaphore_mem>>) src(%arg9 : memref<40x128xf32, #tpu.memory_space<vmem>>) dst(%dma_wait3A_197 : memref<40x128xf32, #tpu.memory_space<vmem_shared>>)
    %dma_wait3A_198 = arith.constant 0 : i32
    %dma_wait3A_199 = tpu.memref_slice %arg6[%add3A_97, %dma_wait3A_198] : memref<10240x128xf32, #tpu.memory_space<vmem_shared>> -> memref<40x128xf32, #tpu.memory_space<vmem_shared>>
    %dma_wait3A_200 = arith.constant 0 : i32
    %dma_wait3A_201 = tpu.memref_slice %arg6[%add3A_97, %dma_wait3A_200] : memref<10240x128xf32, #tpu.memory_space<vmem_shared>> -> memref<40x128xf32, #tpu.memory_space<vmem_shared>>
    tpu.wait_dma2 semaphore(%arg19 : memref<!tpu.dma_semaphore, #tpu.memory_space<semaphore_mem>>) src(%arg9 : memref<40x128xf32, #tpu.memory_space<vmem>>) dst(%dma_wait3A_201 : memref<40x128xf32, #tpu.memory_space<vmem_shared>>)
    %dma_wait3A_202 = arith.constant 0 : i32
    %dma_wait3A_203 = tpu.memref_slice %arg6[%add3A_105, %dma_wait3A_202] : memref<10240x128xf32, #tpu.memory_space<vmem_shared>> -> memref<40x128xf32, #tpu.memory_space<vmem_shared>>
    %dma_wait3A_204 = arith.constant 0 : i32
    %dma_wait3A_205 = tpu.memref_slice %arg6[%add3A_105, %dma_wait3A_204] : memref<10240x128xf32, #tpu.memory_space<vmem_shared>> -> memref<40x128xf32, #tpu.memory_space<vmem_shared>>
    tpu.wait_dma2 semaphore(%arg20 : memref<!tpu.dma_semaphore, #tpu.memory_space<semaphore_mem>>) src(%arg9 : memref<40x128xf32, #tpu.memory_space<vmem>>) dst(%dma_wait3A_205 : memref<40x128xf32, #tpu.memory_space<vmem_shared>>)
    %dma_wait3A_206 = arith.constant 0 : i32
    %dma_wait3A_207 = tpu.memref_slice %arg6[%add3A_113, %dma_wait3A_206] : memref<10240x128xf32, #tpu.memory_space<vmem_shared>> -> memref<40x128xf32, #tpu.memory_space<vmem_shared>>
    %dma_wait3A_208 = arith.constant 0 : i32
    %dma_wait3A_209 = tpu.memref_slice %arg6[%add3A_113, %dma_wait3A_208] : memref<10240x128xf32, #tpu.memory_space<vmem_shared>> -> memref<40x128xf32, #tpu.memory_space<vmem_shared>>
    tpu.wait_dma2 semaphore(%arg21 : memref<!tpu.dma_semaphore, #tpu.memory_space<semaphore_mem>>) src(%arg9 : memref<40x128xf32, #tpu.memory_space<vmem>>) dst(%dma_wait3A_209 : memref<40x128xf32, #tpu.memory_space<vmem_shared>>)
    %dma_wait3A_210 = arith.constant 0 : i32
    %dma_wait3A_211 = tpu.memref_slice %arg6[%add3A_121, %dma_wait3A_210] : memref<10240x128xf32, #tpu.memory_space<vmem_shared>> -> memref<40x128xf32, #tpu.memory_space<vmem_shared>>
    %dma_wait3A_212 = arith.constant 0 : i32
    %dma_wait3A_213 = tpu.memref_slice %arg6[%add3A_121, %dma_wait3A_212] : memref<10240x128xf32, #tpu.memory_space<vmem_shared>> -> memref<40x128xf32, #tpu.memory_space<vmem_shared>>
    tpu.wait_dma2 semaphore(%arg19 : memref<!tpu.dma_semaphore, #tpu.memory_space<semaphore_mem>>) src(%arg9 : memref<40x128xf32, #tpu.memory_space<vmem>>) dst(%dma_wait3A_213 : memref<40x128xf32, #tpu.memory_space<vmem_shared>>)
    %dma_wait3A_214 = arith.constant 0 : i32
    %dma_wait3A_215 = tpu.memref_slice %arg6[%add3A_129, %dma_wait3A_214] : memref<10240x128xf32, #tpu.memory_space<vmem_shared>> -> memref<40x128xf32, #tpu.memory_space<vmem_shared>>
    %dma_wait3A_216 = arith.constant 0 : i32
    %dma_wait3A_217 = tpu.memref_slice %arg6[%add3A_129, %dma_wait3A_216] : memref<10240x128xf32, #tpu.memory_space<vmem_shared>> -> memref<40x128xf32, #tpu.memory_space<vmem_shared>>
    tpu.wait_dma2 semaphore(%arg20 : memref<!tpu.dma_semaphore, #tpu.memory_space<semaphore_mem>>) src(%arg9 : memref<40x128xf32, #tpu.memory_space<vmem>>) dst(%dma_wait3A_217 : memref<40x128xf32, #tpu.memory_space<vmem_shared>>)
    %dma_wait3A_218 = arith.constant 0 : i32
    %dma_wait3A_219 = tpu.memref_slice %arg6[%add3A_137, %dma_wait3A_218] : memref<10240x128xf32, #tpu.memory_space<vmem_shared>> -> memref<40x128xf32, #tpu.memory_space<vmem_shared>>
    %dma_wait3A_220 = arith.constant 0 : i32
    %dma_wait3A_221 = tpu.memref_slice %arg6[%add3A_137, %dma_wait3A_220] : memref<10240x128xf32, #tpu.memory_space<vmem_shared>> -> memref<40x128xf32, #tpu.memory_space<vmem_shared>>
    tpu.wait_dma2 semaphore(%arg21 : memref<!tpu.dma_semaphore, #tpu.memory_space<semaphore_mem>>) src(%arg9 : memref<40x128xf32, #tpu.memory_space<vmem>>) dst(%dma_wait3A_221 : memref<40x128xf32, #tpu.memory_space<vmem_shared>>)
    %dma_wait3A_222 = arith.constant 0 : i32
    %dma_wait3A_223 = tpu.memref_slice %arg6[%add3A_145, %dma_wait3A_222] : memref<10240x128xf32, #tpu.memory_space<vmem_shared>> -> memref<40x128xf32, #tpu.memory_space<vmem_shared>>
    %dma_wait3A_224 = arith.constant 0 : i32
    %dma_wait3A_225 = tpu.memref_slice %arg6[%add3A_145, %dma_wait3A_224] : memref<10240x128xf32, #tpu.memory_space<vmem_shared>> -> memref<40x128xf32, #tpu.memory_space<vmem_shared>>
    tpu.wait_dma2 semaphore(%arg19 : memref<!tpu.dma_semaphore, #tpu.memory_space<semaphore_mem>>) src(%arg9 : memref<40x128xf32, #tpu.memory_space<vmem>>) dst(%dma_wait3A_225 : memref<40x128xf32, #tpu.memory_space<vmem_shared>>)
    %dma_wait3A_226 = arith.constant 0 : i32
    %dma_wait3A_227 = tpu.memref_slice %arg6[%add3A_153, %dma_wait3A_226] : memref<10240x128xf32, #tpu.memory_space<vmem_shared>> -> memref<40x128xf32, #tpu.memory_space<vmem_shared>>
    %dma_wait3A_228 = arith.constant 0 : i32
    %dma_wait3A_229 = tpu.memref_slice %arg6[%add3A_153, %dma_wait3A_228] : memref<10240x128xf32, #tpu.memory_space<vmem_shared>> -> memref<40x128xf32, #tpu.memory_space<vmem_shared>>
    tpu.wait_dma2 semaphore(%arg20 : memref<!tpu.dma_semaphore, #tpu.memory_space<semaphore_mem>>) src(%arg9 : memref<40x128xf32, #tpu.memory_space<vmem>>) dst(%dma_wait3A_229 : memref<40x128xf32, #tpu.memory_space<vmem_shared>>)
    %dma_wait3A_230 = arith.constant 0 : i32
    %dma_wait3A_231 = tpu.memref_slice %arg6[%add3A_161, %dma_wait3A_230] : memref<10240x128xf32, #tpu.memory_space<vmem_shared>> -> memref<40x128xf32, #tpu.memory_space<vmem_shared>>
    %dma_wait3A_232 = arith.constant 0 : i32
    %dma_wait3A_233 = tpu.memref_slice %arg6[%add3A_161, %dma_wait3A_232] : memref<10240x128xf32, #tpu.memory_space<vmem_shared>> -> memref<40x128xf32, #tpu.memory_space<vmem_shared>>
    tpu.wait_dma2 semaphore(%arg21 : memref<!tpu.dma_semaphore, #tpu.memory_space<semaphore_mem>>) src(%arg9 : memref<40x128xf32, #tpu.memory_space<vmem>>) dst(%dma_wait3A_233 : memref<40x128xf32, #tpu.memory_space<vmem_shared>>)
    %dma_wait3A_234 = arith.constant 0 : i32
    %dma_wait3A_235 = tpu.memref_slice %arg6[%add3A_169, %dma_wait3A_234] : memref<10240x128xf32, #tpu.memory_space<vmem_shared>> -> memref<40x128xf32, #tpu.memory_space<vmem_shared>>
    %dma_wait3A_236 = arith.constant 0 : i32
    %dma_wait3A_237 = tpu.memref_slice %arg6[%add3A_169, %dma_wait3A_236] : memref<10240x128xf32, #tpu.memory_space<vmem_shared>> -> memref<40x128xf32, #tpu.memory_space<vmem_shared>>
    tpu.wait_dma2 semaphore(%arg19 : memref<!tpu.dma_semaphore, #tpu.memory_space<semaphore_mem>>) src(%arg9 : memref<40x128xf32, #tpu.memory_space<vmem>>) dst(%dma_wait3A_237 : memref<40x128xf32, #tpu.memory_space<vmem_shared>>)
    %barrier3A = arith.constant 0 : index
    tpu.barrier barrier_id(%barrier3A)
    %dma_wait3A_238 = arith.constant 0 : i32
    %dma_wait3A_239 = arith.constant 0 : i32
    %dma_wait3A_240 = tpu.memref_slice %arg7[%dma_wait3A_238, %dma_wait3A_239] : memref<240x128xf32, #tpu.memory_space<vmem>> -> memref<80x128xf32, #tpu.memory_space<vmem>>
    %dma_wait3A_241 = arith.constant 0 : i32
    %dma_wait3A_242 = tpu.memref_slice %arg8[%dma_wait3A_241] : memref<10000xi32, #tpu.memory_space<vmem>> -> memref<80xi32, #tpu.memory_space<vmem>>
    %dma_wait3A_243 = arith.constant 0 : i32
    %dma_wait3A_244 = arith.constant 0 : i32
    %dma_wait3A_245 = tpu.memref_slice %arg2[%dma_wait3A_243, %dma_wait3A_244] : memref<10240x128xf32, #tpu.memory_space<hbm>> -> memref<10240x128xf32, #tpu.memory_space<hbm>>
    tpu.wait_indirect_dma semaphore(%arg16 : memref<!tpu.dma_semaphore, #tpu.memory_space<semaphore_mem>>) src(%dma_wait3A_245 : memref<10240x128xf32, #tpu.memory_space<hbm>>) dst(%dma_wait3A_240 : memref<80x128xf32, #tpu.memory_space<vmem>>)
    %dma_wait3A_246 = tpu.memref_slice %arg4[%add3A_14] : memref<320000xi32, #tpu.memory_space<hbm>> -> memref<80xi32, #tpu.memory_space<hbm>>
    %dma_wait3A_247 = tpu.memref_slice %arg4[%add3A_14] : memref<320000xi32, #tpu.memory_space<hbm>> -> memref<80xi32, #tpu.memory_space<hbm>>
    tpu.wait_dma2 semaphore(%arg13 : memref<!tpu.dma_semaphore, #tpu.memory_space<semaphore_mem>>) src(%dma_wait3A_247 : memref<80xi32, #tpu.memory_space<hbm>>) dst(%arg10 : memref<80xi32, #tpu.memory_space<vmem>>)
    %dma_start3A_248 = arith.constant 0 : i32
    %dma_start3A_249 = arith.constant 0 : i32
    %dma_start3A_250 = tpu.memref_slice %arg7[%dma_start3A_248, %dma_start3A_249] : memref<240x128xf32, #tpu.memory_space<vmem>> -> memref<80x128xf32, #tpu.memory_space<vmem>>
    %dma_start3A_251 = arith.constant 0 : i32
    %dma_start3A_252 = arith.constant 0 : i32
    %dma_start3A_253 = tpu.memref_slice %arg6[%dma_start3A_251, %dma_start3A_252] : memref<10240x128xf32, #tpu.memory_space<vmem_shared>> -> memref<10240x128xf32, #tpu.memory_space<vmem_shared>>
    tpu.enqueue_indirect_dma source(%dma_start3A_250 : memref<80x128xf32, #tpu.memory_space<vmem>>) target(%dma_start3A_253 : memref<10240x128xf32, #tpu.memory_space<vmem_shared>>) offsets(%arg10 : memref<80xi32, #tpu.memory_space<vmem>>) semaphore(%arg19 : memref<!tpu.dma_semaphore, #tpu.memory_space<semaphore_mem>>) {add = true}
    %dma_wait3A_254 = arith.constant 80 : i32
    %dma_wait3A_255 = arith.constant 0 : i32
    %dma_wait3A_256 = tpu.memref_slice %arg7[%dma_wait3A_254, %dma_wait3A_255] : memref<240x128xf32, #tpu.memory_space<vmem>> -> memref<80x128xf32, #tpu.memory_space<vmem>>
    %dma_wait3A_257 = arith.constant 80 : i32
    %dma_wait3A_258 = tpu.memref_slice %arg8[%dma_wait3A_257] : memref<10000xi32, #tpu.memory_space<vmem>> -> memref<80xi32, #tpu.memory_space<vmem>>
    %dma_wait3A_259 = arith.constant 0 : i32
    %dma_wait3A_260 = arith.constant 0 : i32
    %dma_wait3A_261 = tpu.memref_slice %arg2[%dma_wait3A_259, %dma_wait3A_260] : memref<10240x128xf32, #tpu.memory_space<hbm>> -> memref<10240x128xf32, #tpu.memory_space<hbm>>
    tpu.wait_indirect_dma semaphore(%arg17 : memref<!tpu.dma_semaphore, #tpu.memory_space<semaphore_mem>>) src(%dma_wait3A_261 : memref<10240x128xf32, #tpu.memory_space<hbm>>) dst(%dma_wait3A_256 : memref<80x128xf32, #tpu.memory_space<vmem>>)
    %dma_wait3A_262 = tpu.memref_slice %arg4[%add3A_26] : memref<320000xi32, #tpu.memory_space<hbm>> -> memref<80xi32, #tpu.memory_space<hbm>>
    %dma_wait3A_263 = tpu.memref_slice %arg4[%add3A_26] : memref<320000xi32, #tpu.memory_space<hbm>> -> memref<80xi32, #tpu.memory_space<hbm>>
    tpu.wait_dma2 semaphore(%arg14 : memref<!tpu.dma_semaphore, #tpu.memory_space<semaphore_mem>>) src(%dma_wait3A_263 : memref<80xi32, #tpu.memory_space<hbm>>) dst(%arg11 : memref<80xi32, #tpu.memory_space<vmem>>)
    %dma_start3A_264 = arith.constant 80 : i32
    %dma_start3A_265 = arith.constant 0 : i32
    %dma_start3A_266 = tpu.memref_slice %arg7[%dma_start3A_264, %dma_start3A_265] : memref<240x128xf32, #tpu.memory_space<vmem>> -> memref<80x128xf32, #tpu.memory_space<vmem>>
    %dma_start3A_267 = arith.constant 0 : i32
    %dma_start3A_268 = arith.constant 0 : i32
    %dma_start3A_269 = tpu.memref_slice %arg6[%dma_start3A_267, %dma_start3A_268] : memref<10240x128xf32, #tpu.memory_space<vmem_shared>> -> memref<10240x128xf32, #tpu.memory_space<vmem_shared>>
    tpu.enqueue_indirect_dma source(%dma_start3A_266 : memref<80x128xf32, #tpu.memory_space<vmem>>) target(%dma_start3A_269 : memref<10240x128xf32, #tpu.memory_space<vmem_shared>>) offsets(%arg11 : memref<80xi32, #tpu.memory_space<vmem>>) semaphore(%arg20 : memref<!tpu.dma_semaphore, #tpu.memory_space<semaphore_mem>>) {add = true}
    %dma_wait3A_270 = arith.constant 160 : i32
    %dma_wait3A_271 = arith.constant 0 : i32
    %dma_wait3A_272 = tpu.memref_slice %arg7[%dma_wait3A_270, %dma_wait3A_271] : memref<240x128xf32, #tpu.memory_space<vmem>> -> memref<80x128xf32, #tpu.memory_space<vmem>>
    %dma_wait3A_273 = arith.constant 160 : i32
    %dma_wait3A_274 = tpu.memref_slice %arg8[%dma_wait3A_273] : memref<10000xi32, #tpu.memory_space<vmem>> -> memref<80xi32, #tpu.memory_space<vmem>>
    %dma_wait3A_275 = arith.constant 0 : i32
    %dma_wait3A_276 = arith.constant 0 : i32
    %dma_wait3A_277 = tpu.memref_slice %arg2[%dma_wait3A_275, %dma_wait3A_276] : memref<10240x128xf32, #tpu.memory_space<hbm>> -> memref<10240x128xf32, #tpu.memory_space<hbm>>
    tpu.wait_indirect_dma semaphore(%arg18 : memref<!tpu.dma_semaphore, #tpu.memory_space<semaphore_mem>>) src(%dma_wait3A_277 : memref<10240x128xf32, #tpu.memory_space<hbm>>) dst(%dma_wait3A_272 : memref<80x128xf32, #tpu.memory_space<vmem>>)
    %dma_wait3A_278 = tpu.memref_slice %arg4[%add3A_38] : memref<320000xi32, #tpu.memory_space<hbm>> -> memref<80xi32, #tpu.memory_space<hbm>>
    %dma_wait3A_279 = tpu.memref_slice %arg4[%add3A_38] : memref<320000xi32, #tpu.memory_space<hbm>> -> memref<80xi32, #tpu.memory_space<hbm>>
    tpu.wait_dma2 semaphore(%arg15 : memref<!tpu.dma_semaphore, #tpu.memory_space<semaphore_mem>>) src(%dma_wait3A_279 : memref<80xi32, #tpu.memory_space<hbm>>) dst(%arg12 : memref<80xi32, #tpu.memory_space<vmem>>)
    %dma_start3A_280 = arith.constant 160 : i32
    %dma_start3A_281 = arith.constant 0 : i32
    %dma_start3A_282 = tpu.memref_slice %arg7[%dma_start3A_280, %dma_start3A_281] : memref<240x128xf32, #tpu.memory_space<vmem>> -> memref<80x128xf32, #tpu.memory_space<vmem>>
    %dma_start3A_283 = arith.constant 0 : i32
    %dma_start3A_284 = arith.constant 0 : i32
    %dma_start3A_285 = tpu.memref_slice %arg6[%dma_start3A_283, %dma_start3A_284] : memref<10240x128xf32, #tpu.memory_space<vmem_shared>> -> memref<10240x128xf32, #tpu.memory_space<vmem_shared>>
    tpu.enqueue_indirect_dma source(%dma_start3A_282 : memref<80x128xf32, #tpu.memory_space<vmem>>) target(%dma_start3A_285 : memref<10240x128xf32, #tpu.memory_space<vmem_shared>>) offsets(%arg12 : memref<80xi32, #tpu.memory_space<vmem>>) semaphore(%arg21 : memref<!tpu.dma_semaphore, #tpu.memory_space<semaphore_mem>>) {add = true}
    %scan3A_286 = arith.constant 0 : i32
    %scan3A_287 = arith.constant 1 : i32
    %scan3A_288 = arith.constant 40 : i32
    %scan3A_289 = arith.addi %scan3A_287, %scan3A_288 : i32
    %scan3A_290 = arith.constant 1 : i32
    scf.for %scan3A_465 = %scan3A_287 to %scan3A_289 step %scan3A_290  : i32 {
      %dma_wait3A_466 = arith.constant 0 : i32
      %dma_wait3A_467 = arith.constant 0 : i32
      %dma_wait3A_468 = tpu.memref_slice %arg7[%dma_wait3A_466, %dma_wait3A_467] : memref<240x128xf32, #tpu.memory_space<vmem>> -> memref<80x128xf32, #tpu.memory_space<vmem>>
      %dma_wait3A_469 = arith.constant 0 : i32
      %dma_wait3A_470 = arith.constant 0 : i32
      %dma_wait3A_471 = tpu.memref_slice %arg2[%dma_wait3A_469, %dma_wait3A_470] : memref<10240x128xf32, #tpu.memory_space<hbm>> -> memref<80x128xf32, #tpu.memory_space<hbm>>
      %dma_wait3A_472 = arith.constant 0 : i32
      %dma_wait3A_473 = arith.constant 0 : i32
      %dma_wait3A_474 = tpu.memref_slice %arg7[%dma_wait3A_472, %dma_wait3A_473] : memref<240x128xf32, #tpu.memory_space<vmem>> -> memref<80x128xf32, #tpu.memory_space<vmem>>
      %dma_wait3A_475 = arith.constant 0 : i32
      %dma_wait3A_476 = arith.constant 0 : i32
      %dma_wait3A_477 = tpu.memref_slice %arg2[%dma_wait3A_475, %dma_wait3A_476] : memref<10240x128xf32, #tpu.memory_space<hbm>> -> memref<80x128xf32, #tpu.memory_space<hbm>>
      tpu.wait_dma2 semaphore(%arg19 : memref<!tpu.dma_semaphore, #tpu.memory_space<semaphore_mem>>) src(%dma_wait3A_477 : memref<80x128xf32, #tpu.memory_space<hbm>>) dst(%dma_wait3A_474 : memref<80x128xf32, #tpu.memory_space<vmem>>)
      %mul3A_478 = arith.constant 3 : i32
      %mul3A_479 = arith.muli %scan3A_465, %mul3A_478 : i32
      %add3A_480 = arith.constant 0 : i32
      %add3A_481 = arith.addi %mul3A_479, %add3A_480 : i32
      %mul3A_482 = arith.constant 80 : i32
      %mul3A_483 = arith.muli %mul3A_482, %add3A_481 : i32
      %add3A_484 = arith.addi %mul3A_2, %mul3A_483 : i32
      %dma_start3A_485 = tpu.memref_slice %arg4[%add3A_484] : memref<320000xi32, #tpu.memory_space<hbm>> -> memref<80xi32, #tpu.memory_space<hbm>>
      %dma_start3A_486 = tpu.memref_slice %arg4[%add3A_484] : memref<320000xi32, #tpu.memory_space<hbm>> -> memref<80xi32, #tpu.memory_space<hbm>>
      tpu.enqueue_dma source(%dma_start3A_486 : memref<80xi32, #tpu.memory_space<hbm>>) target(%arg10 : memref<80xi32, #tpu.memory_space<vmem>>) target_semaphore(%arg13 : memref<!tpu.dma_semaphore, #tpu.memory_space<semaphore_mem>>)
      %mul3A_487 = arith.constant 3 : i32
      %mul3A_488 = arith.muli %scan3A_465, %mul3A_487 : i32
      %add3A_489 = arith.constant 0 : i32
      %add3A_490 = arith.addi %mul3A_488, %add3A_489 : i32
      %mul3A_491 = arith.constant 80 : i32
      %mul3A_492 = arith.muli %mul3A_491, %add3A_490 : i32
      %dma_start3A_493 = arith.constant 0 : i32
      %dma_start3A_494 = arith.constant 0 : i32
      %dma_start3A_495 = tpu.memref_slice %arg7[%dma_start3A_493, %dma_start3A_494] : memref<240x128xf32, #tpu.memory_space<vmem>> -> memref<80x128xf32, #tpu.memory_space<vmem>>
      %dma_start3A_496 = tpu.memref_slice %arg8[%mul3A_492] : memref<10000xi32, #tpu.memory_space<vmem>> -> memref<80xi32, #tpu.memory_space<vmem>>
      %dma_start3A_497 = arith.constant 0 : i32
      %dma_start3A_498 = arith.constant 0 : i32
      %dma_start3A_499 = tpu.memref_slice %arg2[%dma_start3A_497, %dma_start3A_498] : memref<10240x128xf32, #tpu.memory_space<hbm>> -> memref<10240x128xf32, #tpu.memory_space<hbm>>
      tpu.enqueue_indirect_dma source(%dma_start3A_499 : memref<10240x128xf32, #tpu.memory_space<hbm>>) target(%dma_start3A_495 : memref<80x128xf32, #tpu.memory_space<vmem>>) offsets(%dma_start3A_496 : memref<80xi32, #tpu.memory_space<vmem>>) semaphore(%arg16 : memref<!tpu.dma_semaphore, #tpu.memory_space<semaphore_mem>>)
      %dma_wait3A_500 = arith.constant 80 : i32
      %dma_wait3A_501 = arith.constant 0 : i32
      %dma_wait3A_502 = tpu.memref_slice %arg7[%dma_wait3A_500, %dma_wait3A_501] : memref<240x128xf32, #tpu.memory_space<vmem>> -> memref<80x128xf32, #tpu.memory_space<vmem>>
      %dma_wait3A_503 = arith.constant 0 : i32
      %dma_wait3A_504 = arith.constant 0 : i32
      %dma_wait3A_505 = tpu.memref_slice %arg2[%dma_wait3A_503, %dma_wait3A_504] : memref<10240x128xf32, #tpu.memory_space<hbm>> -> memref<80x128xf32, #tpu.memory_space<hbm>>
      %dma_wait3A_506 = arith.constant 80 : i32
      %dma_wait3A_507 = arith.constant 0 : i32
      %dma_wait3A_508 = tpu.memref_slice %arg7[%dma_wait3A_506, %dma_wait3A_507] : memref<240x128xf32, #tpu.memory_space<vmem>> -> memref<80x128xf32, #tpu.memory_space<vmem>>
      %dma_wait3A_509 = arith.constant 0 : i32
      %dma_wait3A_510 = arith.constant 0 : i32
      %dma_wait3A_511 = tpu.memref_slice %arg2[%dma_wait3A_509, %dma_wait3A_510] : memref<10240x128xf32, #tpu.memory_space<hbm>> -> memref<80x128xf32, #tpu.memory_space<hbm>>
      tpu.wait_dma2 semaphore(%arg20 : memref<!tpu.dma_semaphore, #tpu.memory_space<semaphore_mem>>) src(%dma_wait3A_511 : memref<80x128xf32, #tpu.memory_space<hbm>>) dst(%dma_wait3A_508 : memref<80x128xf32, #tpu.memory_space<vmem>>)
      %mul3A_512 = arith.constant 3 : i32
      %mul3A_513 = arith.muli %scan3A_465, %mul3A_512 : i32
      %add3A_514 = arith.constant 1 : i32
      %add3A_515 = arith.addi %mul3A_513, %add3A_514 : i32
      %mul3A_516 = arith.constant 80 : i32
      %mul3A_517 = arith.muli %mul3A_516, %add3A_515 : i32
      %add3A_518 = arith.addi %mul3A_2, %mul3A_517 : i32
      %dma_start3A_519 = tpu.memref_slice %arg4[%add3A_518] : memref<320000xi32, #tpu.memory_space<hbm>> -> memref<80xi32, #tpu.memory_space<hbm>>
      %dma_start3A_520 = tpu.memref_slice %arg4[%add3A_518] : memref<320000xi32, #tpu.memory_space<hbm>> -> memref<80xi32, #tpu.memory_space<hbm>>
      tpu.enqueue_dma source(%dma_start3A_520 : memref<80xi32, #tpu.memory_space<hbm>>) target(%arg11 : memref<80xi32, #tpu.memory_space<vmem>>) target_semaphore(%arg14 : memref<!tpu.dma_semaphore, #tpu.memory_space<semaphore_mem>>)
      %mul3A_521 = arith.constant 3 : i32
      %mul3A_522 = arith.muli %scan3A_465, %mul3A_521 : i32
      %add3A_523 = arith.constant 1 : i32
      %add3A_524 = arith.addi %mul3A_522, %add3A_523 : i32
      %mul3A_525 = arith.constant 80 : i32
      %mul3A_526 = arith.muli %mul3A_525, %add3A_524 : i32
      %dma_start3A_527 = arith.constant 80 : i32
      %dma_start3A_528 = arith.constant 0 : i32
      %dma_start3A_529 = tpu.memref_slice %arg7[%dma_start3A_527, %dma_start3A_528] : memref<240x128xf32, #tpu.memory_space<vmem>> -> memref<80x128xf32, #tpu.memory_space<vmem>>
      %dma_start3A_530 = tpu.memref_slice %arg8[%mul3A_526] : memref<10000xi32, #tpu.memory_space<vmem>> -> memref<80xi32, #tpu.memory_space<vmem>>
      %dma_start3A_531 = arith.constant 0 : i32
      %dma_start3A_532 = arith.constant 0 : i32
      %dma_start3A_533 = tpu.memref_slice %arg2[%dma_start3A_531, %dma_start3A_532] : memref<10240x128xf32, #tpu.memory_space<hbm>> -> memref<10240x128xf32, #tpu.memory_space<hbm>>
      tpu.enqueue_indirect_dma source(%dma_start3A_533 : memref<10240x128xf32, #tpu.memory_space<hbm>>) target(%dma_start3A_529 : memref<80x128xf32, #tpu.memory_space<vmem>>) offsets(%dma_start3A_530 : memref<80xi32, #tpu.memory_space<vmem>>) semaphore(%arg17 : memref<!tpu.dma_semaphore, #tpu.memory_space<semaphore_mem>>)
      %dma_wait3A_534 = arith.constant 160 : i32
      %dma_wait3A_535 = arith.constant 0 : i32
      %dma_wait3A_536 = tpu.memref_slice %arg7[%dma_wait3A_534, %dma_wait3A_535] : memref<240x128xf32, #tpu.memory_space<vmem>> -> memref<80x128xf32, #tpu.memory_space<vmem>>
      %dma_wait3A_537 = arith.constant 0 : i32
      %dma_wait3A_538 = arith.constant 0 : i32
      %dma_wait3A_539 = tpu.memref_slice %arg2[%dma_wait3A_537, %dma_wait3A_538] : memref<10240x128xf32, #tpu.memory_space<hbm>> -> memref<80x128xf32, #tpu.memory_space<hbm>>
      %dma_wait3A_540 = arith.constant 160 : i32
      %dma_wait3A_541 = arith.constant 0 : i32
      %dma_wait3A_542 = tpu.memref_slice %arg7[%dma_wait3A_540, %dma_wait3A_541] : memref<240x128xf32, #tpu.memory_space<vmem>> -> memref<80x128xf32, #tpu.memory_space<vmem>>
      %dma_wait3A_543 = arith.constant 0 : i32
      %dma_wait3A_544 = arith.constant 0 : i32
      %dma_wait3A_545 = tpu.memref_slice %arg2[%dma_wait3A_543, %dma_wait3A_544] : memref<10240x128xf32, #tpu.memory_space<hbm>> -> memref<80x128xf32, #tpu.memory_space<hbm>>
      tpu.wait_dma2 semaphore(%arg21 : memref<!tpu.dma_semaphore, #tpu.memory_space<semaphore_mem>>) src(%dma_wait3A_545 : memref<80x128xf32, #tpu.memory_space<hbm>>) dst(%dma_wait3A_542 : memref<80x128xf32, #tpu.memory_space<vmem>>)
      %mul3A_546 = arith.constant 3 : i32
      %mul3A_547 = arith.muli %scan3A_465, %mul3A_546 : i32
      %add3A_548 = arith.constant 2 : i32
      %add3A_549 = arith.addi %mul3A_547, %add3A_548 : i32
      %mul3A_550 = arith.constant 80 : i32
      %mul3A_551 = arith.muli %mul3A_550, %add3A_549 : i32
      %add3A_552 = arith.addi %mul3A_2, %mul3A_551 : i32
      %dma_start3A_553 = tpu.memref_slice %arg4[%add3A_552] : memref<320000xi32, #tpu.memory_space<hbm>> -> memref<80xi32, #tpu.memory_space<hbm>>
      %dma_start3A_554 = tpu.memref_slice %arg4[%add3A_552] : memref<320000xi32, #tpu.memory_space<hbm>> -> memref<80xi32, #tpu.memory_space<hbm>>
      tpu.enqueue_dma source(%dma_start3A_554 : memref<80xi32, #tpu.memory_space<hbm>>) target(%arg12 : memref<80xi32, #tpu.memory_space<vmem>>) target_semaphore(%arg15 : memref<!tpu.dma_semaphore, #tpu.memory_space<semaphore_mem>>)
      %mul3A_555 = arith.constant 3 : i32
      %mul3A_556 = arith.muli %scan3A_465, %mul3A_555 : i32
      %add3A_557 = arith.constant 2 : i32
      %add3A_558 = arith.addi %mul3A_556, %add3A_557 : i32
      %mul3A_559 = arith.constant 80 : i32
      %mul3A_560 = arith.muli %mul3A_559, %add3A_558 : i32
      %dma_start3A_561 = arith.constant 160 : i32
      %dma_start3A_562 = arith.constant 0 : i32
      %dma_start3A_563 = tpu.memref_slice %arg7[%dma_start3A_561, %dma_start3A_562] : memref<240x128xf32, #tpu.memory_space<vmem>> -> memref<80x128xf32, #tpu.memory_space<vmem>>
      %dma_start3A_564 = tpu.memref_slice %arg8[%mul3A_560] : memref<10000xi32, #tpu.memory_space<vmem>> -> memref<80xi32, #tpu.memory_space<vmem>>
      %dma_start3A_565 = arith.constant 0 : i32
      %dma_start3A_566 = arith.constant 0 : i32
      %dma_start3A_567 = tpu.memref_slice %arg2[%dma_start3A_565, %dma_start3A_566] : memref<10240x128xf32, #tpu.memory_space<hbm>> -> memref<10240x128xf32, #tpu.memory_space<hbm>>
      tpu.enqueue_indirect_dma source(%dma_start3A_567 : memref<10240x128xf32, #tpu.memory_space<hbm>>) target(%dma_start3A_563 : memref<80x128xf32, #tpu.memory_space<vmem>>) offsets(%dma_start3A_564 : memref<80xi32, #tpu.memory_space<vmem>>) semaphore(%arg18 : memref<!tpu.dma_semaphore, #tpu.memory_space<semaphore_mem>>)
      %dma_wait3A_568 = arith.constant 0 : i32
      %dma_wait3A_569 = arith.constant 0 : i32
      %dma_wait3A_570 = tpu.memref_slice %arg7[%dma_wait3A_568, %dma_wait3A_569] : memref<240x128xf32, #tpu.memory_space<vmem>> -> memref<80x128xf32, #tpu.memory_space<vmem>>
      %dma_wait3A_571 = tpu.memref_slice %arg8[%mul3A_492] : memref<10000xi32, #tpu.memory_space<vmem>> -> memref<80xi32, #tpu.memory_space<vmem>>
      %dma_wait3A_572 = arith.constant 0 : i32
      %dma_wait3A_573 = arith.constant 0 : i32
      %dma_wait3A_574 = tpu.memref_slice %arg2[%dma_wait3A_572, %dma_wait3A_573] : memref<10240x128xf32, #tpu.memory_space<hbm>> -> memref<10240x128xf32, #tpu.memory_space<hbm>>
      tpu.wait_indirect_dma semaphore(%arg16 : memref<!tpu.dma_semaphore, #tpu.memory_space<semaphore_mem>>) src(%dma_wait3A_574 : memref<10240x128xf32, #tpu.memory_space<hbm>>) dst(%dma_wait3A_570 : memref<80x128xf32, #tpu.memory_space<vmem>>)
      %dma_wait3A_575 = tpu.memref_slice %arg4[%add3A_484] : memref<320000xi32, #tpu.memory_space<hbm>> -> memref<80xi32, #tpu.memory_space<hbm>>
      %dma_wait3A_576 = tpu.memref_slice %arg4[%add3A_484] : memref<320000xi32, #tpu.memory_space<hbm>> -> memref<80xi32, #tpu.memory_space<hbm>>
      tpu.wait_dma2 semaphore(%arg13 : memref<!tpu.dma_semaphore, #tpu.memory_space<semaphore_mem>>) src(%dma_wait3A_576 : memref<80xi32, #tpu.memory_space<hbm>>) dst(%arg10 : memref<80xi32, #tpu.memory_space<vmem>>)
      %dma_start3A_577 = arith.constant 0 : i32
      %dma_start3A_578 = arith.constant 0 : i32
      %dma_start3A_579 = tpu.memref_slice %arg7[%dma_start3A_577, %dma_start3A_578] : memref<240x128xf32, #tpu.memory_space<vmem>> -> memref<80x128xf32, #tpu.memory_space<vmem>>
      %dma_start3A_580 = arith.constant 0 : i32
      %dma_start3A_581 = arith.constant 0 : i32
      %dma_start3A_582 = tpu.memref_slice %arg6[%dma_start3A_580, %dma_start3A_581] : memref<10240x128xf32, #tpu.memory_space<vmem_shared>> -> memref<10240x128xf32, #tpu.memory_space<vmem_shared>>
      tpu.enqueue_indirect_dma source(%dma_start3A_579 : memref<80x128xf32, #tpu.memory_space<vmem>>) target(%dma_start3A_582 : memref<10240x128xf32, #tpu.memory_space<vmem_shared>>) offsets(%arg10 : memref<80xi32, #tpu.memory_space<vmem>>) semaphore(%arg19 : memref<!tpu.dma_semaphore, #tpu.memory_space<semaphore_mem>>) {add = true}
      %dma_wait3A_583 = arith.constant 80 : i32
      %dma_wait3A_584 = arith.constant 0 : i32
      %dma_wait3A_585 = tpu.memref_slice %arg7[%dma_wait3A_583, %dma_wait3A_584] : memref<240x128xf32, #tpu.memory_space<vmem>> -> memref<80x128xf32, #tpu.memory_space<vmem>>
      %dma_wait3A_586 = tpu.memref_slice %arg8[%mul3A_526] : memref<10000xi32, #tpu.memory_space<vmem>> -> memref<80xi32, #tpu.memory_space<vmem>>
      %dma_wait3A_587 = arith.constant 0 : i32
      %dma_wait3A_588 = arith.constant 0 : i32
      %dma_wait3A_589 = tpu.memref_slice %arg2[%dma_wait3A_587, %dma_wait3A_588] : memref<10240x128xf32, #tpu.memory_space<hbm>> -> memref<10240x128xf32, #tpu.memory_space<hbm>>
      tpu.wait_indirect_dma semaphore(%arg17 : memref<!tpu.dma_semaphore, #tpu.memory_space<semaphore_mem>>) src(%dma_wait3A_589 : memref<10240x128xf32, #tpu.memory_space<hbm>>) dst(%dma_wait3A_585 : memref<80x128xf32, #tpu.memory_space<vmem>>)
      %dma_wait3A_590 = tpu.memref_slice %arg4[%add3A_518] : memref<320000xi32, #tpu.memory_space<hbm>> -> memref<80xi32, #tpu.memory_space<hbm>>
      %dma_wait3A_591 = tpu.memref_slice %arg4[%add3A_518] : memref<320000xi32, #tpu.memory_space<hbm>> -> memref<80xi32, #tpu.memory_space<hbm>>
      tpu.wait_dma2 semaphore(%arg14 : memref<!tpu.dma_semaphore, #tpu.memory_space<semaphore_mem>>) src(%dma_wait3A_591 : memref<80xi32, #tpu.memory_space<hbm>>) dst(%arg11 : memref<80xi32, #tpu.memory_space<vmem>>)
      %dma_start3A_592 = arith.constant 80 : i32
      %dma_start3A_593 = arith.constant 0 : i32
      %dma_start3A_594 = tpu.memref_slice %arg7[%dma_start3A_592, %dma_start3A_593] : memref<240x128xf32, #tpu.memory_space<vmem>> -> memref<80x128xf32, #tpu.memory_space<vmem>>
      %dma_start3A_595 = arith.constant 0 : i32
      %dma_start3A_596 = arith.constant 0 : i32
      %dma_start3A_597 = tpu.memref_slice %arg6[%dma_start3A_595, %dma_start3A_596] : memref<10240x128xf32, #tpu.memory_space<vmem_shared>> -> memref<10240x128xf32, #tpu.memory_space<vmem_shared>>
      tpu.enqueue_indirect_dma source(%dma_start3A_594 : memref<80x128xf32, #tpu.memory_space<vmem>>) target(%dma_start3A_597 : memref<10240x128xf32, #tpu.memory_space<vmem_shared>>) offsets(%arg11 : memref<80xi32, #tpu.memory_space<vmem>>) semaphore(%arg20 : memref<!tpu.dma_semaphore, #tpu.memory_space<semaphore_mem>>) {add = true}
      %dma_wait3A_598 = arith.constant 160 : i32
      %dma_wait3A_599 = arith.constant 0 : i32
      %dma_wait3A_600 = tpu.memref_slice %arg7[%dma_wait3A_598, %dma_wait3A_599] : memref<240x128xf32, #tpu.memory_space<vmem>> -> memref<80x128xf32, #tpu.memory_space<vmem>>
      %dma_wait3A_601 = tpu.memref_slice %arg8[%mul3A_560] : memref<10000xi32, #tpu.memory_space<vmem>> -> memref<80xi32, #tpu.memory_space<vmem>>
      %dma_wait3A_602 = arith.constant 0 : i32
      %dma_wait3A_603 = arith.constant 0 : i32
      %dma_wait3A_604 = tpu.memref_slice %arg2[%dma_wait3A_602, %dma_wait3A_603] : memref<10240x128xf32, #tpu.memory_space<hbm>> -> memref<10240x128xf32, #tpu.memory_space<hbm>>
      tpu.wait_indirect_dma semaphore(%arg18 : memref<!tpu.dma_semaphore, #tpu.memory_space<semaphore_mem>>) src(%dma_wait3A_604 : memref<10240x128xf32, #tpu.memory_space<hbm>>) dst(%dma_wait3A_600 : memref<80x128xf32, #tpu.memory_space<vmem>>)
      %dma_wait3A_605 = tpu.memref_slice %arg4[%add3A_552] : memref<320000xi32, #tpu.memory_space<hbm>> -> memref<80xi32, #tpu.memory_space<hbm>>
      %dma_wait3A_606 = tpu.memref_slice %arg4[%add3A_552] : memref<320000xi32, #tpu.memory_space<hbm>> -> memref<80xi32, #tpu.memory_space<hbm>>
      tpu.wait_dma2 semaphore(%arg15 : memref<!tpu.dma_semaphore, #tpu.memory_space<semaphore_mem>>) src(%dma_wait3A_606 : memref<80xi32, #tpu.memory_space<hbm>>) dst(%arg12 : memref<80xi32, #tpu.memory_space<vmem>>)
      %dma_start3A_607 = arith.constant 160 : i32
      %dma_start3A_608 = arith.constant 0 : i32
      %dma_start3A_609 = tpu.memref_slice %arg7[%dma_start3A_607, %dma_start3A_608] : memref<240x128xf32, #tpu.memory_space<vmem>> -> memref<80x128xf32, #tpu.memory_space<vmem>>
      %dma_start3A_610 = arith.constant 0 : i32
      %dma_start3A_611 = arith.constant 0 : i32
      %dma_start3A_612 = tpu.memref_slice %arg6[%dma_start3A_610, %dma_start3A_611] : memref<10240x128xf32, #tpu.memory_space<vmem_shared>> -> memref<10240x128xf32, #tpu.memory_space<vmem_shared>>
      tpu.enqueue_indirect_dma source(%dma_start3A_609 : memref<80x128xf32, #tpu.memory_space<vmem>>) target(%dma_start3A_612 : memref<10240x128xf32, #tpu.memory_space<vmem_shared>>) offsets(%arg12 : memref<80xi32, #tpu.memory_space<vmem>>) semaphore(%arg21 : memref<!tpu.dma_semaphore, #tpu.memory_space<semaphore_mem>>) {add = true}
    }
    %scan3A_291 = arith.constant 40 : i32
    %dma_wait3A_292 = arith.constant 0 : i32
    %dma_wait3A_293 = arith.constant 0 : i32
    %dma_wait3A_294 = tpu.memref_slice %arg7[%dma_wait3A_292, %dma_wait3A_293] : memref<240x128xf32, #tpu.memory_space<vmem>> -> memref<80x128xf32, #tpu.memory_space<vmem>>
    %dma_wait3A_295 = arith.constant 0 : i32
    %dma_wait3A_296 = arith.constant 0 : i32
    %dma_wait3A_297 = tpu.memref_slice %arg2[%dma_wait3A_295, %dma_wait3A_296] : memref<10240x128xf32, #tpu.memory_space<hbm>> -> memref<80x128xf32, #tpu.memory_space<hbm>>
    %dma_wait3A_298 = arith.constant 0 : i32
    %dma_wait3A_299 = arith.constant 0 : i32
    %dma_wait3A_300 = tpu.memref_slice %arg7[%dma_wait3A_298, %dma_wait3A_299] : memref<240x128xf32, #tpu.memory_space<vmem>> -> memref<80x128xf32, #tpu.memory_space<vmem>>
    %dma_wait3A_301 = arith.constant 0 : i32
    %dma_wait3A_302 = arith.constant 0 : i32
    %dma_wait3A_303 = tpu.memref_slice %arg2[%dma_wait3A_301, %dma_wait3A_302] : memref<10240x128xf32, #tpu.memory_space<hbm>> -> memref<80x128xf32, #tpu.memory_space<hbm>>
    tpu.wait_dma2 semaphore(%arg19 : memref<!tpu.dma_semaphore, #tpu.memory_space<semaphore_mem>>) src(%dma_wait3A_303 : memref<80x128xf32, #tpu.memory_space<hbm>>) dst(%dma_wait3A_300 : memref<80x128xf32, #tpu.memory_space<vmem>>)
    %add3A_304 = arith.constant 9840 : i32
    %add3A_305 = arith.addi %mul3A_2, %add3A_304 : i32
    %dma_start3A_306 = tpu.memref_slice %arg4[%add3A_305] : memref<320000xi32, #tpu.memory_space<hbm>> -> memref<80xi32, #tpu.memory_space<hbm>>
    %dma_start3A_307 = tpu.memref_slice %arg4[%add3A_305] : memref<320000xi32, #tpu.memory_space<hbm>> -> memref<80xi32, #tpu.memory_space<hbm>>
    tpu.enqueue_dma source(%dma_start3A_307 : memref<80xi32, #tpu.memory_space<hbm>>) target(%arg10 : memref<80xi32, #tpu.memory_space<vmem>>) target_semaphore(%arg13 : memref<!tpu.dma_semaphore, #tpu.memory_space<semaphore_mem>>)
    %dma_start3A_308 = arith.constant 0 : i32
    %dma_start3A_309 = arith.constant 0 : i32
    %dma_start3A_310 = tpu.memref_slice %arg7[%dma_start3A_308, %dma_start3A_309] : memref<240x128xf32, #tpu.memory_space<vmem>> -> memref<80x128xf32, #tpu.memory_space<vmem>>
    %dma_start3A_311 = arith.constant 9840 : i32
    %dma_start3A_312 = tpu.memref_slice %arg8[%dma_start3A_311] : memref<10000xi32, #tpu.memory_space<vmem>> -> memref<80xi32, #tpu.memory_space<vmem>>
    %dma_start3A_313 = arith.constant 0 : i32
    %dma_start3A_314 = arith.constant 0 : i32
    %dma_start3A_315 = tpu.memref_slice %arg2[%dma_start3A_313, %dma_start3A_314] : memref<10240x128xf32, #tpu.memory_space<hbm>> -> memref<10240x128xf32, #tpu.memory_space<hbm>>
    tpu.enqueue_indirect_dma source(%dma_start3A_315 : memref<10240x128xf32, #tpu.memory_space<hbm>>) target(%dma_start3A_310 : memref<80x128xf32, #tpu.memory_space<vmem>>) offsets(%dma_start3A_312 : memref<80xi32, #tpu.memory_space<vmem>>) semaphore(%arg16 : memref<!tpu.dma_semaphore, #tpu.memory_space<semaphore_mem>>)
    %dma_wait3A_316 = arith.constant 80 : i32
    %dma_wait3A_317 = arith.constant 0 : i32
    %dma_wait3A_318 = tpu.memref_slice %arg7[%dma_wait3A_316, %dma_wait3A_317] : memref<240x128xf32, #tpu.memory_space<vmem>> -> memref<80x128xf32, #tpu.memory_space<vmem>>
    %dma_wait3A_319 = arith.constant 0 : i32
    %dma_wait3A_320 = arith.constant 0 : i32
    %dma_wait3A_321 = tpu.memref_slice %arg2[%dma_wait3A_319, %dma_wait3A_320] : memref<10240x128xf32, #tpu.memory_space<hbm>> -> memref<80x128xf32, #tpu.memory_space<hbm>>
    %dma_wait3A_322 = arith.constant 80 : i32
    %dma_wait3A_323 = arith.constant 0 : i32
    %dma_wait3A_324 = tpu.memref_slice %arg7[%dma_wait3A_322, %dma_wait3A_323] : memref<240x128xf32, #tpu.memory_space<vmem>> -> memref<80x128xf32, #tpu.memory_space<vmem>>
    %dma_wait3A_325 = arith.constant 0 : i32
    %dma_wait3A_326 = arith.constant 0 : i32
    %dma_wait3A_327 = tpu.memref_slice %arg2[%dma_wait3A_325, %dma_wait3A_326] : memref<10240x128xf32, #tpu.memory_space<hbm>> -> memref<80x128xf32, #tpu.memory_space<hbm>>
    tpu.wait_dma2 semaphore(%arg20 : memref<!tpu.dma_semaphore, #tpu.memory_space<semaphore_mem>>) src(%dma_wait3A_327 : memref<80x128xf32, #tpu.memory_space<hbm>>) dst(%dma_wait3A_324 : memref<80x128xf32, #tpu.memory_space<vmem>>)
    %add3A_328 = arith.constant 9920 : i32
    %add3A_329 = arith.addi %mul3A_2, %add3A_328 : i32
    %dma_start3A_330 = tpu.memref_slice %arg4[%add3A_329] : memref<320000xi32, #tpu.memory_space<hbm>> -> memref<80xi32, #tpu.memory_space<hbm>>
    %dma_start3A_331 = tpu.memref_slice %arg4[%add3A_329] : memref<320000xi32, #tpu.memory_space<hbm>> -> memref<80xi32, #tpu.memory_space<hbm>>
    tpu.enqueue_dma source(%dma_start3A_331 : memref<80xi32, #tpu.memory_space<hbm>>) target(%arg11 : memref<80xi32, #tpu.memory_space<vmem>>) target_semaphore(%arg14 : memref<!tpu.dma_semaphore, #tpu.memory_space<semaphore_mem>>)
    %dma_start3A_332 = arith.constant 80 : i32
    %dma_start3A_333 = arith.constant 0 : i32
    %dma_start3A_334 = tpu.memref_slice %arg7[%dma_start3A_332, %dma_start3A_333] : memref<240x128xf32, #tpu.memory_space<vmem>> -> memref<80x128xf32, #tpu.memory_space<vmem>>
    %dma_start3A_335 = arith.constant 9920 : i32
    %dma_start3A_336 = tpu.memref_slice %arg8[%dma_start3A_335] : memref<10000xi32, #tpu.memory_space<vmem>> -> memref<80xi32, #tpu.memory_space<vmem>>
    %dma_start3A_337 = arith.constant 0 : i32
    %dma_start3A_338 = arith.constant 0 : i32
    %dma_start3A_339 = tpu.memref_slice %arg2[%dma_start3A_337, %dma_start3A_338] : memref<10240x128xf32, #tpu.memory_space<hbm>> -> memref<10240x128xf32, #tpu.memory_space<hbm>>
    tpu.enqueue_indirect_dma source(%dma_start3A_339 : memref<10240x128xf32, #tpu.memory_space<hbm>>) target(%dma_start3A_334 : memref<80x128xf32, #tpu.memory_space<vmem>>) offsets(%dma_start3A_336 : memref<80xi32, #tpu.memory_space<vmem>>) semaphore(%arg17 : memref<!tpu.dma_semaphore, #tpu.memory_space<semaphore_mem>>)
    %dma_wait3A_340 = arith.constant 0 : i32
    %dma_wait3A_341 = arith.constant 0 : i32
    %dma_wait3A_342 = tpu.memref_slice %arg7[%dma_wait3A_340, %dma_wait3A_341] : memref<240x128xf32, #tpu.memory_space<vmem>> -> memref<80x128xf32, #tpu.memory_space<vmem>>
    %dma_wait3A_343 = arith.constant 9840 : i32
    %dma_wait3A_344 = tpu.memref_slice %arg8[%dma_wait3A_343] : memref<10000xi32, #tpu.memory_space<vmem>> -> memref<80xi32, #tpu.memory_space<vmem>>
    %dma_wait3A_345 = arith.constant 0 : i32
    %dma_wait3A_346 = arith.constant 0 : i32
    %dma_wait3A_347 = tpu.memref_slice %arg2[%dma_wait3A_345, %dma_wait3A_346] : memref<10240x128xf32, #tpu.memory_space<hbm>> -> memref<10240x128xf32, #tpu.memory_space<hbm>>
    tpu.wait_indirect_dma semaphore(%arg16 : memref<!tpu.dma_semaphore, #tpu.memory_space<semaphore_mem>>) src(%dma_wait3A_347 : memref<10240x128xf32, #tpu.memory_space<hbm>>) dst(%dma_wait3A_342 : memref<80x128xf32, #tpu.memory_space<vmem>>)
    %dma_wait3A_348 = tpu.memref_slice %arg4[%add3A_305] : memref<320000xi32, #tpu.memory_space<hbm>> -> memref<80xi32, #tpu.memory_space<hbm>>
    %dma_wait3A_349 = tpu.memref_slice %arg4[%add3A_305] : memref<320000xi32, #tpu.memory_space<hbm>> -> memref<80xi32, #tpu.memory_space<hbm>>
    tpu.wait_dma2 semaphore(%arg13 : memref<!tpu.dma_semaphore, #tpu.memory_space<semaphore_mem>>) src(%dma_wait3A_349 : memref<80xi32, #tpu.memory_space<hbm>>) dst(%arg10 : memref<80xi32, #tpu.memory_space<vmem>>)
    %dma_start3A_350 = arith.constant 0 : i32
    %dma_start3A_351 = arith.constant 0 : i32
    %dma_start3A_352 = tpu.memref_slice %arg7[%dma_start3A_350, %dma_start3A_351] : memref<240x128xf32, #tpu.memory_space<vmem>> -> memref<80x128xf32, #tpu.memory_space<vmem>>
    %dma_start3A_353 = arith.constant 0 : i32
    %dma_start3A_354 = arith.constant 0 : i32
    %dma_start3A_355 = tpu.memref_slice %arg6[%dma_start3A_353, %dma_start3A_354] : memref<10240x128xf32, #tpu.memory_space<vmem_shared>> -> memref<10240x128xf32, #tpu.memory_space<vmem_shared>>
    tpu.enqueue_indirect_dma source(%dma_start3A_352 : memref<80x128xf32, #tpu.memory_space<vmem>>) target(%dma_start3A_355 : memref<10240x128xf32, #tpu.memory_space<vmem_shared>>) offsets(%arg10 : memref<80xi32, #tpu.memory_space<vmem>>) semaphore(%arg19 : memref<!tpu.dma_semaphore, #tpu.memory_space<semaphore_mem>>) {add = true}
    %dma_wait3A_356 = arith.constant 80 : i32
    %dma_wait3A_357 = arith.constant 0 : i32
    %dma_wait3A_358 = tpu.memref_slice %arg7[%dma_wait3A_356, %dma_wait3A_357] : memref<240x128xf32, #tpu.memory_space<vmem>> -> memref<80x128xf32, #tpu.memory_space<vmem>>
    %dma_wait3A_359 = arith.constant 9920 : i32
    %dma_wait3A_360 = tpu.memref_slice %arg8[%dma_wait3A_359] : memref<10000xi32, #tpu.memory_space<vmem>> -> memref<80xi32, #tpu.memory_space<vmem>>
    %dma_wait3A_361 = arith.constant 0 : i32
    %dma_wait3A_362 = arith.constant 0 : i32
    %dma_wait3A_363 = tpu.memref_slice %arg2[%dma_wait3A_361, %dma_wait3A_362] : memref<10240x128xf32, #tpu.memory_space<hbm>> -> memref<10240x128xf32, #tpu.memory_space<hbm>>
    tpu.wait_indirect_dma semaphore(%arg17 : memref<!tpu.dma_semaphore, #tpu.memory_space<semaphore_mem>>) src(%dma_wait3A_363 : memref<10240x128xf32, #tpu.memory_space<hbm>>) dst(%dma_wait3A_358 : memref<80x128xf32, #tpu.memory_space<vmem>>)
    %dma_wait3A_364 = tpu.memref_slice %arg4[%add3A_329] : memref<320000xi32, #tpu.memory_space<hbm>> -> memref<80xi32, #tpu.memory_space<hbm>>
    %dma_wait3A_365 = tpu.memref_slice %arg4[%add3A_329] : memref<320000xi32, #tpu.memory_space<hbm>> -> memref<80xi32, #tpu.memory_space<hbm>>
    tpu.wait_dma2 semaphore(%arg14 : memref<!tpu.dma_semaphore, #tpu.memory_space<semaphore_mem>>) src(%dma_wait3A_365 : memref<80xi32, #tpu.memory_space<hbm>>) dst(%arg11 : memref<80xi32, #tpu.memory_space<vmem>>)
    %dma_start3A_366 = arith.constant 80 : i32
    %dma_start3A_367 = arith.constant 0 : i32
    %dma_start3A_368 = tpu.memref_slice %arg7[%dma_start3A_366, %dma_start3A_367] : memref<240x128xf32, #tpu.memory_space<vmem>> -> memref<80x128xf32, #tpu.memory_space<vmem>>
    %dma_start3A_369 = arith.constant 0 : i32
    %dma_start3A_370 = arith.constant 0 : i32
    %dma_start3A_371 = tpu.memref_slice %arg6[%dma_start3A_369, %dma_start3A_370] : memref<10240x128xf32, #tpu.memory_space<vmem_shared>> -> memref<10240x128xf32, #tpu.memory_space<vmem_shared>>
    tpu.enqueue_indirect_dma source(%dma_start3A_368 : memref<80x128xf32, #tpu.memory_space<vmem>>) target(%dma_start3A_371 : memref<10240x128xf32, #tpu.memory_space<vmem_shared>>) offsets(%arg11 : memref<80xi32, #tpu.memory_space<vmem>>) semaphore(%arg20 : memref<!tpu.dma_semaphore, #tpu.memory_space<semaphore_mem>>) {add = true}
    %dma_wait3A_372 = arith.constant 0 : i32
    %dma_wait3A_373 = arith.constant 0 : i32
    %dma_wait3A_374 = tpu.memref_slice %arg7[%dma_wait3A_372, %dma_wait3A_373] : memref<240x128xf32, #tpu.memory_space<vmem>> -> memref<80x128xf32, #tpu.memory_space<vmem>>
    %dma_wait3A_375 = arith.constant 0 : i32
    %dma_wait3A_376 = arith.constant 0 : i32
    %dma_wait3A_377 = tpu.memref_slice %arg2[%dma_wait3A_375, %dma_wait3A_376] : memref<10240x128xf32, #tpu.memory_space<hbm>> -> memref<80x128xf32, #tpu.memory_space<hbm>>
    %dma_wait3A_378 = arith.constant 0 : i32
    %dma_wait3A_379 = arith.constant 0 : i32
    %dma_wait3A_380 = tpu.memref_slice %arg7[%dma_wait3A_378, %dma_wait3A_379] : memref<240x128xf32, #tpu.memory_space<vmem>> -> memref<80x128xf32, #tpu.memory_space<vmem>>
    %dma_wait3A_381 = arith.constant 0 : i32
    %dma_wait3A_382 = arith.constant 0 : i32
    %dma_wait3A_383 = tpu.memref_slice %arg2[%dma_wait3A_381, %dma_wait3A_382] : memref<10240x128xf32, #tpu.memory_space<hbm>> -> memref<80x128xf32, #tpu.memory_space<hbm>>
    tpu.wait_dma2 semaphore(%arg19 : memref<!tpu.dma_semaphore, #tpu.memory_space<semaphore_mem>>) src(%dma_wait3A_383 : memref<80x128xf32, #tpu.memory_space<hbm>>) dst(%dma_wait3A_380 : memref<80x128xf32, #tpu.memory_space<vmem>>)
    %dma_wait3A_384 = arith.constant 80 : i32
    %dma_wait3A_385 = arith.constant 0 : i32
    %dma_wait3A_386 = tpu.memref_slice %arg7[%dma_wait3A_384, %dma_wait3A_385] : memref<240x128xf32, #tpu.memory_space<vmem>> -> memref<80x128xf32, #tpu.memory_space<vmem>>
    %dma_wait3A_387 = arith.constant 0 : i32
    %dma_wait3A_388 = arith.constant 0 : i32
    %dma_wait3A_389 = tpu.memref_slice %arg2[%dma_wait3A_387, %dma_wait3A_388] : memref<10240x128xf32, #tpu.memory_space<hbm>> -> memref<80x128xf32, #tpu.memory_space<hbm>>
    %dma_wait3A_390 = arith.constant 80 : i32
    %dma_wait3A_391 = arith.constant 0 : i32
    %dma_wait3A_392 = tpu.memref_slice %arg7[%dma_wait3A_390, %dma_wait3A_391] : memref<240x128xf32, #tpu.memory_space<vmem>> -> memref<80x128xf32, #tpu.memory_space<vmem>>
    %dma_wait3A_393 = arith.constant 0 : i32
    %dma_wait3A_394 = arith.constant 0 : i32
    %dma_wait3A_395 = tpu.memref_slice %arg2[%dma_wait3A_393, %dma_wait3A_394] : memref<10240x128xf32, #tpu.memory_space<hbm>> -> memref<80x128xf32, #tpu.memory_space<hbm>>
    tpu.wait_dma2 semaphore(%arg20 : memref<!tpu.dma_semaphore, #tpu.memory_space<semaphore_mem>>) src(%dma_wait3A_395 : memref<80x128xf32, #tpu.memory_space<hbm>>) dst(%dma_wait3A_392 : memref<80x128xf32, #tpu.memory_space<vmem>>)
    %dma_wait3A_396 = arith.constant 160 : i32
    %dma_wait3A_397 = arith.constant 0 : i32
    %dma_wait3A_398 = tpu.memref_slice %arg7[%dma_wait3A_396, %dma_wait3A_397] : memref<240x128xf32, #tpu.memory_space<vmem>> -> memref<80x128xf32, #tpu.memory_space<vmem>>
    %dma_wait3A_399 = arith.constant 0 : i32
    %dma_wait3A_400 = arith.constant 0 : i32
    %dma_wait3A_401 = tpu.memref_slice %arg2[%dma_wait3A_399, %dma_wait3A_400] : memref<10240x128xf32, #tpu.memory_space<hbm>> -> memref<80x128xf32, #tpu.memory_space<hbm>>
    %dma_wait3A_402 = arith.constant 160 : i32
    %dma_wait3A_403 = arith.constant 0 : i32
    %dma_wait3A_404 = tpu.memref_slice %arg7[%dma_wait3A_402, %dma_wait3A_403] : memref<240x128xf32, #tpu.memory_space<vmem>> -> memref<80x128xf32, #tpu.memory_space<vmem>>
    %dma_wait3A_405 = arith.constant 0 : i32
    %dma_wait3A_406 = arith.constant 0 : i32
    %dma_wait3A_407 = tpu.memref_slice %arg2[%dma_wait3A_405, %dma_wait3A_406] : memref<10240x128xf32, #tpu.memory_space<hbm>> -> memref<80x128xf32, #tpu.memory_space<hbm>>
    tpu.wait_dma2 semaphore(%arg21 : memref<!tpu.dma_semaphore, #tpu.memory_space<semaphore_mem>>) src(%dma_wait3A_407 : memref<80x128xf32, #tpu.memory_space<hbm>>) dst(%dma_wait3A_404 : memref<80x128xf32, #tpu.memory_space<vmem>>)
    %barrier3A_408 = arith.constant 0 : index
    tpu.barrier barrier_id(%barrier3A_408)
    %mul3A_409 = arith.constant 640 : i32
    %mul3A_410 = arith.muli %mul3A_409, %arg1 : i32
    %add3A_411 = arith.constant 0 : i32
    %add3A_412 = arith.addi %mul3A_410, %add3A_411 : i32
    %dma_start3A_413 = arith.constant 0 : i32
    %dma_start3A_414 = tpu.memref_slice %arg5[%arg0, %add3A_412, %dma_start3A_413] : memref<2x10240x128xf32, #tpu.memory_space<hbm>> -> memref<1x160x128xf32, #tpu.memory_space<hbm>>
    %dma_start3A_415 = tpu.memref_squeeze %dma_start3A_414 : memref<1x160x128xf32, #tpu.memory_space<hbm>> -> memref<160x128xf32, #tpu.memory_space<hbm>>
    %dma_start3A_416 = arith.constant 0 : i32
    %dma_start3A_417 = tpu.memref_slice %arg6[%add3A_412, %dma_start3A_416] : memref<10240x128xf32, #tpu.memory_space<vmem_shared>> -> memref<160x128xf32, #tpu.memory_space<vmem_shared>>
    tpu.enqueue_dma source(%dma_start3A_417 : memref<160x128xf32, #tpu.memory_space<vmem_shared>>) target(%dma_start3A_415 : memref<160x128xf32, #tpu.memory_space<hbm>>) target_semaphore(%arg16 : memref<!tpu.dma_semaphore, #tpu.memory_space<semaphore_mem>>)
    %mul3A_418 = arith.constant 640 : i32
    %mul3A_419 = arith.muli %mul3A_418, %arg1 : i32
    %add3A_420 = arith.constant 160 : i32
    %add3A_421 = arith.addi %mul3A_419, %add3A_420 : i32
    %dma_start3A_422 = arith.constant 0 : i32
    %dma_start3A_423 = tpu.memref_slice %arg5[%arg0, %add3A_421, %dma_start3A_422] : memref<2x10240x128xf32, #tpu.memory_space<hbm>> -> memref<1x160x128xf32, #tpu.memory_space<hbm>>
    %dma_start3A_424 = tpu.memref_squeeze %dma_start3A_423 : memref<1x160x128xf32, #tpu.memory_space<hbm>> -> memref<160x128xf32, #tpu.memory_space<hbm>>
    %dma_start3A_425 = arith.constant 0 : i32
    %dma_start3A_426 = tpu.memref_slice %arg6[%add3A_421, %dma_start3A_425] : memref<10240x128xf32, #tpu.memory_space<vmem_shared>> -> memref<160x128xf32, #tpu.memory_space<vmem_shared>>
    tpu.enqueue_dma source(%dma_start3A_426 : memref<160x128xf32, #tpu.memory_space<vmem_shared>>) target(%dma_start3A_424 : memref<160x128xf32, #tpu.memory_space<hbm>>) target_semaphore(%arg17 : memref<!tpu.dma_semaphore, #tpu.memory_space<semaphore_mem>>)
    %mul3A_427 = arith.constant 640 : i32
    %mul3A_428 = arith.muli %mul3A_427, %arg1 : i32
    %add3A_429 = arith.constant 320 : i32
    %add3A_430 = arith.addi %mul3A_428, %add3A_429 : i32
    %dma_start3A_431 = arith.constant 0 : i32
    %dma_start3A_432 = tpu.memref_slice %arg5[%arg0, %add3A_430, %dma_start3A_431] : memref<2x10240x128xf32, #tpu.memory_space<hbm>> -> memref<1x160x128xf32, #tpu.memory_space<hbm>>
    %dma_start3A_433 = tpu.memref_squeeze %dma_start3A_432 : memref<1x160x128xf32, #tpu.memory_space<hbm>> -> memref<160x128xf32, #tpu.memory_space<hbm>>
    %dma_start3A_434 = arith.constant 0 : i32
    %dma_start3A_435 = tpu.memref_slice %arg6[%add3A_430, %dma_start3A_434] : memref<10240x128xf32, #tpu.memory_space<vmem_shared>> -> memref<160x128xf32, #tpu.memory_space<vmem_shared>>
    tpu.enqueue_dma source(%dma_start3A_435 : memref<160x128xf32, #tpu.memory_space<vmem_shared>>) target(%dma_start3A_433 : memref<160x128xf32, #tpu.memory_space<hbm>>) target_semaphore(%arg18 : memref<!tpu.dma_semaphore, #tpu.memory_space<semaphore_mem>>)
    %mul3A_436 = arith.constant 640 : i32
    %mul3A_437 = arith.muli %mul3A_436, %arg1 : i32
    %add3A_438 = arith.constant 480 : i32
    %add3A_439 = arith.addi %mul3A_437, %add3A_438 : i32
    %dma_start3A_440 = arith.constant 0 : i32
    %dma_start3A_441 = tpu.memref_slice %arg5[%arg0, %add3A_439, %dma_start3A_440] : memref<2x10240x128xf32, #tpu.memory_space<hbm>> -> memref<1x160x128xf32, #tpu.memory_space<hbm>>
    %dma_start3A_442 = tpu.memref_squeeze %dma_start3A_441 : memref<1x160x128xf32, #tpu.memory_space<hbm>> -> memref<160x128xf32, #tpu.memory_space<hbm>>
    %dma_start3A_443 = arith.constant 0 : i32
    %dma_start3A_444 = tpu.memref_slice %arg6[%add3A_439, %dma_start3A_443] : memref<10240x128xf32, #tpu.memory_space<vmem_shared>> -> memref<160x128xf32, #tpu.memory_space<vmem_shared>>
    tpu.enqueue_dma source(%dma_start3A_444 : memref<160x128xf32, #tpu.memory_space<vmem_shared>>) target(%dma_start3A_442 : memref<160x128xf32, #tpu.memory_space<hbm>>) target_semaphore(%arg16 : memref<!tpu.dma_semaphore, #tpu.memory_space<semaphore_mem>>)
    %dma_wait3A_445 = arith.constant 0 : i32
    %dma_wait3A_446 = tpu.memref_slice %arg5[%arg0, %add3A_412, %dma_wait3A_445] : memref<2x10240x128xf32, #tpu.memory_space<hbm>> -> memref<1x160x128xf32, #tpu.memory_space<hbm>>
    %dma_wait3A_447 = tpu.memref_squeeze %dma_wait3A_446 : memref<1x160x128xf32, #tpu.memory_space<hbm>> -> memref<160x128xf32, #tpu.memory_space<hbm>>
    %dma_wait3A_448 = arith.constant 0 : i32
    %dma_wait3A_449 = tpu.memref_slice %arg6[%add3A_412, %dma_wait3A_448] : memref<10240x128xf32, #tpu.memory_space<vmem_shared>> -> memref<160x128xf32, #tpu.memory_space<vmem_shared>>
    tpu.wait_dma2 semaphore(%arg16 : memref<!tpu.dma_semaphore, #tpu.memory_space<semaphore_mem>>) src(%dma_wait3A_449 : memref<160x128xf32, #tpu.memory_space<vmem_shared>>) dst(%dma_wait3A_447 : memref<160x128xf32, #tpu.memory_space<hbm>>)
    %dma_wait3A_450 = arith.constant 0 : i32
    %dma_wait3A_451 = tpu.memref_slice %arg5[%arg0, %add3A_421, %dma_wait3A_450] : memref<2x10240x128xf32, #tpu.memory_space<hbm>> -> memref<1x160x128xf32, #tpu.memory_space<hbm>>
    %dma_wait3A_452 = tpu.memref_squeeze %dma_wait3A_451 : memref<1x160x128xf32, #tpu.memory_space<hbm>> -> memref<160x128xf32, #tpu.memory_space<hbm>>
    %dma_wait3A_453 = arith.constant 0 : i32
    %dma_wait3A_454 = tpu.memref_slice %arg6[%add3A_421, %dma_wait3A_453] : memref<10240x128xf32, #tpu.memory_space<vmem_shared>> -> memref<160x128xf32, #tpu.memory_space<vmem_shared>>
    tpu.wait_dma2 semaphore(%arg17 : memref<!tpu.dma_semaphore, #tpu.memory_space<semaphore_mem>>) src(%dma_wait3A_454 : memref<160x128xf32, #tpu.memory_space<vmem_shared>>) dst(%dma_wait3A_452 : memref<160x128xf32, #tpu.memory_space<hbm>>)
    %dma_wait3A_455 = arith.constant 0 : i32
    %dma_wait3A_456 = tpu.memref_slice %arg5[%arg0, %add3A_430, %dma_wait3A_455] : memref<2x10240x128xf32, #tpu.memory_space<hbm>> -> memref<1x160x128xf32, #tpu.memory_space<hbm>>
    %dma_wait3A_457 = tpu.memref_squeeze %dma_wait3A_456 : memref<1x160x128xf32, #tpu.memory_space<hbm>> -> memref<160x128xf32, #tpu.memory_space<hbm>>
    %dma_wait3A_458 = arith.constant 0 : i32
    %dma_wait3A_459 = tpu.memref_slice %arg6[%add3A_430, %dma_wait3A_458] : memref<10240x128xf32, #tpu.memory_space<vmem_shared>> -> memref<160x128xf32, #tpu.memory_space<vmem_shared>>
    tpu.wait_dma2 semaphore(%arg18 : memref<!tpu.dma_semaphore, #tpu.memory_space<semaphore_mem>>) src(%dma_wait3A_459 : memref<160x128xf32, #tpu.memory_space<vmem_shared>>) dst(%dma_wait3A_457 : memref<160x128xf32, #tpu.memory_space<hbm>>)
    %dma_wait3A_460 = arith.constant 0 : i32
    %dma_wait3A_461 = tpu.memref_slice %arg5[%arg0, %add3A_439, %dma_wait3A_460] : memref<2x10240x128xf32, #tpu.memory_space<hbm>> -> memref<1x160x128xf32, #tpu.memory_space<hbm>>
    %dma_wait3A_462 = tpu.memref_squeeze %dma_wait3A_461 : memref<1x160x128xf32, #tpu.memory_space<hbm>> -> memref<160x128xf32, #tpu.memory_space<hbm>>
    %dma_wait3A_463 = arith.constant 0 : i32
    %dma_wait3A_464 = tpu.memref_slice %arg6[%add3A_439, %dma_wait3A_463] : memref<10240x128xf32, #tpu.memory_space<vmem_shared>> -> memref<160x128xf32, #tpu.memory_space<vmem_shared>>
    tpu.wait_dma2 semaphore(%arg16 : memref<!tpu.dma_semaphore, #tpu.memory_space<semaphore_mem>>) src(%dma_wait3A_464 : memref<160x128xf32, #tpu.memory_space<vmem_shared>>) dst(%dma_wait3A_462 : memref<160x128xf32, #tpu.memory_space<hbm>>)
    return
  }
}

#map = affine_map<(d0, d1) -> (0)>
#map1 = affine_map<(d0, d1) -> (0, 0)>
module attributes {stable_mosaic.version = 14 : i64} {
  func.func @_deg_kernel(%arg0: i32, %arg1: i32, %arg2: memref<320000xi32, #tpu.memory_space<hbm>>, %arg3: memref<2x10240xf32, #tpu.memory_space<hbm>>, %arg4: memref<10240xf32, #tpu.memory_space<vmem_shared>>, %arg5: memref<640xf32, #tpu.memory_space<vmem>>, %arg6: memref<80xf32, #tpu.memory_space<vmem>>, %arg7: memref<80xi32, #tpu.memory_space<vmem>>, %arg8: memref<80xi32, #tpu.memory_space<vmem>>, %arg9: memref<80xi32, #tpu.memory_space<vmem>>, %arg10: memref<80xi32, #tpu.memory_space<vmem>>, %arg11: memref<80xi32, #tpu.memory_space<vmem>>, %arg12: memref<!tpu.dma_semaphore, #tpu.memory_space<semaphore_mem>>, %arg13: memref<!tpu.dma_semaphore, #tpu.memory_space<semaphore_mem>>, %arg14: memref<!tpu.dma_semaphore, #tpu.memory_space<semaphore_mem>>, %arg15: memref<!tpu.dma_semaphore, #tpu.memory_space<semaphore_mem>>, %arg16: memref<!tpu.dma_semaphore, #tpu.memory_space<semaphore_mem>>, %arg17: memref<!tpu.dma_semaphore, #tpu.memory_space<semaphore_mem>>, %arg18: memref<!tpu.dma_semaphore, #tpu.memory_space<semaphore_mem>>, %arg19: memref<!tpu.dma_semaphore, #tpu.memory_space<semaphore_mem>>, %arg20: memref<!tpu.dma_semaphore, #tpu.memory_space<semaphore_mem>>, %arg21: memref<!tpu.dma_semaphore, #tpu.memory_space<semaphore_mem>>) attributes {dimension_semantics = [#tpu.dimension_semantics<core_parallel>, #tpu.dimension_semantics<subcore_parallel>], iteration_bounds = array<i64: 2, 16>, scalar_prefetch = 0 : i64, scratch_operands = 18 : i64, tpu.core_type = #tpu.core_type<sc_vector_subcore>, window_params = [{transform_indices = #map}, {transform_indices = #map1}]} {
    %mul3A = arith.constant 16 : i32
    %mul3A_0 = arith.muli %arg0, %mul3A : i32
    %add3A = arith.addi %mul3A_0, %arg1 : i32
    %mul3A_1 = arith.constant 10000 : i32
    %mul3A_2 = arith.muli %add3A, %mul3A_1 : i32
    %broadcast_in_dim3A = arith.constant 0.000000e+00 : f32
    %broadcast_in_dim3A_3 = vector.broadcast %broadcast_in_dim3A : f32 to vector<16xf32>
    %swap3A = arith.constant 0 : index
    %swap3A_4 = tpu.vector_load %arg5[%swap3A] {strides = array<i32>} : memref<640xf32, #tpu.memory_space<vmem>>, vector<16xf32>,
    %swap3A_5 = vector.shape_cast %swap3A_4 : vector<16xf32> to vector<16xf32>
    %swap3A_6 = vector.shape_cast %broadcast_in_dim3A_3 : vector<16xf32> to vector<16xf32>
    tpu.vector_store %arg5[%swap3A], %swap3A_6 {strides = array<i32>} : memref<640xf32, #tpu.memory_space<vmem>>, vector<16xf32>,
    %swap3A_7 = arith.constant 16 : index
    %swap3A_8 = tpu.vector_load %arg5[%swap3A_7] {strides = array<i32>} : memref<640xf32, #tpu.memory_space<vmem>>, vector<16xf32>,
    %swap3A_9 = vector.shape_cast %swap3A_8 : vector<16xf32> to vector<16xf32>
    %swap3A_10 = vector.shape_cast %broadcast_in_dim3A_3 : vector<16xf32> to vector<16xf32>
    tpu.vector_store %arg5[%swap3A_7], %swap3A_10 {strides = array<i32>} : memref<640xf32, #tpu.memory_space<vmem>>, vector<16xf32>,
    %swap3A_11 = arith.constant 32 : index
    %swap3A_12 = tpu.vector_load %arg5[%swap3A_11] {strides = array<i32>} : memref<640xf32, #tpu.memory_space<vmem>>, vector<16xf32>,
    %swap3A_13 = vector.shape_cast %swap3A_12 : vector<16xf32> to vector<16xf32>
    %swap3A_14 = vector.shape_cast %broadcast_in_dim3A_3 : vector<16xf32> to vector<16xf32>
    tpu.vector_store %arg5[%swap3A_11], %swap3A_14 {strides = array<i32>} : memref<640xf32, #tpu.memory_space<vmem>>, vector<16xf32>,
    %swap3A_15 = arith.constant 48 : index
    %swap3A_16 = tpu.vector_load %arg5[%swap3A_15] {strides = array<i32>} : memref<640xf32, #tpu.memory_space<vmem>>, vector<16xf32>,
    %swap3A_17 = vector.shape_cast %swap3A_16 : vector<16xf32> to vector<16xf32>
    %swap3A_18 = vector.shape_cast %broadcast_in_dim3A_3 : vector<16xf32> to vector<16xf32>
    tpu.vector_store %arg5[%swap3A_15], %swap3A_18 {strides = array<i32>} : memref<640xf32, #tpu.memory_space<vmem>>, vector<16xf32>,
    %swap3A_19 = arith.constant 64 : index
    %swap3A_20 = tpu.vector_load %arg5[%swap3A_19] {strides = array<i32>} : memref<640xf32, #tpu.memory_space<vmem>>, vector<16xf32>,
    %swap3A_21 = vector.shape_cast %swap3A_20 : vector<16xf32> to vector<16xf32>
    %swap3A_22 = vector.shape_cast %broadcast_in_dim3A_3 : vector<16xf32> to vector<16xf32>
    tpu.vector_store %arg5[%swap3A_19], %swap3A_22 {strides = array<i32>} : memref<640xf32, #tpu.memory_space<vmem>>, vector<16xf32>,
    %swap3A_23 = arith.constant 80 : index
    %swap3A_24 = tpu.vector_load %arg5[%swap3A_23] {strides = array<i32>} : memref<640xf32, #tpu.memory_space<vmem>>, vector<16xf32>,
    %swap3A_25 = vector.shape_cast %swap3A_24 : vector<16xf32> to vector<16xf32>
    %swap3A_26 = vector.shape_cast %broadcast_in_dim3A_3 : vector<16xf32> to vector<16xf32>
    tpu.vector_store %arg5[%swap3A_23], %swap3A_26 {strides = array<i32>} : memref<640xf32, #tpu.memory_space<vmem>>, vector<16xf32>,
    %swap3A_27 = arith.constant 96 : index
    %swap3A_28 = tpu.vector_load %arg5[%swap3A_27] {strides = array<i32>} : memref<640xf32, #tpu.memory_space<vmem>>, vector<16xf32>,
    %swap3A_29 = vector.shape_cast %swap3A_28 : vector<16xf32> to vector<16xf32>
    %swap3A_30 = vector.shape_cast %broadcast_in_dim3A_3 : vector<16xf32> to vector<16xf32>
    tpu.vector_store %arg5[%swap3A_27], %swap3A_30 {strides = array<i32>} : memref<640xf32, #tpu.memory_space<vmem>>, vector<16xf32>,
    %swap3A_31 = arith.constant 112 : index
    %swap3A_32 = tpu.vector_load %arg5[%swap3A_31] {strides = array<i32>} : memref<640xf32, #tpu.memory_space<vmem>>, vector<16xf32>,
    %swap3A_33 = vector.shape_cast %swap3A_32 : vector<16xf32> to vector<16xf32>
    %swap3A_34 = vector.shape_cast %broadcast_in_dim3A_3 : vector<16xf32> to vector<16xf32>
    tpu.vector_store %arg5[%swap3A_31], %swap3A_34 {strides = array<i32>} : memref<640xf32, #tpu.memory_space<vmem>>, vector<16xf32>,
    %swap3A_35 = arith.constant 128 : index
    %swap3A_36 = tpu.vector_load %arg5[%swap3A_35] {strides = array<i32>} : memref<640xf32, #tpu.memory_space<vmem>>, vector<16xf32>,
    %swap3A_37 = vector.shape_cast %swap3A_36 : vector<16xf32> to vector<16xf32>
    %swap3A_38 = vector.shape_cast %broadcast_in_dim3A_3 : vector<16xf32> to vector<16xf32>
    tpu.vector_store %arg5[%swap3A_35], %swap3A_38 {strides = array<i32>} : memref<640xf32, #tpu.memory_space<vmem>>, vector<16xf32>,
    %swap3A_39 = arith.constant 144 : index
    %swap3A_40 = tpu.vector_load %arg5[%swap3A_39] {strides = array<i32>} : memref<640xf32, #tpu.memory_space<vmem>>, vector<16xf32>,
    %swap3A_41 = vector.shape_cast %swap3A_40 : vector<16xf32> to vector<16xf32>
    %swap3A_42 = vector.shape_cast %broadcast_in_dim3A_3 : vector<16xf32> to vector<16xf32>
    tpu.vector_store %arg5[%swap3A_39], %swap3A_42 {strides = array<i32>} : memref<640xf32, #tpu.memory_space<vmem>>, vector<16xf32>,
    %swap3A_43 = arith.constant 160 : index
    %swap3A_44 = tpu.vector_load %arg5[%swap3A_43] {strides = array<i32>} : memref<640xf32, #tpu.memory_space<vmem>>, vector<16xf32>,
    %swap3A_45 = vector.shape_cast %swap3A_44 : vector<16xf32> to vector<16xf32>
    %swap3A_46 = vector.shape_cast %broadcast_in_dim3A_3 : vector<16xf32> to vector<16xf32>
    tpu.vector_store %arg5[%swap3A_43], %swap3A_46 {strides = array<i32>} : memref<640xf32, #tpu.memory_space<vmem>>, vector<16xf32>,
    %swap3A_47 = arith.constant 176 : index
    %swap3A_48 = tpu.vector_load %arg5[%swap3A_47] {strides = array<i32>} : memref<640xf32, #tpu.memory_space<vmem>>, vector<16xf32>,
    %swap3A_49 = vector.shape_cast %swap3A_48 : vector<16xf32> to vector<16xf32>
    %swap3A_50 = vector.shape_cast %broadcast_in_dim3A_3 : vector<16xf32> to vector<16xf32>
    tpu.vector_store %arg5[%swap3A_47], %swap3A_50 {strides = array<i32>} : memref<640xf32, #tpu.memory_space<vmem>>, vector<16xf32>,
    %swap3A_51 = arith.constant 192 : index
    %swap3A_52 = tpu.vector_load %arg5[%swap3A_51] {strides = array<i32>} : memref<640xf32, #tpu.memory_space<vmem>>, vector<16xf32>,
    %swap3A_53 = vector.shape_cast %swap3A_52 : vector<16xf32> to vector<16xf32>
    %swap3A_54 = vector.shape_cast %broadcast_in_dim3A_3 : vector<16xf32> to vector<16xf32>
    tpu.vector_store %arg5[%swap3A_51], %swap3A_54 {strides = array<i32>} : memref<640xf32, #tpu.memory_space<vmem>>, vector<16xf32>,
    %swap3A_55 = arith.constant 208 : index
    %swap3A_56 = tpu.vector_load %arg5[%swap3A_55] {strides = array<i32>} : memref<640xf32, #tpu.memory_space<vmem>>, vector<16xf32>,
    %swap3A_57 = vector.shape_cast %swap3A_56 : vector<16xf32> to vector<16xf32>
    %swap3A_58 = vector.shape_cast %broadcast_in_dim3A_3 : vector<16xf32> to vector<16xf32>
    tpu.vector_store %arg5[%swap3A_55], %swap3A_58 {strides = array<i32>} : memref<640xf32, #tpu.memory_space<vmem>>, vector<16xf32>,
    %swap3A_59 = arith.constant 224 : index
    %swap3A_60 = tpu.vector_load %arg5[%swap3A_59] {strides = array<i32>} : memref<640xf32, #tpu.memory_space<vmem>>, vector<16xf32>,
    %swap3A_61 = vector.shape_cast %swap3A_60 : vector<16xf32> to vector<16xf32>
    %swap3A_62 = vector.shape_cast %broadcast_in_dim3A_3 : vector<16xf32> to vector<16xf32>
    tpu.vector_store %arg5[%swap3A_59], %swap3A_62 {strides = array<i32>} : memref<640xf32, #tpu.memory_space<vmem>>, vector<16xf32>,
    %swap3A_63 = arith.constant 240 : index
    %swap3A_64 = tpu.vector_load %arg5[%swap3A_63] {strides = array<i32>} : memref<640xf32, #tpu.memory_space<vmem>>, vector<16xf32>,
    %swap3A_65 = vector.shape_cast %swap3A_64 : vector<16xf32> to vector<16xf32>
    %swap3A_66 = vector.shape_cast %broadcast_in_dim3A_3 : vector<16xf32> to vector<16xf32>
    tpu.vector_store %arg5[%swap3A_63], %swap3A_66 {strides = array<i32>} : memref<640xf32, #tpu.memory_space<vmem>>, vector<16xf32>,
    %swap3A_67 = arith.constant 256 : index
    %swap3A_68 = tpu.vector_load %arg5[%swap3A_67] {strides = array<i32>} : memref<640xf32, #tpu.memory_space<vmem>>, vector<16xf32>,
    %swap3A_69 = vector.shape_cast %swap3A_68 : vector<16xf32> to vector<16xf32>
    %swap3A_70 = vector.shape_cast %broadcast_in_dim3A_3 : vector<16xf32> to vector<16xf32>
    tpu.vector_store %arg5[%swap3A_67], %swap3A_70 {strides = array<i32>} : memref<640xf32, #tpu.memory_space<vmem>>, vector<16xf32>,
    %swap3A_71 = arith.constant 272 : index
    %swap3A_72 = tpu.vector_load %arg5[%swap3A_71] {strides = array<i32>} : memref<640xf32, #tpu.memory_space<vmem>>, vector<16xf32>,
    %swap3A_73 = vector.shape_cast %swap3A_72 : vector<16xf32> to vector<16xf32>
    %swap3A_74 = vector.shape_cast %broadcast_in_dim3A_3 : vector<16xf32> to vector<16xf32>
    tpu.vector_store %arg5[%swap3A_71], %swap3A_74 {strides = array<i32>} : memref<640xf32, #tpu.memory_space<vmem>>, vector<16xf32>,
    %swap3A_75 = arith.constant 288 : index
    %swap3A_76 = tpu.vector_load %arg5[%swap3A_75] {strides = array<i32>} : memref<640xf32, #tpu.memory_space<vmem>>, vector<16xf32>,
    %swap3A_77 = vector.shape_cast %swap3A_76 : vector<16xf32> to vector<16xf32>
    %swap3A_78 = vector.shape_cast %broadcast_in_dim3A_3 : vector<16xf32> to vector<16xf32>
    tpu.vector_store %arg5[%swap3A_75], %swap3A_78 {strides = array<i32>} : memref<640xf32, #tpu.memory_space<vmem>>, vector<16xf32>,
    %swap3A_79 = arith.constant 304 : index
    %swap3A_80 = tpu.vector_load %arg5[%swap3A_79] {strides = array<i32>} : memref<640xf32, #tpu.memory_space<vmem>>, vector<16xf32>,
    %swap3A_81 = vector.shape_cast %swap3A_80 : vector<16xf32> to vector<16xf32>
    %swap3A_82 = vector.shape_cast %broadcast_in_dim3A_3 : vector<16xf32> to vector<16xf32>
    tpu.vector_store %arg5[%swap3A_79], %swap3A_82 {strides = array<i32>} : memref<640xf32, #tpu.memory_space<vmem>>, vector<16xf32>,
    %swap3A_83 = arith.constant 320 : index
    %swap3A_84 = tpu.vector_load %arg5[%swap3A_83] {strides = array<i32>} : memref<640xf32, #tpu.memory_space<vmem>>, vector<16xf32>,
    %swap3A_85 = vector.shape_cast %swap3A_84 : vector<16xf32> to vector<16xf32>
    %swap3A_86 = vector.shape_cast %broadcast_in_dim3A_3 : vector<16xf32> to vector<16xf32>
    tpu.vector_store %arg5[%swap3A_83], %swap3A_86 {strides = array<i32>} : memref<640xf32, #tpu.memory_space<vmem>>, vector<16xf32>,
    %swap3A_87 = arith.constant 336 : index
    %swap3A_88 = tpu.vector_load %arg5[%swap3A_87] {strides = array<i32>} : memref<640xf32, #tpu.memory_space<vmem>>, vector<16xf32>,
    %swap3A_89 = vector.shape_cast %swap3A_88 : vector<16xf32> to vector<16xf32>
    %swap3A_90 = vector.shape_cast %broadcast_in_dim3A_3 : vector<16xf32> to vector<16xf32>
    tpu.vector_store %arg5[%swap3A_87], %swap3A_90 {strides = array<i32>} : memref<640xf32, #tpu.memory_space<vmem>>, vector<16xf32>,
    %swap3A_91 = arith.constant 352 : index
    %swap3A_92 = tpu.vector_load %arg5[%swap3A_91] {strides = array<i32>} : memref<640xf32, #tpu.memory_space<vmem>>, vector<16xf32>,
    %swap3A_93 = vector.shape_cast %swap3A_92 : vector<16xf32> to vector<16xf32>
    %swap3A_94 = vector.shape_cast %broadcast_in_dim3A_3 : vector<16xf32> to vector<16xf32>
    tpu.vector_store %arg5[%swap3A_91], %swap3A_94 {strides = array<i32>} : memref<640xf32, #tpu.memory_space<vmem>>, vector<16xf32>,
    %swap3A_95 = arith.constant 368 : index
    %swap3A_96 = tpu.vector_load %arg5[%swap3A_95] {strides = array<i32>} : memref<640xf32, #tpu.memory_space<vmem>>, vector<16xf32>,
    %swap3A_97 = vector.shape_cast %swap3A_96 : vector<16xf32> to vector<16xf32>
    %swap3A_98 = vector.shape_cast %broadcast_in_dim3A_3 : vector<16xf32> to vector<16xf32>
    tpu.vector_store %arg5[%swap3A_95], %swap3A_98 {strides = array<i32>} : memref<640xf32, #tpu.memory_space<vmem>>, vector<16xf32>,
    %swap3A_99 = arith.constant 384 : index
    %swap3A_100 = tpu.vector_load %arg5[%swap3A_99] {strides = array<i32>} : memref<640xf32, #tpu.memory_space<vmem>>, vector<16xf32>,
    %swap3A_101 = vector.shape_cast %swap3A_100 : vector<16xf32> to vector<16xf32>
    %swap3A_102 = vector.shape_cast %broadcast_in_dim3A_3 : vector<16xf32> to vector<16xf32>
    tpu.vector_store %arg5[%swap3A_99], %swap3A_102 {strides = array<i32>} : memref<640xf32, #tpu.memory_space<vmem>>, vector<16xf32>,
    %swap3A_103 = arith.constant 400 : index
    %swap3A_104 = tpu.vector_load %arg5[%swap3A_103] {strides = array<i32>} : memref<640xf32, #tpu.memory_space<vmem>>, vector<16xf32>,
    %swap3A_105 = vector.shape_cast %swap3A_104 : vector<16xf32> to vector<16xf32>
    %swap3A_106 = vector.shape_cast %broadcast_in_dim3A_3 : vector<16xf32> to vector<16xf32>
    tpu.vector_store %arg5[%swap3A_103], %swap3A_106 {strides = array<i32>} : memref<640xf32, #tpu.memory_space<vmem>>, vector<16xf32>,
    %swap3A_107 = arith.constant 416 : index
    %swap3A_108 = tpu.vector_load %arg5[%swap3A_107] {strides = array<i32>} : memref<640xf32, #tpu.memory_space<vmem>>, vector<16xf32>,
    %swap3A_109 = vector.shape_cast %swap3A_108 : vector<16xf32> to vector<16xf32>
    %swap3A_110 = vector.shape_cast %broadcast_in_dim3A_3 : vector<16xf32> to vector<16xf32>
    tpu.vector_store %arg5[%swap3A_107], %swap3A_110 {strides = array<i32>} : memref<640xf32, #tpu.memory_space<vmem>>, vector<16xf32>,
    %swap3A_111 = arith.constant 432 : index
    %swap3A_112 = tpu.vector_load %arg5[%swap3A_111] {strides = array<i32>} : memref<640xf32, #tpu.memory_space<vmem>>, vector<16xf32>,
    %swap3A_113 = vector.shape_cast %swap3A_112 : vector<16xf32> to vector<16xf32>
    %swap3A_114 = vector.shape_cast %broadcast_in_dim3A_3 : vector<16xf32> to vector<16xf32>
    tpu.vector_store %arg5[%swap3A_111], %swap3A_114 {strides = array<i32>} : memref<640xf32, #tpu.memory_space<vmem>>, vector<16xf32>,
    %swap3A_115 = arith.constant 448 : index
    %swap3A_116 = tpu.vector_load %arg5[%swap3A_115] {strides = array<i32>} : memref<640xf32, #tpu.memory_space<vmem>>, vector<16xf32>,
    %swap3A_117 = vector.shape_cast %swap3A_116 : vector<16xf32> to vector<16xf32>
    %swap3A_118 = vector.shape_cast %broadcast_in_dim3A_3 : vector<16xf32> to vector<16xf32>
    tpu.vector_store %arg5[%swap3A_115], %swap3A_118 {strides = array<i32>} : memref<640xf32, #tpu.memory_space<vmem>>, vector<16xf32>,
    %swap3A_119 = arith.constant 464 : index
    %swap3A_120 = tpu.vector_load %arg5[%swap3A_119] {strides = array<i32>} : memref<640xf32, #tpu.memory_space<vmem>>, vector<16xf32>,
    %swap3A_121 = vector.shape_cast %swap3A_120 : vector<16xf32> to vector<16xf32>
    %swap3A_122 = vector.shape_cast %broadcast_in_dim3A_3 : vector<16xf32> to vector<16xf32>
    tpu.vector_store %arg5[%swap3A_119], %swap3A_122 {strides = array<i32>} : memref<640xf32, #tpu.memory_space<vmem>>, vector<16xf32>,
    %swap3A_123 = arith.constant 480 : index
    %swap3A_124 = tpu.vector_load %arg5[%swap3A_123] {strides = array<i32>} : memref<640xf32, #tpu.memory_space<vmem>>, vector<16xf32>,
    %swap3A_125 = vector.shape_cast %swap3A_124 : vector<16xf32> to vector<16xf32>
    %swap3A_126 = vector.shape_cast %broadcast_in_dim3A_3 : vector<16xf32> to vector<16xf32>
    tpu.vector_store %arg5[%swap3A_123], %swap3A_126 {strides = array<i32>} : memref<640xf32, #tpu.memory_space<vmem>>, vector<16xf32>,
    %swap3A_127 = arith.constant 496 : index
    %swap3A_128 = tpu.vector_load %arg5[%swap3A_127] {strides = array<i32>} : memref<640xf32, #tpu.memory_space<vmem>>, vector<16xf32>,
    %swap3A_129 = vector.shape_cast %swap3A_128 : vector<16xf32> to vector<16xf32>
    %swap3A_130 = vector.shape_cast %broadcast_in_dim3A_3 : vector<16xf32> to vector<16xf32>
    tpu.vector_store %arg5[%swap3A_127], %swap3A_130 {strides = array<i32>} : memref<640xf32, #tpu.memory_space<vmem>>, vector<16xf32>,
    %swap3A_131 = arith.constant 512 : index
    %swap3A_132 = tpu.vector_load %arg5[%swap3A_131] {strides = array<i32>} : memref<640xf32, #tpu.memory_space<vmem>>, vector<16xf32>,
    %swap3A_133 = vector.shape_cast %swap3A_132 : vector<16xf32> to vector<16xf32>
    %swap3A_134 = vector.shape_cast %broadcast_in_dim3A_3 : vector<16xf32> to vector<16xf32>
    tpu.vector_store %arg5[%swap3A_131], %swap3A_134 {strides = array<i32>} : memref<640xf32, #tpu.memory_space<vmem>>, vector<16xf32>,
    %swap3A_135 = arith.constant 528 : index
    %swap3A_136 = tpu.vector_load %arg5[%swap3A_135] {strides = array<i32>} : memref<640xf32, #tpu.memory_space<vmem>>, vector<16xf32>,
    %swap3A_137 = vector.shape_cast %swap3A_136 : vector<16xf32> to vector<16xf32>
    %swap3A_138 = vector.shape_cast %broadcast_in_dim3A_3 : vector<16xf32> to vector<16xf32>
    tpu.vector_store %arg5[%swap3A_135], %swap3A_138 {strides = array<i32>} : memref<640xf32, #tpu.memory_space<vmem>>, vector<16xf32>,
    %swap3A_139 = arith.constant 544 : index
    %swap3A_140 = tpu.vector_load %arg5[%swap3A_139] {strides = array<i32>} : memref<640xf32, #tpu.memory_space<vmem>>, vector<16xf32>,
    %swap3A_141 = vector.shape_cast %swap3A_140 : vector<16xf32> to vector<16xf32>
    %swap3A_142 = vector.shape_cast %broadcast_in_dim3A_3 : vector<16xf32> to vector<16xf32>
    tpu.vector_store %arg5[%swap3A_139], %swap3A_142 {strides = array<i32>} : memref<640xf32, #tpu.memory_space<vmem>>, vector<16xf32>,
    %swap3A_143 = arith.constant 560 : index
    %swap3A_144 = tpu.vector_load %arg5[%swap3A_143] {strides = array<i32>} : memref<640xf32, #tpu.memory_space<vmem>>, vector<16xf32>,
    %swap3A_145 = vector.shape_cast %swap3A_144 : vector<16xf32> to vector<16xf32>
    %swap3A_146 = vector.shape_cast %broadcast_in_dim3A_3 : vector<16xf32> to vector<16xf32>
    tpu.vector_store %arg5[%swap3A_143], %swap3A_146 {strides = array<i32>} : memref<640xf32, #tpu.memory_space<vmem>>, vector<16xf32>,
    %swap3A_147 = arith.constant 576 : index
    %swap3A_148 = tpu.vector_load %arg5[%swap3A_147] {strides = array<i32>} : memref<640xf32, #tpu.memory_space<vmem>>, vector<16xf32>,
    %swap3A_149 = vector.shape_cast %swap3A_148 : vector<16xf32> to vector<16xf32>
    %swap3A_150 = vector.shape_cast %broadcast_in_dim3A_3 : vector<16xf32> to vector<16xf32>
    tpu.vector_store %arg5[%swap3A_147], %swap3A_150 {strides = array<i32>} : memref<640xf32, #tpu.memory_space<vmem>>, vector<16xf32>,
    %swap3A_151 = arith.constant 592 : index
    %swap3A_152 = tpu.vector_load %arg5[%swap3A_151] {strides = array<i32>} : memref<640xf32, #tpu.memory_space<vmem>>, vector<16xf32>,
    %swap3A_153 = vector.shape_cast %swap3A_152 : vector<16xf32> to vector<16xf32>
    %swap3A_154 = vector.shape_cast %broadcast_in_dim3A_3 : vector<16xf32> to vector<16xf32>
    tpu.vector_store %arg5[%swap3A_151], %swap3A_154 {strides = array<i32>} : memref<640xf32, #tpu.memory_space<vmem>>, vector<16xf32>,
    %swap3A_155 = arith.constant 608 : index
    %swap3A_156 = tpu.vector_load %arg5[%swap3A_155] {strides = array<i32>} : memref<640xf32, #tpu.memory_space<vmem>>, vector<16xf32>,
    %swap3A_157 = vector.shape_cast %swap3A_156 : vector<16xf32> to vector<16xf32>
    %swap3A_158 = vector.shape_cast %broadcast_in_dim3A_3 : vector<16xf32> to vector<16xf32>
    tpu.vector_store %arg5[%swap3A_155], %swap3A_158 {strides = array<i32>} : memref<640xf32, #tpu.memory_space<vmem>>, vector<16xf32>,
    %swap3A_159 = arith.constant 624 : index
    %swap3A_160 = tpu.vector_load %arg5[%swap3A_159] {strides = array<i32>} : memref<640xf32, #tpu.memory_space<vmem>>, vector<16xf32>,
    %swap3A_161 = vector.shape_cast %swap3A_160 : vector<16xf32> to vector<16xf32>
    %swap3A_162 = vector.shape_cast %broadcast_in_dim3A_3 : vector<16xf32> to vector<16xf32>
    tpu.vector_store %arg5[%swap3A_159], %swap3A_162 {strides = array<i32>} : memref<640xf32, #tpu.memory_space<vmem>>, vector<16xf32>,
    %broadcast_in_dim3A_163 = arith.constant 1.000000e+00 : f32
    %broadcast_in_dim3A_164 = vector.broadcast %broadcast_in_dim3A_163 : f32 to vector<16xf32>
    %swap3A_165 = arith.constant 0 : index
    %swap3A_166 = tpu.vector_load %arg6[%swap3A_165] {strides = array<i32>} : memref<80xf32, #tpu.memory_space<vmem>>, vector<16xf32>,
    %swap3A_167 = vector.shape_cast %swap3A_166 : vector<16xf32> to vector<16xf32>
    %swap3A_168 = vector.shape_cast %broadcast_in_dim3A_164 : vector<16xf32> to vector<16xf32>
    tpu.vector_store %arg6[%swap3A_165], %swap3A_168 {strides = array<i32>} : memref<80xf32, #tpu.memory_space<vmem>>, vector<16xf32>,
    %swap3A_169 = arith.constant 16 : index
    %swap3A_170 = tpu.vector_load %arg6[%swap3A_169] {strides = array<i32>} : memref<80xf32, #tpu.memory_space<vmem>>, vector<16xf32>,
    %swap3A_171 = vector.shape_cast %swap3A_170 : vector<16xf32> to vector<16xf32>
    %swap3A_172 = vector.shape_cast %broadcast_in_dim3A_164 : vector<16xf32> to vector<16xf32>
    tpu.vector_store %arg6[%swap3A_169], %swap3A_172 {strides = array<i32>} : memref<80xf32, #tpu.memory_space<vmem>>, vector<16xf32>,
    %swap3A_173 = arith.constant 32 : index
    %swap3A_174 = tpu.vector_load %arg6[%swap3A_173] {strides = array<i32>} : memref<80xf32, #tpu.memory_space<vmem>>, vector<16xf32>,
    %swap3A_175 = vector.shape_cast %swap3A_174 : vector<16xf32> to vector<16xf32>
    %swap3A_176 = vector.shape_cast %broadcast_in_dim3A_164 : vector<16xf32> to vector<16xf32>
    tpu.vector_store %arg6[%swap3A_173], %swap3A_176 {strides = array<i32>} : memref<80xf32, #tpu.memory_space<vmem>>, vector<16xf32>,
    %swap3A_177 = arith.constant 48 : index
    %swap3A_178 = tpu.vector_load %arg6[%swap3A_177] {strides = array<i32>} : memref<80xf32, #tpu.memory_space<vmem>>, vector<16xf32>,
    %swap3A_179 = vector.shape_cast %swap3A_178 : vector<16xf32> to vector<16xf32>
    %swap3A_180 = vector.shape_cast %broadcast_in_dim3A_164 : vector<16xf32> to vector<16xf32>
    tpu.vector_store %arg6[%swap3A_177], %swap3A_180 {strides = array<i32>} : memref<80xf32, #tpu.memory_space<vmem>>, vector<16xf32>,
    %swap3A_181 = arith.constant 64 : index
    %swap3A_182 = tpu.vector_load %arg6[%swap3A_181] {strides = array<i32>} : memref<80xf32, #tpu.memory_space<vmem>>, vector<16xf32>,
    %swap3A_183 = vector.shape_cast %swap3A_182 : vector<16xf32> to vector<16xf32>
    %swap3A_184 = vector.shape_cast %broadcast_in_dim3A_164 : vector<16xf32> to vector<16xf32>
    tpu.vector_store %arg6[%swap3A_181], %swap3A_184 {strides = array<i32>} : memref<80xf32, #tpu.memory_space<vmem>>, vector<16xf32>,
    %mul3A_185 = arith.constant 640 : i32
    %mul3A_186 = arith.muli %mul3A_185, %arg1 : i32
    "tpu.region"() ({
      %run_scoped3A = tpu.sem_alloc : memref<!tpu.dma_semaphore, #tpu.memory_space<semaphore_mem>>
      %dma_start3A_255 = tpu.memref_slice %arg4[%mul3A_186] : memref<10240xf32, #tpu.memory_space<vmem_shared>> -> memref<640xf32, #tpu.memory_space<vmem_shared>>
      %dma_start3A_256 = tpu.memref_slice %arg4[%mul3A_186] : memref<10240xf32, #tpu.memory_space<vmem_shared>> -> memref<640xf32, #tpu.memory_space<vmem_shared>>
      tpu.enqueue_dma source(%arg5 : memref<640xf32, #tpu.memory_space<vmem>>) target(%dma_start3A_256 : memref<640xf32, #tpu.memory_space<vmem_shared>>) target_semaphore(%run_scoped3A : memref<!tpu.dma_semaphore, #tpu.memory_space<semaphore_mem>>)
      %dma_wait3A_257 = tpu.memref_slice %arg4[%mul3A_186] : memref<10240xf32, #tpu.memory_space<vmem_shared>> -> memref<640xf32, #tpu.memory_space<vmem_shared>>
      %dma_wait3A_258 = tpu.memref_slice %arg4[%mul3A_186] : memref<10240xf32, #tpu.memory_space<vmem_shared>> -> memref<640xf32, #tpu.memory_space<vmem_shared>>
      tpu.wait_dma2 semaphore(%run_scoped3A : memref<!tpu.dma_semaphore, #tpu.memory_space<semaphore_mem>>) src(%arg5 : memref<640xf32, #tpu.memory_space<vmem>>) dst(%dma_wait3A_258 : memref<640xf32, #tpu.memory_space<vmem_shared>>)
      tpu.yield
    }) : () -> ()
    %barrier3A = arith.constant 0 : index
    tpu.barrier barrier_id(%barrier3A)
    %add3A_187 = arith.constant 0 : i32
    %add3A_188 = arith.addi %mul3A_2, %add3A_187 : i32
    %dma_start3A = tpu.memref_slice %arg2[%add3A_188] : memref<320000xi32, #tpu.memory_space<hbm>> -> memref<80xi32, #tpu.memory_space<hbm>>
    %dma_start3A_189 = tpu.memref_slice %arg2[%add3A_188] : memref<320000xi32, #tpu.memory_space<hbm>> -> memref<80xi32, #tpu.memory_space<hbm>>
    tpu.enqueue_dma source(%dma_start3A_189 : memref<80xi32, #tpu.memory_space<hbm>>) target(%arg7 : memref<80xi32, #tpu.memory_space<vmem>>) target_semaphore(%arg12 : memref<!tpu.dma_semaphore, #tpu.memory_space<semaphore_mem>>)
    %add3A_190 = arith.constant 80 : i32
    %add3A_191 = arith.addi %mul3A_2, %add3A_190 : i32
    %dma_start3A_192 = tpu.memref_slice %arg2[%add3A_191] : memref<320000xi32, #tpu.memory_space<hbm>> -> memref<80xi32, #tpu.memory_space<hbm>>
    %dma_start3A_193 = tpu.memref_slice %arg2[%add3A_191] : memref<320000xi32, #tpu.memory_space<hbm>> -> memref<80xi32, #tpu.memory_space<hbm>>
    tpu.enqueue_dma source(%dma_start3A_193 : memref<80xi32, #tpu.memory_space<hbm>>) target(%arg8 : memref<80xi32, #tpu.memory_space<vmem>>) target_semaphore(%arg13 : memref<!tpu.dma_semaphore, #tpu.memory_space<semaphore_mem>>)
    %add3A_194 = arith.constant 160 : i32
    %add3A_195 = arith.addi %mul3A_2, %add3A_194 : i32
    %dma_start3A_196 = tpu.memref_slice %arg2[%add3A_195] : memref<320000xi32, #tpu.memory_space<hbm>> -> memref<80xi32, #tpu.memory_space<hbm>>
    %dma_start3A_197 = tpu.memref_slice %arg2[%add3A_195] : memref<320000xi32, #tpu.memory_space<hbm>> -> memref<80xi32, #tpu.memory_space<hbm>>
    tpu.enqueue_dma source(%dma_start3A_197 : memref<80xi32, #tpu.memory_space<hbm>>) target(%arg9 : memref<80xi32, #tpu.memory_space<vmem>>) target_semaphore(%arg14 : memref<!tpu.dma_semaphore, #tpu.memory_space<semaphore_mem>>)
    %add3A_198 = arith.constant 240 : i32
    %add3A_199 = arith.addi %mul3A_2, %add3A_198 : i32
    %dma_start3A_200 = tpu.memref_slice %arg2[%add3A_199] : memref<320000xi32, #tpu.memory_space<hbm>> -> memref<80xi32, #tpu.memory_space<hbm>>
    %dma_start3A_201 = tpu.memref_slice %arg2[%add3A_199] : memref<320000xi32, #tpu.memory_space<hbm>> -> memref<80xi32, #tpu.memory_space<hbm>>
    tpu.enqueue_dma source(%dma_start3A_201 : memref<80xi32, #tpu.memory_space<hbm>>) target(%arg10 : memref<80xi32, #tpu.memory_space<vmem>>) target_semaphore(%arg15 : memref<!tpu.dma_semaphore, #tpu.memory_space<semaphore_mem>>)
    %add3A_202 = arith.constant 320 : i32
    %add3A_203 = arith.addi %mul3A_2, %add3A_202 : i32
    %dma_start3A_204 = tpu.memref_slice %arg2[%add3A_203] : memref<320000xi32, #tpu.memory_space<hbm>> -> memref<80xi32, #tpu.memory_space<hbm>>
    %dma_start3A_205 = tpu.memref_slice %arg2[%add3A_203] : memref<320000xi32, #tpu.memory_space<hbm>> -> memref<80xi32, #tpu.memory_space<hbm>>
    tpu.enqueue_dma source(%dma_start3A_205 : memref<80xi32, #tpu.memory_space<hbm>>) target(%arg11 : memref<80xi32, #tpu.memory_space<vmem>>) target_semaphore(%arg16 : memref<!tpu.dma_semaphore, #tpu.memory_space<semaphore_mem>>)
    %dma_wait3A = tpu.memref_slice %arg2[%add3A_188] : memref<320000xi32, #tpu.memory_space<hbm>> -> memref<80xi32, #tpu.memory_space<hbm>>
    %dma_wait3A_206 = tpu.memref_slice %arg2[%add3A_188] : memref<320000xi32, #tpu.memory_space<hbm>> -> memref<80xi32, #tpu.memory_space<hbm>>
    tpu.wait_dma2 semaphore(%arg12 : memref<!tpu.dma_semaphore, #tpu.memory_space<semaphore_mem>>) src(%dma_wait3A_206 : memref<80xi32, #tpu.memory_space<hbm>>) dst(%arg7 : memref<80xi32, #tpu.memory_space<vmem>>)
    %dma_start3A_207 = arith.constant 0 : i32
    %dma_start3A_208 = tpu.memref_slice %arg4[%dma_start3A_207] : memref<10240xf32, #tpu.memory_space<vmem_shared>> -> memref<10240xf32, #tpu.memory_space<vmem_shared>>
    tpu.enqueue_indirect_dma source(%arg6 : memref<80xf32, #tpu.memory_space<vmem>>) target(%dma_start3A_208 : memref<10240xf32, #tpu.memory_space<vmem_shared>>) offsets(%arg7 : memref<80xi32, #tpu.memory_space<vmem>>) semaphore(%arg17 : memref<!tpu.dma_semaphore, #tpu.memory_space<semaphore_mem>>) {add = true}
    %dma_wait3A_209 = tpu.memref_slice %arg2[%add3A_191] : memref<320000xi32, #tpu.memory_space<hbm>> -> memref<80xi32, #tpu.memory_space<hbm>>
    %dma_wait3A_210 = tpu.memref_slice %arg2[%add3A_191] : memref<320000xi32, #tpu.memory_space<hbm>> -> memref<80xi32, #tpu.memory_space<hbm>>
    tpu.wait_dma2 semaphore(%arg13 : memref<!tpu.dma_semaphore, #tpu.memory_space<semaphore_mem>>) src(%dma_wait3A_210 : memref<80xi32, #tpu.memory_space<hbm>>) dst(%arg8 : memref<80xi32, #tpu.memory_space<vmem>>)
    %dma_start3A_211 = arith.constant 0 : i32
    %dma_start3A_212 = tpu.memref_slice %arg4[%dma_start3A_211] : memref<10240xf32, #tpu.memory_space<vmem_shared>> -> memref<10240xf32, #tpu.memory_space<vmem_shared>>
    tpu.enqueue_indirect_dma source(%arg6 : memref<80xf32, #tpu.memory_space<vmem>>) target(%dma_start3A_212 : memref<10240xf32, #tpu.memory_space<vmem_shared>>) offsets(%arg8 : memref<80xi32, #tpu.memory_space<vmem>>) semaphore(%arg18 : memref<!tpu.dma_semaphore, #tpu.memory_space<semaphore_mem>>) {add = true}
    %dma_wait3A_213 = tpu.memref_slice %arg2[%add3A_195] : memref<320000xi32, #tpu.memory_space<hbm>> -> memref<80xi32, #tpu.memory_space<hbm>>
    %dma_wait3A_214 = tpu.memref_slice %arg2[%add3A_195] : memref<320000xi32, #tpu.memory_space<hbm>> -> memref<80xi32, #tpu.memory_space<hbm>>
    tpu.wait_dma2 semaphore(%arg14 : memref<!tpu.dma_semaphore, #tpu.memory_space<semaphore_mem>>) src(%dma_wait3A_214 : memref<80xi32, #tpu.memory_space<hbm>>) dst(%arg9 : memref<80xi32, #tpu.memory_space<vmem>>)
    %dma_start3A_215 = arith.constant 0 : i32
    %dma_start3A_216 = tpu.memref_slice %arg4[%dma_start3A_215] : memref<10240xf32, #tpu.memory_space<vmem_shared>> -> memref<10240xf32, #tpu.memory_space<vmem_shared>>
    tpu.enqueue_indirect_dma source(%arg6 : memref<80xf32, #tpu.memory_space<vmem>>) target(%dma_start3A_216 : memref<10240xf32, #tpu.memory_space<vmem_shared>>) offsets(%arg9 : memref<80xi32, #tpu.memory_space<vmem>>) semaphore(%arg19 : memref<!tpu.dma_semaphore, #tpu.memory_space<semaphore_mem>>) {add = true}
    %dma_wait3A_217 = tpu.memref_slice %arg2[%add3A_199] : memref<320000xi32, #tpu.memory_space<hbm>> -> memref<80xi32, #tpu.memory_space<hbm>>
    %dma_wait3A_218 = tpu.memref_slice %arg2[%add3A_199] : memref<320000xi32, #tpu.memory_space<hbm>> -> memref<80xi32, #tpu.memory_space<hbm>>
    tpu.wait_dma2 semaphore(%arg15 : memref<!tpu.dma_semaphore, #tpu.memory_space<semaphore_mem>>) src(%dma_wait3A_218 : memref<80xi32, #tpu.memory_space<hbm>>) dst(%arg10 : memref<80xi32, #tpu.memory_space<vmem>>)
    %dma_start3A_219 = arith.constant 0 : i32
    %dma_start3A_220 = tpu.memref_slice %arg4[%dma_start3A_219] : memref<10240xf32, #tpu.memory_space<vmem_shared>> -> memref<10240xf32, #tpu.memory_space<vmem_shared>>
    tpu.enqueue_indirect_dma source(%arg6 : memref<80xf32, #tpu.memory_space<vmem>>) target(%dma_start3A_220 : memref<10240xf32, #tpu.memory_space<vmem_shared>>) offsets(%arg10 : memref<80xi32, #tpu.memory_space<vmem>>) semaphore(%arg20 : memref<!tpu.dma_semaphore, #tpu.memory_space<semaphore_mem>>) {add = true}
    %dma_wait3A_221 = tpu.memref_slice %arg2[%add3A_203] : memref<320000xi32, #tpu.memory_space<hbm>> -> memref<80xi32, #tpu.memory_space<hbm>>
    %dma_wait3A_222 = tpu.memref_slice %arg2[%add3A_203] : memref<320000xi32, #tpu.memory_space<hbm>> -> memref<80xi32, #tpu.memory_space<hbm>>
    tpu.wait_dma2 semaphore(%arg16 : memref<!tpu.dma_semaphore, #tpu.memory_space<semaphore_mem>>) src(%dma_wait3A_222 : memref<80xi32, #tpu.memory_space<hbm>>) dst(%arg11 : memref<80xi32, #tpu.memory_space<vmem>>)
    %dma_start3A_223 = arith.constant 0 : i32
    %dma_start3A_224 = tpu.memref_slice %arg4[%dma_start3A_223] : memref<10240xf32, #tpu.memory_space<vmem_shared>> -> memref<10240xf32, #tpu.memory_space<vmem_shared>>
    tpu.enqueue_indirect_dma source(%arg6 : memref<80xf32, #tpu.memory_space<vmem>>) target(%dma_start3A_224 : memref<10240xf32, #tpu.memory_space<vmem_shared>>) offsets(%arg11 : memref<80xi32, #tpu.memory_space<vmem>>) semaphore(%arg21 : memref<!tpu.dma_semaphore, #tpu.memory_space<semaphore_mem>>) {add = true}
    %scan3A = arith.constant 0 : i32
    %scan3A_225 = arith.constant 1 : i32
    %scan3A_226 = arith.constant 24 : i32
    %scan3A_227 = arith.addi %scan3A_225, %scan3A_226 : i32
    %scan3A_228 = arith.constant 1 : i32
    scf.for %scan3A_255 = %scan3A_225 to %scan3A_227 step %scan3A_228  : i32 {
      %dma_wait3A_256 = arith.constant 0 : i32
      %dma_wait3A_257 = tpu.memref_slice %arg2[%dma_wait3A_256] : memref<320000xi32, #tpu.memory_space<hbm>> -> memref<80xi32, #tpu.memory_space<hbm>>
      %dma_wait3A_258 = arith.constant 0 : i32
      %dma_wait3A_259 = tpu.memref_slice %arg2[%dma_wait3A_258] : memref<320000xi32, #tpu.memory_space<hbm>> -> memref<80xi32, #tpu.memory_space<hbm>>
      tpu.wait_dma2 semaphore(%arg17 : memref<!tpu.dma_semaphore, #tpu.memory_space<semaphore_mem>>) src(%dma_wait3A_259 : memref<80xi32, #tpu.memory_space<hbm>>) dst(%arg7 : memref<80xi32, #tpu.memory_space<vmem>>)
      %mul3A_260 = arith.constant 5 : i32
      %mul3A_261 = arith.muli %scan3A_255, %mul3A_260 : i32
      %add3A_262 = arith.constant 0 : i32
      %add3A_263 = arith.addi %mul3A_261, %add3A_262 : i32
      %mul3A_264 = arith.constant 80 : i32
      %mul3A_265 = arith.muli %mul3A_264, %add3A_263 : i32
      %add3A_266 = arith.addi %mul3A_2, %mul3A_265 : i32
      %dma_start3A_267 = tpu.memref_slice %arg2[%add3A_266] : memref<320000xi32, #tpu.memory_space<hbm>> -> memref<80xi32, #tpu.memory_space<hbm>>
      %dma_start3A_268 = tpu.memref_slice %arg2[%add3A_266] : memref<320000xi32, #tpu.memory_space<hbm>> -> memref<80xi32, #tpu.memory_space<hbm>>
      tpu.enqueue_dma source(%dma_start3A_268 : memref<80xi32, #tpu.memory_space<hbm>>) target(%arg7 : memref<80xi32, #tpu.memory_space<vmem>>) target_semaphore(%arg12 : memref<!tpu.dma_semaphore, #tpu.memory_space<semaphore_mem>>)
      %dma_wait3A_269 = arith.constant 0 : i32
      %dma_wait3A_270 = tpu.memref_slice %arg2[%dma_wait3A_269] : memref<320000xi32, #tpu.memory_space<hbm>> -> memref<80xi32, #tpu.memory_space<hbm>>
      %dma_wait3A_271 = arith.constant 0 : i32
      %dma_wait3A_272 = tpu.memref_slice %arg2[%dma_wait3A_271] : memref<320000xi32, #tpu.memory_space<hbm>> -> memref<80xi32, #tpu.memory_space<hbm>>
      tpu.wait_dma2 semaphore(%arg18 : memref<!tpu.dma_semaphore, #tpu.memory_space<semaphore_mem>>) src(%dma_wait3A_272 : memref<80xi32, #tpu.memory_space<hbm>>) dst(%arg8 : memref<80xi32, #tpu.memory_space<vmem>>)
      %mul3A_273 = arith.constant 5 : i32
      %mul3A_274 = arith.muli %scan3A_255, %mul3A_273 : i32
      %add3A_275 = arith.constant 1 : i32
      %add3A_276 = arith.addi %mul3A_274, %add3A_275 : i32
      %mul3A_277 = arith.constant 80 : i32
      %mul3A_278 = arith.muli %mul3A_277, %add3A_276 : i32
      %add3A_279 = arith.addi %mul3A_2, %mul3A_278 : i32
      %dma_start3A_280 = tpu.memref_slice %arg2[%add3A_279] : memref<320000xi32, #tpu.memory_space<hbm>> -> memref<80xi32, #tpu.memory_space<hbm>>
      %dma_start3A_281 = tpu.memref_slice %arg2[%add3A_279] : memref<320000xi32, #tpu.memory_space<hbm>> -> memref<80xi32, #tpu.memory_space<hbm>>
      tpu.enqueue_dma source(%dma_start3A_281 : memref<80xi32, #tpu.memory_space<hbm>>) target(%arg8 : memref<80xi32, #tpu.memory_space<vmem>>) target_semaphore(%arg13 : memref<!tpu.dma_semaphore, #tpu.memory_space<semaphore_mem>>)
      %dma_wait3A_282 = arith.constant 0 : i32
      %dma_wait3A_283 = tpu.memref_slice %arg2[%dma_wait3A_282] : memref<320000xi32, #tpu.memory_space<hbm>> -> memref<80xi32, #tpu.memory_space<hbm>>
      %dma_wait3A_284 = arith.constant 0 : i32
      %dma_wait3A_285 = tpu.memref_slice %arg2[%dma_wait3A_284] : memref<320000xi32, #tpu.memory_space<hbm>> -> memref<80xi32, #tpu.memory_space<hbm>>
      tpu.wait_dma2 semaphore(%arg19 : memref<!tpu.dma_semaphore, #tpu.memory_space<semaphore_mem>>) src(%dma_wait3A_285 : memref<80xi32, #tpu.memory_space<hbm>>) dst(%arg9 : memref<80xi32, #tpu.memory_space<vmem>>)
      %mul3A_286 = arith.constant 5 : i32
      %mul3A_287 = arith.muli %scan3A_255, %mul3A_286 : i32
      %add3A_288 = arith.constant 2 : i32
      %add3A_289 = arith.addi %mul3A_287, %add3A_288 : i32
      %mul3A_290 = arith.constant 80 : i32
      %mul3A_291 = arith.muli %mul3A_290, %add3A_289 : i32
      %add3A_292 = arith.addi %mul3A_2, %mul3A_291 : i32
      %dma_start3A_293 = tpu.memref_slice %arg2[%add3A_292] : memref<320000xi32, #tpu.memory_space<hbm>> -> memref<80xi32, #tpu.memory_space<hbm>>
      %dma_start3A_294 = tpu.memref_slice %arg2[%add3A_292] : memref<320000xi32, #tpu.memory_space<hbm>> -> memref<80xi32, #tpu.memory_space<hbm>>
      tpu.enqueue_dma source(%dma_start3A_294 : memref<80xi32, #tpu.memory_space<hbm>>) target(%arg9 : memref<80xi32, #tpu.memory_space<vmem>>) target_semaphore(%arg14 : memref<!tpu.dma_semaphore, #tpu.memory_space<semaphore_mem>>)
      %dma_wait3A_295 = arith.constant 0 : i32
      %dma_wait3A_296 = tpu.memref_slice %arg2[%dma_wait3A_295] : memref<320000xi32, #tpu.memory_space<hbm>> -> memref<80xi32, #tpu.memory_space<hbm>>
      %dma_wait3A_297 = arith.constant 0 : i32
      %dma_wait3A_298 = tpu.memref_slice %arg2[%dma_wait3A_297] : memref<320000xi32, #tpu.memory_space<hbm>> -> memref<80xi32, #tpu.memory_space<hbm>>
      tpu.wait_dma2 semaphore(%arg20 : memref<!tpu.dma_semaphore, #tpu.memory_space<semaphore_mem>>) src(%dma_wait3A_298 : memref<80xi32, #tpu.memory_space<hbm>>) dst(%arg10 : memref<80xi32, #tpu.memory_space<vmem>>)
      %mul3A_299 = arith.constant 5 : i32
      %mul3A_300 = arith.muli %scan3A_255, %mul3A_299 : i32
      %add3A_301 = arith.constant 3 : i32
      %add3A_302 = arith.addi %mul3A_300, %add3A_301 : i32
      %mul3A_303 = arith.constant 80 : i32
      %mul3A_304 = arith.muli %mul3A_303, %add3A_302 : i32
      %add3A_305 = arith.addi %mul3A_2, %mul3A_304 : i32
      %dma_start3A_306 = tpu.memref_slice %arg2[%add3A_305] : memref<320000xi32, #tpu.memory_space<hbm>> -> memref<80xi32, #tpu.memory_space<hbm>>
      %dma_start3A_307 = tpu.memref_slice %arg2[%add3A_305] : memref<320000xi32, #tpu.memory_space<hbm>> -> memref<80xi32, #tpu.memory_space<hbm>>
      tpu.enqueue_dma source(%dma_start3A_307 : memref<80xi32, #tpu.memory_space<hbm>>) target(%arg10 : memref<80xi32, #tpu.memory_space<vmem>>) target_semaphore(%arg15 : memref<!tpu.dma_semaphore, #tpu.memory_space<semaphore_mem>>)
      %dma_wait3A_308 = arith.constant 0 : i32
      %dma_wait3A_309 = tpu.memref_slice %arg2[%dma_wait3A_308] : memref<320000xi32, #tpu.memory_space<hbm>> -> memref<80xi32, #tpu.memory_space<hbm>>
      %dma_wait3A_310 = arith.constant 0 : i32
      %dma_wait3A_311 = tpu.memref_slice %arg2[%dma_wait3A_310] : memref<320000xi32, #tpu.memory_space<hbm>> -> memref<80xi32, #tpu.memory_space<hbm>>
      tpu.wait_dma2 semaphore(%arg21 : memref<!tpu.dma_semaphore, #tpu.memory_space<semaphore_mem>>) src(%dma_wait3A_311 : memref<80xi32, #tpu.memory_space<hbm>>) dst(%arg11 : memref<80xi32, #tpu.memory_space<vmem>>)
      %mul3A_312 = arith.constant 5 : i32
      %mul3A_313 = arith.muli %scan3A_255, %mul3A_312 : i32
      %add3A_314 = arith.constant 4 : i32
      %add3A_315 = arith.addi %mul3A_313, %add3A_314 : i32
      %mul3A_316 = arith.constant 80 : i32
      %mul3A_317 = arith.muli %mul3A_316, %add3A_315 : i32
      %add3A_318 = arith.addi %mul3A_2, %mul3A_317 : i32
      %dma_start3A_319 = tpu.memref_slice %arg2[%add3A_318] : memref<320000xi32, #tpu.memory_space<hbm>> -> memref<80xi32, #tpu.memory_space<hbm>>
      %dma_start3A_320 = tpu.memref_slice %arg2[%add3A_318] : memref<320000xi32, #tpu.memory_space<hbm>> -> memref<80xi32, #tpu.memory_space<hbm>>
      tpu.enqueue_dma source(%dma_start3A_320 : memref<80xi32, #tpu.memory_space<hbm>>) target(%arg11 : memref<80xi32, #tpu.memory_space<vmem>>) target_semaphore(%arg16 : memref<!tpu.dma_semaphore, #tpu.memory_space<semaphore_mem>>)
      %dma_wait3A_321 = tpu.memref_slice %arg2[%add3A_266] : memref<320000xi32, #tpu.memory_space<hbm>> -> memref<80xi32, #tpu.memory_space<hbm>>
      %dma_wait3A_322 = tpu.memref_slice %arg2[%add3A_266] : memref<320000xi32, #tpu.memory_space<hbm>> -> memref<80xi32, #tpu.memory_space<hbm>>
      tpu.wait_dma2 semaphore(%arg12 : memref<!tpu.dma_semaphore, #tpu.memory_space<semaphore_mem>>) src(%dma_wait3A_322 : memref<80xi32, #tpu.memory_space<hbm>>) dst(%arg7 : memref<80xi32, #tpu.memory_space<vmem>>)
      %dma_start3A_323 = arith.constant 0 : i32
      %dma_start3A_324 = tpu.memref_slice %arg4[%dma_start3A_323] : memref<10240xf32, #tpu.memory_space<vmem_shared>> -> memref<10240xf32, #tpu.memory_space<vmem_shared>>
      tpu.enqueue_indirect_dma source(%arg6 : memref<80xf32, #tpu.memory_space<vmem>>) target(%dma_start3A_324 : memref<10240xf32, #tpu.memory_space<vmem_shared>>) offsets(%arg7 : memref<80xi32, #tpu.memory_space<vmem>>) semaphore(%arg17 : memref<!tpu.dma_semaphore, #tpu.memory_space<semaphore_mem>>) {add = true}
      %dma_wait3A_325 = tpu.memref_slice %arg2[%add3A_279] : memref<320000xi32, #tpu.memory_space<hbm>> -> memref<80xi32, #tpu.memory_space<hbm>>
      %dma_wait3A_326 = tpu.memref_slice %arg2[%add3A_279] : memref<320000xi32, #tpu.memory_space<hbm>> -> memref<80xi32, #tpu.memory_space<hbm>>
      tpu.wait_dma2 semaphore(%arg13 : memref<!tpu.dma_semaphore, #tpu.memory_space<semaphore_mem>>) src(%dma_wait3A_326 : memref<80xi32, #tpu.memory_space<hbm>>) dst(%arg8 : memref<80xi32, #tpu.memory_space<vmem>>)
      %dma_start3A_327 = arith.constant 0 : i32
      %dma_start3A_328 = tpu.memref_slice %arg4[%dma_start3A_327] : memref<10240xf32, #tpu.memory_space<vmem_shared>> -> memref<10240xf32, #tpu.memory_space<vmem_shared>>
      tpu.enqueue_indirect_dma source(%arg6 : memref<80xf32, #tpu.memory_space<vmem>>) target(%dma_start3A_328 : memref<10240xf32, #tpu.memory_space<vmem_shared>>) offsets(%arg8 : memref<80xi32, #tpu.memory_space<vmem>>) semaphore(%arg18 : memref<!tpu.dma_semaphore, #tpu.memory_space<semaphore_mem>>) {add = true}
      %dma_wait3A_329 = tpu.memref_slice %arg2[%add3A_292] : memref<320000xi32, #tpu.memory_space<hbm>> -> memref<80xi32, #tpu.memory_space<hbm>>
      %dma_wait3A_330 = tpu.memref_slice %arg2[%add3A_292] : memref<320000xi32, #tpu.memory_space<hbm>> -> memref<80xi32, #tpu.memory_space<hbm>>
      tpu.wait_dma2 semaphore(%arg14 : memref<!tpu.dma_semaphore, #tpu.memory_space<semaphore_mem>>) src(%dma_wait3A_330 : memref<80xi32, #tpu.memory_space<hbm>>) dst(%arg9 : memref<80xi32, #tpu.memory_space<vmem>>)
      %dma_start3A_331 = arith.constant 0 : i32
      %dma_start3A_332 = tpu.memref_slice %arg4[%dma_start3A_331] : memref<10240xf32, #tpu.memory_space<vmem_shared>> -> memref<10240xf32, #tpu.memory_space<vmem_shared>>
      tpu.enqueue_indirect_dma source(%arg6 : memref<80xf32, #tpu.memory_space<vmem>>) target(%dma_start3A_332 : memref<10240xf32, #tpu.memory_space<vmem_shared>>) offsets(%arg9 : memref<80xi32, #tpu.memory_space<vmem>>) semaphore(%arg19 : memref<!tpu.dma_semaphore, #tpu.memory_space<semaphore_mem>>) {add = true}
      %dma_wait3A_333 = tpu.memref_slice %arg2[%add3A_305] : memref<320000xi32, #tpu.memory_space<hbm>> -> memref<80xi32, #tpu.memory_space<hbm>>
      %dma_wait3A_334 = tpu.memref_slice %arg2[%add3A_305] : memref<320000xi32, #tpu.memory_space<hbm>> -> memref<80xi32, #tpu.memory_space<hbm>>
      tpu.wait_dma2 semaphore(%arg15 : memref<!tpu.dma_semaphore, #tpu.memory_space<semaphore_mem>>) src(%dma_wait3A_334 : memref<80xi32, #tpu.memory_space<hbm>>) dst(%arg10 : memref<80xi32, #tpu.memory_space<vmem>>)
      %dma_start3A_335 = arith.constant 0 : i32
      %dma_start3A_336 = tpu.memref_slice %arg4[%dma_start3A_335] : memref<10240xf32, #tpu.memory_space<vmem_shared>> -> memref<10240xf32, #tpu.memory_space<vmem_shared>>
      tpu.enqueue_indirect_dma source(%arg6 : memref<80xf32, #tpu.memory_space<vmem>>) target(%dma_start3A_336 : memref<10240xf32, #tpu.memory_space<vmem_shared>>) offsets(%arg10 : memref<80xi32, #tpu.memory_space<vmem>>) semaphore(%arg20 : memref<!tpu.dma_semaphore, #tpu.memory_space<semaphore_mem>>) {add = true}
      %dma_wait3A_337 = tpu.memref_slice %arg2[%add3A_318] : memref<320000xi32, #tpu.memory_space<hbm>> -> memref<80xi32, #tpu.memory_space<hbm>>
      %dma_wait3A_338 = tpu.memref_slice %arg2[%add3A_318] : memref<320000xi32, #tpu.memory_space<hbm>> -> memref<80xi32, #tpu.memory_space<hbm>>
      tpu.wait_dma2 semaphore(%arg16 : memref<!tpu.dma_semaphore, #tpu.memory_space<semaphore_mem>>) src(%dma_wait3A_338 : memref<80xi32, #tpu.memory_space<hbm>>) dst(%arg11 : memref<80xi32, #tpu.memory_space<vmem>>)
      %dma_start3A_339 = arith.constant 0 : i32
      %dma_start3A_340 = tpu.memref_slice %arg4[%dma_start3A_339] : memref<10240xf32, #tpu.memory_space<vmem_shared>> -> memref<10240xf32, #tpu.memory_space<vmem_shared>>
      tpu.enqueue_indirect_dma source(%arg6 : memref<80xf32, #tpu.memory_space<vmem>>) target(%dma_start3A_340 : memref<10240xf32, #tpu.memory_space<vmem_shared>>) offsets(%arg11 : memref<80xi32, #tpu.memory_space<vmem>>) semaphore(%arg21 : memref<!tpu.dma_semaphore, #tpu.memory_space<semaphore_mem>>) {add = true}
    }
    %scan3A_229 = arith.constant 24 : i32
    %dma_wait3A_230 = arith.constant 0 : i32
    %dma_wait3A_231 = tpu.memref_slice %arg2[%dma_wait3A_230] : memref<320000xi32, #tpu.memory_space<hbm>> -> memref<80xi32, #tpu.memory_space<hbm>>
    %dma_wait3A_232 = arith.constant 0 : i32
    %dma_wait3A_233 = tpu.memref_slice %arg2[%dma_wait3A_232] : memref<320000xi32, #tpu.memory_space<hbm>> -> memref<80xi32, #tpu.memory_space<hbm>>
    tpu.wait_dma2 semaphore(%arg17 : memref<!tpu.dma_semaphore, #tpu.memory_space<semaphore_mem>>) src(%dma_wait3A_233 : memref<80xi32, #tpu.memory_space<hbm>>) dst(%arg7 : memref<80xi32, #tpu.memory_space<vmem>>)
    %dma_wait3A_234 = arith.constant 0 : i32
    %dma_wait3A_235 = tpu.memref_slice %arg2[%dma_wait3A_234] : memref<320000xi32, #tpu.memory_space<hbm>> -> memref<80xi32, #tpu.memory_space<hbm>>
    %dma_wait3A_236 = arith.constant 0 : i32
    %dma_wait3A_237 = tpu.memref_slice %arg2[%dma_wait3A_236] : memref<320000xi32, #tpu.memory_space<hbm>> -> memref<80xi32, #tpu.memory_space<hbm>>
    tpu.wait_dma2 semaphore(%arg18 : memref<!tpu.dma_semaphore, #tpu.memory_space<semaphore_mem>>) src(%dma_wait3A_237 : memref<80xi32, #tpu.memory_space<hbm>>) dst(%arg8 : memref<80xi32, #tpu.memory_space<vmem>>)
    %dma_wait3A_238 = arith.constant 0 : i32
    %dma_wait3A_239 = tpu.memref_slice %arg2[%dma_wait3A_238] : memref<320000xi32, #tpu.memory_space<hbm>> -> memref<80xi32, #tpu.memory_space<hbm>>
    %dma_wait3A_240 = arith.constant 0 : i32
    %dma_wait3A_241 = tpu.memref_slice %arg2[%dma_wait3A_240] : memref<320000xi32, #tpu.memory_space<hbm>> -> memref<80xi32, #tpu.memory_space<hbm>>
    tpu.wait_dma2 semaphore(%arg19 : memref<!tpu.dma_semaphore, #tpu.memory_space<semaphore_mem>>) src(%dma_wait3A_241 : memref<80xi32, #tpu.memory_space<hbm>>) dst(%arg9 : memref<80xi32, #tpu.memory_space<vmem>>)
    %dma_wait3A_242 = arith.constant 0 : i32
    %dma_wait3A_243 = tpu.memref_slice %arg2[%dma_wait3A_242] : memref<320000xi32, #tpu.memory_space<hbm>> -> memref<80xi32, #tpu.memory_space<hbm>>
    %dma_wait3A_244 = arith.constant 0 : i32
    %dma_wait3A_245 = tpu.memref_slice %arg2[%dma_wait3A_244] : memref<320000xi32, #tpu.memory_space<hbm>> -> memref<80xi32, #tpu.memory_space<hbm>>
    tpu.wait_dma2 semaphore(%arg20 : memref<!tpu.dma_semaphore, #tpu.memory_space<semaphore_mem>>) src(%dma_wait3A_245 : memref<80xi32, #tpu.memory_space<hbm>>) dst(%arg10 : memref<80xi32, #tpu.memory_space<vmem>>)
    %dma_wait3A_246 = arith.constant 0 : i32
    %dma_wait3A_247 = tpu.memref_slice %arg2[%dma_wait3A_246] : memref<320000xi32, #tpu.memory_space<hbm>> -> memref<80xi32, #tpu.memory_space<hbm>>
    %dma_wait3A_248 = arith.constant 0 : i32
    %dma_wait3A_249 = tpu.memref_slice %arg2[%dma_wait3A_248] : memref<320000xi32, #tpu.memory_space<hbm>> -> memref<80xi32, #tpu.memory_space<hbm>>
    tpu.wait_dma2 semaphore(%arg21 : memref<!tpu.dma_semaphore, #tpu.memory_space<semaphore_mem>>) src(%dma_wait3A_249 : memref<80xi32, #tpu.memory_space<hbm>>) dst(%arg11 : memref<80xi32, #tpu.memory_space<vmem>>)
    %barrier3A_250 = arith.constant 0 : index
    tpu.barrier barrier_id(%barrier3A_250)
    %mul3A_251 = arith.constant 640 : i32
    %mul3A_252 = arith.muli %mul3A_251, %arg1 : i32
    "tpu.region"() ({
      %run_scoped3A = tpu.sem_alloc : memref<!tpu.dma_semaphore, #tpu.memory_space<semaphore_mem>>
      %dma_start3A_255 = tpu.memref_slice %arg4[%mul3A_252] : memref<10240xf32, #tpu.memory_space<vmem_shared>> -> memref<640xf32, #tpu.memory_space<vmem_shared>>
      %dma_start3A_256 = tpu.memref_slice %arg4[%mul3A_252] : memref<10240xf32, #tpu.memory_space<vmem_shared>> -> memref<640xf32, #tpu.memory_space<vmem_shared>>
      tpu.enqueue_dma source(%dma_start3A_256 : memref<640xf32, #tpu.memory_space<vmem_shared>>) target(%arg5 : memref<640xf32, #tpu.memory_space<vmem>>) target_semaphore(%run_scoped3A : memref<!tpu.dma_semaphore, #tpu.memory_space<semaphore_mem>>)
      %dma_wait3A_257 = tpu.memref_slice %arg4[%mul3A_252] : memref<10240xf32, #tpu.memory_space<vmem_shared>> -> memref<640xf32, #tpu.memory_space<vmem_shared>>
      %dma_wait3A_258 = tpu.memref_slice %arg4[%mul3A_252] : memref<10240xf32, #tpu.memory_space<vmem_shared>> -> memref<640xf32, #tpu.memory_space<vmem_shared>>
      tpu.wait_dma2 semaphore(%run_scoped3A : memref<!tpu.dma_semaphore, #tpu.memory_space<semaphore_mem>>) src(%dma_wait3A_258 : memref<640xf32, #tpu.memory_space<vmem_shared>>) dst(%arg5 : memref<640xf32, #tpu.memory_space<vmem>>)
      tpu.yield
    }) : () -> ()
    %mul3A_253 = arith.constant 640 : i32
    %mul3A_254 = arith.muli %mul3A_253, %arg1 : i32
    "tpu.region"() ({
      %run_scoped3A = tpu.sem_alloc : memref<!tpu.dma_semaphore, #tpu.memory_space<semaphore_mem>>
      %dma_start3A_255 = tpu.memref_slice %arg3[%arg0, %mul3A_254] : memref<2x10240xf32, #tpu.memory_space<hbm>> -> memref<1x640xf32, #tpu.memory_space<hbm>>
      %dma_start3A_256 = tpu.memref_squeeze %dma_start3A_255 : memref<1x640xf32, #tpu.memory_space<hbm>> -> memref<640xf32, #tpu.memory_space<hbm>>
      %dma_start3A_257 = tpu.memref_slice %arg3[%arg0, %mul3A_254] : memref<2x10240xf32, #tpu.memory_space<hbm>> -> memref<1x640xf32, #tpu.memory_space<hbm>>
      %dma_start3A_258 = tpu.memref_squeeze %dma_start3A_257 : memref<1x640xf32, #tpu.memory_space<hbm>> -> memref<640xf32, #tpu.memory_space<hbm>>
      tpu.enqueue_dma source(%arg5 : memref<640xf32, #tpu.memory_space<vmem>>) target(%dma_start3A_258 : memref<640xf32, #tpu.memory_space<hbm>>) target_semaphore(%run_scoped3A : memref<!tpu.dma_semaphore, #tpu.memory_space<semaphore_mem>>)
      %dma_wait3A_259 = tpu.memref_slice %arg3[%arg0, %mul3A_254] : memref<2x10240xf32, #tpu.memory_space<hbm>> -> memref<1x640xf32, #tpu.memory_space<hbm>>
      %dma_wait3A_260 = tpu.memref_squeeze %dma_wait3A_259 : memref<1x640xf32, #tpu.memory_space<hbm>> -> memref<640xf32, #tpu.memory_space<hbm>>
      %dma_wait3A_261 = tpu.memref_slice %arg3[%arg0, %mul3A_254] : memref<2x10240xf32, #tpu.memory_space<hbm>> -> memref<1x640xf32, #tpu.memory_space<hbm>>
      %dma_wait3A_262 = tpu.memref_squeeze %dma_wait3A_261 : memref<1x640xf32, #tpu.memory_space<hbm>> -> memref<640xf32, #tpu.memory_space<hbm>>
      tpu.wait_dma2 semaphore(%run_scoped3A : memref<!tpu.dma_semaphore, #tpu.memory_space<semaphore_mem>>) src(%arg5 : memref<640xf32, #tpu.memory_space<vmem>>) dst(%dma_wait3A_262 : memref<640xf32, #tpu.memory_space<hbm>>)
      tpu.yield
    }) : () -> ()
    return
  }
}

#map = affine_map<(d0, d1) -> (0, 0)>
#map1 = affine_map<(d0, d1) -> (0)>
#map2 = affine_map<(d0, d1) -> (0, 0, 0)>
module attributes {stable_mosaic.version = 14 : i64} {
  func.func @_scatter_kernel(%arg0: i32, %arg1: i32, %arg2: memref<10240x128xf32, #tpu.memory_space<hbm>>, %arg3: memref<320000xi32, #tpu.memory_space<hbm>>, %arg4: memref<320000xi32, #tpu.memory_space<hbm>>, %arg5: memref<2x10240x128xf32, #tpu.memory_space<hbm>>, %arg6: memref<10240x128xf32, #tpu.memory_space<vmem_shared>>, %arg7: memref<240x128xf32, #tpu.memory_space<vmem>>, %arg8: memref<10000xi32, #tpu.memory_space<vmem>>, %arg9: memref<40x128xf32, #tpu.memory_space<vmem>>, %arg10: memref<80xi32, #tpu.memory_space<vmem>>, %arg11: memref<80xi32, #tpu.memory_space<vmem>>, %arg12: memref<80xi32, #tpu.memory_space<vmem>>, %arg13: memref<!tpu.dma_semaphore, #tpu.memory_space<semaphore_mem>>, %arg14: memref<!tpu.dma_semaphore, #tpu.memory_space<semaphore_mem>>, %arg15: memref<!tpu.dma_semaphore, #tpu.memory_space<semaphore_mem>>, %arg16: memref<!tpu.dma_semaphore, #tpu.memory_space<semaphore_mem>>, %arg17: memref<!tpu.dma_semaphore, #tpu.memory_space<semaphore_mem>>, %arg18: memref<!tpu.dma_semaphore, #tpu.memory_space<semaphore_mem>>, %arg19: memref<!tpu.dma_semaphore, #tpu.memory_space<semaphore_mem>>, %arg20: memref<!tpu.dma_semaphore, #tpu.memory_space<semaphore_mem>>, %arg21: memref<!tpu.dma_semaphore, #tpu.memory_space<semaphore_mem>>) attributes {dimension_semantics = [#tpu.dimension_semantics<core_parallel>, #tpu.dimension_semantics<subcore_parallel>], iteration_bounds = array<i64: 2, 16>, scalar_prefetch = 0 : i64, scratch_operands = 16 : i64, tpu.core_type = #tpu.core_type<sc_vector_subcore>, window_params = [{transform_indices = #map}, {transform_indices = #map1}, {transform_indices = #map1}, {transform_indices = #map2}]} {
    %mul3A = arith.constant 16 : i32
    %mul3A_0 = arith.muli %arg0, %mul3A : i32
    %add3A = arith.addi %mul3A_0, %arg1 : i32
    %mul3A_1 = arith.constant 10000 : i32
    %mul3A_2 = arith.muli %add3A, %mul3A_1 : i32
    %dma_start3A = tpu.memref_slice %arg3[%mul3A_2] : memref<320000xi32, #tpu.memory_space<hbm>> -> memref<10000xi32, #tpu.memory_space<hbm>>
    %dma_start3A_3 = tpu.memref_slice %arg3[%mul3A_2] : memref<320000xi32, #tpu.memory_space<hbm>> -> memref<10000xi32, #tpu.memory_space<hbm>>
    tpu.enqueue_dma source(%dma_start3A_3 : memref<10000xi32, #tpu.memory_space<hbm>>) target(%arg8 : memref<10000xi32, #tpu.memory_space<vmem>>) target_semaphore(%arg13 : memref<!tpu.dma_semaphore, #tpu.memory_space<semaphore_mem>>)
    %dma_wait3A = tpu.memref_slice %arg3[%mul3A_2] : memref<320000xi32, #tpu.memory_space<hbm>> -> memref<10000xi32, #tpu.memory_space<hbm>>
    %dma_wait3A_4 = tpu.memref_slice %arg3[%mul3A_2] : memref<320000xi32, #tpu.memory_space<hbm>> -> memref<10000xi32, #tpu.memory_space<hbm>>
    tpu.wait_dma2 semaphore(%arg13 : memref<!tpu.dma_semaphore, #tpu.memory_space<semaphore_mem>>) src(%dma_wait3A_4 : memref<10000xi32, #tpu.memory_space<hbm>>) dst(%arg8 : memref<10000xi32, #tpu.memory_space<vmem>>)
    %dma_start3A_5 = arith.constant 0 : i32
    %dma_start3A_6 = arith.constant 0 : i32
    %dma_start3A_7 = tpu.memref_slice %arg7[%dma_start3A_5, %dma_start3A_6] : memref<240x128xf32, #tpu.memory_space<vmem>> -> memref<80x128xf32, #tpu.memory_space<vmem>>
    %dma_start3A_8 = arith.constant 0 : i32
    %dma_start3A_9 = tpu.memref_slice %arg8[%dma_start3A_8] : memref<10000xi32, #tpu.memory_space<vmem>> -> memref<80xi32, #tpu.memory_space<vmem>>
    %dma_start3A_10 = arith.constant 0 : i32
    %dma_start3A_11 = arith.constant 0 : i32
    %dma_start3A_12 = tpu.memref_slice %arg2[%dma_start3A_10, %dma_start3A_11] : memref<10240x128xf32, #tpu.memory_space<hbm>> -> memref<10240x128xf32, #tpu.memory_space<hbm>>
    tpu.enqueue_indirect_dma source(%dma_start3A_12 : memref<10240x128xf32, #tpu.memory_space<hbm>>) target(%dma_start3A_7 : memref<80x128xf32, #tpu.memory_space<vmem>>) offsets(%dma_start3A_9 : memref<80xi32, #tpu.memory_space<vmem>>) semaphore(%arg16 : memref<!tpu.dma_semaphore, #tpu.memory_space<semaphore_mem>>)
    %add3A_13 = arith.constant 0 : i32
    %add3A_14 = arith.addi %mul3A_2, %add3A_13 : i32
    %dma_start3A_15 = tpu.memref_slice %arg4[%add3A_14] : memref<320000xi32, #tpu.memory_space<hbm>> -> memref<80xi32, #tpu.memory_space<hbm>>
    %dma_start3A_16 = tpu.memref_slice %arg4[%add3A_14] : memref<320000xi32, #tpu.memory_space<hbm>> -> memref<80xi32, #tpu.memory_space<hbm>>
    tpu.enqueue_dma source(%dma_start3A_16 : memref<80xi32, #tpu.memory_space<hbm>>) target(%arg10 : memref<80xi32, #tpu.memory_space<vmem>>) target_semaphore(%arg13 : memref<!tpu.dma_semaphore, #tpu.memory_space<semaphore_mem>>)
    %dma_start3A_17 = arith.constant 80 : i32
    %dma_start3A_18 = arith.constant 0 : i32
    %dma_start3A_19 = tpu.memref_slice %arg7[%dma_start3A_17, %dma_start3A_18] : memref<240x128xf32, #tpu.memory_space<vmem>> -> memref<80x128xf32, #tpu.memory_space<vmem>>
    %dma_start3A_20 = arith.constant 80 : i32
    %dma_start3A_21 = tpu.memref_slice %arg8[%dma_start3A_20] : memref<10000xi32, #tpu.memory_space<vmem>> -> memref<80xi32, #tpu.memory_space<vmem>>
    %dma_start3A_22 = arith.constant 0 : i32
    %dma_start3A_23 = arith.constant 0 : i32
    %dma_start3A_24 = tpu.memref_slice %arg2[%dma_start3A_22, %dma_start3A_23] : memref<10240x128xf32, #tpu.memory_space<hbm>> -> memref<10240x128xf32, #tpu.memory_space<hbm>>
    tpu.enqueue_indirect_dma source(%dma_start3A_24 : memref<10240x128xf32, #tpu.memory_space<hbm>>) target(%dma_start3A_19 : memref<80x128xf32, #tpu.memory_space<vmem>>) offsets(%dma_start3A_21 : memref<80xi32, #tpu.memory_space<vmem>>) semaphore(%arg17 : memref<!tpu.dma_semaphore, #tpu.memory_space<semaphore_mem>>)
    %add3A_25 = arith.constant 80 : i32
    %add3A_26 = arith.addi %mul3A_2, %add3A_25 : i32
    %dma_start3A_27 = tpu.memref_slice %arg4[%add3A_26] : memref<320000xi32, #tpu.memory_space<hbm>> -> memref<80xi32, #tpu.memory_space<hbm>>
    %dma_start3A_28 = tpu.memref_slice %arg4[%add3A_26] : memref<320000xi32, #tpu.memory_space<hbm>> -> memref<80xi32, #tpu.memory_space<hbm>>
    tpu.enqueue_dma source(%dma_start3A_28 : memref<80xi32, #tpu.memory_space<hbm>>) target(%arg11 : memref<80xi32, #tpu.memory_space<vmem>>) target_semaphore(%arg14 : memref<!tpu.dma_semaphore, #tpu.memory_space<semaphore_mem>>)
    %dma_start3A_29 = arith.constant 160 : i32
    %dma_start3A_30 = arith.constant 0 : i32
    %dma_start3A_31 = tpu.memref_slice %arg7[%dma_start3A_29, %dma_start3A_30] : memref<240x128xf32, #tpu.memory_space<vmem>> -> memref<80x128xf32, #tpu.memory_space<vmem>>
    %dma_start3A_32 = arith.constant 160 : i32
    %dma_start3A_33 = tpu.memref_slice %arg8[%dma_start3A_32] : memref<10000xi32, #tpu.memory_space<vmem>> -> memref<80xi32, #tpu.memory_space<vmem>>
    %dma_start3A_34 = arith.constant 0 : i32
    %dma_start3A_35 = arith.constant 0 : i32
    %dma_start3A_36 = tpu.memref_slice %arg2[%dma_start3A_34, %dma_start3A_35] : memref<10240x128xf32, #tpu.memory_space<hbm>> -> memref<10240x128xf32, #tpu.memory_space<hbm>>
    tpu.enqueue_indirect_dma source(%dma_start3A_36 : memref<10240x128xf32, #tpu.memory_space<hbm>>) target(%dma_start3A_31 : memref<80x128xf32, #tpu.memory_space<vmem>>) offsets(%dma_start3A_33 : memref<80xi32, #tpu.memory_space<vmem>>) semaphore(%arg18 : memref<!tpu.dma_semaphore, #tpu.memory_space<semaphore_mem>>)
    %add3A_37 = arith.constant 160 : i32
    %add3A_38 = arith.addi %mul3A_2, %add3A_37 : i32
    %dma_start3A_39 = tpu.memref_slice %arg4[%add3A_38] : memref<320000xi32, #tpu.memory_space<hbm>> -> memref<80xi32, #tpu.memory_space<hbm>>
    %dma_start3A_40 = tpu.memref_slice %arg4[%add3A_38] : memref<320000xi32, #tpu.memory_space<hbm>> -> memref<80xi32, #tpu.memory_space<hbm>>
    tpu.enqueue_dma source(%dma_start3A_40 : memref<80xi32, #tpu.memory_space<hbm>>) target(%arg12 : memref<80xi32, #tpu.memory_space<vmem>>) target_semaphore(%arg15 : memref<!tpu.dma_semaphore, #tpu.memory_space<semaphore_mem>>)
    %scan3A = arith.constant 0 : i32
    %scan3A_41 = arith.constant 0 : i32
    %scan3A_42 = arith.constant 40 : i32
    %scan3A_43 = arith.addi %scan3A_41, %scan3A_42 : i32
    %scan3A_44 = arith.constant 1 : i32
    scf.for %scan3A_465 = %scan3A_41 to %scan3A_43 step %scan3A_44  : i32 {
      %broadcast_in_dim3A = arith.constant 0.000000e+00 : f32
      %broadcast_in_dim3A_466 = vector.broadcast %broadcast_in_dim3A : f32 to vector<16xf32>
      %swap3A = arith.index_cast %scan3A_465 : i32 to index
      %swap3A_467 = arith.constant 0 : index
      %swap3A_468 = tpu.vector_load %arg9[%swap3A, %swap3A_467] {strides = array<i32>} : memref<40x128xf32, #tpu.memory_space<vmem>>, vector<1x16xf32>,
      %swap3A_469 = vector.shape_cast %swap3A_468 : vector<1x16xf32> to vector<16xf32>
      %swap3A_470 = vector.shape_cast %broadcast_in_dim3A_466 : vector<16xf32> to vector<1x16xf32>
      tpu.vector_store %arg9[%swap3A, %swap3A_467], %swap3A_470 {strides = array<i32>} : memref<40x128xf32, #tpu.memory_space<vmem>>, vector<1x16xf32>,
      %swap3A_471 = arith.index_cast %scan3A_465 : i32 to index
      %swap3A_472 = arith.constant 16 : index
      %swap3A_473 = tpu.vector_load %arg9[%swap3A_471, %swap3A_472] {strides = array<i32>} : memref<40x128xf32, #tpu.memory_space<vmem>>, vector<1x16xf32>,
      %swap3A_474 = vector.shape_cast %swap3A_473 : vector<1x16xf32> to vector<16xf32>
      %swap3A_475 = vector.shape_cast %broadcast_in_dim3A_466 : vector<16xf32> to vector<1x16xf32>
      tpu.vector_store %arg9[%swap3A_471, %swap3A_472], %swap3A_475 {strides = array<i32>} : memref<40x128xf32, #tpu.memory_space<vmem>>, vector<1x16xf32>,
      %swap3A_476 = arith.index_cast %scan3A_465 : i32 to index
      %swap3A_477 = arith.constant 32 : index
      %swap3A_478 = tpu.vector_load %arg9[%swap3A_476, %swap3A_477] {strides = array<i32>} : memref<40x128xf32, #tpu.memory_space<vmem>>, vector<1x16xf32>,
      %swap3A_479 = vector.shape_cast %swap3A_478 : vector<1x16xf32> to vector<16xf32>
      %swap3A_480 = vector.shape_cast %broadcast_in_dim3A_466 : vector<16xf32> to vector<1x16xf32>
      tpu.vector_store %arg9[%swap3A_476, %swap3A_477], %swap3A_480 {strides = array<i32>} : memref<40x128xf32, #tpu.memory_space<vmem>>, vector<1x16xf32>,
      %swap3A_481 = arith.index_cast %scan3A_465 : i32 to index
      %swap3A_482 = arith.constant 48 : index
      %swap3A_483 = tpu.vector_load %arg9[%swap3A_481, %swap3A_482] {strides = array<i32>} : memref<40x128xf32, #tpu.memory_space<vmem>>, vector<1x16xf32>,
      %swap3A_484 = vector.shape_cast %swap3A_483 : vector<1x16xf32> to vector<16xf32>
      %swap3A_485 = vector.shape_cast %broadcast_in_dim3A_466 : vector<16xf32> to vector<1x16xf32>
      tpu.vector_store %arg9[%swap3A_481, %swap3A_482], %swap3A_485 {strides = array<i32>} : memref<40x128xf32, #tpu.memory_space<vmem>>, vector<1x16xf32>,
      %swap3A_486 = arith.index_cast %scan3A_465 : i32 to index
      %swap3A_487 = arith.constant 64 : index
      %swap3A_488 = tpu.vector_load %arg9[%swap3A_486, %swap3A_487] {strides = array<i32>} : memref<40x128xf32, #tpu.memory_space<vmem>>, vector<1x16xf32>,
      %swap3A_489 = vector.shape_cast %swap3A_488 : vector<1x16xf32> to vector<16xf32>
      %swap3A_490 = vector.shape_cast %broadcast_in_dim3A_466 : vector<16xf32> to vector<1x16xf32>
      tpu.vector_store %arg9[%swap3A_486, %swap3A_487], %swap3A_490 {strides = array<i32>} : memref<40x128xf32, #tpu.memory_space<vmem>>, vector<1x16xf32>,
      %swap3A_491 = arith.index_cast %scan3A_465 : i32 to index
      %swap3A_492 = arith.constant 80 : index
      %swap3A_493 = tpu.vector_load %arg9[%swap3A_491, %swap3A_492] {strides = array<i32>} : memref<40x128xf32, #tpu.memory_space<vmem>>, vector<1x16xf32>,
      %swap3A_494 = vector.shape_cast %swap3A_493 : vector<1x16xf32> to vector<16xf32>
      %swap3A_495 = vector.shape_cast %broadcast_in_dim3A_466 : vector<16xf32> to vector<1x16xf32>
      tpu.vector_store %arg9[%swap3A_491, %swap3A_492], %swap3A_495 {strides = array<i32>} : memref<40x128xf32, #tpu.memory_space<vmem>>, vector<1x16xf32>,
      %swap3A_496 = arith.index_cast %scan3A_465 : i32 to index
      %swap3A_497 = arith.constant 96 : index
      %swap3A_498 = tpu.vector_load %arg9[%swap3A_496, %swap3A_497] {strides = array<i32>} : memref<40x128xf32, #tpu.memory_space<vmem>>, vector<1x16xf32>,
      %swap3A_499 = vector.shape_cast %swap3A_498 : vector<1x16xf32> to vector<16xf32>
      %swap3A_500 = vector.shape_cast %broadcast_in_dim3A_466 : vector<16xf32> to vector<1x16xf32>
      tpu.vector_store %arg9[%swap3A_496, %swap3A_497], %swap3A_500 {strides = array<i32>} : memref<40x128xf32, #tpu.memory_space<vmem>>, vector<1x16xf32>,
      %swap3A_501 = arith.index_cast %scan3A_465 : i32 to index
      %swap3A_502 = arith.constant 112 : index
      %swap3A_503 = tpu.vector_load %arg9[%swap3A_501, %swap3A_502] {strides = array<i32>} : memref<40x128xf32, #tpu.memory_space<vmem>>, vector<1x16xf32>,
      %swap3A_504 = vector.shape_cast %swap3A_503 : vector<1x16xf32> to vector<16xf32>
      %swap3A_505 = vector.shape_cast %broadcast_in_dim3A_466 : vector<16xf32> to vector<1x16xf32>
      tpu.vector_store %arg9[%swap3A_501, %swap3A_502], %swap3A_505 {strides = array<i32>} : memref<40x128xf32, #tpu.memory_space<vmem>>, vector<1x16xf32>,
    }
    %scan3A_45 = arith.constant 40 : i32
    %mul3A_46 = arith.constant 640 : i32
    %mul3A_47 = arith.muli %mul3A_46, %arg1 : i32
    %add3A_48 = arith.constant 0 : i32
    %add3A_49 = arith.addi %mul3A_47, %add3A_48 : i32
    %dma_start3A_50 = arith.constant 0 : i32
    %dma_start3A_51 = tpu.memref_slice %arg6[%add3A_49, %dma_start3A_50] : memref<10240x128xf32, #tpu.memory_space<vmem_shared>> -> memref<40x128xf32, #tpu.memory_space<vmem_shared>>
    %dma_start3A_52 = arith.constant 0 : i32
    %dma_start3A_53 = tpu.memref_slice %arg6[%add3A_49, %dma_start3A_52] : memref<10240x128xf32, #tpu.memory_space<vmem_shared>> -> memref<40x128xf32, #tpu.memory_space<vmem_shared>>
    tpu.enqueue_dma source(%arg9 : memref<40x128xf32, #tpu.memory_space<vmem>>) target(%dma_start3A_53 : memref<40x128xf32, #tpu.memory_space<vmem_shared>>) target_semaphore(%arg19 : memref<!tpu.dma_semaphore, #tpu.memory_space<semaphore_mem>>)
    %mul3A_54 = arith.constant 640 : i32
    %mul3A_55 = arith.muli %mul3A_54, %arg1 : i32
    %add3A_56 = arith.constant 40 : i32
    %add3A_57 = arith.addi %mul3A_55, %add3A_56 : i32
    %dma_start3A_58 = arith.constant 0 : i32
    %dma_start3A_59 = tpu.memref_slice %arg6[%add3A_57, %dma_start3A_58] : memref<10240x128xf32, #tpu.memory_space<vmem_shared>> -> memref<40x128xf32, #tpu.memory_space<vmem_shared>>
    %dma_start3A_60 = arith.constant 0 : i32
    %dma_start3A_61 = tpu.memref_slice %arg6[%add3A_57, %dma_start3A_60] : memref<10240x128xf32, #tpu.memory_space<vmem_shared>> -> memref<40x128xf32, #tpu.memory_space<vmem_shared>>
    tpu.enqueue_dma source(%arg9 : memref<40x128xf32, #tpu.memory_space<vmem>>) target(%dma_start3A_61 : memref<40x128xf32, #tpu.memory_space<vmem_shared>>) target_semaphore(%arg20 : memref<!tpu.dma_semaphore, #tpu.memory_space<semaphore_mem>>)
    %mul3A_62 = arith.constant 640 : i32
    %mul3A_63 = arith.muli %mul3A_62, %arg1 : i32
    %add3A_64 = arith.constant 80 : i32
    %add3A_65 = arith.addi %mul3A_63, %add3A_64 : i32
    %dma_start3A_66 = arith.constant 0 : i32
    %dma_start3A_67 = tpu.memref_slice %arg6[%add3A_65, %dma_start3A_66] : memref<10240x128xf32, #tpu.memory_space<vmem_shared>> -> memref<40x128xf32, #tpu.memory_space<vmem_shared>>
    %dma_start3A_68 = arith.constant 0 : i32
    %dma_start3A_69 = tpu.memref_slice %arg6[%add3A_65, %dma_start3A_68] : memref<10240x128xf32, #tpu.memory_space<vmem_shared>> -> memref<40x128xf32, #tpu.memory_space<vmem_shared>>
    tpu.enqueue_dma source(%arg9 : memref<40x128xf32, #tpu.memory_space<vmem>>) target(%dma_start3A_69 : memref<40x128xf32, #tpu.memory_space<vmem_shared>>) target_semaphore(%arg21 : memref<!tpu.dma_semaphore, #tpu.memory_space<semaphore_mem>>)
    %mul3A_70 = arith.constant 640 : i32
    %mul3A_71 = arith.muli %mul3A_70, %arg1 : i32
    %add3A_72 = arith.constant 120 : i32
    %add3A_73 = arith.addi %mul3A_71, %add3A_72 : i32
    %dma_start3A_74 = arith.constant 0 : i32
    %dma_start3A_75 = tpu.memref_slice %arg6[%add3A_73, %dma_start3A_74] : memref<10240x128xf32, #tpu.memory_space<vmem_shared>> -> memref<40x128xf32, #tpu.memory_space<vmem_shared>>
    %dma_start3A_76 = arith.constant 0 : i32
    %dma_start3A_77 = tpu.memref_slice %arg6[%add3A_73, %dma_start3A_76] : memref<10240x128xf32, #tpu.memory_space<vmem_shared>> -> memref<40x128xf32, #tpu.memory_space<vmem_shared>>
    tpu.enqueue_dma source(%arg9 : memref<40x128xf32, #tpu.memory_space<vmem>>) target(%dma_start3A_77 : memref<40x128xf32, #tpu.memory_space<vmem_shared>>) target_semaphore(%arg19 : memref<!tpu.dma_semaphore, #tpu.memory_space<semaphore_mem>>)
    %mul3A_78 = arith.constant 640 : i32
    %mul3A_79 = arith.muli %mul3A_78, %arg1 : i32
    %add3A_80 = arith.constant 160 : i32
    %add3A_81 = arith.addi %mul3A_79, %add3A_80 : i32
    %dma_start3A_82 = arith.constant 0 : i32
    %dma_start3A_83 = tpu.memref_slice %arg6[%add3A_81, %dma_start3A_82] : memref<10240x128xf32, #tpu.memory_space<vmem_shared>> -> memref<40x128xf32, #tpu.memory_space<vmem_shared>>
    %dma_start3A_84 = arith.constant 0 : i32
    %dma_start3A_85 = tpu.memref_slice %arg6[%add3A_81, %dma_start3A_84] : memref<10240x128xf32, #tpu.memory_space<vmem_shared>> -> memref<40x128xf32, #tpu.memory_space<vmem_shared>>
    tpu.enqueue_dma source(%arg9 : memref<40x128xf32, #tpu.memory_space<vmem>>) target(%dma_start3A_85 : memref<40x128xf32, #tpu.memory_space<vmem_shared>>) target_semaphore(%arg20 : memref<!tpu.dma_semaphore, #tpu.memory_space<semaphore_mem>>)
    %mul3A_86 = arith.constant 640 : i32
    %mul3A_87 = arith.muli %mul3A_86, %arg1 : i32
    %add3A_88 = arith.constant 200 : i32
    %add3A_89 = arith.addi %mul3A_87, %add3A_88 : i32
    %dma_start3A_90 = arith.constant 0 : i32
    %dma_start3A_91 = tpu.memref_slice %arg6[%add3A_89, %dma_start3A_90] : memref<10240x128xf32, #tpu.memory_space<vmem_shared>> -> memref<40x128xf32, #tpu.memory_space<vmem_shared>>
    %dma_start3A_92 = arith.constant 0 : i32
    %dma_start3A_93 = tpu.memref_slice %arg6[%add3A_89, %dma_start3A_92] : memref<10240x128xf32, #tpu.memory_space<vmem_shared>> -> memref<40x128xf32, #tpu.memory_space<vmem_shared>>
    tpu.enqueue_dma source(%arg9 : memref<40x128xf32, #tpu.memory_space<vmem>>) target(%dma_start3A_93 : memref<40x128xf32, #tpu.memory_space<vmem_shared>>) target_semaphore(%arg21 : memref<!tpu.dma_semaphore, #tpu.memory_space<semaphore_mem>>)
    %mul3A_94 = arith.constant 640 : i32
    %mul3A_95 = arith.muli %mul3A_94, %arg1 : i32
    %add3A_96 = arith.constant 240 : i32
    %add3A_97 = arith.addi %mul3A_95, %add3A_96 : i32
    %dma_start3A_98 = arith.constant 0 : i32
    %dma_start3A_99 = tpu.memref_slice %arg6[%add3A_97, %dma_start3A_98] : memref<10240x128xf32, #tpu.memory_space<vmem_shared>> -> memref<40x128xf32, #tpu.memory_space<vmem_shared>>
    %dma_start3A_100 = arith.constant 0 : i32
    %dma_start3A_101 = tpu.memref_slice %arg6[%add3A_97, %dma_start3A_100] : memref<10240x128xf32, #tpu.memory_space<vmem_shared>> -> memref<40x128xf32, #tpu.memory_space<vmem_shared>>
    tpu.enqueue_dma source(%arg9 : memref<40x128xf32, #tpu.memory_space<vmem>>) target(%dma_start3A_101 : memref<40x128xf32, #tpu.memory_space<vmem_shared>>) target_semaphore(%arg19 : memref<!tpu.dma_semaphore, #tpu.memory_space<semaphore_mem>>)
    %mul3A_102 = arith.constant 640 : i32
    %mul3A_103 = arith.muli %mul3A_102, %arg1 : i32
    %add3A_104 = arith.constant 280 : i32
    %add3A_105 = arith.addi %mul3A_103, %add3A_104 : i32
    %dma_start3A_106 = arith.constant 0 : i32
    %dma_start3A_107 = tpu.memref_slice %arg6[%add3A_105, %dma_start3A_106] : memref<10240x128xf32, #tpu.memory_space<vmem_shared>> -> memref<40x128xf32, #tpu.memory_space<vmem_shared>>
    %dma_start3A_108 = arith.constant 0 : i32
    %dma_start3A_109 = tpu.memref_slice %arg6[%add3A_105, %dma_start3A_108] : memref<10240x128xf32, #tpu.memory_space<vmem_shared>> -> memref<40x128xf32, #tpu.memory_space<vmem_shared>>
    tpu.enqueue_dma source(%arg9 : memref<40x128xf32, #tpu.memory_space<vmem>>) target(%dma_start3A_109 : memref<40x128xf32, #tpu.memory_space<vmem_shared>>) target_semaphore(%arg20 : memref<!tpu.dma_semaphore, #tpu.memory_space<semaphore_mem>>)
    %mul3A_110 = arith.constant 640 : i32
    %mul3A_111 = arith.muli %mul3A_110, %arg1 : i32
    %add3A_112 = arith.constant 320 : i32
    %add3A_113 = arith.addi %mul3A_111, %add3A_112 : i32
    %dma_start3A_114 = arith.constant 0 : i32
    %dma_start3A_115 = tpu.memref_slice %arg6[%add3A_113, %dma_start3A_114] : memref<10240x128xf32, #tpu.memory_space<vmem_shared>> -> memref<40x128xf32, #tpu.memory_space<vmem_shared>>
    %dma_start3A_116 = arith.constant 0 : i32
    %dma_start3A_117 = tpu.memref_slice %arg6[%add3A_113, %dma_start3A_116] : memref<10240x128xf32, #tpu.memory_space<vmem_shared>> -> memref<40x128xf32, #tpu.memory_space<vmem_shared>>
    tpu.enqueue_dma source(%arg9 : memref<40x128xf32, #tpu.memory_space<vmem>>) target(%dma_start3A_117 : memref<40x128xf32, #tpu.memory_space<vmem_shared>>) target_semaphore(%arg21 : memref<!tpu.dma_semaphore, #tpu.memory_space<semaphore_mem>>)
    %mul3A_118 = arith.constant 640 : i32
    %mul3A_119 = arith.muli %mul3A_118, %arg1 : i32
    %add3A_120 = arith.constant 360 : i32
    %add3A_121 = arith.addi %mul3A_119, %add3A_120 : i32
    %dma_start3A_122 = arith.constant 0 : i32
    %dma_start3A_123 = tpu.memref_slice %arg6[%add3A_121, %dma_start3A_122] : memref<10240x128xf32, #tpu.memory_space<vmem_shared>> -> memref<40x128xf32, #tpu.memory_space<vmem_shared>>
    %dma_start3A_124 = arith.constant 0 : i32
    %dma_start3A_125 = tpu.memref_slice %arg6[%add3A_121, %dma_start3A_124] : memref<10240x128xf32, #tpu.memory_space<vmem_shared>> -> memref<40x128xf32, #tpu.memory_space<vmem_shared>>
    tpu.enqueue_dma source(%arg9 : memref<40x128xf32, #tpu.memory_space<vmem>>) target(%dma_start3A_125 : memref<40x128xf32, #tpu.memory_space<vmem_shared>>) target_semaphore(%arg19 : memref<!tpu.dma_semaphore, #tpu.memory_space<semaphore_mem>>)
    %mul3A_126 = arith.constant 640 : i32
    %mul3A_127 = arith.muli %mul3A_126, %arg1 : i32
    %add3A_128 = arith.constant 400 : i32
    %add3A_129 = arith.addi %mul3A_127, %add3A_128 : i32
    %dma_start3A_130 = arith.constant 0 : i32
    %dma_start3A_131 = tpu.memref_slice %arg6[%add3A_129, %dma_start3A_130] : memref<10240x128xf32, #tpu.memory_space<vmem_shared>> -> memref<40x128xf32, #tpu.memory_space<vmem_shared>>
    %dma_start3A_132 = arith.constant 0 : i32
    %dma_start3A_133 = tpu.memref_slice %arg6[%add3A_129, %dma_start3A_132] : memref<10240x128xf32, #tpu.memory_space<vmem_shared>> -> memref<40x128xf32, #tpu.memory_space<vmem_shared>>
    tpu.enqueue_dma source(%arg9 : memref<40x128xf32, #tpu.memory_space<vmem>>) target(%dma_start3A_133 : memref<40x128xf32, #tpu.memory_space<vmem_shared>>) target_semaphore(%arg20 : memref<!tpu.dma_semaphore, #tpu.memory_space<semaphore_mem>>)
    %mul3A_134 = arith.constant 640 : i32
    %mul3A_135 = arith.muli %mul3A_134, %arg1 : i32
    %add3A_136 = arith.constant 440 : i32
    %add3A_137 = arith.addi %mul3A_135, %add3A_136 : i32
    %dma_start3A_138 = arith.constant 0 : i32
    %dma_start3A_139 = tpu.memref_slice %arg6[%add3A_137, %dma_start3A_138] : memref<10240x128xf32, #tpu.memory_space<vmem_shared>> -> memref<40x128xf32, #tpu.memory_space<vmem_shared>>
    %dma_start3A_140 = arith.constant 0 : i32
    %dma_start3A_141 = tpu.memref_slice %arg6[%add3A_137, %dma_start3A_140] : memref<10240x128xf32, #tpu.memory_space<vmem_shared>> -> memref<40x128xf32, #tpu.memory_space<vmem_shared>>
    tpu.enqueue_dma source(%arg9 : memref<40x128xf32, #tpu.memory_space<vmem>>) target(%dma_start3A_141 : memref<40x128xf32, #tpu.memory_space<vmem_shared>>) target_semaphore(%arg21 : memref<!tpu.dma_semaphore, #tpu.memory_space<semaphore_mem>>)
    %mul3A_142 = arith.constant 640 : i32
    %mul3A_143 = arith.muli %mul3A_142, %arg1 : i32
    %add3A_144 = arith.constant 480 : i32
    %add3A_145 = arith.addi %mul3A_143, %add3A_144 : i32
    %dma_start3A_146 = arith.constant 0 : i32
    %dma_start3A_147 = tpu.memref_slice %arg6[%add3A_145, %dma_start3A_146] : memref<10240x128xf32, #tpu.memory_space<vmem_shared>> -> memref<40x128xf32, #tpu.memory_space<vmem_shared>>
    %dma_start3A_148 = arith.constant 0 : i32
    %dma_start3A_149 = tpu.memref_slice %arg6[%add3A_145, %dma_start3A_148] : memref<10240x128xf32, #tpu.memory_space<vmem_shared>> -> memref<40x128xf32, #tpu.memory_space<vmem_shared>>
    tpu.enqueue_dma source(%arg9 : memref<40x128xf32, #tpu.memory_space<vmem>>) target(%dma_start3A_149 : memref<40x128xf32, #tpu.memory_space<vmem_shared>>) target_semaphore(%arg19 : memref<!tpu.dma_semaphore, #tpu.memory_space<semaphore_mem>>)
    %mul3A_150 = arith.constant 640 : i32
    %mul3A_151 = arith.muli %mul3A_150, %arg1 : i32
    %add3A_152 = arith.constant 520 : i32
    %add3A_153 = arith.addi %mul3A_151, %add3A_152 : i32
    %dma_start3A_154 = arith.constant 0 : i32
    %dma_start3A_155 = tpu.memref_slice %arg6[%add3A_153, %dma_start3A_154] : memref<10240x128xf32, #tpu.memory_space<vmem_shared>> -> memref<40x128xf32, #tpu.memory_space<vmem_shared>>
    %dma_start3A_156 = arith.constant 0 : i32
    %dma_start3A_157 = tpu.memref_slice %arg6[%add3A_153, %dma_start3A_156] : memref<10240x128xf32, #tpu.memory_space<vmem_shared>> -> memref<40x128xf32, #tpu.memory_space<vmem_shared>>
    tpu.enqueue_dma source(%arg9 : memref<40x128xf32, #tpu.memory_space<vmem>>) target(%dma_start3A_157 : memref<40x128xf32, #tpu.memory_space<vmem_shared>>) target_semaphore(%arg20 : memref<!tpu.dma_semaphore, #tpu.memory_space<semaphore_mem>>)
    %mul3A_158 = arith.constant 640 : i32
    %mul3A_159 = arith.muli %mul3A_158, %arg1 : i32
    %add3A_160 = arith.constant 560 : i32
    %add3A_161 = arith.addi %mul3A_159, %add3A_160 : i32
    %dma_start3A_162 = arith.constant 0 : i32
    %dma_start3A_163 = tpu.memref_slice %arg6[%add3A_161, %dma_start3A_162] : memref<10240x128xf32, #tpu.memory_space<vmem_shared>> -> memref<40x128xf32, #tpu.memory_space<vmem_shared>>
    %dma_start3A_164 = arith.constant 0 : i32
    %dma_start3A_165 = tpu.memref_slice %arg6[%add3A_161, %dma_start3A_164] : memref<10240x128xf32, #tpu.memory_space<vmem_shared>> -> memref<40x128xf32, #tpu.memory_space<vmem_shared>>
    tpu.enqueue_dma source(%arg9 : memref<40x128xf32, #tpu.memory_space<vmem>>) target(%dma_start3A_165 : memref<40x128xf32, #tpu.memory_space<vmem_shared>>) target_semaphore(%arg21 : memref<!tpu.dma_semaphore, #tpu.memory_space<semaphore_mem>>)
    %mul3A_166 = arith.constant 640 : i32
    %mul3A_167 = arith.muli %mul3A_166, %arg1 : i32
    %add3A_168 = arith.constant 600 : i32
    %add3A_169 = arith.addi %mul3A_167, %add3A_168 : i32
    %dma_start3A_170 = arith.constant 0 : i32
    %dma_start3A_171 = tpu.memref_slice %arg6[%add3A_169, %dma_start3A_170] : memref<10240x128xf32, #tpu.memory_space<vmem_shared>> -> memref<40x128xf32, #tpu.memory_space<vmem_shared>>
    %dma_start3A_172 = arith.constant 0 : i32
    %dma_start3A_173 = tpu.memref_slice %arg6[%add3A_169, %dma_start3A_172] : memref<10240x128xf32, #tpu.memory_space<vmem_shared>> -> memref<40x128xf32, #tpu.memory_space<vmem_shared>>
    tpu.enqueue_dma source(%arg9 : memref<40x128xf32, #tpu.memory_space<vmem>>) target(%dma_start3A_173 : memref<40x128xf32, #tpu.memory_space<vmem_shared>>) target_semaphore(%arg19 : memref<!tpu.dma_semaphore, #tpu.memory_space<semaphore_mem>>)
    %dma_wait3A_174 = arith.constant 0 : i32
    %dma_wait3A_175 = tpu.memref_slice %arg6[%add3A_49, %dma_wait3A_174] : memref<10240x128xf32, #tpu.memory_space<vmem_shared>> -> memref<40x128xf32, #tpu.memory_space<vmem_shared>>
    %dma_wait3A_176 = arith.constant 0 : i32
    %dma_wait3A_177 = tpu.memref_slice %arg6[%add3A_49, %dma_wait3A_176] : memref<10240x128xf32, #tpu.memory_space<vmem_shared>> -> memref<40x128xf32, #tpu.memory_space<vmem_shared>>
    tpu.wait_dma2 semaphore(%arg19 : memref<!tpu.dma_semaphore, #tpu.memory_space<semaphore_mem>>) src(%arg9 : memref<40x128xf32, #tpu.memory_space<vmem>>) dst(%dma_wait3A_177 : memref<40x128xf32, #tpu.memory_space<vmem_shared>>)
    %dma_wait3A_178 = arith.constant 0 : i32
    %dma_wait3A_179 = tpu.memref_slice %arg6[%add3A_57, %dma_wait3A_178] : memref<10240x128xf32, #tpu.memory_space<vmem_shared>> -> memref<40x128xf32, #tpu.memory_space<vmem_shared>>
    %dma_wait3A_180 = arith.constant 0 : i32
    %dma_wait3A_181 = tpu.memref_slice %arg6[%add3A_57, %dma_wait3A_180] : memref<10240x128xf32, #tpu.memory_space<vmem_shared>> -> memref<40x128xf32, #tpu.memory_space<vmem_shared>>
    tpu.wait_dma2 semaphore(%arg20 : memref<!tpu.dma_semaphore, #tpu.memory_space<semaphore_mem>>) src(%arg9 : memref<40x128xf32, #tpu.memory_space<vmem>>) dst(%dma_wait3A_181 : memref<40x128xf32, #tpu.memory_space<vmem_shared>>)
    %dma_wait3A_182 = arith.constant 0 : i32
    %dma_wait3A_183 = tpu.memref_slice %arg6[%add3A_65, %dma_wait3A_182] : memref<10240x128xf32, #tpu.memory_space<vmem_shared>> -> memref<40x128xf32, #tpu.memory_space<vmem_shared>>
    %dma_wait3A_184 = arith.constant 0 : i32
    %dma_wait3A_185 = tpu.memref_slice %arg6[%add3A_65, %dma_wait3A_184] : memref<10240x128xf32, #tpu.memory_space<vmem_shared>> -> memref<40x128xf32, #tpu.memory_space<vmem_shared>>
    tpu.wait_dma2 semaphore(%arg21 : memref<!tpu.dma_semaphore, #tpu.memory_space<semaphore_mem>>) src(%arg9 : memref<40x128xf32, #tpu.memory_space<vmem>>) dst(%dma_wait3A_185 : memref<40x128xf32, #tpu.memory_space<vmem_shared>>)
    %dma_wait3A_186 = arith.constant 0 : i32
    %dma_wait3A_187 = tpu.memref_slice %arg6[%add3A_73, %dma_wait3A_186] : memref<10240x128xf32, #tpu.memory_space<vmem_shared>> -> memref<40x128xf32, #tpu.memory_space<vmem_shared>>
    %dma_wait3A_188 = arith.constant 0 : i32
    %dma_wait3A_189 = tpu.memref_slice %arg6[%add3A_73, %dma_wait3A_188] : memref<10240x128xf32, #tpu.memory_space<vmem_shared>> -> memref<40x128xf32, #tpu.memory_space<vmem_shared>>
    tpu.wait_dma2 semaphore(%arg19 : memref<!tpu.dma_semaphore, #tpu.memory_space<semaphore_mem>>) src(%arg9 : memref<40x128xf32, #tpu.memory_space<vmem>>) dst(%dma_wait3A_189 : memref<40x128xf32, #tpu.memory_space<vmem_shared>>)
    %dma_wait3A_190 = arith.constant 0 : i32
    %dma_wait3A_191 = tpu.memref_slice %arg6[%add3A_81, %dma_wait3A_190] : memref<10240x128xf32, #tpu.memory_space<vmem_shared>> -> memref<40x128xf32, #tpu.memory_space<vmem_shared>>
    %dma_wait3A_192 = arith.constant 0 : i32
    %dma_wait3A_193 = tpu.memref_slice %arg6[%add3A_81, %dma_wait3A_192] : memref<10240x128xf32, #tpu.memory_space<vmem_shared>> -> memref<40x128xf32, #tpu.memory_space<vmem_shared>>
    tpu.wait_dma2 semaphore(%arg20 : memref<!tpu.dma_semaphore, #tpu.memory_space<semaphore_mem>>) src(%arg9 : memref<40x128xf32, #tpu.memory_space<vmem>>) dst(%dma_wait3A_193 : memref<40x128xf32, #tpu.memory_space<vmem_shared>>)
    %dma_wait3A_194 = arith.constant 0 : i32
    %dma_wait3A_195 = tpu.memref_slice %arg6[%add3A_89, %dma_wait3A_194] : memref<10240x128xf32, #tpu.memory_space<vmem_shared>> -> memref<40x128xf32, #tpu.memory_space<vmem_shared>>
    %dma_wait3A_196 = arith.constant 0 : i32
    %dma_wait3A_197 = tpu.memref_slice %arg6[%add3A_89, %dma_wait3A_196] : memref<10240x128xf32, #tpu.memory_space<vmem_shared>> -> memref<40x128xf32, #tpu.memory_space<vmem_shared>>
    tpu.wait_dma2 semaphore(%arg21 : memref<!tpu.dma_semaphore, #tpu.memory_space<semaphore_mem>>) src(%arg9 : memref<40x128xf32, #tpu.memory_space<vmem>>) dst(%dma_wait3A_197 : memref<40x128xf32, #tpu.memory_space<vmem_shared>>)
    %dma_wait3A_198 = arith.constant 0 : i32
    %dma_wait3A_199 = tpu.memref_slice %arg6[%add3A_97, %dma_wait3A_198] : memref<10240x128xf32, #tpu.memory_space<vmem_shared>> -> memref<40x128xf32, #tpu.memory_space<vmem_shared>>
    %dma_wait3A_200 = arith.constant 0 : i32
    %dma_wait3A_201 = tpu.memref_slice %arg6[%add3A_97, %dma_wait3A_200] : memref<10240x128xf32, #tpu.memory_space<vmem_shared>> -> memref<40x128xf32, #tpu.memory_space<vmem_shared>>
    tpu.wait_dma2 semaphore(%arg19 : memref<!tpu.dma_semaphore, #tpu.memory_space<semaphore_mem>>) src(%arg9 : memref<40x128xf32, #tpu.memory_space<vmem>>) dst(%dma_wait3A_201 : memref<40x128xf32, #tpu.memory_space<vmem_shared>>)
    %dma_wait3A_202 = arith.constant 0 : i32
    %dma_wait3A_203 = tpu.memref_slice %arg6[%add3A_105, %dma_wait3A_202] : memref<10240x128xf32, #tpu.memory_space<vmem_shared>> -> memref<40x128xf32, #tpu.memory_space<vmem_shared>>
    %dma_wait3A_204 = arith.constant 0 : i32
    %dma_wait3A_205 = tpu.memref_slice %arg6[%add3A_105, %dma_wait3A_204] : memref<10240x128xf32, #tpu.memory_space<vmem_shared>> -> memref<40x128xf32, #tpu.memory_space<vmem_shared>>
    tpu.wait_dma2 semaphore(%arg20 : memref<!tpu.dma_semaphore, #tpu.memory_space<semaphore_mem>>) src(%arg9 : memref<40x128xf32, #tpu.memory_space<vmem>>) dst(%dma_wait3A_205 : memref<40x128xf32, #tpu.memory_space<vmem_shared>>)
    %dma_wait3A_206 = arith.constant 0 : i32
    %dma_wait3A_207 = tpu.memref_slice %arg6[%add3A_113, %dma_wait3A_206] : memref<10240x128xf32, #tpu.memory_space<vmem_shared>> -> memref<40x128xf32, #tpu.memory_space<vmem_shared>>
    %dma_wait3A_208 = arith.constant 0 : i32
    %dma_wait3A_209 = tpu.memref_slice %arg6[%add3A_113, %dma_wait3A_208] : memref<10240x128xf32, #tpu.memory_space<vmem_shared>> -> memref<40x128xf32, #tpu.memory_space<vmem_shared>>
    tpu.wait_dma2 semaphore(%arg21 : memref<!tpu.dma_semaphore, #tpu.memory_space<semaphore_mem>>) src(%arg9 : memref<40x128xf32, #tpu.memory_space<vmem>>) dst(%dma_wait3A_209 : memref<40x128xf32, #tpu.memory_space<vmem_shared>>)
    %dma_wait3A_210 = arith.constant 0 : i32
    %dma_wait3A_211 = tpu.memref_slice %arg6[%add3A_121, %dma_wait3A_210] : memref<10240x128xf32, #tpu.memory_space<vmem_shared>> -> memref<40x128xf32, #tpu.memory_space<vmem_shared>>
    %dma_wait3A_212 = arith.constant 0 : i32
    %dma_wait3A_213 = tpu.memref_slice %arg6[%add3A_121, %dma_wait3A_212] : memref<10240x128xf32, #tpu.memory_space<vmem_shared>> -> memref<40x128xf32, #tpu.memory_space<vmem_shared>>
    tpu.wait_dma2 semaphore(%arg19 : memref<!tpu.dma_semaphore, #tpu.memory_space<semaphore_mem>>) src(%arg9 : memref<40x128xf32, #tpu.memory_space<vmem>>) dst(%dma_wait3A_213 : memref<40x128xf32, #tpu.memory_space<vmem_shared>>)
    %dma_wait3A_214 = arith.constant 0 : i32
    %dma_wait3A_215 = tpu.memref_slice %arg6[%add3A_129, %dma_wait3A_214] : memref<10240x128xf32, #tpu.memory_space<vmem_shared>> -> memref<40x128xf32, #tpu.memory_space<vmem_shared>>
    %dma_wait3A_216 = arith.constant 0 : i32
    %dma_wait3A_217 = tpu.memref_slice %arg6[%add3A_129, %dma_wait3A_216] : memref<10240x128xf32, #tpu.memory_space<vmem_shared>> -> memref<40x128xf32, #tpu.memory_space<vmem_shared>>
    tpu.wait_dma2 semaphore(%arg20 : memref<!tpu.dma_semaphore, #tpu.memory_space<semaphore_mem>>) src(%arg9 : memref<40x128xf32, #tpu.memory_space<vmem>>) dst(%dma_wait3A_217 : memref<40x128xf32, #tpu.memory_space<vmem_shared>>)
    %dma_wait3A_218 = arith.constant 0 : i32
    %dma_wait3A_219 = tpu.memref_slice %arg6[%add3A_137, %dma_wait3A_218] : memref<10240x128xf32, #tpu.memory_space<vmem_shared>> -> memref<40x128xf32, #tpu.memory_space<vmem_shared>>
    %dma_wait3A_220 = arith.constant 0 : i32
    %dma_wait3A_221 = tpu.memref_slice %arg6[%add3A_137, %dma_wait3A_220] : memref<10240x128xf32, #tpu.memory_space<vmem_shared>> -> memref<40x128xf32, #tpu.memory_space<vmem_shared>>
    tpu.wait_dma2 semaphore(%arg21 : memref<!tpu.dma_semaphore, #tpu.memory_space<semaphore_mem>>) src(%arg9 : memref<40x128xf32, #tpu.memory_space<vmem>>) dst(%dma_wait3A_221 : memref<40x128xf32, #tpu.memory_space<vmem_shared>>)
    %dma_wait3A_222 = arith.constant 0 : i32
    %dma_wait3A_223 = tpu.memref_slice %arg6[%add3A_145, %dma_wait3A_222] : memref<10240x128xf32, #tpu.memory_space<vmem_shared>> -> memref<40x128xf32, #tpu.memory_space<vmem_shared>>
    %dma_wait3A_224 = arith.constant 0 : i32
    %dma_wait3A_225 = tpu.memref_slice %arg6[%add3A_145, %dma_wait3A_224] : memref<10240x128xf32, #tpu.memory_space<vmem_shared>> -> memref<40x128xf32, #tpu.memory_space<vmem_shared>>
    tpu.wait_dma2 semaphore(%arg19 : memref<!tpu.dma_semaphore, #tpu.memory_space<semaphore_mem>>) src(%arg9 : memref<40x128xf32, #tpu.memory_space<vmem>>) dst(%dma_wait3A_225 : memref<40x128xf32, #tpu.memory_space<vmem_shared>>)
    %dma_wait3A_226 = arith.constant 0 : i32
    %dma_wait3A_227 = tpu.memref_slice %arg6[%add3A_153, %dma_wait3A_226] : memref<10240x128xf32, #tpu.memory_space<vmem_shared>> -> memref<40x128xf32, #tpu.memory_space<vmem_shared>>
    %dma_wait3A_228 = arith.constant 0 : i32
    %dma_wait3A_229 = tpu.memref_slice %arg6[%add3A_153, %dma_wait3A_228] : memref<10240x128xf32, #tpu.memory_space<vmem_shared>> -> memref<40x128xf32, #tpu.memory_space<vmem_shared>>
    tpu.wait_dma2 semaphore(%arg20 : memref<!tpu.dma_semaphore, #tpu.memory_space<semaphore_mem>>) src(%arg9 : memref<40x128xf32, #tpu.memory_space<vmem>>) dst(%dma_wait3A_229 : memref<40x128xf32, #tpu.memory_space<vmem_shared>>)
    %dma_wait3A_230 = arith.constant 0 : i32
    %dma_wait3A_231 = tpu.memref_slice %arg6[%add3A_161, %dma_wait3A_230] : memref<10240x128xf32, #tpu.memory_space<vmem_shared>> -> memref<40x128xf32, #tpu.memory_space<vmem_shared>>
    %dma_wait3A_232 = arith.constant 0 : i32
    %dma_wait3A_233 = tpu.memref_slice %arg6[%add3A_161, %dma_wait3A_232] : memref<10240x128xf32, #tpu.memory_space<vmem_shared>> -> memref<40x128xf32, #tpu.memory_space<vmem_shared>>
    tpu.wait_dma2 semaphore(%arg21 : memref<!tpu.dma_semaphore, #tpu.memory_space<semaphore_mem>>) src(%arg9 : memref<40x128xf32, #tpu.memory_space<vmem>>) dst(%dma_wait3A_233 : memref<40x128xf32, #tpu.memory_space<vmem_shared>>)
    %dma_wait3A_234 = arith.constant 0 : i32
    %dma_wait3A_235 = tpu.memref_slice %arg6[%add3A_169, %dma_wait3A_234] : memref<10240x128xf32, #tpu.memory_space<vmem_shared>> -> memref<40x128xf32, #tpu.memory_space<vmem_shared>>
    %dma_wait3A_236 = arith.constant 0 : i32
    %dma_wait3A_237 = tpu.memref_slice %arg6[%add3A_169, %dma_wait3A_236] : memref<10240x128xf32, #tpu.memory_space<vmem_shared>> -> memref<40x128xf32, #tpu.memory_space<vmem_shared>>
    tpu.wait_dma2 semaphore(%arg19 : memref<!tpu.dma_semaphore, #tpu.memory_space<semaphore_mem>>) src(%arg9 : memref<40x128xf32, #tpu.memory_space<vmem>>) dst(%dma_wait3A_237 : memref<40x128xf32, #tpu.memory_space<vmem_shared>>)
    %barrier3A = arith.constant 0 : index
    tpu.barrier barrier_id(%barrier3A)
    %dma_wait3A_238 = arith.constant 0 : i32
    %dma_wait3A_239 = arith.constant 0 : i32
    %dma_wait3A_240 = tpu.memref_slice %arg7[%dma_wait3A_238, %dma_wait3A_239] : memref<240x128xf32, #tpu.memory_space<vmem>> -> memref<80x128xf32, #tpu.memory_space<vmem>>
    %dma_wait3A_241 = arith.constant 0 : i32
    %dma_wait3A_242 = tpu.memref_slice %arg8[%dma_wait3A_241] : memref<10000xi32, #tpu.memory_space<vmem>> -> memref<80xi32, #tpu.memory_space<vmem>>
    %dma_wait3A_243 = arith.constant 0 : i32
    %dma_wait3A_244 = arith.constant 0 : i32
    %dma_wait3A_245 = tpu.memref_slice %arg2[%dma_wait3A_243, %dma_wait3A_244] : memref<10240x128xf32, #tpu.memory_space<hbm>> -> memref<10240x128xf32, #tpu.memory_space<hbm>>
    tpu.wait_indirect_dma semaphore(%arg16 : memref<!tpu.dma_semaphore, #tpu.memory_space<semaphore_mem>>) src(%dma_wait3A_245 : memref<10240x128xf32, #tpu.memory_space<hbm>>) dst(%dma_wait3A_240 : memref<80x128xf32, #tpu.memory_space<vmem>>)
    %dma_wait3A_246 = tpu.memref_slice %arg4[%add3A_14] : memref<320000xi32, #tpu.memory_space<hbm>> -> memref<80xi32, #tpu.memory_space<hbm>>
    %dma_wait3A_247 = tpu.memref_slice %arg4[%add3A_14] : memref<320000xi32, #tpu.memory_space<hbm>> -> memref<80xi32, #tpu.memory_space<hbm>>
    tpu.wait_dma2 semaphore(%arg13 : memref<!tpu.dma_semaphore, #tpu.memory_space<semaphore_mem>>) src(%dma_wait3A_247 : memref<80xi32, #tpu.memory_space<hbm>>) dst(%arg10 : memref<80xi32, #tpu.memory_space<vmem>>)
    %dma_start3A_248 = arith.constant 0 : i32
    %dma_start3A_249 = arith.constant 0 : i32
    %dma_start3A_250 = tpu.memref_slice %arg7[%dma_start3A_248, %dma_start3A_249] : memref<240x128xf32, #tpu.memory_space<vmem>> -> memref<80x128xf32, #tpu.memory_space<vmem>>
    %dma_start3A_251 = arith.constant 0 : i32
    %dma_start3A_252 = arith.constant 0 : i32
    %dma_start3A_253 = tpu.memref_slice %arg6[%dma_start3A_251, %dma_start3A_252] : memref<10240x128xf32, #tpu.memory_space<vmem_shared>> -> memref<10240x128xf32, #tpu.memory_space<vmem_shared>>
    tpu.enqueue_indirect_dma source(%dma_start3A_250 : memref<80x128xf32, #tpu.memory_space<vmem>>) target(%dma_start3A_253 : memref<10240x128xf32, #tpu.memory_space<vmem_shared>>) offsets(%arg10 : memref<80xi32, #tpu.memory_space<vmem>>) semaphore(%arg19 : memref<!tpu.dma_semaphore, #tpu.memory_space<semaphore_mem>>) {add = true}
    %dma_wait3A_254 = arith.constant 80 : i32
    %dma_wait3A_255 = arith.constant 0 : i32
    %dma_wait3A_256 = tpu.memref_slice %arg7[%dma_wait3A_254, %dma_wait3A_255] : memref<240x128xf32, #tpu.memory_space<vmem>> -> memref<80x128xf32, #tpu.memory_space<vmem>>
    %dma_wait3A_257 = arith.constant 80 : i32
    %dma_wait3A_258 = tpu.memref_slice %arg8[%dma_wait3A_257] : memref<10000xi32, #tpu.memory_space<vmem>> -> memref<80xi32, #tpu.memory_space<vmem>>
    %dma_wait3A_259 = arith.constant 0 : i32
    %dma_wait3A_260 = arith.constant 0 : i32
    %dma_wait3A_261 = tpu.memref_slice %arg2[%dma_wait3A_259, %dma_wait3A_260] : memref<10240x128xf32, #tpu.memory_space<hbm>> -> memref<10240x128xf32, #tpu.memory_space<hbm>>
    tpu.wait_indirect_dma semaphore(%arg17 : memref<!tpu.dma_semaphore, #tpu.memory_space<semaphore_mem>>) src(%dma_wait3A_261 : memref<10240x128xf32, #tpu.memory_space<hbm>>) dst(%dma_wait3A_256 : memref<80x128xf32, #tpu.memory_space<vmem>>)
    %dma_wait3A_262 = tpu.memref_slice %arg4[%add3A_26] : memref<320000xi32, #tpu.memory_space<hbm>> -> memref<80xi32, #tpu.memory_space<hbm>>
    %dma_wait3A_263 = tpu.memref_slice %arg4[%add3A_26] : memref<320000xi32, #tpu.memory_space<hbm>> -> memref<80xi32, #tpu.memory_space<hbm>>
    tpu.wait_dma2 semaphore(%arg14 : memref<!tpu.dma_semaphore, #tpu.memory_space<semaphore_mem>>) src(%dma_wait3A_263 : memref<80xi32, #tpu.memory_space<hbm>>) dst(%arg11 : memref<80xi32, #tpu.memory_space<vmem>>)
    %dma_start3A_264 = arith.constant 80 : i32
    %dma_start3A_265 = arith.constant 0 : i32
    %dma_start3A_266 = tpu.memref_slice %arg7[%dma_start3A_264, %dma_start3A_265] : memref<240x128xf32, #tpu.memory_space<vmem>> -> memref<80x128xf32, #tpu.memory_space<vmem>>
    %dma_start3A_267 = arith.constant 0 : i32
    %dma_start3A_268 = arith.constant 0 : i32
    %dma_start3A_269 = tpu.memref_slice %arg6[%dma_start3A_267, %dma_start3A_268] : memref<10240x128xf32, #tpu.memory_space<vmem_shared>> -> memref<10240x128xf32, #tpu.memory_space<vmem_shared>>
    tpu.enqueue_indirect_dma source(%dma_start3A_266 : memref<80x128xf32, #tpu.memory_space<vmem>>) target(%dma_start3A_269 : memref<10240x128xf32, #tpu.memory_space<vmem_shared>>) offsets(%arg11 : memref<80xi32, #tpu.memory_space<vmem>>) semaphore(%arg20 : memref<!tpu.dma_semaphore, #tpu.memory_space<semaphore_mem>>) {add = true}
    %dma_wait3A_270 = arith.constant 160 : i32
    %dma_wait3A_271 = arith.constant 0 : i32
    %dma_wait3A_272 = tpu.memref_slice %arg7[%dma_wait3A_270, %dma_wait3A_271] : memref<240x128xf32, #tpu.memory_space<vmem>> -> memref<80x128xf32, #tpu.memory_space<vmem>>
    %dma_wait3A_273 = arith.constant 160 : i32
    %dma_wait3A_274 = tpu.memref_slice %arg8[%dma_wait3A_273] : memref<10000xi32, #tpu.memory_space<vmem>> -> memref<80xi32, #tpu.memory_space<vmem>>
    %dma_wait3A_275 = arith.constant 0 : i32
    %dma_wait3A_276 = arith.constant 0 : i32
    %dma_wait3A_277 = tpu.memref_slice %arg2[%dma_wait3A_275, %dma_wait3A_276] : memref<10240x128xf32, #tpu.memory_space<hbm>> -> memref<10240x128xf32, #tpu.memory_space<hbm>>
    tpu.wait_indirect_dma semaphore(%arg18 : memref<!tpu.dma_semaphore, #tpu.memory_space<semaphore_mem>>) src(%dma_wait3A_277 : memref<10240x128xf32, #tpu.memory_space<hbm>>) dst(%dma_wait3A_272 : memref<80x128xf32, #tpu.memory_space<vmem>>)
    %dma_wait3A_278 = tpu.memref_slice %arg4[%add3A_38] : memref<320000xi32, #tpu.memory_space<hbm>> -> memref<80xi32, #tpu.memory_space<hbm>>
    %dma_wait3A_279 = tpu.memref_slice %arg4[%add3A_38] : memref<320000xi32, #tpu.memory_space<hbm>> -> memref<80xi32, #tpu.memory_space<hbm>>
    tpu.wait_dma2 semaphore(%arg15 : memref<!tpu.dma_semaphore, #tpu.memory_space<semaphore_mem>>) src(%dma_wait3A_279 : memref<80xi32, #tpu.memory_space<hbm>>) dst(%arg12 : memref<80xi32, #tpu.memory_space<vmem>>)
    %dma_start3A_280 = arith.constant 160 : i32
    %dma_start3A_281 = arith.constant 0 : i32
    %dma_start3A_282 = tpu.memref_slice %arg7[%dma_start3A_280, %dma_start3A_281] : memref<240x128xf32, #tpu.memory_space<vmem>> -> memref<80x128xf32, #tpu.memory_space<vmem>>
    %dma_start3A_283 = arith.constant 0 : i32
    %dma_start3A_284 = arith.constant 0 : i32
    %dma_start3A_285 = tpu.memref_slice %arg6[%dma_start3A_283, %dma_start3A_284] : memref<10240x128xf32, #tpu.memory_space<vmem_shared>> -> memref<10240x128xf32, #tpu.memory_space<vmem_shared>>
    tpu.enqueue_indirect_dma source(%dma_start3A_282 : memref<80x128xf32, #tpu.memory_space<vmem>>) target(%dma_start3A_285 : memref<10240x128xf32, #tpu.memory_space<vmem_shared>>) offsets(%arg12 : memref<80xi32, #tpu.memory_space<vmem>>) semaphore(%arg21 : memref<!tpu.dma_semaphore, #tpu.memory_space<semaphore_mem>>) {add = true}
    %scan3A_286 = arith.constant 0 : i32
    %scan3A_287 = arith.constant 1 : i32
    %scan3A_288 = arith.constant 40 : i32
    %scan3A_289 = arith.addi %scan3A_287, %scan3A_288 : i32
    %scan3A_290 = arith.constant 1 : i32
    scf.for %scan3A_465 = %scan3A_287 to %scan3A_289 step %scan3A_290  : i32 {
      %dma_wait3A_466 = arith.constant 0 : i32
      %dma_wait3A_467 = arith.constant 0 : i32
      %dma_wait3A_468 = tpu.memref_slice %arg7[%dma_wait3A_466, %dma_wait3A_467] : memref<240x128xf32, #tpu.memory_space<vmem>> -> memref<80x128xf32, #tpu.memory_space<vmem>>
      %dma_wait3A_469 = arith.constant 0 : i32
      %dma_wait3A_470 = arith.constant 0 : i32
      %dma_wait3A_471 = tpu.memref_slice %arg2[%dma_wait3A_469, %dma_wait3A_470] : memref<10240x128xf32, #tpu.memory_space<hbm>> -> memref<80x128xf32, #tpu.memory_space<hbm>>
      %dma_wait3A_472 = arith.constant 0 : i32
      %dma_wait3A_473 = arith.constant 0 : i32
      %dma_wait3A_474 = tpu.memref_slice %arg7[%dma_wait3A_472, %dma_wait3A_473] : memref<240x128xf32, #tpu.memory_space<vmem>> -> memref<80x128xf32, #tpu.memory_space<vmem>>
      %dma_wait3A_475 = arith.constant 0 : i32
      %dma_wait3A_476 = arith.constant 0 : i32
      %dma_wait3A_477 = tpu.memref_slice %arg2[%dma_wait3A_475, %dma_wait3A_476] : memref<10240x128xf32, #tpu.memory_space<hbm>> -> memref<80x128xf32, #tpu.memory_space<hbm>>
      tpu.wait_dma2 semaphore(%arg19 : memref<!tpu.dma_semaphore, #tpu.memory_space<semaphore_mem>>) src(%dma_wait3A_477 : memref<80x128xf32, #tpu.memory_space<hbm>>) dst(%dma_wait3A_474 : memref<80x128xf32, #tpu.memory_space<vmem>>)
      %mul3A_478 = arith.constant 3 : i32
      %mul3A_479 = arith.muli %scan3A_465, %mul3A_478 : i32
      %add3A_480 = arith.constant 0 : i32
      %add3A_481 = arith.addi %mul3A_479, %add3A_480 : i32
      %mul3A_482 = arith.constant 80 : i32
      %mul3A_483 = arith.muli %mul3A_482, %add3A_481 : i32
      %add3A_484 = arith.addi %mul3A_2, %mul3A_483 : i32
      %dma_start3A_485 = tpu.memref_slice %arg4[%add3A_484] : memref<320000xi32, #tpu.memory_space<hbm>> -> memref<80xi32, #tpu.memory_space<hbm>>
      %dma_start3A_486 = tpu.memref_slice %arg4[%add3A_484] : memref<320000xi32, #tpu.memory_space<hbm>> -> memref<80xi32, #tpu.memory_space<hbm>>
      tpu.enqueue_dma source(%dma_start3A_486 : memref<80xi32, #tpu.memory_space<hbm>>) target(%arg10 : memref<80xi32, #tpu.memory_space<vmem>>) target_semaphore(%arg13 : memref<!tpu.dma_semaphore, #tpu.memory_space<semaphore_mem>>)
      %mul3A_487 = arith.constant 3 : i32
      %mul3A_488 = arith.muli %scan3A_465, %mul3A_487 : i32
      %add3A_489 = arith.constant 0 : i32
      %add3A_490 = arith.addi %mul3A_488, %add3A_489 : i32
      %mul3A_491 = arith.constant 80 : i32
      %mul3A_492 = arith.muli %mul3A_491, %add3A_490 : i32
      %dma_start3A_493 = arith.constant 0 : i32
      %dma_start3A_494 = arith.constant 0 : i32
      %dma_start3A_495 = tpu.memref_slice %arg7[%dma_start3A_493, %dma_start3A_494] : memref<240x128xf32, #tpu.memory_space<vmem>> -> memref<80x128xf32, #tpu.memory_space<vmem>>
      %dma_start3A_496 = tpu.memref_slice %arg8[%mul3A_492] : memref<10000xi32, #tpu.memory_space<vmem>> -> memref<80xi32, #tpu.memory_space<vmem>>
      %dma_start3A_497 = arith.constant 0 : i32
      %dma_start3A_498 = arith.constant 0 : i32
      %dma_start3A_499 = tpu.memref_slice %arg2[%dma_start3A_497, %dma_start3A_498] : memref<10240x128xf32, #tpu.memory_space<hbm>> -> memref<10240x128xf32, #tpu.memory_space<hbm>>
      tpu.enqueue_indirect_dma source(%dma_start3A_499 : memref<10240x128xf32, #tpu.memory_space<hbm>>) target(%dma_start3A_495 : memref<80x128xf32, #tpu.memory_space<vmem>>) offsets(%dma_start3A_496 : memref<80xi32, #tpu.memory_space<vmem>>) semaphore(%arg16 : memref<!tpu.dma_semaphore, #tpu.memory_space<semaphore_mem>>)
      %dma_wait3A_500 = arith.constant 80 : i32
      %dma_wait3A_501 = arith.constant 0 : i32
      %dma_wait3A_502 = tpu.memref_slice %arg7[%dma_wait3A_500, %dma_wait3A_501] : memref<240x128xf32, #tpu.memory_space<vmem>> -> memref<80x128xf32, #tpu.memory_space<vmem>>
      %dma_wait3A_503 = arith.constant 0 : i32
      %dma_wait3A_504 = arith.constant 0 : i32
      %dma_wait3A_505 = tpu.memref_slice %arg2[%dma_wait3A_503, %dma_wait3A_504] : memref<10240x128xf32, #tpu.memory_space<hbm>> -> memref<80x128xf32, #tpu.memory_space<hbm>>
      %dma_wait3A_506 = arith.constant 80 : i32
      %dma_wait3A_507 = arith.constant 0 : i32
      %dma_wait3A_508 = tpu.memref_slice %arg7[%dma_wait3A_506, %dma_wait3A_507] : memref<240x128xf32, #tpu.memory_space<vmem>> -> memref<80x128xf32, #tpu.memory_space<vmem>>
      %dma_wait3A_509 = arith.constant 0 : i32
      %dma_wait3A_510 = arith.constant 0 : i32
      %dma_wait3A_511 = tpu.memref_slice %arg2[%dma_wait3A_509, %dma_wait3A_510] : memref<10240x128xf32, #tpu.memory_space<hbm>> -> memref<80x128xf32, #tpu.memory_space<hbm>>
      tpu.wait_dma2 semaphore(%arg20 : memref<!tpu.dma_semaphore, #tpu.memory_space<semaphore_mem>>) src(%dma_wait3A_511 : memref<80x128xf32, #tpu.memory_space<hbm>>) dst(%dma_wait3A_508 : memref<80x128xf32, #tpu.memory_space<vmem>>)
      %mul3A_512 = arith.constant 3 : i32
      %mul3A_513 = arith.muli %scan3A_465, %mul3A_512 : i32
      %add3A_514 = arith.constant 1 : i32
      %add3A_515 = arith.addi %mul3A_513, %add3A_514 : i32
      %mul3A_516 = arith.constant 80 : i32
      %mul3A_517 = arith.muli %mul3A_516, %add3A_515 : i32
      %add3A_518 = arith.addi %mul3A_2, %mul3A_517 : i32
      %dma_start3A_519 = tpu.memref_slice %arg4[%add3A_518] : memref<320000xi32, #tpu.memory_space<hbm>> -> memref<80xi32, #tpu.memory_space<hbm>>
      %dma_start3A_520 = tpu.memref_slice %arg4[%add3A_518] : memref<320000xi32, #tpu.memory_space<hbm>> -> memref<80xi32, #tpu.memory_space<hbm>>
      tpu.enqueue_dma source(%dma_start3A_520 : memref<80xi32, #tpu.memory_space<hbm>>) target(%arg11 : memref<80xi32, #tpu.memory_space<vmem>>) target_semaphore(%arg14 : memref<!tpu.dma_semaphore, #tpu.memory_space<semaphore_mem>>)
      %mul3A_521 = arith.constant 3 : i32
      %mul3A_522 = arith.muli %scan3A_465, %mul3A_521 : i32
      %add3A_523 = arith.constant 1 : i32
      %add3A_524 = arith.addi %mul3A_522, %add3A_523 : i32
      %mul3A_525 = arith.constant 80 : i32
      %mul3A_526 = arith.muli %mul3A_525, %add3A_524 : i32
      %dma_start3A_527 = arith.constant 80 : i32
      %dma_start3A_528 = arith.constant 0 : i32
      %dma_start3A_529 = tpu.memref_slice %arg7[%dma_start3A_527, %dma_start3A_528] : memref<240x128xf32, #tpu.memory_space<vmem>> -> memref<80x128xf32, #tpu.memory_space<vmem>>
      %dma_start3A_530 = tpu.memref_slice %arg8[%mul3A_526] : memref<10000xi32, #tpu.memory_space<vmem>> -> memref<80xi32, #tpu.memory_space<vmem>>
      %dma_start3A_531 = arith.constant 0 : i32
      %dma_start3A_532 = arith.constant 0 : i32
      %dma_start3A_533 = tpu.memref_slice %arg2[%dma_start3A_531, %dma_start3A_532] : memref<10240x128xf32, #tpu.memory_space<hbm>> -> memref<10240x128xf32, #tpu.memory_space<hbm>>
      tpu.enqueue_indirect_dma source(%dma_start3A_533 : memref<10240x128xf32, #tpu.memory_space<hbm>>) target(%dma_start3A_529 : memref<80x128xf32, #tpu.memory_space<vmem>>) offsets(%dma_start3A_530 : memref<80xi32, #tpu.memory_space<vmem>>) semaphore(%arg17 : memref<!tpu.dma_semaphore, #tpu.memory_space<semaphore_mem>>)
      %dma_wait3A_534 = arith.constant 160 : i32
      %dma_wait3A_535 = arith.constant 0 : i32
      %dma_wait3A_536 = tpu.memref_slice %arg7[%dma_wait3A_534, %dma_wait3A_535] : memref<240x128xf32, #tpu.memory_space<vmem>> -> memref<80x128xf32, #tpu.memory_space<vmem>>
      %dma_wait3A_537 = arith.constant 0 : i32
      %dma_wait3A_538 = arith.constant 0 : i32
      %dma_wait3A_539 = tpu.memref_slice %arg2[%dma_wait3A_537, %dma_wait3A_538] : memref<10240x128xf32, #tpu.memory_space<hbm>> -> memref<80x128xf32, #tpu.memory_space<hbm>>
      %dma_wait3A_540 = arith.constant 160 : i32
      %dma_wait3A_541 = arith.constant 0 : i32
      %dma_wait3A_542 = tpu.memref_slice %arg7[%dma_wait3A_540, %dma_wait3A_541] : memref<240x128xf32, #tpu.memory_space<vmem>> -> memref<80x128xf32, #tpu.memory_space<vmem>>
      %dma_wait3A_543 = arith.constant 0 : i32
      %dma_wait3A_544 = arith.constant 0 : i32
      %dma_wait3A_545 = tpu.memref_slice %arg2[%dma_wait3A_543, %dma_wait3A_544] : memref<10240x128xf32, #tpu.memory_space<hbm>> -> memref<80x128xf32, #tpu.memory_space<hbm>>
      tpu.wait_dma2 semaphore(%arg21 : memref<!tpu.dma_semaphore, #tpu.memory_space<semaphore_mem>>) src(%dma_wait3A_545 : memref<80x128xf32, #tpu.memory_space<hbm>>) dst(%dma_wait3A_542 : memref<80x128xf32, #tpu.memory_space<vmem>>)
      %mul3A_546 = arith.constant 3 : i32
      %mul3A_547 = arith.muli %scan3A_465, %mul3A_546 : i32
      %add3A_548 = arith.constant 2 : i32
      %add3A_549 = arith.addi %mul3A_547, %add3A_548 : i32
      %mul3A_550 = arith.constant 80 : i32
      %mul3A_551 = arith.muli %mul3A_550, %add3A_549 : i32
      %add3A_552 = arith.addi %mul3A_2, %mul3A_551 : i32
      %dma_start3A_553 = tpu.memref_slice %arg4[%add3A_552] : memref<320000xi32, #tpu.memory_space<hbm>> -> memref<80xi32, #tpu.memory_space<hbm>>
      %dma_start3A_554 = tpu.memref_slice %arg4[%add3A_552] : memref<320000xi32, #tpu.memory_space<hbm>> -> memref<80xi32, #tpu.memory_space<hbm>>
      tpu.enqueue_dma source(%dma_start3A_554 : memref<80xi32, #tpu.memory_space<hbm>>) target(%arg12 : memref<80xi32, #tpu.memory_space<vmem>>) target_semaphore(%arg15 : memref<!tpu.dma_semaphore, #tpu.memory_space<semaphore_mem>>)
      %mul3A_555 = arith.constant 3 : i32
      %mul3A_556 = arith.muli %scan3A_465, %mul3A_555 : i32
      %add3A_557 = arith.constant 2 : i32
      %add3A_558 = arith.addi %mul3A_556, %add3A_557 : i32
      %mul3A_559 = arith.constant 80 : i32
      %mul3A_560 = arith.muli %mul3A_559, %add3A_558 : i32
      %dma_start3A_561 = arith.constant 160 : i32
      %dma_start3A_562 = arith.constant 0 : i32
      %dma_start3A_563 = tpu.memref_slice %arg7[%dma_start3A_561, %dma_start3A_562] : memref<240x128xf32, #tpu.memory_space<vmem>> -> memref<80x128xf32, #tpu.memory_space<vmem>>
      %dma_start3A_564 = tpu.memref_slice %arg8[%mul3A_560] : memref<10000xi32, #tpu.memory_space<vmem>> -> memref<80xi32, #tpu.memory_space<vmem>>
      %dma_start3A_565 = arith.constant 0 : i32
      %dma_start3A_566 = arith.constant 0 : i32
      %dma_start3A_567 = tpu.memref_slice %arg2[%dma_start3A_565, %dma_start3A_566] : memref<10240x128xf32, #tpu.memory_space<hbm>> -> memref<10240x128xf32, #tpu.memory_space<hbm>>
      tpu.enqueue_indirect_dma source(%dma_start3A_567 : memref<10240x128xf32, #tpu.memory_space<hbm>>) target(%dma_start3A_563 : memref<80x128xf32, #tpu.memory_space<vmem>>) offsets(%dma_start3A_564 : memref<80xi32, #tpu.memory_space<vmem>>) semaphore(%arg18 : memref<!tpu.dma_semaphore, #tpu.memory_space<semaphore_mem>>)
      %dma_wait3A_568 = arith.constant 0 : i32
      %dma_wait3A_569 = arith.constant 0 : i32
      %dma_wait3A_570 = tpu.memref_slice %arg7[%dma_wait3A_568, %dma_wait3A_569] : memref<240x128xf32, #tpu.memory_space<vmem>> -> memref<80x128xf32, #tpu.memory_space<vmem>>
      %dma_wait3A_571 = tpu.memref_slice %arg8[%mul3A_492] : memref<10000xi32, #tpu.memory_space<vmem>> -> memref<80xi32, #tpu.memory_space<vmem>>
      %dma_wait3A_572 = arith.constant 0 : i32
      %dma_wait3A_573 = arith.constant 0 : i32
      %dma_wait3A_574 = tpu.memref_slice %arg2[%dma_wait3A_572, %dma_wait3A_573] : memref<10240x128xf32, #tpu.memory_space<hbm>> -> memref<10240x128xf32, #tpu.memory_space<hbm>>
      tpu.wait_indirect_dma semaphore(%arg16 : memref<!tpu.dma_semaphore, #tpu.memory_space<semaphore_mem>>) src(%dma_wait3A_574 : memref<10240x128xf32, #tpu.memory_space<hbm>>) dst(%dma_wait3A_570 : memref<80x128xf32, #tpu.memory_space<vmem>>)
      %dma_wait3A_575 = tpu.memref_slice %arg4[%add3A_484] : memref<320000xi32, #tpu.memory_space<hbm>> -> memref<80xi32, #tpu.memory_space<hbm>>
      %dma_wait3A_576 = tpu.memref_slice %arg4[%add3A_484] : memref<320000xi32, #tpu.memory_space<hbm>> -> memref<80xi32, #tpu.memory_space<hbm>>
      tpu.wait_dma2 semaphore(%arg13 : memref<!tpu.dma_semaphore, #tpu.memory_space<semaphore_mem>>) src(%dma_wait3A_576 : memref<80xi32, #tpu.memory_space<hbm>>) dst(%arg10 : memref<80xi32, #tpu.memory_space<vmem>>)
      %dma_start3A_577 = arith.constant 0 : i32
      %dma_start3A_578 = arith.constant 0 : i32
      %dma_start3A_579 = tpu.memref_slice %arg7[%dma_start3A_577, %dma_start3A_578] : memref<240x128xf32, #tpu.memory_space<vmem>> -> memref<80x128xf32, #tpu.memory_space<vmem>>
      %dma_start3A_580 = arith.constant 0 : i32
      %dma_start3A_581 = arith.constant 0 : i32
      %dma_start3A_582 = tpu.memref_slice %arg6[%dma_start3A_580, %dma_start3A_581] : memref<10240x128xf32, #tpu.memory_space<vmem_shared>> -> memref<10240x128xf32, #tpu.memory_space<vmem_shared>>
      tpu.enqueue_indirect_dma source(%dma_start3A_579 : memref<80x128xf32, #tpu.memory_space<vmem>>) target(%dma_start3A_582 : memref<10240x128xf32, #tpu.memory_space<vmem_shared>>) offsets(%arg10 : memref<80xi32, #tpu.memory_space<vmem>>) semaphore(%arg19 : memref<!tpu.dma_semaphore, #tpu.memory_space<semaphore_mem>>) {add = true}
      %dma_wait3A_583 = arith.constant 80 : i32
      %dma_wait3A_584 = arith.constant 0 : i32
      %dma_wait3A_585 = tpu.memref_slice %arg7[%dma_wait3A_583, %dma_wait3A_584] : memref<240x128xf32, #tpu.memory_space<vmem>> -> memref<80x128xf32, #tpu.memory_space<vmem>>
      %dma_wait3A_586 = tpu.memref_slice %arg8[%mul3A_526] : memref<10000xi32, #tpu.memory_space<vmem>> -> memref<80xi32, #tpu.memory_space<vmem>>
      %dma_wait3A_587 = arith.constant 0 : i32
      %dma_wait3A_588 = arith.constant 0 : i32
      %dma_wait3A_589 = tpu.memref_slice %arg2[%dma_wait3A_587, %dma_wait3A_588] : memref<10240x128xf32, #tpu.memory_space<hbm>> -> memref<10240x128xf32, #tpu.memory_space<hbm>>
      tpu.wait_indirect_dma semaphore(%arg17 : memref<!tpu.dma_semaphore, #tpu.memory_space<semaphore_mem>>) src(%dma_wait3A_589 : memref<10240x128xf32, #tpu.memory_space<hbm>>) dst(%dma_wait3A_585 : memref<80x128xf32, #tpu.memory_space<vmem>>)
      %dma_wait3A_590 = tpu.memref_slice %arg4[%add3A_518] : memref<320000xi32, #tpu.memory_space<hbm>> -> memref<80xi32, #tpu.memory_space<hbm>>
      %dma_wait3A_591 = tpu.memref_slice %arg4[%add3A_518] : memref<320000xi32, #tpu.memory_space<hbm>> -> memref<80xi32, #tpu.memory_space<hbm>>
      tpu.wait_dma2 semaphore(%arg14 : memref<!tpu.dma_semaphore, #tpu.memory_space<semaphore_mem>>) src(%dma_wait3A_591 : memref<80xi32, #tpu.memory_space<hbm>>) dst(%arg11 : memref<80xi32, #tpu.memory_space<vmem>>)
      %dma_start3A_592 = arith.constant 80 : i32
      %dma_start3A_593 = arith.constant 0 : i32
      %dma_start3A_594 = tpu.memref_slice %arg7[%dma_start3A_592, %dma_start3A_593] : memref<240x128xf32, #tpu.memory_space<vmem>> -> memref<80x128xf32, #tpu.memory_space<vmem>>
      %dma_start3A_595 = arith.constant 0 : i32
      %dma_start3A_596 = arith.constant 0 : i32
      %dma_start3A_597 = tpu.memref_slice %arg6[%dma_start3A_595, %dma_start3A_596] : memref<10240x128xf32, #tpu.memory_space<vmem_shared>> -> memref<10240x128xf32, #tpu.memory_space<vmem_shared>>
      tpu.enqueue_indirect_dma source(%dma_start3A_594 : memref<80x128xf32, #tpu.memory_space<vmem>>) target(%dma_start3A_597 : memref<10240x128xf32, #tpu.memory_space<vmem_shared>>) offsets(%arg11 : memref<80xi32, #tpu.memory_space<vmem>>) semaphore(%arg20 : memref<!tpu.dma_semaphore, #tpu.memory_space<semaphore_mem>>) {add = true}
      %dma_wait3A_598 = arith.constant 160 : i32
      %dma_wait3A_599 = arith.constant 0 : i32
      %dma_wait3A_600 = tpu.memref_slice %arg7[%dma_wait3A_598, %dma_wait3A_599] : memref<240x128xf32, #tpu.memory_space<vmem>> -> memref<80x128xf32, #tpu.memory_space<vmem>>
      %dma_wait3A_601 = tpu.memref_slice %arg8[%mul3A_560] : memref<10000xi32, #tpu.memory_space<vmem>> -> memref<80xi32, #tpu.memory_space<vmem>>
      %dma_wait3A_602 = arith.constant 0 : i32
      %dma_wait3A_603 = arith.constant 0 : i32
      %dma_wait3A_604 = tpu.memref_slice %arg2[%dma_wait3A_602, %dma_wait3A_603] : memref<10240x128xf32, #tpu.memory_space<hbm>> -> memref<10240x128xf32, #tpu.memory_space<hbm>>
      tpu.wait_indirect_dma semaphore(%arg18 : memref<!tpu.dma_semaphore, #tpu.memory_space<semaphore_mem>>) src(%dma_wait3A_604 : memref<10240x128xf32, #tpu.memory_space<hbm>>) dst(%dma_wait3A_600 : memref<80x128xf32, #tpu.memory_space<vmem>>)
      %dma_wait3A_605 = tpu.memref_slice %arg4[%add3A_552] : memref<320000xi32, #tpu.memory_space<hbm>> -> memref<80xi32, #tpu.memory_space<hbm>>
      %dma_wait3A_606 = tpu.memref_slice %arg4[%add3A_552] : memref<320000xi32, #tpu.memory_space<hbm>> -> memref<80xi32, #tpu.memory_space<hbm>>
      tpu.wait_dma2 semaphore(%arg15 : memref<!tpu.dma_semaphore, #tpu.memory_space<semaphore_mem>>) src(%dma_wait3A_606 : memref<80xi32, #tpu.memory_space<hbm>>) dst(%arg12 : memref<80xi32, #tpu.memory_space<vmem>>)
      %dma_start3A_607 = arith.constant 160 : i32
      %dma_start3A_608 = arith.constant 0 : i32
      %dma_start3A_609 = tpu.memref_slice %arg7[%dma_start3A_607, %dma_start3A_608] : memref<240x128xf32, #tpu.memory_space<vmem>> -> memref<80x128xf32, #tpu.memory_space<vmem>>
      %dma_start3A_610 = arith.constant 0 : i32
      %dma_start3A_611 = arith.constant 0 : i32
      %dma_start3A_612 = tpu.memref_slice %arg6[%dma_start3A_610, %dma_start3A_611] : memref<10240x128xf32, #tpu.memory_space<vmem_shared>> -> memref<10240x128xf32, #tpu.memory_space<vmem_shared>>
      tpu.enqueue_indirect_dma source(%dma_start3A_609 : memref<80x128xf32, #tpu.memory_space<vmem>>) target(%dma_start3A_612 : memref<10240x128xf32, #tpu.memory_space<vmem_shared>>) offsets(%arg12 : memref<80xi32, #tpu.memory_space<vmem>>) semaphore(%arg21 : memref<!tpu.dma_semaphore, #tpu.memory_space<semaphore_mem>>) {add = true}
    }
    %scan3A_291 = arith.constant 40 : i32
    %dma_wait3A_292 = arith.constant 0 : i32
    %dma_wait3A_293 = arith.constant 0 : i32
    %dma_wait3A_294 = tpu.memref_slice %arg7[%dma_wait3A_292, %dma_wait3A_293] : memref<240x128xf32, #tpu.memory_space<vmem>> -> memref<80x128xf32, #tpu.memory_space<vmem>>
    %dma_wait3A_295 = arith.constant 0 : i32
    %dma_wait3A_296 = arith.constant 0 : i32
    %dma_wait3A_297 = tpu.memref_slice %arg2[%dma_wait3A_295, %dma_wait3A_296] : memref<10240x128xf32, #tpu.memory_space<hbm>> -> memref<80x128xf32, #tpu.memory_space<hbm>>
    %dma_wait3A_298 = arith.constant 0 : i32
    %dma_wait3A_299 = arith.constant 0 : i32
    %dma_wait3A_300 = tpu.memref_slice %arg7[%dma_wait3A_298, %dma_wait3A_299] : memref<240x128xf32, #tpu.memory_space<vmem>> -> memref<80x128xf32, #tpu.memory_space<vmem>>
    %dma_wait3A_301 = arith.constant 0 : i32
    %dma_wait3A_302 = arith.constant 0 : i32
    %dma_wait3A_303 = tpu.memref_slice %arg2[%dma_wait3A_301, %dma_wait3A_302] : memref<10240x128xf32, #tpu.memory_space<hbm>> -> memref<80x128xf32, #tpu.memory_space<hbm>>
    tpu.wait_dma2 semaphore(%arg19 : memref<!tpu.dma_semaphore, #tpu.memory_space<semaphore_mem>>) src(%dma_wait3A_303 : memref<80x128xf32, #tpu.memory_space<hbm>>) dst(%dma_wait3A_300 : memref<80x128xf32, #tpu.memory_space<vmem>>)
    %add3A_304 = arith.constant 9840 : i32
    %add3A_305 = arith.addi %mul3A_2, %add3A_304 : i32
    %dma_start3A_306 = tpu.memref_slice %arg4[%add3A_305] : memref<320000xi32, #tpu.memory_space<hbm>> -> memref<80xi32, #tpu.memory_space<hbm>>
    %dma_start3A_307 = tpu.memref_slice %arg4[%add3A_305] : memref<320000xi32, #tpu.memory_space<hbm>> -> memref<80xi32, #tpu.memory_space<hbm>>
    tpu.enqueue_dma source(%dma_start3A_307 : memref<80xi32, #tpu.memory_space<hbm>>) target(%arg10 : memref<80xi32, #tpu.memory_space<vmem>>) target_semaphore(%arg13 : memref<!tpu.dma_semaphore, #tpu.memory_space<semaphore_mem>>)
    %dma_start3A_308 = arith.constant 0 : i32
    %dma_start3A_309 = arith.constant 0 : i32
    %dma_start3A_310 = tpu.memref_slice %arg7[%dma_start3A_308, %dma_start3A_309] : memref<240x128xf32, #tpu.memory_space<vmem>> -> memref<80x128xf32, #tpu.memory_space<vmem>>
    %dma_start3A_311 = arith.constant 9840 : i32
    %dma_start3A_312 = tpu.memref_slice %arg8[%dma_start3A_311] : memref<10000xi32, #tpu.memory_space<vmem>> -> memref<80xi32, #tpu.memory_space<vmem>>
    %dma_start3A_313 = arith.constant 0 : i32
    %dma_start3A_314 = arith.constant 0 : i32
    %dma_start3A_315 = tpu.memref_slice %arg2[%dma_start3A_313, %dma_start3A_314] : memref<10240x128xf32, #tpu.memory_space<hbm>> -> memref<10240x128xf32, #tpu.memory_space<hbm>>
    tpu.enqueue_indirect_dma source(%dma_start3A_315 : memref<10240x128xf32, #tpu.memory_space<hbm>>) target(%dma_start3A_310 : memref<80x128xf32, #tpu.memory_space<vmem>>) offsets(%dma_start3A_312 : memref<80xi32, #tpu.memory_space<vmem>>) semaphore(%arg16 : memref<!tpu.dma_semaphore, #tpu.memory_space<semaphore_mem>>)
    %dma_wait3A_316 = arith.constant 80 : i32
    %dma_wait3A_317 = arith.constant 0 : i32
    %dma_wait3A_318 = tpu.memref_slice %arg7[%dma_wait3A_316, %dma_wait3A_317] : memref<240x128xf32, #tpu.memory_space<vmem>> -> memref<80x128xf32, #tpu.memory_space<vmem>>
    %dma_wait3A_319 = arith.constant 0 : i32
    %dma_wait3A_320 = arith.constant 0 : i32
    %dma_wait3A_321 = tpu.memref_slice %arg2[%dma_wait3A_319, %dma_wait3A_320] : memref<10240x128xf32, #tpu.memory_space<hbm>> -> memref<80x128xf32, #tpu.memory_space<hbm>>
    %dma_wait3A_322 = arith.constant 80 : i32
    %dma_wait3A_323 = arith.constant 0 : i32
    %dma_wait3A_324 = tpu.memref_slice %arg7[%dma_wait3A_322, %dma_wait3A_323] : memref<240x128xf32, #tpu.memory_space<vmem>> -> memref<80x128xf32, #tpu.memory_space<vmem>>
    %dma_wait3A_325 = arith.constant 0 : i32
    %dma_wait3A_326 = arith.constant 0 : i32
    %dma_wait3A_327 = tpu.memref_slice %arg2[%dma_wait3A_325, %dma_wait3A_326] : memref<10240x128xf32, #tpu.memory_space<hbm>> -> memref<80x128xf32, #tpu.memory_space<hbm>>
    tpu.wait_dma2 semaphore(%arg20 : memref<!tpu.dma_semaphore, #tpu.memory_space<semaphore_mem>>) src(%dma_wait3A_327 : memref<80x128xf32, #tpu.memory_space<hbm>>) dst(%dma_wait3A_324 : memref<80x128xf32, #tpu.memory_space<vmem>>)
    %add3A_328 = arith.constant 9920 : i32
    %add3A_329 = arith.addi %mul3A_2, %add3A_328 : i32
    %dma_start3A_330 = tpu.memref_slice %arg4[%add3A_329] : memref<320000xi32, #tpu.memory_space<hbm>> -> memref<80xi32, #tpu.memory_space<hbm>>
    %dma_start3A_331 = tpu.memref_slice %arg4[%add3A_329] : memref<320000xi32, #tpu.memory_space<hbm>> -> memref<80xi32, #tpu.memory_space<hbm>>
    tpu.enqueue_dma source(%dma_start3A_331 : memref<80xi32, #tpu.memory_space<hbm>>) target(%arg11 : memref<80xi32, #tpu.memory_space<vmem>>) target_semaphore(%arg14 : memref<!tpu.dma_semaphore, #tpu.memory_space<semaphore_mem>>)
    %dma_start3A_332 = arith.constant 80 : i32
    %dma_start3A_333 = arith.constant 0 : i32
    %dma_start3A_334 = tpu.memref_slice %arg7[%dma_start3A_332, %dma_start3A_333] : memref<240x128xf32, #tpu.memory_space<vmem>> -> memref<80x128xf32, #tpu.memory_space<vmem>>
    %dma_start3A_335 = arith.constant 9920 : i32
    %dma_start3A_336 = tpu.memref_slice %arg8[%dma_start3A_335] : memref<10000xi32, #tpu.memory_space<vmem>> -> memref<80xi32, #tpu.memory_space<vmem>>
    %dma_start3A_337 = arith.constant 0 : i32
    %dma_start3A_338 = arith.constant 0 : i32
    %dma_start3A_339 = tpu.memref_slice %arg2[%dma_start3A_337, %dma_start3A_338] : memref<10240x128xf32, #tpu.memory_space<hbm>> -> memref<10240x128xf32, #tpu.memory_space<hbm>>
    tpu.enqueue_indirect_dma source(%dma_start3A_339 : memref<10240x128xf32, #tpu.memory_space<hbm>>) target(%dma_start3A_334 : memref<80x128xf32, #tpu.memory_space<vmem>>) offsets(%dma_start3A_336 : memref<80xi32, #tpu.memory_space<vmem>>) semaphore(%arg17 : memref<!tpu.dma_semaphore, #tpu.memory_space<semaphore_mem>>)
    %dma_wait3A_340 = arith.constant 0 : i32
    %dma_wait3A_341 = arith.constant 0 : i32
    %dma_wait3A_342 = tpu.memref_slice %arg7[%dma_wait3A_340, %dma_wait3A_341] : memref<240x128xf32, #tpu.memory_space<vmem>> -> memref<80x128xf32, #tpu.memory_space<vmem>>
    %dma_wait3A_343 = arith.constant 9840 : i32
    %dma_wait3A_344 = tpu.memref_slice %arg8[%dma_wait3A_343] : memref<10000xi32, #tpu.memory_space<vmem>> -> memref<80xi32, #tpu.memory_space<vmem>>
    %dma_wait3A_345 = arith.constant 0 : i32
    %dma_wait3A_346 = arith.constant 0 : i32
    %dma_wait3A_347 = tpu.memref_slice %arg2[%dma_wait3A_345, %dma_wait3A_346] : memref<10240x128xf32, #tpu.memory_space<hbm>> -> memref<10240x128xf32, #tpu.memory_space<hbm>>
    tpu.wait_indirect_dma semaphore(%arg16 : memref<!tpu.dma_semaphore, #tpu.memory_space<semaphore_mem>>) src(%dma_wait3A_347 : memref<10240x128xf32, #tpu.memory_space<hbm>>) dst(%dma_wait3A_342 : memref<80x128xf32, #tpu.memory_space<vmem>>)
    %dma_wait3A_348 = tpu.memref_slice %arg4[%add3A_305] : memref<320000xi32, #tpu.memory_space<hbm>> -> memref<80xi32, #tpu.memory_space<hbm>>
    %dma_wait3A_349 = tpu.memref_slice %arg4[%add3A_305] : memref<320000xi32, #tpu.memory_space<hbm>> -> memref<80xi32, #tpu.memory_space<hbm>>
    tpu.wait_dma2 semaphore(%arg13 : memref<!tpu.dma_semaphore, #tpu.memory_space<semaphore_mem>>) src(%dma_wait3A_349 : memref<80xi32, #tpu.memory_space<hbm>>) dst(%arg10 : memref<80xi32, #tpu.memory_space<vmem>>)
    %dma_start3A_350 = arith.constant 0 : i32
    %dma_start3A_351 = arith.constant 0 : i32
    %dma_start3A_352 = tpu.memref_slice %arg7[%dma_start3A_350, %dma_start3A_351] : memref<240x128xf32, #tpu.memory_space<vmem>> -> memref<80x128xf32, #tpu.memory_space<vmem>>
    %dma_start3A_353 = arith.constant 0 : i32
    %dma_start3A_354 = arith.constant 0 : i32
    %dma_start3A_355 = tpu.memref_slice %arg6[%dma_start3A_353, %dma_start3A_354] : memref<10240x128xf32, #tpu.memory_space<vmem_shared>> -> memref<10240x128xf32, #tpu.memory_space<vmem_shared>>
    tpu.enqueue_indirect_dma source(%dma_start3A_352 : memref<80x128xf32, #tpu.memory_space<vmem>>) target(%dma_start3A_355 : memref<10240x128xf32, #tpu.memory_space<vmem_shared>>) offsets(%arg10 : memref<80xi32, #tpu.memory_space<vmem>>) semaphore(%arg19 : memref<!tpu.dma_semaphore, #tpu.memory_space<semaphore_mem>>) {add = true}
    %dma_wait3A_356 = arith.constant 80 : i32
    %dma_wait3A_357 = arith.constant 0 : i32
    %dma_wait3A_358 = tpu.memref_slice %arg7[%dma_wait3A_356, %dma_wait3A_357] : memref<240x128xf32, #tpu.memory_space<vmem>> -> memref<80x128xf32, #tpu.memory_space<vmem>>
    %dma_wait3A_359 = arith.constant 9920 : i32
    %dma_wait3A_360 = tpu.memref_slice %arg8[%dma_wait3A_359] : memref<10000xi32, #tpu.memory_space<vmem>> -> memref<80xi32, #tpu.memory_space<vmem>>
    %dma_wait3A_361 = arith.constant 0 : i32
    %dma_wait3A_362 = arith.constant 0 : i32
    %dma_wait3A_363 = tpu.memref_slice %arg2[%dma_wait3A_361, %dma_wait3A_362] : memref<10240x128xf32, #tpu.memory_space<hbm>> -> memref<10240x128xf32, #tpu.memory_space<hbm>>
    tpu.wait_indirect_dma semaphore(%arg17 : memref<!tpu.dma_semaphore, #tpu.memory_space<semaphore_mem>>) src(%dma_wait3A_363 : memref<10240x128xf32, #tpu.memory_space<hbm>>) dst(%dma_wait3A_358 : memref<80x128xf32, #tpu.memory_space<vmem>>)
    %dma_wait3A_364 = tpu.memref_slice %arg4[%add3A_329] : memref<320000xi32, #tpu.memory_space<hbm>> -> memref<80xi32, #tpu.memory_space<hbm>>
    %dma_wait3A_365 = tpu.memref_slice %arg4[%add3A_329] : memref<320000xi32, #tpu.memory_space<hbm>> -> memref<80xi32, #tpu.memory_space<hbm>>
    tpu.wait_dma2 semaphore(%arg14 : memref<!tpu.dma_semaphore, #tpu.memory_space<semaphore_mem>>) src(%dma_wait3A_365 : memref<80xi32, #tpu.memory_space<hbm>>) dst(%arg11 : memref<80xi32, #tpu.memory_space<vmem>>)
    %dma_start3A_366 = arith.constant 80 : i32
    %dma_start3A_367 = arith.constant 0 : i32
    %dma_start3A_368 = tpu.memref_slice %arg7[%dma_start3A_366, %dma_start3A_367] : memref<240x128xf32, #tpu.memory_space<vmem>> -> memref<80x128xf32, #tpu.memory_space<vmem>>
    %dma_start3A_369 = arith.constant 0 : i32
    %dma_start3A_370 = arith.constant 0 : i32
    %dma_start3A_371 = tpu.memref_slice %arg6[%dma_start3A_369, %dma_start3A_370] : memref<10240x128xf32, #tpu.memory_space<vmem_shared>> -> memref<10240x128xf32, #tpu.memory_space<vmem_shared>>
    tpu.enqueue_indirect_dma source(%dma_start3A_368 : memref<80x128xf32, #tpu.memory_space<vmem>>) target(%dma_start3A_371 : memref<10240x128xf32, #tpu.memory_space<vmem_shared>>) offsets(%arg11 : memref<80xi32, #tpu.memory_space<vmem>>) semaphore(%arg20 : memref<!tpu.dma_semaphore, #tpu.memory_space<semaphore_mem>>) {add = true}
    %dma_wait3A_372 = arith.constant 0 : i32
    %dma_wait3A_373 = arith.constant 0 : i32
    %dma_wait3A_374 = tpu.memref_slice %arg7[%dma_wait3A_372, %dma_wait3A_373] : memref<240x128xf32, #tpu.memory_space<vmem>> -> memref<80x128xf32, #tpu.memory_space<vmem>>
    %dma_wait3A_375 = arith.constant 0 : i32
    %dma_wait3A_376 = arith.constant 0 : i32
    %dma_wait3A_377 = tpu.memref_slice %arg2[%dma_wait3A_375, %dma_wait3A_376] : memref<10240x128xf32, #tpu.memory_space<hbm>> -> memref<80x128xf32, #tpu.memory_space<hbm>>
    %dma_wait3A_378 = arith.constant 0 : i32
    %dma_wait3A_379 = arith.constant 0 : i32
    %dma_wait3A_380 = tpu.memref_slice %arg7[%dma_wait3A_378, %dma_wait3A_379] : memref<240x128xf32, #tpu.memory_space<vmem>> -> memref<80x128xf32, #tpu.memory_space<vmem>>
    %dma_wait3A_381 = arith.constant 0 : i32
    %dma_wait3A_382 = arith.constant 0 : i32
    %dma_wait3A_383 = tpu.memref_slice %arg2[%dma_wait3A_381, %dma_wait3A_382] : memref<10240x128xf32, #tpu.memory_space<hbm>> -> memref<80x128xf32, #tpu.memory_space<hbm>>
    tpu.wait_dma2 semaphore(%arg19 : memref<!tpu.dma_semaphore, #tpu.memory_space<semaphore_mem>>) src(%dma_wait3A_383 : memref<80x128xf32, #tpu.memory_space<hbm>>) dst(%dma_wait3A_380 : memref<80x128xf32, #tpu.memory_space<vmem>>)
    %dma_wait3A_384 = arith.constant 80 : i32
    %dma_wait3A_385 = arith.constant 0 : i32
    %dma_wait3A_386 = tpu.memref_slice %arg7[%dma_wait3A_384, %dma_wait3A_385] : memref<240x128xf32, #tpu.memory_space<vmem>> -> memref<80x128xf32, #tpu.memory_space<vmem>>
    %dma_wait3A_387 = arith.constant 0 : i32
    %dma_wait3A_388 = arith.constant 0 : i32
    %dma_wait3A_389 = tpu.memref_slice %arg2[%dma_wait3A_387, %dma_wait3A_388] : memref<10240x128xf32, #tpu.memory_space<hbm>> -> memref<80x128xf32, #tpu.memory_space<hbm>>
    %dma_wait3A_390 = arith.constant 80 : i32
    %dma_wait3A_391 = arith.constant 0 : i32
    %dma_wait3A_392 = tpu.memref_slice %arg7[%dma_wait3A_390, %dma_wait3A_391] : memref<240x128xf32, #tpu.memory_space<vmem>> -> memref<80x128xf32, #tpu.memory_space<vmem>>
    %dma_wait3A_393 = arith.constant 0 : i32
    %dma_wait3A_394 = arith.constant 0 : i32
    %dma_wait3A_395 = tpu.memref_slice %arg2[%dma_wait3A_393, %dma_wait3A_394] : memref<10240x128xf32, #tpu.memory_space<hbm>> -> memref<80x128xf32, #tpu.memory_space<hbm>>
    tpu.wait_dma2 semaphore(%arg20 : memref<!tpu.dma_semaphore, #tpu.memory_space<semaphore_mem>>) src(%dma_wait3A_395 : memref<80x128xf32, #tpu.memory_space<hbm>>) dst(%dma_wait3A_392 : memref<80x128xf32, #tpu.memory_space<vmem>>)
    %dma_wait3A_396 = arith.constant 160 : i32
    %dma_wait3A_397 = arith.constant 0 : i32
    %dma_wait3A_398 = tpu.memref_slice %arg7[%dma_wait3A_396, %dma_wait3A_397] : memref<240x128xf32, #tpu.memory_space<vmem>> -> memref<80x128xf32, #tpu.memory_space<vmem>>
    %dma_wait3A_399 = arith.constant 0 : i32
    %dma_wait3A_400 = arith.constant 0 : i32
    %dma_wait3A_401 = tpu.memref_slice %arg2[%dma_wait3A_399, %dma_wait3A_400] : memref<10240x128xf32, #tpu.memory_space<hbm>> -> memref<80x128xf32, #tpu.memory_space<hbm>>
    %dma_wait3A_402 = arith.constant 160 : i32
    %dma_wait3A_403 = arith.constant 0 : i32
    %dma_wait3A_404 = tpu.memref_slice %arg7[%dma_wait3A_402, %dma_wait3A_403] : memref<240x128xf32, #tpu.memory_space<vmem>> -> memref<80x128xf32, #tpu.memory_space<vmem>>
    %dma_wait3A_405 = arith.constant 0 : i32
    %dma_wait3A_406 = arith.constant 0 : i32
    %dma_wait3A_407 = tpu.memref_slice %arg2[%dma_wait3A_405, %dma_wait3A_406] : memref<10240x128xf32, #tpu.memory_space<hbm>> -> memref<80x128xf32, #tpu.memory_space<hbm>>
    tpu.wait_dma2 semaphore(%arg21 : memref<!tpu.dma_semaphore, #tpu.memory_space<semaphore_mem>>) src(%dma_wait3A_407 : memref<80x128xf32, #tpu.memory_space<hbm>>) dst(%dma_wait3A_404 : memref<80x128xf32, #tpu.memory_space<vmem>>)
    %barrier3A_408 = arith.constant 0 : index
    tpu.barrier barrier_id(%barrier3A_408)
    %mul3A_409 = arith.constant 640 : i32
    %mul3A_410 = arith.muli %mul3A_409, %arg1 : i32
    %add3A_411 = arith.constant 0 : i32
    %add3A_412 = arith.addi %mul3A_410, %add3A_411 : i32
    %dma_start3A_413 = arith.constant 0 : i32
    %dma_start3A_414 = tpu.memref_slice %arg5[%arg0, %add3A_412, %dma_start3A_413] : memref<2x10240x128xf32, #tpu.memory_space<hbm>> -> memref<1x160x128xf32, #tpu.memory_space<hbm>>
    %dma_start3A_415 = tpu.memref_squeeze %dma_start3A_414 : memref<1x160x128xf32, #tpu.memory_space<hbm>> -> memref<160x128xf32, #tpu.memory_space<hbm>>
    %dma_start3A_416 = arith.constant 0 : i32
    %dma_start3A_417 = tpu.memref_slice %arg6[%add3A_412, %dma_start3A_416] : memref<10240x128xf32, #tpu.memory_space<vmem_shared>> -> memref<160x128xf32, #tpu.memory_space<vmem_shared>>
    tpu.enqueue_dma source(%dma_start3A_417 : memref<160x128xf32, #tpu.memory_space<vmem_shared>>) target(%dma_start3A_415 : memref<160x128xf32, #tpu.memory_space<hbm>>) target_semaphore(%arg16 : memref<!tpu.dma_semaphore, #tpu.memory_space<semaphore_mem>>)
    %mul3A_418 = arith.constant 640 : i32
    %mul3A_419 = arith.muli %mul3A_418, %arg1 : i32
    %add3A_420 = arith.constant 160 : i32
    %add3A_421 = arith.addi %mul3A_419, %add3A_420 : i32
    %dma_start3A_422 = arith.constant 0 : i32
    %dma_start3A_423 = tpu.memref_slice %arg5[%arg0, %add3A_421, %dma_start3A_422] : memref<2x10240x128xf32, #tpu.memory_space<hbm>> -> memref<1x160x128xf32, #tpu.memory_space<hbm>>
    %dma_start3A_424 = tpu.memref_squeeze %dma_start3A_423 : memref<1x160x128xf32, #tpu.memory_space<hbm>> -> memref<160x128xf32, #tpu.memory_space<hbm>>
    %dma_start3A_425 = arith.constant 0 : i32
    %dma_start3A_426 = tpu.memref_slice %arg6[%add3A_421, %dma_start3A_425] : memref<10240x128xf32, #tpu.memory_space<vmem_shared>> -> memref<160x128xf32, #tpu.memory_space<vmem_shared>>
    tpu.enqueue_dma source(%dma_start3A_426 : memref<160x128xf32, #tpu.memory_space<vmem_shared>>) target(%dma_start3A_424 : memref<160x128xf32, #tpu.memory_space<hbm>>) target_semaphore(%arg17 : memref<!tpu.dma_semaphore, #tpu.memory_space<semaphore_mem>>)
    %mul3A_427 = arith.constant 640 : i32
    %mul3A_428 = arith.muli %mul3A_427, %arg1 : i32
    %add3A_429 = arith.constant 320 : i32
    %add3A_430 = arith.addi %mul3A_428, %add3A_429 : i32
    %dma_start3A_431 = arith.constant 0 : i32
    %dma_start3A_432 = tpu.memref_slice %arg5[%arg0, %add3A_430, %dma_start3A_431] : memref<2x10240x128xf32, #tpu.memory_space<hbm>> -> memref<1x160x128xf32, #tpu.memory_space<hbm>>
    %dma_start3A_433 = tpu.memref_squeeze %dma_start3A_432 : memref<1x160x128xf32, #tpu.memory_space<hbm>> -> memref<160x128xf32, #tpu.memory_space<hbm>>
    %dma_start3A_434 = arith.constant 0 : i32
    %dma_start3A_435 = tpu.memref_slice %arg6[%add3A_430, %dma_start3A_434] : memref<10240x128xf32, #tpu.memory_space<vmem_shared>> -> memref<160x128xf32, #tpu.memory_space<vmem_shared>>
    tpu.enqueue_dma source(%dma_start3A_435 : memref<160x128xf32, #tpu.memory_space<vmem_shared>>) target(%dma_start3A_433 : memref<160x128xf32, #tpu.memory_space<hbm>>) target_semaphore(%arg18 : memref<!tpu.dma_semaphore, #tpu.memory_space<semaphore_mem>>)
    %mul3A_436 = arith.constant 640 : i32
    %mul3A_437 = arith.muli %mul3A_436, %arg1 : i32
    %add3A_438 = arith.constant 480 : i32
    %add3A_439 = arith.addi %mul3A_437, %add3A_438 : i32
    %dma_start3A_440 = arith.constant 0 : i32
    %dma_start3A_441 = tpu.memref_slice %arg5[%arg0, %add3A_439, %dma_start3A_440] : memref<2x10240x128xf32, #tpu.memory_space<hbm>> -> memref<1x160x128xf32, #tpu.memory_space<hbm>>
    %dma_start3A_442 = tpu.memref_squeeze %dma_start3A_441 : memref<1x160x128xf32, #tpu.memory_space<hbm>> -> memref<160x128xf32, #tpu.memory_space<hbm>>
    %dma_start3A_443 = arith.constant 0 : i32
    %dma_start3A_444 = tpu.memref_slice %arg6[%add3A_439, %dma_start3A_443] : memref<10240x128xf32, #tpu.memory_space<vmem_shared>> -> memref<160x128xf32, #tpu.memory_space<vmem_shared>>
    tpu.enqueue_dma source(%dma_start3A_444 : memref<160x128xf32, #tpu.memory_space<vmem_shared>>) target(%dma_start3A_442 : memref<160x128xf32, #tpu.memory_space<hbm>>) target_semaphore(%arg16 : memref<!tpu.dma_semaphore, #tpu.memory_space<semaphore_mem>>)
    %dma_wait3A_445 = arith.constant 0 : i32
    %dma_wait3A_446 = tpu.memref_slice %arg5[%arg0, %add3A_412, %dma_wait3A_445] : memref<2x10240x128xf32, #tpu.memory_space<hbm>> -> memref<1x160x128xf32, #tpu.memory_space<hbm>>
    %dma_wait3A_447 = tpu.memref_squeeze %dma_wait3A_446 : memref<1x160x128xf32, #tpu.memory_space<hbm>> -> memref<160x128xf32, #tpu.memory_space<hbm>>
    %dma_wait3A_448 = arith.constant 0 : i32
    %dma_wait3A_449 = tpu.memref_slice %arg6[%add3A_412, %dma_wait3A_448] : memref<10240x128xf32, #tpu.memory_space<vmem_shared>> -> memref<160x128xf32, #tpu.memory_space<vmem_shared>>
    tpu.wait_dma2 semaphore(%arg16 : memref<!tpu.dma_semaphore, #tpu.memory_space<semaphore_mem>>) src(%dma_wait3A_449 : memref<160x128xf32, #tpu.memory_space<vmem_shared>>) dst(%dma_wait3A_447 : memref<160x128xf32, #tpu.memory_space<hbm>>)
    %dma_wait3A_450 = arith.constant 0 : i32
    %dma_wait3A_451 = tpu.memref_slice %arg5[%arg0, %add3A_421, %dma_wait3A_450] : memref<2x10240x128xf32, #tpu.memory_space<hbm>> -> memref<1x160x128xf32, #tpu.memory_space<hbm>>
    %dma_wait3A_452 = tpu.memref_squeeze %dma_wait3A_451 : memref<1x160x128xf32, #tpu.memory_space<hbm>> -> memref<160x128xf32, #tpu.memory_space<hbm>>
    %dma_wait3A_453 = arith.constant 0 : i32
    %dma_wait3A_454 = tpu.memref_slice %arg6[%add3A_421, %dma_wait3A_453] : memref<10240x128xf32, #tpu.memory_space<vmem_shared>> -> memref<160x128xf32, #tpu.memory_space<vmem_shared>>
    tpu.wait_dma2 semaphore(%arg17 : memref<!tpu.dma_semaphore, #tpu.memory_space<semaphore_mem>>) src(%dma_wait3A_454 : memref<160x128xf32, #tpu.memory_space<vmem_shared>>) dst(%dma_wait3A_452 : memref<160x128xf32, #tpu.memory_space<hbm>>)
    %dma_wait3A_455 = arith.constant 0 : i32
    %dma_wait3A_456 = tpu.memref_slice %arg5[%arg0, %add3A_430, %dma_wait3A_455] : memref<2x10240x128xf32, #tpu.memory_space<hbm>> -> memref<1x160x128xf32, #tpu.memory_space<hbm>>
    %dma_wait3A_457 = tpu.memref_squeeze %dma_wait3A_456 : memref<1x160x128xf32, #tpu.memory_space<hbm>> -> memref<160x128xf32, #tpu.memory_space<hbm>>
    %dma_wait3A_458 = arith.constant 0 : i32
    %dma_wait3A_459 = tpu.memref_slice %arg6[%add3A_430, %dma_wait3A_458] : memref<10240x128xf32, #tpu.memory_space<vmem_shared>> -> memref<160x128xf32, #tpu.memory_space<vmem_shared>>
    tpu.wait_dma2 semaphore(%arg18 : memref<!tpu.dma_semaphore, #tpu.memory_space<semaphore_mem>>) src(%dma_wait3A_459 : memref<160x128xf32, #tpu.memory_space<vmem_shared>>) dst(%dma_wait3A_457 : memref<160x128xf32, #tpu.memory_space<hbm>>)
    %dma_wait3A_460 = arith.constant 0 : i32
    %dma_wait3A_461 = tpu.memref_slice %arg5[%arg0, %add3A_439, %dma_wait3A_460] : memref<2x10240x128xf32, #tpu.memory_space<hbm>> -> memref<1x160x128xf32, #tpu.memory_space<hbm>>
    %dma_wait3A_462 = tpu.memref_squeeze %dma_wait3A_461 : memref<1x160x128xf32, #tpu.memory_space<hbm>> -> memref<160x128xf32, #tpu.memory_space<hbm>>
    %dma_wait3A_463 = arith.constant 0 : i32
    %dma_wait3A_464 = tpu.memref_slice %arg6[%add3A_439, %dma_wait3A_463] : memref<10240x128xf32, #tpu.memory_space<vmem_shared>> -> memref<160x128xf32, #tpu.memory_space<vmem_shared>>
    tpu.wait_dma2 semaphore(%arg16 : memref<!tpu.dma_semaphore, #tpu.memory_space<semaphore_mem>>) src(%dma_wait3A_464 : memref<160x128xf32, #tpu.memory_space<vmem_shared>>) dst(%dma_wait3A_462 : memref<160x128xf32, #tpu.memory_space<hbm>>)
    return
  }
}

module attributes {stable_mosaic.version = 14 : i64} {
  func.func @_mlp_body(%arg0: i32, %arg1: memref<2048x128xf32, #tpu.memory_space<vmem>>, %arg2: memref<128x128xf32, #tpu.memory_space<vmem>>, %arg3: memref<1x128xf32, #tpu.memory_space<vmem>>, %arg4: memref<128x128xf32, #tpu.memory_space<vmem>>, %arg5: memref<1x128xf32, #tpu.memory_space<vmem>>, %arg6: memref<2x10240xf32, #tpu.memory_space<vmem>>, %arg7: memref<2048x128xf32, #tpu.memory_space<vmem>>, %arg8: memref<2048x128xf32, #tpu.memory_space<vmem>>) attributes {dimension_semantics = [#tpu.dimension_semantics<arbitrary>], iteration_bounds = array<i64: 5>, scalar_prefetch = 0 : i64, scratch_operands = 0 : i64, tpu.core_type = #tpu.core_type<tc>, window_params = [{transform_indices = @transform_0, window_bounds = array<i64: 2048, 128>}, {pipeline_mode = #tpu.pipeline_mode<synchronous>, transform_indices = @transform_1, window_bounds = array<i64: 128, 128>}, {pipeline_mode = #tpu.pipeline_mode<synchronous>, transform_indices = @transform_2, window_bounds = array<i64: 1, 128>}, {pipeline_mode = #tpu.pipeline_mode<synchronous>, transform_indices = @transform_3, window_bounds = array<i64: 128, 128>}, {pipeline_mode = #tpu.pipeline_mode<synchronous>, transform_indices = @transform_4, window_bounds = array<i64: 1, 128>}, {pipeline_mode = #tpu.pipeline_mode<synchronous>, transform_indices = @transform_5, window_bounds = array<i64: 2, 10240>}, {transform_indices = @transform_6, window_bounds = array<i64: 2048, 128>}, {transform_indices = @transform_7, window_bounds = array<i64: 2048, 128>}]} {
    %get3A = arith.constant 0 : index
    %get3A_0 = arith.constant 0 : index
    %get3A_1 = vector.load %arg1[%get3A, %get3A_0] : memref<2048x128xf32, #tpu.memory_space<vmem>>, vector<2048x128xf32>
    %get3A_2 = arith.constant 0 : index
    %get3A_3 = arith.constant 0 : index
    %get3A_4 = vector.load %arg2[%get3A_2, %get3A_3] : memref<128x128xf32, #tpu.memory_space<vmem>>, vector<128x128xf32>
    %dot_general3A = arith.constant dense<0.000000e+00> : vector<2048x128xf32>
    %dot_general3A_5 = tpu.matmul %get3A_1, %get3A_4, %dot_general3A {dimension_numbers = #tpu.dot_dimension_numbers<[1], [1], [0], [0], [0, 0, 1, 0], [], []>, transpose_lhs_hint = false} : vector<2048x128xf32>, vector<128x128xf32>, vector<2048x128xf32> -> vector<2048x128xf32>
    %get3A_6 = arith.constant 0 : index
    %get3A_7 = arith.constant 0 : index
    %get3A_8 = vector.load %arg3[%get3A_6, %get3A_7] : memref<1x128xf32, #tpu.memory_space<vmem>>, vector<1x128xf32>
    %add3A = vector.broadcast %get3A_8 : vector<1x128xf32> to vector<2048x128xf32>
    %add3A_9 = arith.addf %dot_general3A_5, %add3A : vector<2048x128xf32>
    %max3A = arith.constant 0.000000e+00 : f32
    %max3A_10 = vector.broadcast %max3A : f32 to vector<2048x128xf32>
    %max3A_11 = arith.maximumf %add3A_9, %max3A_10 : vector<2048x128xf32>
    %get3A_12 = arith.constant 0 : index
    %get3A_13 = arith.constant 0 : index
    %get3A_14 = vector.load %arg4[%get3A_12, %get3A_13] : memref<128x128xf32, #tpu.memory_space<vmem>>, vector<128x128xf32>
    %dot_general3A_15 = arith.constant dense<0.000000e+00> : vector<2048x128xf32>
    %dot_general3A_16 = tpu.matmul %max3A_11, %get3A_14, %dot_general3A_15 {dimension_numbers = #tpu.dot_dimension_numbers<[1], [1], [0], [0], [0, 0, 1, 0], [], []>, transpose_lhs_hint = false} : vector<2048x128xf32>, vector<128x128xf32>, vector<2048x128xf32> -> vector<2048x128xf32>
    %get3A_17 = arith.constant 0 : index
    %get3A_18 = arith.constant 0 : index
    %get3A_19 = vector.load %arg5[%get3A_17, %get3A_18] : memref<1x128xf32, #tpu.memory_space<vmem>>, vector<1x128xf32>
    %add3A_20 = vector.broadcast %get3A_19 : vector<1x128xf32> to vector<2048x128xf32>
    %add3A_21 = arith.addf %dot_general3A_16, %add3A_20 : vector<2048x128xf32>
    %swap3A = arith.constant 0 : index
    %swap3A_22 = arith.constant 0 : index
    %swap3A_23 = vector.load %arg7[%swap3A, %swap3A_22] : memref<2048x128xf32, #tpu.memory_space<vmem>>, vector<2048x128xf32>
    tpu.vector_store %arg7[%swap3A, %swap3A_22], %add3A_21 {strides = array<i32>} : memref<2048x128xf32, #tpu.memory_space<vmem>>, vector<2048x128xf32>,
    %mul3A = arith.constant 2048 : i32
    %mul3A_24 = arith.muli %arg0, %mul3A : i32
    %get3A_25 = arith.constant 0 : index
    %get3A_26 = arith.index_cast %mul3A_24 : i32 to index
    %get3A_27 = vector.load %arg6[%get3A_25, %get3A_26] : memref<2x10240xf32, #tpu.memory_space<vmem>>, vector<2x2048xf32>
    %reduce_sum3A = arith.constant dense<0.000000e+00> : vector<2048xf32>
    %reduce_sum3A_28 = vector.multi_reduction <add>, %get3A_27, %reduce_sum3A [0] : vector<2x2048xf32> to vector<2048xf32>
    %gt3A = arith.constant 0.000000e+00 : f32
    %gt3A_29 = vector.broadcast %gt3A : f32 to vector<2048xf32>
    %gt3A_30 = arith.cmpf ogt, %reduce_sum3A_28, %gt3A_29 : vector<2048xf32>
    %rsqrt3A = math.rsqrt %reduce_sum3A_28 : vector<2048xf32>
    %jit3A = arith.constant 0.000000e+00 : f32
    %broadcast_in_dim3A = vector.broadcast %jit3A : f32 to vector<2048xf32>
    %select_n3A = arith.select %gt3A_30, %rsqrt3A, %broadcast_in_dim3A : vector<2048xi1>, vector<2048xf32>
    %broadcast_in_dim3A_31 = vector.shape_cast %select_n3A : vector<2048xf32> to vector<2048x1xf32>
    %mul3A_32 = vector.broadcast %broadcast_in_dim3A_31 : vector<2048x1xf32> to vector<2048x128xf32>
    %mul3A_33 = arith.mulf %add3A_21, %mul3A_32 : vector<2048x128xf32>
    %swap3A_34 = arith.constant 0 : index
    %swap3A_35 = arith.constant 0 : index
    %swap3A_36 = vector.load %arg8[%swap3A_34, %swap3A_35] : memref<2048x128xf32, #tpu.memory_space<vmem>>, vector<2048x128xf32>
    tpu.vector_store %arg8[%swap3A_34, %swap3A_35], %mul3A_33 {strides = array<i32>} : memref<2048x128xf32, #tpu.memory_space<vmem>>, vector<2048x128xf32>,
    return
  }
  func.func @transform_0(%arg0: i32) -> (i32, i32) {
    %c0_i32 = arith.constant 0 : i32
    %c0_i32_0 = arith.constant 0 : i32
    return %arg0, %c0_i32 : i32, i32
  }
  func.func @transform_1(%arg0: i32) -> (i32, i32) {
    %c0_i32 = arith.constant 0 : i32
    %c0_i32_0 = arith.constant 0 : i32
    %c0_i32_1 = arith.constant 0 : i32
    return %c0_i32, %c0_i32_0 : i32, i32
  }
  func.func @transform_2(%arg0: i32) -> (i32, i32) {
    %c0_i32 = arith.constant 0 : i32
    %c0_i32_0 = arith.constant 0 : i32
    %c0_i32_1 = arith.constant 0 : i32
    return %c0_i32, %c0_i32_0 : i32, i32
  }
  func.func @transform_3(%arg0: i32) -> (i32, i32) {
    %c0_i32 = arith.constant 0 : i32
    %c0_i32_0 = arith.constant 0 : i32
    %c0_i32_1 = arith.constant 0 : i32
    return %c0_i32, %c0_i32_0 : i32, i32
  }
  func.func @transform_4(%arg0: i32) -> (i32, i32) {
    %c0_i32 = arith.constant 0 : i32
    %c0_i32_0 = arith.constant 0 : i32
    %c0_i32_1 = arith.constant 0 : i32
    return %c0_i32, %c0_i32_0 : i32, i32
  }
  func.func @transform_5(%arg0: i32) -> (i32, i32) {
    %c0_i32 = arith.constant 0 : i32
    %c0_i32_0 = arith.constant 0 : i32
    %c0_i32_1 = arith.constant 0 : i32
    return %c0_i32, %c0_i32_0 : i32, i32
  }
  func.func @transform_6(%arg0: i32) -> (i32, i32) {
    %c0_i32 = arith.constant 0 : i32
    %c0_i32_0 = arith.constant 0 : i32
    return %arg0, %c0_i32 : i32, i32
  }
  func.func @transform_7(%arg0: i32) -> (i32, i32) {
    %c0_i32 = arith.constant 0 : i32
    %c0_i32_0 = arith.constant 0 : i32
    return %arg0, %c0_i32 : i32, i32
  }
}

module attributes {stable_mosaic.version = 14 : i64} {
  func.func @_scale_body(%arg0: i32, %arg1: memref<2x2048x128xf32, #tpu.memory_space<vmem>>, %arg2: memref<2x10240xf32, #tpu.memory_space<vmem>>, %arg3: memref<2048x128xf32, #tpu.memory_space<vmem>>) attributes {dimension_semantics = [#tpu.dimension_semantics<arbitrary>], iteration_bounds = array<i64: 5>, scalar_prefetch = 0 : i64, scratch_operands = 0 : i64, tpu.core_type = #tpu.core_type<tc>, window_params = [{transform_indices = @transform_0, window_bounds = array<i64: 2, 2048, 128>}, {pipeline_mode = #tpu.pipeline_mode<synchronous>, transform_indices = @transform_1, window_bounds = array<i64: 2, 10240>}, {transform_indices = @transform_2, window_bounds = array<i64: 2048, 128>}]} {
    %get3A = arith.constant 0 : index
    %get3A_0 = arith.constant 0 : index
    %get3A_1 = arith.constant 0 : index
    %get3A_2 = vector.load %arg1[%get3A, %get3A_0, %get3A_1] : memref<2x2048x128xf32, #tpu.memory_space<vmem>>, vector<1x2048x128xf32>
    %get3A_3 = vector.shape_cast %get3A_2 : vector<1x2048x128xf32> to vector<2048x128xf32>
    %get3A_4 = arith.constant 1 : index
    %get3A_5 = arith.constant 0 : index
    %get3A_6 = arith.constant 0 : index
    %get3A_7 = vector.load %arg1[%get3A_4, %get3A_5, %get3A_6] : memref<2x2048x128xf32, #tpu.memory_space<vmem>>, vector<1x2048x128xf32>
    %get3A_8 = vector.shape_cast %get3A_7 : vector<1x2048x128xf32> to vector<2048x128xf32>
    %add3A = arith.addf %get3A_3, %get3A_8 : vector<2048x128xf32>
    %mul3A = arith.constant 2048 : i32
    %mul3A_9 = arith.muli %arg0, %mul3A : i32
    %get3A_10 = arith.constant 0 : index
    %get3A_11 = arith.index_cast %mul3A_9 : i32 to index
    %get3A_12 = vector.load %arg2[%get3A_10, %get3A_11] : memref<2x10240xf32, #tpu.memory_space<vmem>>, vector<2x2048xf32>
    %reduce_sum3A = arith.constant dense<0.000000e+00> : vector<2048xf32>
    %reduce_sum3A_13 = vector.multi_reduction <add>, %get3A_12, %reduce_sum3A [0] : vector<2x2048xf32> to vector<2048xf32>
    %gt3A = arith.constant 0.000000e+00 : f32
    %gt3A_14 = vector.broadcast %gt3A : f32 to vector<2048xf32>
    %gt3A_15 = arith.cmpf ogt, %reduce_sum3A_13, %gt3A_14 : vector<2048xf32>
    %div3A = arith.constant 1.000000e+00 : f32
    %div3A_16 = vector.broadcast %div3A : f32 to vector<2048xf32>
    %div3A_17 = arith.divf %div3A_16, %reduce_sum3A_13 : vector<2048xf32>
    %jit3A = arith.constant 0.000000e+00 : f32
    %broadcast_in_dim3A = vector.broadcast %jit3A : f32 to vector<2048xf32>
    %select_n3A = arith.select %gt3A_15, %div3A_17, %broadcast_in_dim3A : vector<2048xi1>, vector<2048xf32>
    %broadcast_in_dim3A_18 = vector.shape_cast %select_n3A : vector<2048xf32> to vector<2048x1xf32>
    %mul3A_19 = vector.broadcast %broadcast_in_dim3A_18 : vector<2048x1xf32> to vector<2048x128xf32>
    %mul3A_20 = arith.mulf %add3A, %mul3A_19 : vector<2048x128xf32>
    %swap3A = arith.constant 0 : index
    %swap3A_21 = arith.constant 0 : index
    %swap3A_22 = vector.load %arg3[%swap3A, %swap3A_21] : memref<2048x128xf32, #tpu.memory_space<vmem>>, vector<2048x128xf32>
    tpu.vector_store %arg3[%swap3A, %swap3A_21], %mul3A_20 {strides = array<i32>} : memref<2048x128xf32, #tpu.memory_space<vmem>>, vector<2048x128xf32>,
    return
  }
  func.func @transform_0(%arg0: i32) -> (i32, i32, i32) {
    %c0_i32 = arith.constant 0 : i32
    %c0_i32_0 = arith.constant 0 : i32
    %c0_i32_1 = arith.constant 0 : i32
    return %c0_i32, %arg0, %c0_i32_0 : i32, i32, i32
  }
  func.func @transform_1(%arg0: i32) -> (i32, i32) {
    %c0_i32 = arith.constant 0 : i32
    %c0_i32_0 = arith.constant 0 : i32
    %c0_i32_1 = arith.constant 0 : i32
    return %c0_i32, %c0_i32_0 : i32, i32
  }
  func.func @transform_2(%arg0: i32) -> (i32, i32) {
    %c0_i32 = arith.constant 0 : i32
    %c0_i32_0 = arith.constant 0 : i32
    return %arg0, %c0_i32 : i32, i32
  }
}

module attributes {stable_mosaic.version = 14 : i64} {
  func.func @_final_body(%arg0: i32, %arg1: memref<2x2048x128xf32, #tpu.memory_space<vmem>>, %arg2: memref<2x10240xf32, #tpu.memory_space<vmem>>, %arg3: memref<2048x128xf32, #tpu.memory_space<vmem>>, %arg4: memref<2048x128xf32, #tpu.memory_space<vmem>>) attributes {dimension_semantics = [#tpu.dimension_semantics<arbitrary>], iteration_bounds = array<i64: 5>, scalar_prefetch = 0 : i64, scratch_operands = 0 : i64, tpu.core_type = #tpu.core_type<tc>, window_params = [{transform_indices = @transform_0, window_bounds = array<i64: 2, 2048, 128>}, {pipeline_mode = #tpu.pipeline_mode<synchronous>, transform_indices = @transform_1, window_bounds = array<i64: 2, 10240>}, {transform_indices = @transform_2, window_bounds = array<i64: 2048, 128>}, {transform_indices = @transform_3, window_bounds = array<i64: 2048, 128>}]} {
    %get3A = arith.constant 0 : index
    %get3A_0 = arith.constant 0 : index
    %get3A_1 = arith.constant 0 : index
    %get3A_2 = vector.load %arg1[%get3A, %get3A_0, %get3A_1] : memref<2x2048x128xf32, #tpu.memory_space<vmem>>, vector<1x2048x128xf32>
    %get3A_3 = vector.shape_cast %get3A_2 : vector<1x2048x128xf32> to vector<2048x128xf32>
    %get3A_4 = arith.constant 1 : index
    %get3A_5 = arith.constant 0 : index
    %get3A_6 = arith.constant 0 : index
    %get3A_7 = vector.load %arg1[%get3A_4, %get3A_5, %get3A_6] : memref<2x2048x128xf32, #tpu.memory_space<vmem>>, vector<1x2048x128xf32>
    %get3A_8 = vector.shape_cast %get3A_7 : vector<1x2048x128xf32> to vector<2048x128xf32>
    %add3A = arith.addf %get3A_3, %get3A_8 : vector<2048x128xf32>
    %mul3A = arith.constant 2048 : i32
    %mul3A_9 = arith.muli %arg0, %mul3A : i32
    %get3A_10 = arith.constant 0 : index
    %get3A_11 = arith.index_cast %mul3A_9 : i32 to index
    %get3A_12 = vector.load %arg2[%get3A_10, %get3A_11] : memref<2x10240xf32, #tpu.memory_space<vmem>>, vector<2x2048xf32>
    %reduce_sum3A = arith.constant dense<0.000000e+00> : vector<2048xf32>
    %reduce_sum3A_13 = vector.multi_reduction <add>, %get3A_12, %reduce_sum3A [0] : vector<2x2048xf32> to vector<2048xf32>
    %gt3A = arith.constant 0.000000e+00 : f32
    %gt3A_14 = vector.broadcast %gt3A : f32 to vector<2048xf32>
    %gt3A_15 = arith.cmpf ogt, %reduce_sum3A_13, %gt3A_14 : vector<2048xf32>
    %rsqrt3A = math.rsqrt %reduce_sum3A_13 : vector<2048xf32>
    %jit3A = arith.constant 0.000000e+00 : f32
    %broadcast_in_dim3A = vector.broadcast %jit3A : f32 to vector<2048xf32>
    %select_n3A = arith.select %gt3A_15, %rsqrt3A, %broadcast_in_dim3A : vector<2048xi1>, vector<2048xf32>
    %get3A_16 = arith.constant 0 : index
    %get3A_17 = arith.constant 0 : index
    %get3A_18 = vector.load %arg3[%get3A_16, %get3A_17] : memref<2048x128xf32, #tpu.memory_space<vmem>>, vector<2048x128xf32>
    %mul3A_19 = arith.constant 1.000000e-01 : f32
    %mul3A_20 = vector.broadcast %mul3A_19 : f32 to vector<2048x128xf32>
    %mul3A_21 = arith.mulf %mul3A_20, %get3A_18 : vector<2048x128xf32>
    %broadcast_in_dim3A_22 = vector.shape_cast %select_n3A : vector<2048xf32> to vector<2048x1xf32>
    %mul3A_23 = vector.broadcast %broadcast_in_dim3A_22 : vector<2048x1xf32> to vector<2048x128xf32>
    %mul3A_24 = arith.mulf %add3A, %mul3A_23 : vector<2048x128xf32>
    %mul3A_25 = arith.constant 8.100000e-02 : f32
    %mul3A_26 = vector.broadcast %mul3A_25 : f32 to vector<2048x128xf32>
    %mul3A_27 = arith.mulf %mul3A_26, %mul3A_24 : vector<2048x128xf32>
    %add3A_28 = arith.addf %mul3A_21, %mul3A_27 : vector<2048x128xf32>
    %swap3A = arith.constant 0 : index
    %swap3A_29 = arith.constant 0 : index
    %swap3A_30 = vector.load %arg4[%swap3A, %swap3A_29] : memref<2048x128xf32, #tpu.memory_space<vmem>>, vector<2048x128xf32>
    tpu.vector_store %arg4[%swap3A, %swap3A_29], %add3A_28 {strides = array<i32>} : memref<2048x128xf32, #tpu.memory_space<vmem>>, vector<2048x128xf32>,
    return
  }
  func.func @transform_0(%arg0: i32) -> (i32, i32, i32) {
    %c0_i32 = arith.constant 0 : i32
    %c0_i32_0 = arith.constant 0 : i32
    %c0_i32_1 = arith.constant 0 : i32
    return %c0_i32, %arg0, %c0_i32_0 : i32, i32, i32
  }
  func.func @transform_1(%arg0: i32) -> (i32, i32) {
    %c0_i32 = arith.constant 0 : i32
    %c0_i32_0 = arith.constant 0 : i32
    %c0_i32_1 = arith.constant 0 : i32
    return %c0_i32, %c0_i32_0 : i32, i32
  }
  func.func @transform_2(%arg0: i32) -> (i32, i32) {
    %c0_i32 = arith.constant 0 : i32
    %c0_i32_0 = arith.constant 0 : i32
    return %arg0, %c0_i32 : i32, i32
  }
  func.func @transform_3(%arg0: i32) -> (i32, i32) {
    %c0_i32 = arith.constant 0 : i32
    %c0_i32_0 = arith.constant 0 : i32
    return %arg0, %c0_i32 : i32, i32
  }
}

</mosaic_0001>

<sc_bundles>
// kernel: kernel.11.cloned.1.call-start
scs
__scs_entry_jumppad:
0x0: {  	(pc) =	sbr.rel $0x88, $3  }
0x1: {  	(tag) =	ssettag $0x0;
	lr =	simm.s32 $0x1  }
0x2: {  	[smem:$0x3F9B] =	sst lr;
	_ =	strace $0xD0000000  }
0x3: {  	_ = 	snop  }
0x4: {  	_ = 	snop  }
0x5: {  	_ = 	snop  }
0x6: {  	_ = 	snop  }
0x7: {  	_ = 	snop  }
__scs_overlays_trampoline_lowered:
0x8: {  	[smem:$0x3FAA] =	sst s0  }
0x9: {  	[smem:$0x3FAB] =	sst s1  }
0xa: {  	[smem:$0x3FAC] =	sst s2  }
0xb: {  	[smem:$0x3FAD] =	sst s3  }
0xc: {  	[smem:$0x3FAE] =	sst s4  }
0xd: {  	[smem:$0x3FAF] =	sst s5  }
0xe: {  	[smem:$0x3FB0] =	sst s6  }
0xf: {  	[smem:$0x3FB1] =	sst s7  }
0x10: {  	[smem:$0x3FB2] =	sst s8  }
0x11: {  	[smem:$0x3FB3] =	sst s9;
	s0 =	simm.s32 @!p0 $0x0  }
0x12: {  	s1 =	sld [smem:$0x3F99];
	s0 =	simm.s32 @p0 $0x1  }
0x13: {  	[smem:$0x3FB4] =	sst s0;
	s0 =	simm.s32 @!p1 $0x0  }
0x14: {  	s2 =	sld [smem:$0x3F98];
	s0 =	simm.s32 @p1 $0x1  }
0x15: {  	[smem:$0x3FB5] =	sst s0;
	s0 =	simm.s32 @!p2 $0x0  }
0x16: {  	s3 =	sld [smem:$0x3FDB];
	s0 =	simm.s32 @p2 $0x1  }
0x17: {  	s4 =	simm.s32 $0x1BF5;
	[smem:$0x3FB7] =	sst s0  }
0x18: {  	s0 =	sld [smem:$0x3F9A];
	_ =	swait.ge [sflag:s4], $0x0  }
0x19: {  	s7 =	sld [smem:$0x3F9B]  }
0x1a: {  	s8 =	sadd.s32 $0xFFFFE003, lr  }
0x1b: {  	s9 =	sadd.s32 $0xFFFFFEF7, lr;
	s5 =	simm.s32 $0xFFFFFFFF;
	p2 =	slt.u32 s8, $0xFFFFF086  }
0x1c: {  	p1 =	slt.u32 s9, $0xF7A;
	s5 =	simm.s32 @!p2 $0x0  }
0x1d: {  	s5 =	simm.s32 @p1 $0x1;
	p0 =	seq.s32 s7, s2  }
0x1e: {  	s7 =	smul.u32 @!p0 $0xF7A, s2;
	p2 =	seq.s32 @!p0 s5, $0x0  }
0x1f: {  	s9 =	smul.u32 $0xF7A, s1;
	s8 =	simm.s32 @!p0 $0x1BF5;
	p2 =	por !p2, p0  }
0x20: {  	[sflag:s8] =	ssyncset.s32 @!p0 $0xFFFFF086;
	s6 =	sadd.s32 @!p0 s3, s7;
	s7 =	simm.s32 @!p0 $0x108  }
0x21: {  	s3 =	sadd.s32 s3, s9;
	s6 =	sadd.s32 @!p0 $0x88, s6;
	s7 =	simm.s32 @p2 $0x1082  }
0x22: {  	[simem:s7], [sflag:s8] =	dma.local @!p0 [hbm:s6], $0xF7A  }
0x23: {  	s9 =	sor.u32 $0xD0000000, s2;
	s6 =	simm.s32 $0x108;
	_ =	swait.ge @!p0 [sflag:s8], $0x0  }
0x24: {  	s3 =	sadd.s32 $0x88, s3;
	s6 =	simm.s32 @!p1 $0x1082;
	[sflag:s4] =	ssyncset.s32 $0xFFFFF086  }
0x25: {  	[simem:s6], [sflag:s4] =	dma.local [hbm:s3], $0xF7A  }
0x26: {  	[smem:$0x3F9B] =	sst s1;
	(tag) =	ssettag s2;
	_ =	strace s9  }
0x27: {  	s1 =	sld [smem:$0x3FAB]  }
0x28: {  	s2 =	sld [smem:$0x3FAC]  }
0x29: {  	s4 =	sld [smem:$0x3FAE]  }
0x2a: {  	p0 =	seq.s32 s5, $0x0;
	s5 =	sld [smem:$0x3FAF]  }
0x2b: {  	s6 =	sld [smem:$0x3FB0]  }
0x2c: {  	s7 =	sld [smem:$0x3FB1]  }
0x2d: {  	s3 =	simm.s32 $0x108;
	s8 =	sld [smem:$0x3FB2]  }
0x2e: {  	s3 =	simm.s32 @!p0 $0x1082;
	s9 =	sld [smem:$0x3FB3]  }
0x2f: {  	lr =	sadd.s32 s0, s3;
	s0 =	sld [smem:$0x3FAA]  }
0x30: {  	s3 =	sld [smem:$0x3FAD]  }
0x31: {  	[smem:$0x3FB6] =	sst s10  }
0x32: {  	s10 =	sld [smem:$0x3FB4];
	_ =	sdelay $0x3  }
0x33: {  	p0 =	seq.s32 s10, $0x1;
	s10 =	sld [smem:$0x3FB6];
	_ =	sdelay $0x3  }
0x34: {  	[smem:$0x3FB6] =	sst s10  }
0x35: {  	s10 =	sld [smem:$0x3FB5];
	_ =	sdelay $0x3  }
0x36: {  	p1 =	seq.s32 s10, $0x1;
	s10 =	sld [smem:$0x3FB6];
	_ =	sdelay $0x3  }
0x37: {  	[smem:$0x3FB6] =	sst s10  }
0x38: {  	s10 =	sld [smem:$0x3FB7]  }
0x39: {  	_ = 	snop;
	(pc) =	sbr.ind lr, $3  }
0x3a: {  	_ = 	snop  }
0x3b: {  	_ = 	snop  }
0x3c: {  	p2 =	seq.s32 s10, $0x1;
	s10 =	sld [smem:$0x3FB6]  }
0x3d: {  	_ =	shalt  }
0x3e: {  	_ =	shalt  }
0x3f: {  	_ =	shalt  }
0x40: {  	_ =	shalt  }
0x41: {  	_ =	shalt  }
0x42: {  	_ =	shalt  }
0x43: {  	_ =	shalt  }
0x44: {  	_ =	shalt  }
0x45: {  	_ =	shalt  }
0x46: {  	_ =	shalt  }
0x47: {  	_ =	shalt  }
0x48: {  	_ =	shalt  }
0x49: {  	_ =	shalt  }
0x4a: {  	_ =	shalt  }
0x4b: {  	_ =	shalt  }
0x4c: {  	_ =	shalt  }
0x4d: {  	_ =	shalt  }
0x4e: {  	_ =	shalt  }
0x4f: {  	_ =	shalt  }
0x50: {  	_ =	shalt  }
0x51: {  	_ =	shalt  }
0x52: {  	_ =	shalt  }
0x53: {  	_ =	shalt  }
0x54: {  	_ =	shalt  }
0x55: {  	_ =	shalt  }
0x56: {  	_ =	shalt  }
0x57: {  	_ =	shalt  }
0x58: {  	_ =	shalt  }
0x59: {  	_ =	shalt  }
0x5a: {  	_ =	shalt  }
0x5b: {  	_ =	shalt  }
0x5c: {  	_ =	shalt  }
0x5d: {  	_ =	shalt  }
0x5e: {  	_ =	shalt  }
0x5f: {  	_ =	shalt  }
0x60: {  	_ =	shalt  }
0x61: {  	_ =	shalt  }
0x62: {  	_ =	shalt  }
0x63: {  	_ =	shalt  }
0x64: {  	_ =	shalt  }
0x65: {  	_ =	shalt  }
0x66: {  	_ =	shalt  }
0x67: {  	_ =	shalt  }
0x68: {  	_ =	shalt  }
0x69: {  	_ =	shalt  }
0x6a: {  	_ =	shalt  }
0x6b: {  	_ =	shalt  }
0x6c: {  	_ =	shalt  }
0x6d: {  	_ =	shalt  }
0x6e: {  	_ =	shalt  }
0x6f: {  	_ =	shalt  }
0x70: {  	_ =	shalt  }
0x71: {  	_ =	shalt  }
0x72: {  	_ =	shalt  }
0x73: {  	_ =	shalt  }
0x74: {  	_ =	shalt  }
0x75: {  	_ =	shalt  }
0x76: {  	_ =	shalt  }
0x77: {  	_ =	shalt  }
0x78: {  	_ =	shalt  }
0x79: {  	_ =	shalt  }
0x7a: {  	_ =	shalt  }
0x7b: {  	_ =	shalt  }
0x7c: {  	_ =	shalt  }
0x7d: {  	_ =	shalt  }
0x7e: {  	_ =	shalt  }
0x7f: {  	_ =	shalt  }
0x80: {  	_ =	shalt  }
0x81: {  	_ =	shalt  }
0x82: {  	_ =	shalt  }
0x83: {  	_ =	shalt  }
0x84: {  	_ =	shalt  }
0x85: {  	_ =	shalt  }
0x86: {  	_ =	shalt  }
0x87: {  	_ =	shalt  }
.Lfunc_end0:
.L_simem_size_0:
called_computation.1_lowered:
.L_overlay_start_0:
0x88: {  	s2 =	sld [smem:$0x3FD9]  }
0x89: {  	s3 =	sld [smem:$0x3FFE];
	_ =	sdelay $0x1  }
0x8a: {  	s1 =	srdreg.scid  }
0x8b: {  	s0 =	sand.u32 $0x1, s1  }
0x8c: {  	s17 =	sshll.u32 s0, $0xA;
	s2 =	sadd.s32 s3, s2  }
0x8d: {  	s2 =	sadd.s32 s2, s17  }
0x8e: {  	[smem:$0x3FC2] =	sst s2  }
0x8f: {  	_ = 	snop  }
0x90: {  	s2 =	sld [smem:$0x3FD0];
	(tm) =	ssettm $0x1  }
0x91: {  	s18 =	sld [smem:$0x3FFB];
	_ =	sdelay $0x3  }
0x92: {  	_ =	strace s18  }
0x93: {  	s3 =	sld [smem:$0x3FFC];
	_ =	sdelay $0x3  }
0x94: {  	_ =	strace s3  }
0x95: {  	s3 =	sld [smem:$0x3FFD];
	_ =	sdelay $0x3  }
0x96: {  	_ =	strace s3  }
0x97: {  	_ =	strace $0x8FFFFFFF  }
0x98: {  	s19 =	sld [smem:$0x3FDB];
	_ =	sdelay $0x1  }
0x99: {  	s4 =	simm.s32 $_scs_section_size  }
0x9a: {  	s5 =	simm.s32 $_size__tile_overlayer_lowered;
	s6 =	simm.s32 $_tile_overlayer_lowered  }
0x9b: {  	s22 =	simm.s32 $0x1BFF;
	s21 =	sshll.u32 s6, $0x1;
	s3 =	sadd.s32 s4, s19  }
0x9c: {  	s7 =	simm.s32 $0x0;
	s20 =	sshll.u32 s5, $0x1;
	s5 =	sadd.s32 s21, s3  }
0x9d: {  	[timem:s7], [sflag:s22] =	dma.local [hbm:s5], s20  }
0x9e: {  	_ =	swait.ge [sflag:s22], s20  }
0x9f: {  	s4 =	ssub.s32 $0x0, s20;
	[sflag:s22] =	ssyncset.done $0x0  }
0xa0: {  	[sflag:s22] =	ssyncadd.s32 s4;
	_ =	sdelay $0x1  }
0xa1: {  	s23 =	simm.s32 $0x1B8B  }
0xa2: {  	_ =	swait.ge [sflag:s23], $0x1  }
0xa3: {  	[sflag:s23] =	ssyncset.done $0x0  }
0xa4: {  	s25 =	simm.s32 $0x1B8E;
	s24 =	sld [smem:$0x3FFE];
	[sflag:s23] =	ssyncadd.s32 $0xFFFFFFFF  }
0xa5: {  	s26 =	simm.s32 $execute0_lowered;
	[smem:$0x3FD2] =	sst s25  }
0xa6: {  	s5 =	sshll.u32 s26, $0x1;
	_ =	strace $0x80000049;
	[dreg:$0x1] =	wrdreg $0xFFFFFFFF  }
0xa7: {  	s28 =	simm.s32 $_size_execute0_lowered;
	s3 =	sadd.s32 s3, s5;
	[dreg:$0x0] =	wrdreg $0x0  }
0xa8: {  	s5 =	sshll.u32 s28, $0x1;
	[dreg:$0x2] =	wrdreg s3  }
0xa9: {  	[dreg:$0x3] =	wrdreg s5  }
0xaa: {  	[dreg:$0x4] =	wrdreg $0xC0  }
0xab: {  	_ =	task [dreg:s7], $0x5FFFF  }
0xac: {  	[dreg:$0x1] =	wrdreg $0xFFFFFFFF  }
0xad: {  	[dreg:$0x0] =	wrdreg $0x60  }
0xae: {  	[dreg:$0x2] =	wrdreg s24  }
0xaf: {  	[dreg:$0x3] =	wrdreg s2  }
0xb0: {  	[dreg:$0x4] =	wrdreg $0x0  }
0xb1: {  	[dreg:$0x5] =	wrdreg $0x9  }
0xb2: {  	_ =	task.clear_ibuf [dreg:s7], $0x6FFFF;
	_ =	strace $0x90000049  }
0xb3: {  	s29 =	simm.s32 $0x9;
	_ =	strace $0x8000004B  }
0xb4: {  	_ =	swait.ge [sflag:s29], $0x1  }
0xb5: {  	[sflag:s29] =	ssyncadd.s32 $0xFFFFFFFF  }
0xb6: {  	_ =	strace $0x9000004B  }
0xb7: {  	_ =	sfence  }
0xb8: {  	s30 =	sld [smem:$0x0];
	_ =	sdelay $0x2  }
0xb9: {  	s31 =	sshll.u32 s1, $0xD;
	s1 =	sshrl.u32 s1, $0x2  }
0xba: {  	s3 =	sand.u32 $0x4000, s31;
	s1 =	sadd.s32 s1, s30  }
0xbb: {  	s0 =	sor.u32 s3, s0;
	s1 =	sshll.u32 s1, $0x11  }
0xbc: {  	s0 =	sor.u32 s1, s0  }
0xbd: {  	s0 =	sadd.s32 $0x8F2B, s0  }
0xbe: {  	[sflag:s0] =	ssyncadd.remote.s32 $0x1  }
0xbf: {  	_ =	sfence.sel $0xFFFF  }
0xc0: {  	[dreg:$0x0] =	wrdreg $0xFFFFFFFF;
	(pc) =	sbr.abs _section_cstart, $3  }
0xc1: {  	[dreg:$0x1] =	wrdreg $0xFFFFFFFF  }
0xc2: {  	_ =	task.clear_ibuf [dreg:s7], $0x2FFFF;
	_ =	strace $0x9FFFFFFF  }
0xc3: {  	(tm) =	ssettm $0x7FFFFFFF  }
tec
execute0_lowered:
.L_overlay_start_1:
0x0: {  	(tag) =	ssettag $0x1  }
0x1: {  	s0 =	rddreg [dreg:$0x0]  }
0x2: {  	s1 =	srdreg.scid;
	s2 =	rddreg [dreg:$0x1]  }
0x3: {  	s3 =	rddreg [dreg:$0x2];
	s13 =	stileid.u32  }
0x4: {  	s4 =	simm.s32 $0x0;
	s28 =	simm.s32 $0x7;
	s29 =	simm.s32 $0x8  }
0x5: {  	s30 =	simm.s32 $0x9;
	s31 =	simm.s32 $0x4;
	s8 =	smul.u32 $0x50000, s13  }
0x6: {  	s1 =	sand.u32 $0x1, s1;
	[smem:$0x7FF] =	sst s4;
	s22 =	smul.u32 $0x2710, s13  }
0x7: {  	s5 =	sshll.u32 s1, $0x4;
	_ =	strace $0x8000004A;
	s11 =	smul.u32 $0x140000, s1  }
0x8: {  	s7 =	ssub.s32 $0x2, s1;
	s1 =	smul.u32 $0x27100, s1;
	s5 =	sor.u32 s13, s5  }
0x9: {  	s10 =	sshrl.u32 s7, $0x1;
	s8 =	sshrl.u32 s8, $0x2;
	s6 =	smul.u32 $0x2710, s5  }
0xa: {  	s5 =	sadd.s32 $0xBE00, s0;
	s7 =	ssub.s32 s7, s10;
	s8 =	sadd.s32 s8, s3  }
0xb: {  	s10 =	smul.u32 $0x14000, s13;
	s16 =	sadd.s32 $0x1400, s8;
	[dreg:$0xc] =	wrdreg s8  }
0xc: {  	s1 =	sadd.s32 s22, s1;
	s17 =	sadd.s32 $0x2800, s8;
	[dreg:$0x8] =	wrdreg s16  }
0xd: {  	s18 =	sadd.s32 $0x3C00, s8;
	s7 =	smax.u32 s7, $0x1;
	[dreg:$0x9] =	wrdreg s17  }
0xe: {  	s13 =	sadd.s32 $0x7800, s8;
	s22 =	sadd.s32 $0x11800, s8;
	[dreg:$0xa] =	wrdreg s18  }
0xf: {  	s6 =	sshrl.u32 s6, $0x3;
	s19 =	sadd.s32 $0x5000, s10;
	[dreg:$0x11] =	wrdreg s7  }
0x10: {  	s20 =	sadd.s32 $0xA000, s10;
	s21 =	sadd.s32 $0xF000, s10;
	[dreg:$0x15] =	wrdreg s13  }
0x11: {  	s18 =	sadd.s32 $0xB400, s8;
	[dreg:$0x1b] =	wrdreg s22;
	s13 =	simm.s32 $0x50  }
0x12: {  	s22 =	simm.s32 $0x1F480;
	s7 =	simm.s32 $0x0;
	s9 =	sadd.s32 s6, s0  }
0x13: {  	s0 =	sadd.s32 $0x33E00, s0;
	s14 =	sadd.s32 s2, s6;
	s17 =	sadd.s32 s19, s3  }
0x14: {  	s16 =	sadd.s32 s20, s3;
	s23 =	sadd.s32 s21, s3;
	s6 =	sadd.s32 s10, s11  }
0x15: {  	s10 =	sadd.s32 s11, s20;
	[dreg:$0x17] =	wrdreg s18;
	s20 =	sadd.s32 $0xDC00, s8  }
0x16: {  	s18 =	simm.s32 $0x1F380;
	s9 =	sadd.s32 $0x2000, s9;
	[dreg:$0x19] =	wrdreg s20  }
0x17: {  	s12 =	sadd.s32 $0xA, s14;
	s15 =	sadd.s32 $0x14, s14;
	[dreg:$0x5] =	wrdreg s14  }
0x18: {  	s6 =	sshrl.u32 s6, $0x3;
	s25 =	sshrl.u32 s10, $0x3;
	[dreg:$0x4] =	wrdreg s9  }
0x19: {  	s10 =	sadd.s32 $0x140, s1;
	s20 =	simm.s32 $0x1F400;
	[dreg:$0x6] =	wrdreg s12  }
0x1a: {  	[dreg:$0x7] =	wrdreg s15;
	s12 =	sadd.s32 $0x6400, s8;
	s9 =	sadd.s32 s11, s19  }
0x1b: {  	s11 =	sadd.s32 s11, s21;
	s6 =	sadd.s32 s0, s6;
	[dreg:$0xb] =	wrdreg s12  }
0x1c: {  	s15 =	sadd.s32 $0x8C00, s8;
	s19 =	sadd.s32 $0xC800, s8;
	[dreg:$0xd] =	wrdreg s6  }
0x1d: {  	s21 =	sadd.s32 $0x10400, s8;
	s9 =	sshrl.u32 s9, $0x3;
	[dreg:$0x16] =	wrdreg s15  }
0x1e: {  	s6 =	sadd.s32 s0, s25;
	s26 =	sshrl.u32 s11, $0x3;
	[dreg:$0x18] =	wrdreg s19  }
0x1f: {  	s12 =	sadd.s32 $0xF0, s1;
	[dreg:$0x1a] =	wrdreg s21;
	s25 =	sadd.s32 $0x4CE, s14  }
0x20: {  	s15 =	simm.s32 $0x14000;
	s19 =	simm.s32 $0x16800;
	[dreg:$0xf] =	wrdreg s6  }
0x21: {  	s21 =	simm.s32 $0x19000;
	s24 =	sadd.s32 s0, s9;
	[dreg:$0x14] =	wrdreg s12  }
0x22: {  	s0 =	sadd.s32 s0, s26;
	s9 =	sadd.s32 $0x190, s1;
	[dreg:$0x1d] =	wrdreg s25  }
0x23: {  	s6 =	sshrl.u32 s10, $0x3;
	s26 =	sadd.s32 $0x4D8, s14;
	[dreg:$0xe] =	wrdreg s24  }
0x24: {  	s12 =	simm.s32 $0x1;
	s1 =	simm.s32 $0x6;
	[dreg:$0x10] =	wrdreg s0  }
0x25: {  	s0 =	sshrl.u32 s9, $0x3;
	s11 =	sadd.s32 s6, s2;
	[dreg:$0x1e] =	wrdreg s26  }
0x26: {  	s24 =	sadd.s32 $0x12C00, s8;
	s26 =	simm.s32 $0x1DF80;
	[dreg:$0x13] =	wrdreg s11  }
0x27: {  	s6 =	simm.s32 $0x3;
	s0 =	sadd.s32 s0, s2;
	[dreg:$0x1c] =	wrdreg s24  }
0x28: {  	v0 =	vimm.f32 $0.0e+00;
	s11 =	simm.s32 $0x5;
	[dreg:$0x12] =	wrdreg s0;
	s0 =	simm.s32 $0x2  }
.LBB2_1:
0x29: {  	s9 =	rddreg [dreg:$0x4];
	s8 =	simm.s32 $0x1B800  }
0x2a: {  	[tilespmem:s8], [sflag:$0x1] =	stream.linear.gather [hbm4b:s9+s4], $0x2710, $0x38;
	[tilespmem:$0x1F500] =	vst v63  }
0x2b: {  	_ =	swait.ge [sflag:s12], $0x2710  }
0x2c: {  	[sflag:s12] =	ssyncset.done $0x0  }
0x2d: {  	[sflag:s12] =	ssyncadd.s32 $0xFFFFD8F0  }
0x2e: {  	[tilespmem:s15], [sflag:$0x4] =	stream.indirect.gather [hbm4b:s5+s13], $0x80, s8, s13, $0xb8;
	[tilespmem:$0x1F500] =	vst v63  }
0x2f: {  	s8 =	rddreg [dreg:$0x5]  }
0x30: {  	[tilespmem:s18], [sflag:$0x1] =	stream.linear.gather [hbm4b:s8+s4], $0x50, $0x38;
	[tilespmem:$0x1F500] =	vst v63  }
0x31: {  	s10 =	simm.s32 $0x1B850  }
0x32: {  	[tilespmem:s19], [sflag:$0x5] =	stream.indirect.gather [hbm4b:s5+s13], $0x80, s10, s13, $0xb8;
	[tilespmem:$0x1F500] =	vst v63  }
0x33: {  	s14 =	rddreg [dreg:$0x6]  }
0x34: {  	[tilespmem:s20], [sflag:$0x2] =	stream.linear.gather [hbm4b:s14+s4], $0x50, $0x38;
	[tilespmem:$0x1F500] =	vst v63  }
0x35: {  	s24 =	simm.s32 $0x1B8A0  }
0x36: {  	[tilespmem:s21], [sflag:$0x6] =	stream.indirect.gather [hbm4b:s5+s13], $0x80, s24, s13, $0xb8;
	[tilespmem:$0x1F500] =	vst v63  }
0x37: {  	s9 =	simm.s32 $0x0;
	s25 =	rddreg [dreg:$0x7];
	s10 =	simm.s32 $0x200  }
0x38: {  	[tilespmem:s22], [sflag:$0x3] =	stream.linear.gather [hbm4b:s25+s4], $0x50, $0x38;
	[tilespmem:$0x1F500] =	vst v63  }
.LBB2_2:
0x39: {  	p0 =	sne.s32 s10, $0x4E00;
	[tilespmem:s9+$0x1DFF0] =	vst v0  }
0x3a: {  	[tilespmem:s9+$0x1DF80] =	vst v0  }
0x3b: {  	[tilespmem:s9+$0x1DF90] =	vst v0  }
.Ltmp0:
0x3c: {  	[tilespmem:s9+$0x1DFA0] =	vst v0;
	(pc) =	sbr.rel @p0 .LBB2_2-.Ltmp0, $4  }
0x3d: {  	[tilespmem:s9+$0x1DFB0] =	vst v0  }
0x3e: {  	[tilespmem:s9+$0x1DFC0] =	vst v0  }
0x3f: {  	[tilespmem:s9+$0x1DFD0] =	vst v0  }
0x40: {  	[tilespmem:s9+$0x1DFE0] =	vst v0;
	s9 =	sshra.s32 s10, $0x2;
	s10 =	sadd.s32 $0x200, s10  }
0x41: {  	[tilespmem:s9+$0x1DFF0] =	vst v0  }
0x42: {  	[tilespmem:s9+$0x1DF80] =	vst v0  }
0x43: {  	[tilespmem:s9+$0x1DF90] =	vst v0  }
0x44: {  	[tilespmem:s9+$0x1DFA0] =	vst v0  }
0x45: {  	[tilespmem:s9+$0x1DFB0] =	vst v0  }
0x46: {  	[tilespmem:s9+$0x1DFC0] =	vst v0  }
0x47: {  	[tilespmem:s9+$0x1DFD0] =	vst v0  }
0x48: {  	[tilespmem:s9+$0x1DFE0] =	vst v0;
	s8 =	rddreg [dreg:$0xc]  }
0x49: {  	[spmem:s8] =	stream.linear.scatter [tilespmem:s26], [sflag:$0x7], $0x1400, $0x38;
	[tilespmem:$0x1F500] =	vst v63  }
0x4a: {  	s8 =	rddreg [dreg:$0x8]  }
0x4b: {  	[spmem:s8] =	stream.linear.scatter [tilespmem:s26], [sflag:$0x8], $0x1400, $0x38;
	[tilespmem:$0x1F500] =	vst v63  }
0x4c: {  	s10 =	rddreg [dreg:$0x9]  }
0x4d: {  	[spmem:s10] =	stream.linear.scatter [tilespmem:s26], [sflag:$0x9], $0x1400, $0x38;
	[tilespmem:$0x1F500] =	vst v63  }
0x4e: {  	s14 =	rddreg [dreg:$0xa]  }
0x4f: {  	[spmem:s14] =	stream.linear.scatter [tilespmem:s26], [sflag:$0x7], $0x1400, $0x38;
	[tilespmem:$0x1F500] =	vst v63  }
0x50: {  	_ = 	snop  }
0x51: {  	[spmem:s17] =	stream.linear.scatter [tilespmem:s26], [sflag:$0x8], $0x1400, $0x38;
	[tilespmem:$0x1F500] =	vst v63  }
0x52: {  	s24 =	smov.u32 s17;
	s17 =	rddreg [dreg:$0xb]  }
0x53: {  	[spmem:s17] =	stream.linear.scatter [tilespmem:s26], [sflag:$0x9], $0x1400, $0x38;
	[tilespmem:$0x1F500] =	vst v63  }
0x54: {  	s25 =	rddreg [dreg:$0x15]  }
0x55: {  	[spmem:s25] =	stream.linear.scatter [tilespmem:s26], [sflag:$0x7], $0x1400, $0x38;
	[tilespmem:$0x1F500] =	vst v63  }
0x56: {  	s9 =	rddreg [dreg:$0x16]  }
0x57: {  	[spmem:s9] =	stream.linear.scatter [tilespmem:s26], [sflag:$0x8], $0x1400, $0x38;
	[tilespmem:$0x1F500] =	vst v63  }
0x58: {  	_ = 	snop  }
0x59: {  	[spmem:s16] =	stream.linear.scatter [tilespmem:s26], [sflag:$0x9], $0x1400, $0x38;
	[tilespmem:$0x1F500] =	vst v63  }
0x5a: {  	s10 =	rddreg [dreg:$0x17]  }
0x5b: {  	[spmem:s10] =	stream.linear.scatter [tilespmem:s26], [sflag:$0x7], $0x1400, $0x38;
	[tilespmem:$0x1F500] =	vst v63  }
0x5c: {  	s14 =	rddreg [dreg:$0x18]  }
0x5d: {  	[spmem:s14] =	stream.linear.scatter [tilespmem:s26], [sflag:$0x8], $0x1400, $0x38;
	[tilespmem:$0x1F500] =	vst v63  }
0x5e: {  	s25 =	smov.u32 s16;
	s16 =	rddreg [dreg:$0x19]  }
0x5f: {  	[spmem:s16] =	stream.linear.scatter [tilespmem:s26], [sflag:$0x9], $0x1400, $0x38;
	[tilespmem:$0x1F500] =	vst v63  }
0x60: {  	_ = 	snop  }
0x61: {  	[spmem:s23] =	stream.linear.scatter [tilespmem:s26], [sflag:$0x7], $0x1400, $0x38;
	[tilespmem:$0x1F500] =	vst v63  }
0x62: {  	s17 =	rddreg [dreg:$0x1a]  }
0x63: {  	[spmem:s17] =	stream.linear.scatter [tilespmem:s26], [sflag:$0x8], $0x1400, $0x38;
	[tilespmem:$0x1F500] =	vst v63  }
0x64: {  	s8 =	smov.u32 s23;
	s23 =	rddreg [dreg:$0x1b]  }
0x65: {  	[spmem:s23] =	stream.linear.scatter [tilespmem:s26], [sflag:$0x9], $0x1400, $0x38;
	[tilespmem:$0x1F500] =	vst v63  }
0x66: {  	s10 =	rddreg [dreg:$0x1c]  }
0x67: {  	[spmem:s10] =	stream.linear.scatter [tilespmem:s26], [sflag:$0x7], $0x1400, $0x38;
	[tilespmem:$0x1F500] =	vst v63  }
0x68: {  	_ =	swait.ge [sflag:s28], $0x1400  }
0x69: {  	[sflag:s28] =	ssyncset.done $0x0  }
0x6a: {  	[sflag:s28] =	ssyncadd.s32 $0xFFFFEC00  }
0x6b: {  	_ =	swait.ge [sflag:s29], $0x1400  }
0x6c: {  	[sflag:s29] =	ssyncset.done $0x0  }
0x6d: {  	[sflag:s29] =	ssyncadd.s32 $0xFFFFEC00  }
0x6e: {  	_ =	swait.ge [sflag:s30], $0x1400  }
0x6f: {  	[sflag:s30] =	ssyncset.done $0x0  }
0x70: {  	[sflag:s30] =	ssyncadd.s32 $0xFFFFEC00  }
0x71: {  	_ =	swait.ge [sflag:s28], $0x1400  }
0x72: {  	[sflag:s28] =	ssyncset.done $0x0  }
0x73: {  	[sflag:s28] =	ssyncadd.s32 $0xFFFFEC00  }
0x74: {  	_ =	swait.ge [sflag:s29], $0x1400  }
0x75: {  	[sflag:s29] =	ssyncset.done $0x0  }
0x76: {  	[sflag:s29] =	ssyncadd.s32 $0xFFFFEC00  }
0x77: {  	_ =	swait.ge [sflag:s30], $0x1400  }
0x78: {  	[sflag:s30] =	ssyncset.done $0x0  }
0x79: {  	[sflag:s30] =	ssyncadd.s32 $0xFFFFEC00  }
0x7a: {  	_ =	swait.ge [sflag:s28], $0x1400  }
0x7b: {  	[sflag:s28] =	ssyncset.done $0x0  }
0x7c: {  	[sflag:s28] =	ssyncadd.s32 $0xFFFFEC00  }
0x7d: {  	_ =	swait.ge [sflag:s29], $0x1400  }
0x7e: {  	[sflag:s29] =	ssyncset.done $0x0  }
0x7f: {  	[sflag:s29] =	ssyncadd.s32 $0xFFFFEC00  }
0x80: {  	_ =	swait.ge [sflag:s30], $0x1400  }
0x81: {  	[sflag:s30] =	ssyncset.done $0x0  }
0x82: {  	[sflag:s30] =	ssyncadd.s32 $0xFFFFEC00  }
0x83: {  	_ =	swait.ge [sflag:s28], $0x1400  }
0x84: {  	[sflag:s28] =	ssyncset.done $0x0  }
0x85: {  	[sflag:s28] =	ssyncadd.s32 $0xFFFFEC00  }
0x86: {  	_ =	swait.ge [sflag:s29], $0x1400  }
0x87: {  	[sflag:s29] =	ssyncset.done $0x0  }
0x88: {  	[sflag:s29] =	ssyncadd.s32 $0xFFFFEC00  }
0x89: {  	_ =	swait.ge [sflag:s30], $0x1400  }
0x8a: {  	[sflag:s30] =	ssyncset.done $0x0  }
0x8b: {  	[sflag:s30] =	ssyncadd.s32 $0xFFFFEC00  }
0x8c: {  	_ =	swait.ge [sflag:s28], $0x1400  }
0x8d: {  	[sflag:s28] =	ssyncset.done $0x0  }
0x8e: {  	[sflag:s28] =	ssyncadd.s32 $0xFFFFEC00  }
0x8f: {  	_ =	swait.ge [sflag:s29], $0x1400  }
0x90: {  	[sflag:s29] =	ssyncset.done $0x0  }
0x91: {  	[sflag:s29] =	ssyncadd.s32 $0xFFFFEC00  }
0x92: {  	_ =	swait.ge [sflag:s30], $0x1400  }
0x93: {  	[sflag:s30] =	ssyncset.done $0x0  }
0x94: {  	[sflag:s30] =	ssyncadd.s32 $0xFFFFEC00  }
0x95: {  	_ =	swait.ge [sflag:s28], $0x1400  }
0x96: {  	[sflag:s28] =	ssyncset.done $0x0  }
0x97: {  	[sflag:s28] =	ssyncadd.s32 $0xFFFFEC00  }
0x98: {  	[bflag:$0x0] =	sbarrier.arrive $0xFFFF  }
0x99: {  	_ =	swait.ge [sflag:s31], $0x2800  }
0x9a: {  	[sflag:s31] =	ssyncset.done $0x0  }
0x9b: {  	[sflag:s31] =	ssyncadd.s32 $0xFFFFD800  }
0x9c: {  	_ =	swait.ge [sflag:s12], $0x50  }
0x9d: {  	[sflag:s12] =	ssyncset.done $0x0  }
0x9e: {  	[sflag:s12] =	ssyncadd.s32 $0xFFFFFFB0  }
0x9f: {  	[spmem:s3] =	stream.indirect.scatter.add.f32 [tilespmem:s15], [sflag:$0x7], $0x80, s18, s13, $0xb8;
	[tilespmem:$0x1F500] =	vst v63  }
0xa0: {  	_ =	swait.ge [sflag:s11], $0x2800  }
0xa1: {  	[sflag:s11] =	ssyncset.done $0x0  }
0xa2: {  	[sflag:s11] =	ssyncadd.s32 $0xFFFFD800  }
0xa3: {  	_ =	swait.ge [sflag:s0], $0x50  }
0xa4: {  	[sflag:s0] =	ssyncset.done $0x0  }
0xa5: {  	[sflag:s0] =	ssyncadd.s32 $0xFFFFFFB0  }
0xa6: {  	[spmem:s3] =	stream.indirect.scatter.add.f32 [tilespmem:s19], [sflag:$0x8], $0x80, s20, s13, $0xb8;
	[tilespmem:$0x1F500] =	vst v63  }
0xa7: {  	_ =	swait.ge [sflag:s1], $0x2800  }
0xa8: {  	[sflag:s1] =	ssyncset.done $0x0  }
0xa9: {  	[sflag:s1] =	ssyncadd.s32 $0xFFFFD800  }
0xaa: {  	_ =	swait.ge [sflag:s6], $0x50  }
0xab: {  	[sflag:s6] =	ssyncset.done $0x0  }
0xac: {  	[sflag:s6] =	ssyncadd.s32 $0xFFFFFFB0  }
0xad: {  	[spmem:s3] =	stream.indirect.scatter.add.f32 [tilespmem:s21], [sflag:$0x9], $0x80, s22, s13, $0xb8;
	[tilespmem:$0x1F500] =	vst v63  }
0xae: {  	_ =	swait.ge [sflag:s28], $0x2800  }
0xaf: {  	s10 =	rddreg [dreg:$0x14]  }
0xb0: {  	[sflag:s28] =	ssyncset.done $0x0;
	s14 =	sshrl.u32 s10, $0x3  }
0xb1: {  	[sflag:s28] =	ssyncadd.s32 $0xFFFFD800;
	s9 =	sadd.s32 s2, s14  }
0xb2: {  	[tilespmem:s18], [sflag:$0x1] =	stream.linear.gather [hbm4b:s9+s4], $0x50, $0x38;
	[tilespmem:$0x1F500] =	vst v63  }
0xb3: {  	s16 =	simm.s32 $0x1B8F0  }
0xb4: {  	[tilespmem:s15], [sflag:$0x4] =	stream.indirect.gather [hbm4b:s5+s13], $0x80, s16, s13, $0xb8;
	[tilespmem:$0x1F500] =	vst v63  }
0xb5: {  	_ =	swait.ge [sflag:s29], $0x2800  }
0xb6: {  	[sflag:s29] =	ssyncset.done $0x0  }
0xb7: {  	s16 =	rddreg [dreg:$0x13];
	[sflag:s29] =	ssyncadd.s32 $0xFFFFD800  }
0xb8: {  	[tilespmem:s20], [sflag:$0x2] =	stream.linear.gather [hbm4b:s16+s4], $0x50, $0x38;
	[tilespmem:$0x1F500] =	vst v63  }
0xb9: {  	s17 =	simm.s32 $0x1B940  }
0xba: {  	[tilespmem:s19], [sflag:$0x5] =	stream.indirect.gather [hbm4b:s5+s13], $0x80, s17, s13, $0xb8;
	[tilespmem:$0x1F500] =	vst v63  }
0xbb: {  	_ =	swait.ge [sflag:s30], $0x2800  }
0xbc: {  	[sflag:s30] =	ssyncset.done $0x0  }
0xbd: {  	s14 =	rddreg [dreg:$0x12];
	[sflag:s30] =	ssyncadd.s32 $0xFFFFD800  }
0xbe: {  	[tilespmem:s22], [sflag:$0x3] =	stream.linear.gather [hbm4b:s14+s4], $0x50, $0x38;
	[tilespmem:$0x1F500] =	vst v63  }
0xbf: {  	s23 =	simm.s32 $0x1B990  }
0xc0: {  	[tilespmem:s21], [sflag:$0x6] =	stream.indirect.gather [hbm4b:s5+s13], $0x80, s23, s13, $0xb8;
	[tilespmem:$0x1F500] =	vst v63  }
0xc1: {  	_ =	swait.ge [sflag:s31], $0x2800  }
0xc2: {  	[sflag:s31] =	ssyncset.done $0x0  }
0xc3: {  	[sflag:s31] =	ssyncadd.s32 $0xFFFFD800  }
0xc4: {  	_ =	swait.ge [sflag:s12], $0x50  }
0xc5: {  	[sflag:s12] =	ssyncset.done $0x0  }
0xc6: {  	[sflag:s12] =	ssyncadd.s32 $0xFFFFFFB0  }
0xc7: {  	[spmem:s3] =	stream.indirect.scatter.add.f32 [tilespmem:s15], [sflag:$0x7], $0x80, s18, s13, $0xb8;
	[tilespmem:$0x1F500] =	vst v63  }
0xc8: {  	_ =	swait.ge [sflag:s11], $0x2800  }
0xc9: {  	[sflag:s11] =	ssyncset.done $0x0  }
0xca: {  	[sflag:s11] =	ssyncadd.s32 $0xFFFFD800  }
0xcb: {  	_ =	swait.ge [sflag:s0], $0x50  }
0xcc: {  	[sflag:s0] =	ssyncset.done $0x0  }
0xcd: {  	[sflag:s0] =	ssyncadd.s32 $0xFFFFFFB0  }
0xce: {  	[spmem:s3] =	stream.indirect.scatter.add.f32 [tilespmem:s19], [sflag:$0x8], $0x80, s20, s13, $0xb8;
	[tilespmem:$0x1F500] =	vst v63  }
0xcf: {  	_ =	swait.ge [sflag:s1], $0x2800  }
0xd0: {  	[sflag:s1] =	ssyncset.done $0x0  }
0xd1: {  	[sflag:s1] =	ssyncadd.s32 $0xFFFFD800  }
0xd2: {  	_ =	swait.ge [sflag:s6], $0x50  }
0xd3: {  	s10 =	sadd.s32 $0xF0, s10;
	s9 =	simm.s32 $0x3C0;
	[sflag:s6] =	ssyncset.done $0x0  }
0xd4: {  	s16 =	sadd.s32 $0x1E, s16;
	s14 =	sadd.s32 $0x1E, s14;
	[sflag:s6] =	ssyncadd.s32 $0xFFFFFFB0  }
.LBB2_4:
0xd5: {  	[spmem:s3] =	stream.indirect.scatter.add.f32 [tilespmem:s21], [sflag:$0x9], $0x80, s22, s13, $0xb8;
	[tilespmem:$0x1F500] =	vst v63  }
0xd6: {  	s17 =	smov.u32 s9  }
0xd7: {  	p0 =	sne.s32 s9, $0x9240;
	s9 =	sadd.s32 $0x3C0, s9;
	_ =	swait.ge [sflag:s28], $0x2800  }
0xd8: {  	s23 =	sshrl.u32 s10, $0x3;
	[sflag:s28] =	ssyncset.done $0x0  }
0xd9: {  	s23 =	sadd.s32 s2, s23;
	s17 =	sshra.s32 s17, $0x2;
	[sflag:s28] =	ssyncadd.s32 $0xFFFFD800  }
0xda: {  	[tilespmem:s18], [sflag:$0x1] =	stream.linear.gather [hbm4b:s23+s4], $0x50, $0x38;
	[tilespmem:$0x1F500] =	vst v63  }
0xdb: {  	s23 =	sadd.s32 $0x1B8F0, s17  }
0xdc: {  	[tilespmem:s15], [sflag:$0x4] =	stream.indirect.gather [hbm4b:s5+s13], $0x80, s23, s13, $0xb8;
	[tilespmem:$0x1F500] =	vst v63  }
0xdd: {  	_ =	swait.ge [sflag:s29], $0x2800  }
0xde: {  	[sflag:s29] =	ssyncset.done $0x0  }
0xdf: {  	[sflag:s29] =	ssyncadd.s32 $0xFFFFD800  }
0xe0: {  	[tilespmem:s20], [sflag:$0x2] =	stream.linear.gather [hbm4b:s16+s4], $0x50, $0x38;
	[tilespmem:$0x1F500] =	vst v63  }
0xe1: {  	s23 =	sadd.s32 $0x1B940, s17  }
0xe2: {  	[tilespmem:s19], [sflag:$0x5] =	stream.indirect.gather [hbm4b:s5+s13], $0x80, s23, s13, $0xb8;
	[tilespmem:$0x1F500] =	vst v63  }
0xe3: {  	_ =	swait.ge [sflag:s30], $0x2800  }
0xe4: {  	[sflag:s30] =	ssyncset.done $0x0  }
0xe5: {  	[sflag:s30] =	ssyncadd.s32 $0xFFFFD800  }
0xe6: {  	[tilespmem:s22], [sflag:$0x3] =	stream.linear.gather [hbm4b:s14+s4], $0x50, $0x38;
	[tilespmem:$0x1F500] =	vst v63  }
0xe7: {  	s17 =	sadd.s32 $0x1B990, s17  }
0xe8: {  	[tilespmem:s21], [sflag:$0x6] =	stream.indirect.gather [hbm4b:s5+s13], $0x80, s17, s13, $0xb8;
	[tilespmem:$0x1F500] =	vst v63  }
0xe9: {  	_ =	swait.ge [sflag:s31], $0x2800  }
0xea: {  	[sflag:s31] =	ssyncset.done $0x0  }
0xeb: {  	[sflag:s31] =	ssyncadd.s32 $0xFFFFD800  }
0xec: {  	_ =	swait.ge [sflag:s12], $0x50  }
0xed: {  	[sflag:s12] =	ssyncset.done $0x0  }
0xee: {  	[sflag:s12] =	ssyncadd.s32 $0xFFFFFFB0  }
0xef: {  	[spmem:s3] =	stream.indirect.scatter.add.f32 [tilespmem:s15], [sflag:$0x7], $0x80, s18, s13, $0xb8;
	[tilespmem:$0x1F500] =	vst v63  }
0xf0: {  	_ =	swait.ge [sflag:s11], $0x2800  }
0xf1: {  	[sflag:s11] =	ssyncset.done $0x0  }
0xf2: {  	[sflag:s11] =	ssyncadd.s32 $0xFFFFD800  }
0xf3: {  	_ =	swait.ge [sflag:s0], $0x50  }
0xf4: {  	[sflag:s0] =	ssyncset.done $0x0  }
0xf5: {  	[sflag:s0] =	ssyncadd.s32 $0xFFFFFFB0  }
0xf6: {  	[spmem:s3] =	stream.indirect.scatter.add.f32 [tilespmem:s19], [sflag:$0x8], $0x80, s20, s13, $0xb8;
	[tilespmem:$0x1F500] =	vst v63  }
0xf7: {  	_ =	swait.ge [sflag:s1], $0x2800  }
.Ltmp1:
0xf8: {  	[sflag:s1] =	ssyncset.done $0x0;
	(pc) =	sbr.rel @p0 .LBB2_4-.Ltmp1, $4  }
0xf9: {  	[sflag:s1] =	ssyncadd.s32 $0xFFFFD800  }
0xfa: {  	_ =	swait.ge [sflag:s6], $0x50  }
0xfb: {  	s10 =	sadd.s32 $0xF0, s10;
	[sflag:s6] =	ssyncset.done $0x0  }
0xfc: {  	s16 =	sadd.s32 $0x1E, s16;
	s14 =	sadd.s32 $0x1E, s14;
	[sflag:s6] =	ssyncadd.s32 $0xFFFFFFB0  }
0xfd: {  	[spmem:s3] =	stream.indirect.scatter.add.f32 [tilespmem:s21], [sflag:$0x9], $0x80, s22, s13, $0xb8;
	[tilespmem:$0x1F500] =	vst v63  }
0xfe: {  	_ =	swait.ge [sflag:s28], $0x2800  }
0xff: {  	[sflag:s28] =	ssyncset.done $0x0  }
0x100: {  	s9 =	rddreg [dreg:$0x1d];
	[sflag:s28] =	ssyncadd.s32 $0xFFFFD800  }
0x101: {  	[tilespmem:s18], [sflag:$0x1] =	stream.linear.gather [hbm4b:s9+s4], $0x50, $0x38;
	[tilespmem:$0x1F500] =	vst v63  }
0x102: {  	s17 =	simm.s32 $0x1DE70  }
0x103: {  	[tilespmem:s15], [sflag:$0x4] =	stream.indirect.gather [hbm4b:s5+s13], $0x80, s17, s13, $0xb8;
	[tilespmem:$0x1F500] =	vst v63  }
0x104: {  	_ =	swait.ge [sflag:s29], $0x2800  }
0x105: {  	[sflag:s29] =	ssyncset.done $0x0  }
0x106: {  	s23 =	rddreg [dreg:$0x1e];
	[sflag:s29] =	ssyncadd.s32 $0xFFFFD800  }
0x107: {  	[tilespmem:s20], [sflag:$0x2] =	stream.linear.gather [hbm4b:s23+s4], $0x50, $0x38;
	[tilespmem:$0x1F500] =	vst v63  }
0x108: {  	s10 =	simm.s32 $0x1DEC0  }
0x109: {  	[tilespmem:s19], [sflag:$0x5] =	stream.indirect.gather [hbm4b:s5+s13], $0x80, s10, s13, $0xb8;
	[tilespmem:$0x1F500] =	vst v63  }
0x10a: {  	_ =	swait.ge [sflag:s31], $0x2800  }
0x10b: {  	[sflag:s31] =	ssyncset.done $0x0  }
0x10c: {  	[sflag:s31] =	ssyncadd.s32 $0xFFFFD800  }
0x10d: {  	_ =	swait.ge [sflag:s12], $0x50  }
0x10e: {  	[sflag:s12] =	ssyncset.done $0x0  }
0x10f: {  	[sflag:s12] =	ssyncadd.s32 $0xFFFFFFB0  }
0x110: {  	[spmem:s3] =	stream.indirect.scatter.add.f32 [tilespmem:s15], [sflag:$0x7], $0x80, s18, s13, $0xb8;
	[tilespmem:$0x1F500] =	vst v63  }
0x111: {  	_ =	swait.ge [sflag:s11], $0x2800  }
0x112: {  	[sflag:s11] =	ssyncset.done $0x0  }
0x113: {  	[sflag:s11] =	ssyncadd.s32 $0xFFFFD800  }
0x114: {  	_ =	swait.ge [sflag:s0], $0x50  }
0x115: {  	[sflag:s0] =	ssyncset.done $0x0  }
0x116: {  	[sflag:s0] =	ssyncadd.s32 $0xFFFFFFB0  }
0x117: {  	[spmem:s3] =	stream.indirect.scatter.add.f32 [tilespmem:s19], [sflag:$0x8], $0x80, s20, s13, $0xb8;
	[tilespmem:$0x1F500] =	vst v63  }
0x118: {  	_ =	swait.ge [sflag:s28], $0x2800  }
0x119: {  	[sflag:s28] =	ssyncset.done $0x0  }
0x11a: {  	[sflag:s28] =	ssyncadd.s32 $0xFFFFD800  }
0x11b: {  	_ =	swait.ge [sflag:s29], $0x2800  }
0x11c: {  	[sflag:s29] =	ssyncset.done $0x0  }
0x11d: {  	[sflag:s29] =	ssyncadd.s32 $0xFFFFD800  }
0x11e: {  	_ =	swait.ge [sflag:s30], $0x2800  }
0x11f: {  	[sflag:s30] =	ssyncset.done $0x0  }
0x120: {  	s14 =	stileid.u32;
	[sflag:s30] =	ssyncadd.s32 $0xFFFFD800  }
0x121: {  	s9 =	sshll.u32 s14, $0x6;
	[bflag:$0x0] =	sbarrier.arrive $0xFFFF  }
0x122: {  	s17 =	smov.u32 s24;
	s24 =	sshrl.u32 s24, $0x3;
	s14 =	rddreg [dreg:$0xc]  }
0x123: {  	s10 =	sor.u32 $0x1C04, s9;
	s16 =	rddreg [dreg:$0xd];
	s14 =	sshrl.u32 s14, $0x3  }
0x124: {  	[hbm:s16], [sflag:s10] =	dma.local [spmem:s14], $0xA00  }
0x125: {  	s16 =	sor.u32 $0x1C05, s9;
	s9 =	sor.u32 $0x1C06, s9;
	s23 =	rddreg [dreg:$0xe]  }
0x126: {  	[hbm:s23], [sflag:s16] =	dma.local [spmem:s24], $0xA00  }
0x127: {  	s16 =	smov.u32 s25;
	s25 =	sshrl.u32 s25, $0x3;
	s23 =	rddreg [dreg:$0xf]  }
0x128: {  	[hbm:s23], [sflag:s9] =	dma.local [spmem:s25], $0xA00  }
0x129: {  	s14 =	sshrl.u32 s8, $0x3;
	s24 =	rddreg [dreg:$0x10]  }
0x12a: {  	[hbm:s24], [sflag:s10] =	dma.local [spmem:s14], $0xA00  }
0x12b: {  	_ =	swait.ge [sflag:s31], $0xA00  }
0x12c: {  	[sflag:s31] =	ssyncset.done $0x0  }
0x12d: {  	[sflag:s31] =	ssyncadd.s32 $0xFFFFF600  }
0x12e: {  	_ =	swait.ge [sflag:s11], $0xA00  }
0x12f: {  	[sflag:s11] =	ssyncset.done $0x0  }
0x130: {  	[sflag:s11] =	ssyncadd.s32 $0xFFFFF600  }
0x131: {  	_ =	swait.ge [sflag:s1], $0xA00  }
0x132: {  	[sflag:s1] =	ssyncset.done $0x0  }
0x133: {  	[sflag:s1] =	ssyncadd.s32 $0xFFFFF600  }
0x134: {  	_ =	swait.ge [sflag:s31], $0xA00  }
0x135: {  	s7 =	sadd.s32 $0x1, s7;
	s25 =	rddreg [dreg:$0x11]  }
0x136: {  	p0 =	sne.s32 s7, s25  }
.Ltmp2:
0x137: {  	_ = 	snop;
	(pc) =	sbr.rel @p0 .LBB2_1-.Ltmp2, $3  }
0x138: {  	_ =	sdelay $0x1  }
0x139: {  	[sflag:s31] =	ssyncset.done $0x0  }
0x13a: {  	s23 =	smov.u32 s8;
	[sflag:s31] =	ssyncadd.s32 $0xFFFFF600  }
0x13b: {  	_ =	sfence.sel $0x180000  }
0x13c: {  	[bflag:$0x0] =	sbarrier.arrive $0xFFFF  }
0x13d: {  	_ =	strace $0x9000004A  }
0x13e: {  	s0 =	stileid.u32;
	[bflag:$0x2] =	sbarrier.arrive $0xFFFF  }
0x13f: {  	p0 =	sne.s32 s0, $0x0;
	s0 =	rddreg [dreg:$0x3]  }
0x140: {  	s0 =	sadd.s32 @!p0 $0x100000, s0  }
0x141: {  	[sflag:s0] =	ssyncadd.tile.s32 @!p0 $0x1;
	_ =	shalt  }
.Lfunc_end2:
_tile_overlayer_lowered:
.L_overlay_start_2:
0x142: {  	(tag) =	ssettag $0x2  }
0x143: {  	s0 =	rddreg [dreg:$0x0];
	s2 =	stileid.u32  }
0x144: {  	s1 =	rddreg [dreg:$0x1];
	p0 =	sne.s32 s2, $0x0  }
0x145: {  	s3 =	rddreg [dreg:$0x2];
	[bflag:$0x3] =	sbarrier.arrive $0xFFFF;
	s2 =	simm.s32 @!p0 $0x1C0A  }
0x146: {  	[timem:s3], [sflag:s2] =	dma.local @!p0 [hbm:s0], s1  }
0x147: {  	s0 =	simm.s32 @!p0 $0xA  }
0x148: {  	_ =	swait.ge @!p0 [sflag:s0], s1  }
0x149: {  	s1 =	ssub.s32 @!p0 $0x0, s1;
	[sflag:s0] =	ssyncset.done @!p0 $0x0  }
0x14a: {  	[sflag:s0] =	ssyncadd.s32 @!p0 s1  }
0x14b: {  	[bflag:$0x3] =	sbarrier.arrive $0xFFFF  }
0x14c: {  	_ =	shalt  }

// kernel: kernel.14.cloned.1.call-start
scs
__scs_entry_jumppad:
0x0: {  	(pc) =	sbr.rel $0x88, $3  }
0x1: {  	(tag) =	ssettag $0x0;
	lr =	simm.s32 $0x1  }
0x2: {  	[smem:$0x3F9B] =	sst lr;
	_ =	strace $0xD0000000  }
0x3: {  	_ = 	snop  }
0x4: {  	_ = 	snop  }
0x5: {  	_ = 	snop  }
0x6: {  	_ = 	snop  }
0x7: {  	_ = 	snop  }
__scs_overlays_trampoline_lowered:
0x8: {  	[smem:$0x3FAA] =	sst s0  }
0x9: {  	[smem:$0x3FAB] =	sst s1  }
0xa: {  	[smem:$0x3FAC] =	sst s2  }
0xb: {  	[smem:$0x3FAD] =	sst s3  }
0xc: {  	[smem:$0x3FAE] =	sst s4  }
0xd: {  	[smem:$0x3FAF] =	sst s5  }
0xe: {  	[smem:$0x3FB0] =	sst s6  }
0xf: {  	[smem:$0x3FB1] =	sst s7  }
0x10: {  	[smem:$0x3FB2] =	sst s8  }
0x11: {  	[smem:$0x3FB3] =	sst s9;
	s0 =	simm.s32 @!p0 $0x0  }
0x12: {  	s1 =	sld [smem:$0x3F99];
	s0 =	simm.s32 @p0 $0x1  }
0x13: {  	[smem:$0x3FB4] =	sst s0;
	s0 =	simm.s32 @!p1 $0x0  }
0x14: {  	s2 =	sld [smem:$0x3F98];
	s0 =	simm.s32 @p1 $0x1  }
0x15: {  	[smem:$0x3FB5] =	sst s0;
	s0 =	simm.s32 @!p2 $0x0  }
0x16: {  	s3 =	sld [smem:$0x3FDB];
	s0 =	simm.s32 @p2 $0x1  }
0x17: {  	s4 =	simm.s32 $0x1BF5;
	[smem:$0x3FB7] =	sst s0  }
0x18: {  	s0 =	sld [smem:$0x3F9A];
	_ =	swait.ge [sflag:s4], $0x0  }
0x19: {  	s7 =	sld [smem:$0x3F9B]  }
0x1a: {  	s8 =	sadd.s32 $0xFFFFE003, lr  }
0x1b: {  	s9 =	sadd.s32 $0xFFFFFEF7, lr;
	s5 =	simm.s32 $0xFFFFFFFF;
	p2 =	slt.u32 s8, $0xFFFFF086  }
0x1c: {  	p1 =	slt.u32 s9, $0xF7A;
	s5 =	simm.s32 @!p2 $0x0  }
0x1d: {  	s5 =	simm.s32 @p1 $0x1;
	p0 =	seq.s32 s7, s2  }
0x1e: {  	s7 =	smul.u32 @!p0 $0xF7A, s2;
	p2 =	seq.s32 @!p0 s5, $0x0  }
0x1f: {  	s9 =	smul.u32 $0xF7A, s1;
	s8 =	simm.s32 @!p0 $0x1BF5;
	p2 =	por !p2, p0  }
0x20: {  	[sflag:s8] =	ssyncset.s32 @!p0 $0xFFFFF086;
	s6 =	sadd.s32 @!p0 s3, s7;
	s7 =	simm.s32 @!p0 $0x108  }
0x21: {  	s3 =	sadd.s32 s3, s9;
	s6 =	sadd.s32 @!p0 $0x88, s6;
	s7 =	simm.s32 @p2 $0x1082  }
0x22: {  	[simem:s7], [sflag:s8] =	dma.local @!p0 [hbm:s6], $0xF7A  }
0x23: {  	s9 =	sor.u32 $0xD0000000, s2;
	s6 =	simm.s32 $0x108;
	_ =	swait.ge @!p0 [sflag:s8], $0x0  }
0x24: {  	s3 =	sadd.s32 $0x88, s3;
	s6 =	simm.s32 @!p1 $0x1082;
	[sflag:s4] =	ssyncset.s32 $0xFFFFF086  }
0x25: {  	[simem:s6], [sflag:s4] =	dma.local [hbm:s3], $0xF7A  }
0x26: {  	[smem:$0x3F9B] =	sst s1;
	(tag) =	ssettag s2;
	_ =	strace s9  }
0x27: {  	s1 =	sld [smem:$0x3FAB]  }
0x28: {  	s2 =	sld [smem:$0x3FAC]  }
0x29: {  	s4 =	sld [smem:$0x3FAE]  }
0x2a: {  	p0 =	seq.s32 s5, $0x0;
	s5 =	sld [smem:$0x3FAF]  }
0x2b: {  	s6 =	sld [smem:$0x3FB0]  }
0x2c: {  	s7 =	sld [smem:$0x3FB1]  }
0x2d: {  	s3 =	simm.s32 $0x108;
	s8 =	sld [smem:$0x3FB2]  }
0x2e: {  	s3 =	simm.s32 @!p0 $0x1082;
	s9 =	sld [smem:$0x3FB3]  }
0x2f: {  	lr =	sadd.s32 s0, s3;
	s0 =	sld [smem:$0x3FAA]  }
0x30: {  	s3 =	sld [smem:$0x3FAD]  }
0x31: {  	[smem:$0x3FB6] =	sst s10  }
0x32: {  	s10 =	sld [smem:$0x3FB4];
	_ =	sdelay $0x3  }
0x33: {  	p0 =	seq.s32 s10, $0x1;
	s10 =	sld [smem:$0x3FB6];
	_ =	sdelay $0x3  }
0x34: {  	[smem:$0x3FB6] =	sst s10  }
0x35: {  	s10 =	sld [smem:$0x3FB5];
	_ =	sdelay $0x3  }
0x36: {  	p1 =	seq.s32 s10, $0x1;
	s10 =	sld [smem:$0x3FB6];
	_ =	sdelay $0x3  }
0x37: {  	[smem:$0x3FB6] =	sst s10  }
0x38: {  	s10 =	sld [smem:$0x3FB7]  }
0x39: {  	_ = 	snop;
	(pc) =	sbr.ind lr, $3  }
0x3a: {  	_ = 	snop  }
0x3b: {  	_ = 	snop  }
0x3c: {  	p2 =	seq.s32 s10, $0x1;
	s10 =	sld [smem:$0x3FB6]  }
0x3d: {  	_ =	shalt  }
0x3e: {  	_ =	shalt  }
0x3f: {  	_ =	shalt  }
0x40: {  	_ =	shalt  }
0x41: {  	_ =	shalt  }
0x42: {  	_ =	shalt  }
0x43: {  	_ =	shalt  }
0x44: {  	_ =	shalt  }
0x45: {  	_ =	shalt  }
0x46: {  	_ =	shalt  }
0x47: {  	_ =	shalt  }
0x48: {  	_ =	shalt  }
0x49: {  	_ =	shalt  }
0x4a: {  	_ =	shalt  }
0x4b: {  	_ =	shalt  }
0x4c: {  	_ =	shalt  }
0x4d: {  	_ =	shalt  }
0x4e: {  	_ =	shalt  }
0x4f: {  	_ =	shalt  }
0x50: {  	_ =	shalt  }
0x51: {  	_ =	shalt  }
0x52: {  	_ =	shalt  }
0x53: {  	_ =	shalt  }
0x54: {  	_ =	shalt  }
0x55: {  	_ =	shalt  }
0x56: {  	_ =	shalt  }
0x57: {  	_ =	shalt  }
0x58: {  	_ =	shalt  }
0x59: {  	_ =	shalt  }
0x5a: {  	_ =	shalt  }
0x5b: {  	_ =	shalt  }
0x5c: {  	_ =	shalt  }
0x5d: {  	_ =	shalt  }
0x5e: {  	_ =	shalt  }
0x5f: {  	_ =	shalt  }
0x60: {  	_ =	shalt  }
0x61: {  	_ =	shalt  }
0x62: {  	_ =	shalt  }
0x63: {  	_ =	shalt  }
0x64: {  	_ =	shalt  }
0x65: {  	_ =	shalt  }
0x66: {  	_ =	shalt  }
0x67: {  	_ =	shalt  }
0x68: {  	_ =	shalt  }
0x69: {  	_ =	shalt  }
0x6a: {  	_ =	shalt  }
0x6b: {  	_ =	shalt  }
0x6c: {  	_ =	shalt  }
0x6d: {  	_ =	shalt  }
0x6e: {  	_ =	shalt  }
0x6f: {  	_ =	shalt  }
0x70: {  	_ =	shalt  }
0x71: {  	_ =	shalt  }
0x72: {  	_ =	shalt  }
0x73: {  	_ =	shalt  }
0x74: {  	_ =	shalt  }
0x75: {  	_ =	shalt  }
0x76: {  	_ =	shalt  }
0x77: {  	_ =	shalt  }
0x78: {  	_ =	shalt  }
0x79: {  	_ =	shalt  }
0x7a: {  	_ =	shalt  }
0x7b: {  	_ =	shalt  }
0x7c: {  	_ =	shalt  }
0x7d: {  	_ =	shalt  }
0x7e: {  	_ =	shalt  }
0x7f: {  	_ =	shalt  }
0x80: {  	_ =	shalt  }
0x81: {  	_ =	shalt  }
0x82: {  	_ =	shalt  }
0x83: {  	_ =	shalt  }
0x84: {  	_ =	shalt  }
0x85: {  	_ =	shalt  }
0x86: {  	_ =	shalt  }
0x87: {  	_ =	shalt  }
.Lfunc_end0:
.L_simem_size_0:
called_computation.2_lowered:
.L_overlay_start_0:
0x88: {  	s2 =	sld [smem:$0x3FD9]  }
0x89: {  	s3 =	sld [smem:$0x3FFE];
	_ =	sdelay $0x1  }
0x8a: {  	s1 =	srdreg.scid  }
0x8b: {  	s0 =	sand.u32 $0x1, s1  }
0x8c: {  	s17 =	sshll.u32 s0, $0xA;
	s2 =	sadd.s32 s3, s2  }
0x8d: {  	s2 =	sadd.s32 s2, s17  }
0x8e: {  	[smem:$0x3FC2] =	sst s2  }
0x8f: {  	_ = 	snop  }
0x90: {  	s2 =	sld [smem:$0x3FD0];
	(tm) =	ssettm $0x1  }
0x91: {  	s18 =	sld [smem:$0x3FFB];
	_ =	sdelay $0x3  }
0x92: {  	_ =	strace s18  }
0x93: {  	s3 =	sld [smem:$0x3FFC];
	_ =	sdelay $0x3  }
0x94: {  	_ =	strace s3  }
0x95: {  	s3 =	sld [smem:$0x3FFD];
	_ =	sdelay $0x3  }
0x96: {  	_ =	strace s3  }
0x97: {  	_ =	strace $0x8FFFFFFF  }
0x98: {  	s19 =	sld [smem:$0x3FDB];
	_ =	sdelay $0x1  }
0x99: {  	s4 =	simm.s32 $_scs_section_size  }
0x9a: {  	s5 =	simm.s32 $_size__tile_overlayer_lowered;
	s6 =	simm.s32 $_tile_overlayer_lowered  }
0x9b: {  	s22 =	simm.s32 $0x1BFF;
	s21 =	sshll.u32 s6, $0x1;
	s3 =	sadd.s32 s4, s19  }
0x9c: {  	s7 =	simm.s32 $0x0;
	s20 =	sshll.u32 s5, $0x1;
	s5 =	sadd.s32 s21, s3  }
0x9d: {  	[timem:s7], [sflag:s22] =	dma.local [hbm:s5], s20  }
0x9e: {  	_ =	swait.ge [sflag:s22], s20  }
0x9f: {  	s4 =	ssub.s32 $0x0, s20;
	[sflag:s22] =	ssyncset.done $0x0  }
0xa0: {  	[sflag:s22] =	ssyncadd.s32 s4;
	_ =	sdelay $0x1  }
0xa1: {  	s23 =	simm.s32 $0x1B8B  }
0xa2: {  	_ =	swait.ge [sflag:s23], $0x1  }
0xa3: {  	[sflag:s23] =	ssyncset.done $0x0  }
0xa4: {  	s25 =	simm.s32 $0x1B8E;
	s24 =	sld [smem:$0x3FFE];
	[sflag:s23] =	ssyncadd.s32 $0xFFFFFFFF  }
0xa5: {  	s26 =	simm.s32 $execute0_lowered;
	[smem:$0x3FD2] =	sst s25  }
0xa6: {  	s5 =	sshll.u32 s26, $0x1;
	_ =	strace $0x8000004C;
	[dreg:$0x1] =	wrdreg $0xFFFFFFFF  }
0xa7: {  	s28 =	simm.s32 $_size_execute0_lowered;
	s3 =	sadd.s32 s3, s5;
	[dreg:$0x0] =	wrdreg $0x0  }
0xa8: {  	s5 =	sshll.u32 s28, $0x1;
	[dreg:$0x2] =	wrdreg s3  }
0xa9: {  	[dreg:$0x3] =	wrdreg s5  }
0xaa: {  	[dreg:$0x4] =	wrdreg $0xC0  }
0xab: {  	_ =	task [dreg:s7], $0x5FFFF  }
0xac: {  	[dreg:$0x1] =	wrdreg $0xFFFFFFFF  }
0xad: {  	[dreg:$0x0] =	wrdreg $0x60  }
0xae: {  	[dreg:$0x2] =	wrdreg s24  }
0xaf: {  	[dreg:$0x3] =	wrdreg s2  }
0xb0: {  	[dreg:$0x4] =	wrdreg $0x0  }
0xb1: {  	[dreg:$0x5] =	wrdreg $0x9  }
0xb2: {  	_ =	task.clear_ibuf [dreg:s7], $0x6FFFF;
	_ =	strace $0x9000004C  }
0xb3: {  	s29 =	simm.s32 $0x9;
	_ =	strace $0x8000004E  }
0xb4: {  	_ =	swait.ge [sflag:s29], $0x1  }
0xb5: {  	[sflag:s29] =	ssyncadd.s32 $0xFFFFFFFF  }
0xb6: {  	_ =	strace $0x9000004E  }
0xb7: {  	_ =	sfence  }
0xb8: {  	s30 =	sld [smem:$0x0];
	_ =	sdelay $0x2  }
0xb9: {  	s31 =	sshll.u32 s1, $0xD;
	s1 =	sshrl.u32 s1, $0x2  }
0xba: {  	s3 =	sand.u32 $0x4000, s31;
	s1 =	sadd.s32 s1, s30  }
0xbb: {  	s0 =	sor.u32 s3, s0;
	s1 =	sshll.u32 s1, $0x11  }
0xbc: {  	s0 =	sor.u32 s1, s0  }
0xbd: {  	s0 =	sadd.s32 $0x8F2B, s0  }
0xbe: {  	[sflag:s0] =	ssyncadd.remote.s32 $0x1  }
0xbf: {  	_ =	sfence.sel $0xFFFF  }
0xc0: {  	[dreg:$0x0] =	wrdreg $0xFFFFFFFF;
	(pc) =	sbr.abs _section_cstart, $3  }
0xc1: {  	[dreg:$0x1] =	wrdreg $0xFFFFFFFF  }
0xc2: {  	_ =	task.clear_ibuf [dreg:s7], $0x2FFFF;
	_ =	strace $0x9FFFFFFF  }
0xc3: {  	(tm) =	ssettm $0x7FFFFFFF  }
tec
execute0_lowered:
.L_overlay_start_1:
0x0: {  	(tag) =	ssettag $0x1  }
0x1: {  	s0 =	rddreg [dreg:$0x0]  }
0x2: {  	s1 =	srdreg.scid;
	s2 =	rddreg [dreg:$0x1]  }
0x3: {  	s3 =	rddreg [dreg:$0x2];
	s13 =	stileid.u32  }
0x4: {  	s4 =	simm.s32 $0x0;
	s28 =	simm.s32 $0x7;
	s29 =	simm.s32 $0x8  }
0x5: {  	s30 =	simm.s32 $0x9;
	s31 =	simm.s32 $0x4;
	s8 =	smul.u32 $0x50000, s13  }
0x6: {  	s1 =	sand.u32 $0x1, s1;
	[smem:$0x7FF] =	sst s4;
	s22 =	smul.u32 $0x2710, s13  }
0x7: {  	s5 =	sshll.u32 s1, $0x4;
	_ =	strace $0x8000004D;
	s11 =	smul.u32 $0x140000, s1  }
0x8: {  	s7 =	ssub.s32 $0x2, s1;
	s1 =	smul.u32 $0x27100, s1;
	s5 =	sor.u32 s13, s5  }
0x9: {  	s10 =	sshrl.u32 s7, $0x1;
	s8 =	sshrl.u32 s8, $0x2;
	s6 =	smul.u32 $0x2710, s5  }
0xa: {  	s5 =	sadd.s32 $0xBE00, s0;
	s7 =	ssub.s32 s7, s10;
	s8 =	sadd.s32 s8, s3  }
0xb: {  	s10 =	smul.u32 $0x14000, s13;
	s16 =	sadd.s32 $0x1400, s8;
	[dreg:$0xc] =	wrdreg s8  }
0xc: {  	s1 =	sadd.s32 s22, s1;
	s17 =	sadd.s32 $0x2800, s8;
	[dreg:$0x8] =	wrdreg s16  }
0xd: {  	s18 =	sadd.s32 $0x3C00, s8;
	s7 =	smax.u32 s7, $0x1;
	[dreg:$0x9] =	wrdreg s17  }
0xe: {  	s13 =	sadd.s32 $0x7800, s8;
	s22 =	sadd.s32 $0x11800, s8;
	[dreg:$0xa] =	wrdreg s18  }
0xf: {  	s6 =	sshrl.u32 s6, $0x3;
	s19 =	sadd.s32 $0x5000, s10;
	[dreg:$0x11] =	wrdreg s7  }
0x10: {  	s20 =	sadd.s32 $0xA000, s10;
	s21 =	sadd.s32 $0xF000, s10;
	[dreg:$0x15] =	wrdreg s13  }
0x11: {  	s18 =	sadd.s32 $0xB400, s8;
	[dreg:$0x1b] =	wrdreg s22;
	s13 =	simm.s32 $0x50  }
0x12: {  	s22 =	simm.s32 $0x1F480;
	s7 =	simm.s32 $0x0;
	s9 =	sadd.s32 s6, s0  }
0x13: {  	s0 =	sadd.s32 $0x33E00, s0;
	s14 =	sadd.s32 s2, s6;
	s17 =	sadd.s32 s19, s3  }
0x14: {  	s16 =	sadd.s32 s20, s3;
	s23 =	sadd.s32 s21, s3;
	s6 =	sadd.s32 s10, s11  }
0x15: {  	s10 =	sadd.s32 s11, s20;
	[dreg:$0x17] =	wrdreg s18;
	s20 =	sadd.s32 $0xDC00, s8  }
0x16: {  	s18 =	simm.s32 $0x1F380;
	s9 =	sadd.s32 $0x2000, s9;
	[dreg:$0x19] =	wrdreg s20  }
0x17: {  	s12 =	sadd.s32 $0xA, s14;
	s15 =	sadd.s32 $0x14, s14;
	[dreg:$0x5] =	wrdreg s14  }
0x18: {  	s6 =	sshrl.u32 s6, $0x3;
	s25 =	sshrl.u32 s10, $0x3;
	[dreg:$0x4] =	wrdreg s9  }
0x19: {  	s10 =	sadd.s32 $0x140, s1;
	s20 =	simm.s32 $0x1F400;
	[dreg:$0x6] =	wrdreg s12  }
0x1a: {  	[dreg:$0x7] =	wrdreg s15;
	s12 =	sadd.s32 $0x6400, s8;
	s9 =	sadd.s32 s11, s19  }
0x1b: {  	s11 =	sadd.s32 s11, s21;
	s6 =	sadd.s32 s0, s6;
	[dreg:$0xb] =	wrdreg s12  }
0x1c: {  	s15 =	sadd.s32 $0x8C00, s8;
	s19 =	sadd.s32 $0xC800, s8;
	[dreg:$0xd] =	wrdreg s6  }
0x1d: {  	s21 =	sadd.s32 $0x10400, s8;
	s9 =	sshrl.u32 s9, $0x3;
	[dreg:$0x16] =	wrdreg s15  }
0x1e: {  	s6 =	sadd.s32 s0, s25;
	s26 =	sshrl.u32 s11, $0x3;
	[dreg:$0x18] =	wrdreg s19  }
0x1f: {  	s12 =	sadd.s32 $0xF0, s1;
	[dreg:$0x1a] =	wrdreg s21;
	s25 =	sadd.s32 $0x4CE, s14  }
0x20: {  	s15 =	simm.s32 $0x14000;
	s19 =	simm.s32 $0x16800;
	[dreg:$0xf] =	wrdreg s6  }
0x21: {  	s21 =	simm.s32 $0x19000;
	s24 =	sadd.s32 s0, s9;
	[dreg:$0x14] =	wrdreg s12  }
0x22: {  	s0 =	sadd.s32 s0, s26;
	s9 =	sadd.s32 $0x190, s1;
	[dreg:$0x1d] =	wrdreg s25  }
0x23: {  	s6 =	sshrl.u32 s10, $0x3;
	s26 =	sadd.s32 $0x4D8, s14;
	[dreg:$0xe] =	wrdreg s24  }
0x24: {  	s12 =	simm.s32 $0x1;
	s1 =	simm.s32 $0x6;
	[dreg:$0x10] =	wrdreg s0  }
0x25: {  	s0 =	sshrl.u32 s9, $0x3;
	s11 =	sadd.s32 s6, s2;
	[dreg:$0x1e] =	wrdreg s26  }
0x26: {  	s24 =	sadd.s32 $0x12C00, s8;
	s26 =	simm.s32 $0x1DF80;
	[dreg:$0x13] =	wrdreg s11  }
0x27: {  	s6 =	simm.s32 $0x3;
	s0 =	sadd.s32 s0, s2;
	[dreg:$0x1c] =	wrdreg s24  }
0x28: {  	v0 =	vimm.f32 $0.0e+00;
	s11 =	simm.s32 $0x5;
	[dreg:$0x12] =	wrdreg s0;
	s0 =	simm.s32 $0x2  }
.LBB2_1:
0x29: {  	s9 =	rddreg [dreg:$0x4];
	s8 =	simm.s32 $0x1B800  }
0x2a: {  	[tilespmem:s8], [sflag:$0x1] =	stream.linear.gather [hbm4b:s9+s4], $0x2710, $0x38;
	[tilespmem:$0x1F500] =	vst v63  }
0x2b: {  	_ =	swait.ge [sflag:s12], $0x2710  }
0x2c: {  	[sflag:s12] =	ssyncset.done $0x0  }
0x2d: {  	[sflag:s12] =	ssyncadd.s32 $0xFFFFD8F0  }
0x2e: {  	[tilespmem:s15], [sflag:$0x4] =	stream.indirect.gather [hbm4b:s5+s13], $0x80, s8, s13, $0xb8;
	[tilespmem:$0x1F500] =	vst v63  }
0x2f: {  	s8 =	rddreg [dreg:$0x5]  }
0x30: {  	[tilespmem:s18], [sflag:$0x1] =	stream.linear.gather [hbm4b:s8+s4], $0x50, $0x38;
	[tilespmem:$0x1F500] =	vst v63  }
0x31: {  	s10 =	simm.s32 $0x1B850  }
0x32: {  	[tilespmem:s19], [sflag:$0x5] =	stream.indirect.gather [hbm4b:s5+s13], $0x80, s10, s13, $0xb8;
	[tilespmem:$0x1F500] =	vst v63  }
0x33: {  	s14 =	rddreg [dreg:$0x6]  }
0x34: {  	[tilespmem:s20], [sflag:$0x2] =	stream.linear.gather [hbm4b:s14+s4], $0x50, $0x38;
	[tilespmem:$0x1F500] =	vst v63  }
0x35: {  	s24 =	simm.s32 $0x1B8A0  }
0x36: {  	[tilespmem:s21], [sflag:$0x6] =	stream.indirect.gather [hbm4b:s5+s13], $0x80, s24, s13, $0xb8;
	[tilespmem:$0x1F500] =	vst v63  }
0x37: {  	s9 =	simm.s32 $0x0;
	s25 =	rddreg [dreg:$0x7];
	s10 =	simm.s32 $0x200  }
0x38: {  	[tilespmem:s22], [sflag:$0x3] =	stream.linear.gather [hbm4b:s25+s4], $0x50, $0x38;
	[tilespmem:$0x1F500] =	vst v63  }
.LBB2_2:
0x39: {  	p0 =	sne.s32 s10, $0x4E00;
	[tilespmem:s9+$0x1DFF0] =	vst v0  }
0x3a: {  	[tilespmem:s9+$0x1DF80] =	vst v0  }
0x3b: {  	[tilespmem:s9+$0x1DF90] =	vst v0  }
.Ltmp0:
0x3c: {  	[tilespmem:s9+$0x1DFA0] =	vst v0;
	(pc) =	sbr.rel @p0 .LBB2_2-.Ltmp0, $4  }
0x3d: {  	[tilespmem:s9+$0x1DFB0] =	vst v0  }
0x3e: {  	[tilespmem:s9+$0x1DFC0] =	vst v0  }
0x3f: {  	[tilespmem:s9+$0x1DFD0] =	vst v0  }
0x40: {  	[tilespmem:s9+$0x1DFE0] =	vst v0;
	s9 =	sshra.s32 s10, $0x2;
	s10 =	sadd.s32 $0x200, s10  }
0x41: {  	[tilespmem:s9+$0x1DFF0] =	vst v0  }
0x42: {  	[tilespmem:s9+$0x1DF80] =	vst v0  }
0x43: {  	[tilespmem:s9+$0x1DF90] =	vst v0  }
0x44: {  	[tilespmem:s9+$0x1DFA0] =	vst v0  }
0x45: {  	[tilespmem:s9+$0x1DFB0] =	vst v0  }
0x46: {  	[tilespmem:s9+$0x1DFC0] =	vst v0  }
0x47: {  	[tilespmem:s9+$0x1DFD0] =	vst v0  }
0x48: {  	[tilespmem:s9+$0x1DFE0] =	vst v0;
	s8 =	rddreg [dreg:$0xc]  }
0x49: {  	[spmem:s8] =	stream.linear.scatter [tilespmem:s26], [sflag:$0x7], $0x1400, $0x38;
	[tilespmem:$0x1F500] =	vst v63  }
0x4a: {  	s8 =	rddreg [dreg:$0x8]  }
0x4b: {  	[spmem:s8] =	stream.linear.scatter [tilespmem:s26], [sflag:$0x8], $0x1400, $0x38;
	[tilespmem:$0x1F500] =	vst v63  }
0x4c: {  	s10 =	rddreg [dreg:$0x9]  }
0x4d: {  	[spmem:s10] =	stream.linear.scatter [tilespmem:s26], [sflag:$0x9], $0x1400, $0x38;
	[tilespmem:$0x1F500] =	vst v63  }
0x4e: {  	s14 =	rddreg [dreg:$0xa]  }
0x4f: {  	[spmem:s14] =	stream.linear.scatter [tilespmem:s26], [sflag:$0x7], $0x1400, $0x38;
	[tilespmem:$0x1F500] =	vst v63  }
0x50: {  	_ = 	snop  }
0x51: {  	[spmem:s17] =	stream.linear.scatter [tilespmem:s26], [sflag:$0x8], $0x1400, $0x38;
	[tilespmem:$0x1F500] =	vst v63  }
0x52: {  	s24 =	smov.u32 s17;
	s17 =	rddreg [dreg:$0xb]  }
0x53: {  	[spmem:s17] =	stream.linear.scatter [tilespmem:s26], [sflag:$0x9], $0x1400, $0x38;
	[tilespmem:$0x1F500] =	vst v63  }
0x54: {  	s25 =	rddreg [dreg:$0x15]  }
0x55: {  	[spmem:s25] =	stream.linear.scatter [tilespmem:s26], [sflag:$0x7], $0x1400, $0x38;
	[tilespmem:$0x1F500] =	vst v63  }
0x56: {  	s9 =	rddreg [dreg:$0x16]  }
0x57: {  	[spmem:s9] =	stream.linear.scatter [tilespmem:s26], [sflag:$0x8], $0x1400, $0x38;
	[tilespmem:$0x1F500] =	vst v63  }
0x58: {  	_ = 	snop  }
0x59: {  	[spmem:s16] =	stream.linear.scatter [tilespmem:s26], [sflag:$0x9], $0x1400, $0x38;
	[tilespmem:$0x1F500] =	vst v63  }
0x5a: {  	s10 =	rddreg [dreg:$0x17]  }
0x5b: {  	[spmem:s10] =	stream.linear.scatter [tilespmem:s26], [sflag:$0x7], $0x1400, $0x38;
	[tilespmem:$0x1F500] =	vst v63  }
0x5c: {  	s14 =	rddreg [dreg:$0x18]  }
0x5d: {  	[spmem:s14] =	stream.linear.scatter [tilespmem:s26], [sflag:$0x8], $0x1400, $0x38;
	[tilespmem:$0x1F500] =	vst v63  }
0x5e: {  	s25 =	smov.u32 s16;
	s16 =	rddreg [dreg:$0x19]  }
0x5f: {  	[spmem:s16] =	stream.linear.scatter [tilespmem:s26], [sflag:$0x9], $0x1400, $0x38;
	[tilespmem:$0x1F500] =	vst v63  }
0x60: {  	_ = 	snop  }
0x61: {  	[spmem:s23] =	stream.linear.scatter [tilespmem:s26], [sflag:$0x7], $0x1400, $0x38;
	[tilespmem:$0x1F500] =	vst v63  }
0x62: {  	s17 =	rddreg [dreg:$0x1a]  }
0x63: {  	[spmem:s17] =	stream.linear.scatter [tilespmem:s26], [sflag:$0x8], $0x1400, $0x38;
	[tilespmem:$0x1F500] =	vst v63  }
0x64: {  	s8 =	smov.u32 s23;
	s23 =	rddreg [dreg:$0x1b]  }
0x65: {  	[spmem:s23] =	stream.linear.scatter [tilespmem:s26], [sflag:$0x9], $0x1400, $0x38;
	[tilespmem:$0x1F500] =	vst v63  }
0x66: {  	s10 =	rddreg [dreg:$0x1c]  }
0x67: {  	[spmem:s10] =	stream.linear.scatter [tilespmem:s26], [sflag:$0x7], $0x1400, $0x38;
	[tilespmem:$0x1F500] =	vst v63  }
0x68: {  	_ =	swait.ge [sflag:s28], $0x1400  }
0x69: {  	[sflag:s28] =	ssyncset.done $0x0  }
0x6a: {  	[sflag:s28] =	ssyncadd.s32 $0xFFFFEC00  }
0x6b: {  	_ =	swait.ge [sflag:s29], $0x1400  }
0x6c: {  	[sflag:s29] =	ssyncset.done $0x0  }
0x6d: {  	[sflag:s29] =	ssyncadd.s32 $0xFFFFEC00  }
0x6e: {  	_ =	swait.ge [sflag:s30], $0x1400  }
0x6f: {  	[sflag:s30] =	ssyncset.done $0x0  }
0x70: {  	[sflag:s30] =	ssyncadd.s32 $0xFFFFEC00  }
0x71: {  	_ =	swait.ge [sflag:s28], $0x1400  }
0x72: {  	[sflag:s28] =	ssyncset.done $0x0  }
0x73: {  	[sflag:s28] =	ssyncadd.s32 $0xFFFFEC00  }
0x74: {  	_ =	swait.ge [sflag:s29], $0x1400  }
0x75: {  	[sflag:s29] =	ssyncset.done $0x0  }
0x76: {  	[sflag:s29] =	ssyncadd.s32 $0xFFFFEC00  }
0x77: {  	_ =	swait.ge [sflag:s30], $0x1400  }
0x78: {  	[sflag:s30] =	ssyncset.done $0x0  }
0x79: {  	[sflag:s30] =	ssyncadd.s32 $0xFFFFEC00  }
0x7a: {  	_ =	swait.ge [sflag:s28], $0x1400  }
0x7b: {  	[sflag:s28] =	ssyncset.done $0x0  }
0x7c: {  	[sflag:s28] =	ssyncadd.s32 $0xFFFFEC00  }
0x7d: {  	_ =	swait.ge [sflag:s29], $0x1400  }
0x7e: {  	[sflag:s29] =	ssyncset.done $0x0  }
0x7f: {  	[sflag:s29] =	ssyncadd.s32 $0xFFFFEC00  }
0x80: {  	_ =	swait.ge [sflag:s30], $0x1400  }
0x81: {  	[sflag:s30] =	ssyncset.done $0x0  }
0x82: {  	[sflag:s30] =	ssyncadd.s32 $0xFFFFEC00  }
0x83: {  	_ =	swait.ge [sflag:s28], $0x1400  }
0x84: {  	[sflag:s28] =	ssyncset.done $0x0  }
0x85: {  	[sflag:s28] =	ssyncadd.s32 $0xFFFFEC00  }
0x86: {  	_ =	swait.ge [sflag:s29], $0x1400  }
0x87: {  	[sflag:s29] =	ssyncset.done $0x0  }
0x88: {  	[sflag:s29] =	ssyncadd.s32 $0xFFFFEC00  }
0x89: {  	_ =	swait.ge [sflag:s30], $0x1400  }
0x8a: {  	[sflag:s30] =	ssyncset.done $0x0  }
0x8b: {  	[sflag:s30] =	ssyncadd.s32 $0xFFFFEC00  }
0x8c: {  	_ =	swait.ge [sflag:s28], $0x1400  }
0x8d: {  	[sflag:s28] =	ssyncset.done $0x0  }
0x8e: {  	[sflag:s28] =	ssyncadd.s32 $0xFFFFEC00  }
0x8f: {  	_ =	swait.ge [sflag:s29], $0x1400  }
0x90: {  	[sflag:s29] =	ssyncset.done $0x0  }
0x91: {  	[sflag:s29] =	ssyncadd.s32 $0xFFFFEC00  }
0x92: {  	_ =	swait.ge [sflag:s30], $0x1400  }
0x93: {  	[sflag:s30] =	ssyncset.done $0x0  }
0x94: {  	[sflag:s30] =	ssyncadd.s32 $0xFFFFEC00  }
0x95: {  	_ =	swait.ge [sflag:s28], $0x1400  }
0x96: {  	[sflag:s28] =	ssyncset.done $0x0  }
0x97: {  	[sflag:s28] =	ssyncadd.s32 $0xFFFFEC00  }
0x98: {  	[bflag:$0x0] =	sbarrier.arrive $0xFFFF  }
0x99: {  	_ =	swait.ge [sflag:s31], $0x2800  }
0x9a: {  	[sflag:s31] =	ssyncset.done $0x0  }
0x9b: {  	[sflag:s31] =	ssyncadd.s32 $0xFFFFD800  }
0x9c: {  	_ =	swait.ge [sflag:s12], $0x50  }
0x9d: {  	[sflag:s12] =	ssyncset.done $0x0  }
0x9e: {  	[sflag:s12] =	ssyncadd.s32 $0xFFFFFFB0  }
0x9f: {  	[spmem:s3] =	stream.indirect.scatter.add.f32 [tilespmem:s15], [sflag:$0x7], $0x80, s18, s13, $0xb8;
	[tilespmem:$0x1F500] =	vst v63  }
0xa0: {  	_ =	swait.ge [sflag:s11], $0x2800  }
0xa1: {  	[sflag:s11] =	ssyncset.done $0x0  }
0xa2: {  	[sflag:s11] =	ssyncadd.s32 $0xFFFFD800  }
0xa3: {  	_ =	swait.ge [sflag:s0], $0x50  }
0xa4: {  	[sflag:s0] =	ssyncset.done $0x0  }
0xa5: {  	[sflag:s0] =	ssyncadd.s32 $0xFFFFFFB0  }
0xa6: {  	[spmem:s3] =	stream.indirect.scatter.add.f32 [tilespmem:s19], [sflag:$0x8], $0x80, s20, s13, $0xb8;
	[tilespmem:$0x1F500] =	vst v63  }
0xa7: {  	_ =	swait.ge [sflag:s1], $0x2800  }
0xa8: {  	[sflag:s1] =	ssyncset.done $0x0  }
0xa9: {  	[sflag:s1] =	ssyncadd.s32 $0xFFFFD800  }
0xaa: {  	_ =	swait.ge [sflag:s6], $0x50  }
0xab: {  	[sflag:s6] =	ssyncset.done $0x0  }
0xac: {  	[sflag:s6] =	ssyncadd.s32 $0xFFFFFFB0  }
0xad: {  	[spmem:s3] =	stream.indirect.scatter.add.f32 [tilespmem:s21], [sflag:$0x9], $0x80, s22, s13, $0xb8;
	[tilespmem:$0x1F500] =	vst v63  }
0xae: {  	_ =	swait.ge [sflag:s28], $0x2800  }
0xaf: {  	s10 =	rddreg [dreg:$0x14]  }
0xb0: {  	[sflag:s28] =	ssyncset.done $0x0;
	s14 =	sshrl.u32 s10, $0x3  }
0xb1: {  	[sflag:s28] =	ssyncadd.s32 $0xFFFFD800;
	s9 =	sadd.s32 s2, s14  }
0xb2: {  	[tilespmem:s18], [sflag:$0x1] =	stream.linear.gather [hbm4b:s9+s4], $0x50, $0x38;
	[tilespmem:$0x1F500] =	vst v63  }
0xb3: {  	s16 =	simm.s32 $0x1B8F0  }
0xb4: {  	[tilespmem:s15], [sflag:$0x4] =	stream.indirect.gather [hbm4b:s5+s13], $0x80, s16, s13, $0xb8;
	[tilespmem:$0x1F500] =	vst v63  }
0xb5: {  	_ =	swait.ge [sflag:s29], $0x2800  }
0xb6: {  	[sflag:s29] =	ssyncset.done $0x0  }
0xb7: {  	s16 =	rddreg [dreg:$0x13];
	[sflag:s29] =	ssyncadd.s32 $0xFFFFD800  }
0xb8: {  	[tilespmem:s20], [sflag:$0x2] =	stream.linear.gather [hbm4b:s16+s4], $0x50, $0x38;
	[tilespmem:$0x1F500] =	vst v63  }
0xb9: {  	s17 =	simm.s32 $0x1B940  }
0xba: {  	[tilespmem:s19], [sflag:$0x5] =	stream.indirect.gather [hbm4b:s5+s13], $0x80, s17, s13, $0xb8;
	[tilespmem:$0x1F500] =	vst v63  }
0xbb: {  	_ =	swait.ge [sflag:s30], $0x2800  }
0xbc: {  	[sflag:s30] =	ssyncset.done $0x0  }
0xbd: {  	s14 =	rddreg [dreg:$0x12];
	[sflag:s30] =	ssyncadd.s32 $0xFFFFD800  }
0xbe: {  	[tilespmem:s22], [sflag:$0x3] =	stream.linear.gather [hbm4b:s14+s4], $0x50, $0x38;
	[tilespmem:$0x1F500] =	vst v63  }
0xbf: {  	s23 =	simm.s32 $0x1B990  }
0xc0: {  	[tilespmem:s21], [sflag:$0x6] =	stream.indirect.gather [hbm4b:s5+s13], $0x80, s23, s13, $0xb8;
	[tilespmem:$0x1F500] =	vst v63  }
0xc1: {  	_ =	swait.ge [sflag:s31], $0x2800  }
0xc2: {  	[sflag:s31] =	ssyncset.done $0x0  }
0xc3: {  	[sflag:s31] =	ssyncadd.s32 $0xFFFFD800  }
0xc4: {  	_ =	swait.ge [sflag:s12], $0x50  }
0xc5: {  	[sflag:s12] =	ssyncset.done $0x0  }
0xc6: {  	[sflag:s12] =	ssyncadd.s32 $0xFFFFFFB0  }
0xc7: {  	[spmem:s3] =	stream.indirect.scatter.add.f32 [tilespmem:s15], [sflag:$0x7], $0x80, s18, s13, $0xb8;
	[tilespmem:$0x1F500] =	vst v63  }
0xc8: {  	_ =	swait.ge [sflag:s11], $0x2800  }
0xc9: {  	[sflag:s11] =	ssyncset.done $0x0  }
0xca: {  	[sflag:s11] =	ssyncadd.s32 $0xFFFFD800  }
0xcb: {  	_ =	swait.ge [sflag:s0], $0x50  }
0xcc: {  	[sflag:s0] =	ssyncset.done $0x0  }
0xcd: {  	[sflag:s0] =	ssyncadd.s32 $0xFFFFFFB0  }
0xce: {  	[spmem:s3] =	stream.indirect.scatter.add.f32 [tilespmem:s19], [sflag:$0x8], $0x80, s20, s13, $0xb8;
	[tilespmem:$0x1F500] =	vst v63  }
0xcf: {  	_ =	swait.ge [sflag:s1], $0x2800  }
0xd0: {  	[sflag:s1] =	ssyncset.done $0x0  }
0xd1: {  	[sflag:s1] =	ssyncadd.s32 $0xFFFFD800  }
0xd2: {  	_ =	swait.ge [sflag:s6], $0x50  }
0xd3: {  	s10 =	sadd.s32 $0xF0, s10;
	s9 =	simm.s32 $0x3C0;
	[sflag:s6] =	ssyncset.done $0x0  }
0xd4: {  	s16 =	sadd.s32 $0x1E, s16;
	s14 =	sadd.s32 $0x1E, s14;
	[sflag:s6] =	ssyncadd.s32 $0xFFFFFFB0  }
.LBB2_4:
0xd5: {  	[spmem:s3] =	stream.indirect.scatter.add.f32 [tilespmem:s21], [sflag:$0x9], $0x80, s22, s13, $0xb8;
	[tilespmem:$0x1F500] =	vst v63  }
0xd6: {  	s17 =	smov.u32 s9  }
0xd7: {  	p0 =	sne.s32 s9, $0x9240;
	s9 =	sadd.s32 $0x3C0, s9;
	_ =	swait.ge [sflag:s28], $0x2800  }
0xd8: {  	s23 =	sshrl.u32 s10, $0x3;
	[sflag:s28] =	ssyncset.done $0x0  }
0xd9: {  	s23 =	sadd.s32 s2, s23;
	s17 =	sshra.s32 s17, $0x2;
	[sflag:s28] =	ssyncadd.s32 $0xFFFFD800  }
0xda: {  	[tilespmem:s18], [sflag:$0x1] =	stream.linear.gather [hbm4b:s23+s4], $0x50, $0x38;
	[tilespmem:$0x1F500] =	vst v63  }
0xdb: {  	s23 =	sadd.s32 $0x1B8F0, s17  }
0xdc: {  	[tilespmem:s15], [sflag:$0x4] =	stream.indirect.gather [hbm4b:s5+s13], $0x80, s23, s13, $0xb8;
	[tilespmem:$0x1F500] =	vst v63  }
0xdd: {  	_ =	swait.ge [sflag:s29], $0x2800  }
0xde: {  	[sflag:s29] =	ssyncset.done $0x0  }
0xdf: {  	[sflag:s29] =	ssyncadd.s32 $0xFFFFD800  }
0xe0: {  	[tilespmem:s20], [sflag:$0x2] =	stream.linear.gather [hbm4b:s16+s4], $0x50, $0x38;
	[tilespmem:$0x1F500] =	vst v63  }
0xe1: {  	s23 =	sadd.s32 $0x1B940, s17  }
0xe2: {  	[tilespmem:s19], [sflag:$0x5] =	stream.indirect.gather [hbm4b:s5+s13], $0x80, s23, s13, $0xb8;
	[tilespmem:$0x1F500] =	vst v63  }
0xe3: {  	_ =	swait.ge [sflag:s30], $0x2800  }
0xe4: {  	[sflag:s30] =	ssyncset.done $0x0  }
0xe5: {  	[sflag:s30] =	ssyncadd.s32 $0xFFFFD800  }
0xe6: {  	[tilespmem:s22], [sflag:$0x3] =	stream.linear.gather [hbm4b:s14+s4], $0x50, $0x38;
	[tilespmem:$0x1F500] =	vst v63  }
0xe7: {  	s17 =	sadd.s32 $0x1B990, s17  }
0xe8: {  	[tilespmem:s21], [sflag:$0x6] =	stream.indirect.gather [hbm4b:s5+s13], $0x80, s17, s13, $0xb8;
	[tilespmem:$0x1F500] =	vst v63  }
0xe9: {  	_ =	swait.ge [sflag:s31], $0x2800  }
0xea: {  	[sflag:s31] =	ssyncset.done $0x0  }
0xeb: {  	[sflag:s31] =	ssyncadd.s32 $0xFFFFD800  }
0xec: {  	_ =	swait.ge [sflag:s12], $0x50  }
0xed: {  	[sflag:s12] =	ssyncset.done $0x0  }
0xee: {  	[sflag:s12] =	ssyncadd.s32 $0xFFFFFFB0  }
0xef: {  	[spmem:s3] =	stream.indirect.scatter.add.f32 [tilespmem:s15], [sflag:$0x7], $0x80, s18, s13, $0xb8;
	[tilespmem:$0x1F500] =	vst v63  }
0xf0: {  	_ =	swait.ge [sflag:s11], $0x2800  }
0xf1: {  	[sflag:s11] =	ssyncset.done $0x0  }
0xf2: {  	[sflag:s11] =	ssyncadd.s32 $0xFFFFD800  }
0xf3: {  	_ =	swait.ge [sflag:s0], $0x50  }
0xf4: {  	[sflag:s0] =	ssyncset.done $0x0  }
0xf5: {  	[sflag:s0] =	ssyncadd.s32 $0xFFFFFFB0  }
0xf6: {  	[spmem:s3] =	stream.indirect.scatter.add.f32 [tilespmem:s19], [sflag:$0x8], $0x80, s20, s13, $0xb8;
	[tilespmem:$0x1F500] =	vst v63  }
0xf7: {  	_ =	swait.ge [sflag:s1], $0x2800  }
.Ltmp1:
0xf8: {  	[sflag:s1] =	ssyncset.done $0x0;
	(pc) =	sbr.rel @p0 .LBB2_4-.Ltmp1, $4  }
0xf9: {  	[sflag:s1] =	ssyncadd.s32 $0xFFFFD800  }
0xfa: {  	_ =	swait.ge [sflag:s6], $0x50  }
0xfb: {  	s10 =	sadd.s32 $0xF0, s10;
	[sflag:s6] =	ssyncset.done $0x0  }
0xfc: {  	s16 =	sadd.s32 $0x1E, s16;
	s14 =	sadd.s32 $0x1E, s14;
	[sflag:s6] =	ssyncadd.s32 $0xFFFFFFB0  }
0xfd: {  	[spmem:s3] =	stream.indirect.scatter.add.f32 [tilespmem:s21], [sflag:$0x9], $0x80, s22, s13, $0xb8;
	[tilespmem:$0x1F500] =	vst v63  }
0xfe: {  	_ =	swait.ge [sflag:s28], $0x2800  }
0xff: {  	[sflag:s28] =	ssyncset.done $0x0  }
0x100: {  	s9 =	rddreg [dreg:$0x1d];
	[sflag:s28] =	ssyncadd.s32 $0xFFFFD800  }
0x101: {  	[tilespmem:s18], [sflag:$0x1] =	stream.linear.gather [hbm4b:s9+s4], $0x50, $0x38;
	[tilespmem:$0x1F500] =	vst v63  }
0x102: {  	s17 =	simm.s32 $0x1DE70  }
0x103: {  	[tilespmem:s15], [sflag:$0x4] =	stream.indirect.gather [hbm4b:s5+s13], $0x80, s17, s13, $0xb8;
	[tilespmem:$0x1F500] =	vst v63  }
0x104: {  	_ =	swait.ge [sflag:s29], $0x2800  }
0x105: {  	[sflag:s29] =	ssyncset.done $0x0  }
0x106: {  	s23 =	rddreg [dreg:$0x1e];
	[sflag:s29] =	ssyncadd.s32 $0xFFFFD800  }
0x107: {  	[tilespmem:s20], [sflag:$0x2] =	stream.linear.gather [hbm4b:s23+s4], $0x50, $0x38;
	[tilespmem:$0x1F500] =	vst v63  }
0x108: {  	s10 =	simm.s32 $0x1DEC0  }
0x109: {  	[tilespmem:s19], [sflag:$0x5] =	stream.indirect.gather [hbm4b:s5+s13], $0x80, s10, s13, $0xb8;
	[tilespmem:$0x1F500] =	vst v63  }
0x10a: {  	_ =	swait.ge [sflag:s31], $0x2800  }
0x10b: {  	[sflag:s31] =	ssyncset.done $0x0  }
0x10c: {  	[sflag:s31] =	ssyncadd.s32 $0xFFFFD800  }
0x10d: {  	_ =	swait.ge [sflag:s12], $0x50  }
0x10e: {  	[sflag:s12] =	ssyncset.done $0x0  }
0x10f: {  	[sflag:s12] =	ssyncadd.s32 $0xFFFFFFB0  }
0x110: {  	[spmem:s3] =	stream.indirect.scatter.add.f32 [tilespmem:s15], [sflag:$0x7], $0x80, s18, s13, $0xb8;
	[tilespmem:$0x1F500] =	vst v63  }
0x111: {  	_ =	swait.ge [sflag:s11], $0x2800  }
0x112: {  	[sflag:s11] =	ssyncset.done $0x0  }
0x113: {  	[sflag:s11] =	ssyncadd.s32 $0xFFFFD800  }
0x114: {  	_ =	swait.ge [sflag:s0], $0x50  }
0x115: {  	[sflag:s0] =	ssyncset.done $0x0  }
0x116: {  	[sflag:s0] =	ssyncadd.s32 $0xFFFFFFB0  }
0x117: {  	[spmem:s3] =	stream.indirect.scatter.add.f32 [tilespmem:s19], [sflag:$0x8], $0x80, s20, s13, $0xb8;
	[tilespmem:$0x1F500] =	vst v63  }
0x118: {  	_ =	swait.ge [sflag:s28], $0x2800  }
0x119: {  	[sflag:s28] =	ssyncset.done $0x0  }
0x11a: {  	[sflag:s28] =	ssyncadd.s32 $0xFFFFD800  }
0x11b: {  	_ =	swait.ge [sflag:s29], $0x2800  }
0x11c: {  	[sflag:s29] =	ssyncset.done $0x0  }
0x11d: {  	[sflag:s29] =	ssyncadd.s32 $0xFFFFD800  }
0x11e: {  	_ =	swait.ge [sflag:s30], $0x2800  }
0x11f: {  	[sflag:s30] =	ssyncset.done $0x0  }
0x120: {  	s14 =	stileid.u32;
	[sflag:s30] =	ssyncadd.s32 $0xFFFFD800  }
0x121: {  	s9 =	sshll.u32 s14, $0x6;
	[bflag:$0x0] =	sbarrier.arrive $0xFFFF  }
0x122: {  	s17 =	smov.u32 s24;
	s24 =	sshrl.u32 s24, $0x3;
	s14 =	rddreg [dreg:$0xc]  }
0x123: {  	s10 =	sor.u32 $0x1C04, s9;
	s16 =	rddreg [dreg:$0xd];
	s14 =	sshrl.u32 s14, $0x3  }
0x124: {  	[hbm:s16], [sflag:s10] =	dma.local [spmem:s14], $0xA00  }
0x125: {  	s16 =	sor.u32 $0x1C05, s9;
	s9 =	sor.u32 $0x1C06, s9;
	s23 =	rddreg [dreg:$0xe]  }
0x126: {  	[hbm:s23], [sflag:s16] =	dma.local [spmem:s24], $0xA00  }
0x127: {  	s16 =	smov.u32 s25;
	s25 =	sshrl.u32 s25, $0x3;
	s23 =	rddreg [dreg:$0xf]  }
0x128: {  	[hbm:s23], [sflag:s9] =	dma.local [spmem:s25], $0xA00  }
0x129: {  	s14 =	sshrl.u32 s8, $0x3;
	s24 =	rddreg [dreg:$0x10]  }
0x12a: {  	[hbm:s24], [sflag:s10] =	dma.local [spmem:s14], $0xA00  }
0x12b: {  	_ =	swait.ge [sflag:s31], $0xA00  }
0x12c: {  	[sflag:s31] =	ssyncset.done $0x0  }
0x12d: {  	[sflag:s31] =	ssyncadd.s32 $0xFFFFF600  }
0x12e: {  	_ =	swait.ge [sflag:s11], $0xA00  }
0x12f: {  	[sflag:s11] =	ssyncset.done $0x0  }
0x130: {  	[sflag:s11] =	ssyncadd.s32 $0xFFFFF600  }
0x131: {  	_ =	swait.ge [sflag:s1], $0xA00  }
0x132: {  	[sflag:s1] =	ssyncset.done $0x0  }
0x133: {  	[sflag:s1] =	ssyncadd.s32 $0xFFFFF600  }
0x134: {  	_ =	swait.ge [sflag:s31], $0xA00  }
0x135: {  	s7 =	sadd.s32 $0x1, s7;
	s25 =	rddreg [dreg:$0x11]  }
0x136: {  	p0 =	sne.s32 s7, s25  }
.Ltmp2:
0x137: {  	_ = 	snop;
	(pc) =	sbr.rel @p0 .LBB2_1-.Ltmp2, $3  }
0x138: {  	_ =	sdelay $0x1  }
0x139: {  	[sflag:s31] =	ssyncset.done $0x0  }
0x13a: {  	s23 =	smov.u32 s8;
	[sflag:s31] =	ssyncadd.s32 $0xFFFFF600  }
0x13b: {  	_ =	sfence.sel $0x180000  }
0x13c: {  	[bflag:$0x0] =	sbarrier.arrive $0xFFFF  }
0x13d: {  	_ =	strace $0x9000004D  }
0x13e: {  	s0 =	stileid.u32;
	[bflag:$0x2] =	sbarrier.arrive $0xFFFF  }
0x13f: {  	p0 =	sne.s32 s0, $0x0;
	s0 =	rddreg [dreg:$0x3]  }
0x140: {  	s0 =	sadd.s32 @!p0 $0x100000, s0  }
0x141: {  	[sflag:s0] =	ssyncadd.tile.s32 @!p0 $0x1;
	_ =	shalt  }
.Lfunc_end2:
_tile_overlayer_lowered:
.L_overlay_start_2:
0x142: {  	(tag) =	ssettag $0x2  }
0x143: {  	s0 =	rddreg [dreg:$0x0];
	s2 =	stileid.u32  }
0x144: {  	s1 =	rddreg [dreg:$0x1];
	p0 =	sne.s32 s2, $0x0  }
0x145: {  	s3 =	rddreg [dreg:$0x2];
	[bflag:$0x3] =	sbarrier.arrive $0xFFFF;
	s2 =	simm.s32 @!p0 $0x1C0A  }
0x146: {  	[timem:s3], [sflag:s2] =	dma.local @!p0 [hbm:s0], s1  }
0x147: {  	s0 =	simm.s32 @!p0 $0xA  }
0x148: {  	_ =	swait.ge @!p0 [sflag:s0], s1  }
0x149: {  	s1 =	ssub.s32 @!p0 $0x0, s1;
	[sflag:s0] =	ssyncset.done @!p0 $0x0  }
0x14a: {  	[sflag:s0] =	ssyncadd.s32 @!p0 s1  }
0x14b: {  	[bflag:$0x3] =	sbarrier.arrive $0xFFFF  }
0x14c: {  	_ =	shalt  }

// kernel: kernel.8.cloned.1.call-start
scs
__scs_entry_jumppad:
0x0: {  	(pc) =	sbr.rel $0x88, $3  }
0x1: {  	(tag) =	ssettag $0x0;
	lr =	simm.s32 $0x1  }
0x2: {  	[smem:$0x3F9B] =	sst lr;
	_ =	strace $0xD0000000  }
0x3: {  	_ = 	snop  }
0x4: {  	_ = 	snop  }
0x5: {  	_ = 	snop  }
0x6: {  	_ = 	snop  }
0x7: {  	_ = 	snop  }
__scs_overlays_trampoline_lowered:
0x8: {  	[smem:$0x3FAA] =	sst s0  }
0x9: {  	[smem:$0x3FAB] =	sst s1  }
0xa: {  	[smem:$0x3FAC] =	sst s2  }
0xb: {  	[smem:$0x3FAD] =	sst s3  }
0xc: {  	[smem:$0x3FAE] =	sst s4  }
0xd: {  	[smem:$0x3FAF] =	sst s5  }
0xe: {  	[smem:$0x3FB0] =	sst s6  }
0xf: {  	[smem:$0x3FB1] =	sst s7  }
0x10: {  	[smem:$0x3FB2] =	sst s8  }
0x11: {  	[smem:$0x3FB3] =	sst s9;
	s0 =	simm.s32 @!p0 $0x0  }
0x12: {  	s1 =	sld [smem:$0x3F99];
	s0 =	simm.s32 @p0 $0x1  }
0x13: {  	[smem:$0x3FB4] =	sst s0;
	s0 =	simm.s32 @!p1 $0x0  }
0x14: {  	s2 =	sld [smem:$0x3F98];
	s0 =	simm.s32 @p1 $0x1  }
0x15: {  	[smem:$0x3FB5] =	sst s0;
	s0 =	simm.s32 @!p2 $0x0  }
0x16: {  	s3 =	sld [smem:$0x3FDB];
	s0 =	simm.s32 @p2 $0x1  }
0x17: {  	s4 =	simm.s32 $0x1BF5;
	[smem:$0x3FB7] =	sst s0  }
0x18: {  	s0 =	sld [smem:$0x3F9A];
	_ =	swait.ge [sflag:s4], $0x0  }
0x19: {  	s7 =	sld [smem:$0x3F9B]  }
0x1a: {  	s8 =	sadd.s32 $0xFFFFE003, lr  }
0x1b: {  	s9 =	sadd.s32 $0xFFFFFEF7, lr;
	s5 =	simm.s32 $0xFFFFFFFF;
	p2 =	slt.u32 s8, $0xFFFFF086  }
0x1c: {  	p1 =	slt.u32 s9, $0xF7A;
	s5 =	simm.s32 @!p2 $0x0  }
0x1d: {  	s5 =	simm.s32 @p1 $0x1;
	p0 =	seq.s32 s7, s2  }
0x1e: {  	s7 =	smul.u32 @!p0 $0xF7A, s2;
	p2 =	seq.s32 @!p0 s5, $0x0  }
0x1f: {  	s9 =	smul.u32 $0xF7A, s1;
	s8 =	simm.s32 @!p0 $0x1BF5;
	p2 =	por !p2, p0  }
0x20: {  	[sflag:s8] =	ssyncset.s32 @!p0 $0xFFFFF086;
	s6 =	sadd.s32 @!p0 s3, s7;
	s7 =	simm.s32 @!p0 $0x108  }
0x21: {  	s3 =	sadd.s32 s3, s9;
	s6 =	sadd.s32 @!p0 $0x88, s6;
	s7 =	simm.s32 @p2 $0x1082  }
0x22: {  	[simem:s7], [sflag:s8] =	dma.local @!p0 [hbm:s6], $0xF7A  }
0x23: {  	s9 =	sor.u32 $0xD0000000, s2;
	s6 =	simm.s32 $0x108;
	_ =	swait.ge @!p0 [sflag:s8], $0x0  }
0x24: {  	s3 =	sadd.s32 $0x88, s3;
	s6 =	simm.s32 @!p1 $0x1082;
	[sflag:s4] =	ssyncset.s32 $0xFFFFF086  }
0x25: {  	[simem:s6], [sflag:s4] =	dma.local [hbm:s3], $0xF7A  }
0x26: {  	[smem:$0x3F9B] =	sst s1;
	(tag) =	ssettag s2;
	_ =	strace s9  }
0x27: {  	s1 =	sld [smem:$0x3FAB]  }
0x28: {  	s2 =	sld [smem:$0x3FAC]  }
0x29: {  	s4 =	sld [smem:$0x3FAE]  }
0x2a: {  	p0 =	seq.s32 s5, $0x0;
	s5 =	sld [smem:$0x3FAF]  }
0x2b: {  	s6 =	sld [smem:$0x3FB0]  }
0x2c: {  	s7 =	sld [smem:$0x3FB1]  }
0x2d: {  	s3 =	simm.s32 $0x108;
	s8 =	sld [smem:$0x3FB2]  }
0x2e: {  	s3 =	simm.s32 @!p0 $0x1082;
	s9 =	sld [smem:$0x3FB3]  }
0x2f: {  	lr =	sadd.s32 s0, s3;
	s0 =	sld [smem:$0x3FAA]  }
0x30: {  	s3 =	sld [smem:$0x3FAD]  }
0x31: {  	[smem:$0x3FB6] =	sst s10  }
0x32: {  	s10 =	sld [smem:$0x3FB4];
	_ =	sdelay $0x3  }
0x33: {  	p0 =	seq.s32 s10, $0x1;
	s10 =	sld [smem:$0x3FB6];
	_ =	sdelay $0x3  }
0x34: {  	[smem:$0x3FB6] =	sst s10  }
0x35: {  	s10 =	sld [smem:$0x3FB5];
	_ =	sdelay $0x3  }
0x36: {  	p1 =	seq.s32 s10, $0x1;
	s10 =	sld [smem:$0x3FB6];
	_ =	sdelay $0x3  }
0x37: {  	[smem:$0x3FB6] =	sst s10  }
0x38: {  	s10 =	sld [smem:$0x3FB7]  }
0x39: {  	_ = 	snop;
	(pc) =	sbr.ind lr, $3  }
0x3a: {  	_ = 	snop  }
0x3b: {  	_ = 	snop  }
0x3c: {  	p2 =	seq.s32 s10, $0x1;
	s10 =	sld [smem:$0x3FB6]  }
0x3d: {  	_ =	shalt  }
0x3e: {  	_ =	shalt  }
0x3f: {  	_ =	shalt  }
0x40: {  	_ =	shalt  }
0x41: {  	_ =	shalt  }
0x42: {  	_ =	shalt  }
0x43: {  	_ =	shalt  }
0x44: {  	_ =	shalt  }
0x45: {  	_ =	shalt  }
0x46: {  	_ =	shalt  }
0x47: {  	_ =	shalt  }
0x48: {  	_ =	shalt  }
0x49: {  	_ =	shalt  }
0x4a: {  	_ =	shalt  }
0x4b: {  	_ =	shalt  }
0x4c: {  	_ =	shalt  }
0x4d: {  	_ =	shalt  }
0x4e: {  	_ =	shalt  }
0x4f: {  	_ =	shalt  }
0x50: {  	_ =	shalt  }
0x51: {  	_ =	shalt  }
0x52: {  	_ =	shalt  }
0x53: {  	_ =	shalt  }
0x54: {  	_ =	shalt  }
0x55: {  	_ =	shalt  }
0x56: {  	_ =	shalt  }
0x57: {  	_ =	shalt  }
0x58: {  	_ =	shalt  }
0x59: {  	_ =	shalt  }
0x5a: {  	_ =	shalt  }
0x5b: {  	_ =	shalt  }
0x5c: {  	_ =	shalt  }
0x5d: {  	_ =	shalt  }
0x5e: {  	_ =	shalt  }
0x5f: {  	_ =	shalt  }
0x60: {  	_ =	shalt  }
0x61: {  	_ =	shalt  }
0x62: {  	_ =	shalt  }
0x63: {  	_ =	shalt  }
0x64: {  	_ =	shalt  }
0x65: {  	_ =	shalt  }
0x66: {  	_ =	shalt  }
0x67: {  	_ =	shalt  }
0x68: {  	_ =	shalt  }
0x69: {  	_ =	shalt  }
0x6a: {  	_ =	shalt  }
0x6b: {  	_ =	shalt  }
0x6c: {  	_ =	shalt  }
0x6d: {  	_ =	shalt  }
0x6e: {  	_ =	shalt  }
0x6f: {  	_ =	shalt  }
0x70: {  	_ =	shalt  }
0x71: {  	_ =	shalt  }
0x72: {  	_ =	shalt  }
0x73: {  	_ =	shalt  }
0x74: {  	_ =	shalt  }
0x75: {  	_ =	shalt  }
0x76: {  	_ =	shalt  }
0x77: {  	_ =	shalt  }
0x78: {  	_ =	shalt  }
0x79: {  	_ =	shalt  }
0x7a: {  	_ =	shalt  }
0x7b: {  	_ =	shalt  }
0x7c: {  	_ =	shalt  }
0x7d: {  	_ =	shalt  }
0x7e: {  	_ =	shalt  }
0x7f: {  	_ =	shalt  }
0x80: {  	_ =	shalt  }
0x81: {  	_ =	shalt  }
0x82: {  	_ =	shalt  }
0x83: {  	_ =	shalt  }
0x84: {  	_ =	shalt  }
0x85: {  	_ =	shalt  }
0x86: {  	_ =	shalt  }
0x87: {  	_ =	shalt  }
.Lfunc_end0:
.L_simem_size_0:
called_computation_lowered:
.L_overlay_start_0:
0x88: {  	s2 =	sld [smem:$0x3FD9]  }
0x89: {  	s3 =	sld [smem:$0x3FFE];
	_ =	sdelay $0x1  }
0x8a: {  	s1 =	srdreg.scid  }
0x8b: {  	s0 =	sand.u32 $0x1, s1  }
0x8c: {  	s16 =	sshll.u32 s0, $0xA;
	s2 =	sadd.s32 s3, s2  }
0x8d: {  	s2 =	sadd.s32 s2, s16  }
0x8e: {  	[smem:$0x3FC2] =	sst s2  }
0x8f: {  	_ = 	snop  }
0x90: {  	(tm) =	ssettm $0x1  }
0x91: {  	s17 =	sld [smem:$0x3FFB];
	_ =	sdelay $0x3  }
0x92: {  	_ =	strace s17  }
0x93: {  	s2 =	sld [smem:$0x3FFC];
	_ =	sdelay $0x3  }
0x94: {  	_ =	strace s2  }
0x95: {  	s2 =	sld [smem:$0x3FFD];
	_ =	sdelay $0x3  }
0x96: {  	_ =	strace s2  }
0x97: {  	_ =	strace $0x8FFFFFFF  }
0x98: {  	s18 =	sld [smem:$0x3FDB];
	_ =	sdelay $0x1  }
0x99: {  	s19 =	simm.s32 $_scs_section_size  }
0x9a: {  	s4 =	simm.s32 $_size__tile_overlayer_lowered;
	s5 =	simm.s32 $_tile_overlayer_lowered  }
0x9b: {  	s22 =	simm.s32 $0x1BFF;
	s21 =	sshll.u32 s5, $0x1;
	s2 =	sadd.s32 s19, s18  }
0x9c: {  	s6 =	simm.s32 $0x0;
	s20 =	sshll.u32 s4, $0x1;
	s4 =	sadd.s32 s21, s2  }
0x9d: {  	[timem:s6], [sflag:s22] =	dma.local [hbm:s4], s20  }
0x9e: {  	_ =	swait.ge [sflag:s22], s20  }
0x9f: {  	s3 =	ssub.s32 $0x0, s20;
	[sflag:s22] =	ssyncset.done $0x0  }
0xa0: {  	[sflag:s22] =	ssyncadd.s32 s3;
	_ =	sdelay $0x1  }
0xa1: {  	s23 =	simm.s32 $0x1B8B  }
0xa2: {  	_ =	swait.ge [sflag:s23], $0x1  }
0xa3: {  	[sflag:s23] =	ssyncset.done $0x0  }
0xa4: {  	s25 =	simm.s32 $0x1B8E;
	s24 =	sld [smem:$0x3FFE];
	[sflag:s23] =	ssyncadd.s32 $0xFFFFFFFF  }
0xa5: {  	s26 =	simm.s32 $execute0_lowered;
	[smem:$0x3FD2] =	sst s25  }
0xa6: {  	s4 =	sshll.u32 s26, $0x1;
	_ =	strace $0x80000046;
	[dreg:$0x1] =	wrdreg $0xFFFFFFFF  }
0xa7: {  	s28 =	simm.s32 $_size_execute0_lowered;
	s2 =	sadd.s32 s2, s4;
	[dreg:$0x0] =	wrdreg $0x0  }
0xa8: {  	s4 =	sshll.u32 s28, $0x1;
	[dreg:$0x2] =	wrdreg s2  }
0xa9: {  	[dreg:$0x3] =	wrdreg s4  }
0xaa: {  	[dreg:$0x4] =	wrdreg $0xC0  }
0xab: {  	_ =	task [dreg:s6], $0x5FFFF  }
0xac: {  	[dreg:$0x1] =	wrdreg $0xFFFFFFFF  }
0xad: {  	[dreg:$0x0] =	wrdreg $0x60  }
0xae: {  	[dreg:$0x2] =	wrdreg s24  }
0xaf: {  	[dreg:$0x3] =	wrdreg $0x0  }
0xb0: {  	[dreg:$0x4] =	wrdreg $0x9  }
0xb1: {  	_ =	task.clear_ibuf [dreg:s6], $0x5FFFF;
	_ =	strace $0x90000046  }
0xb2: {  	s29 =	simm.s32 $0x9;
	_ =	strace $0x80000048  }
0xb3: {  	_ =	swait.ge [sflag:s29], $0x1  }
0xb4: {  	[sflag:s29] =	ssyncadd.s32 $0xFFFFFFFF  }
0xb5: {  	_ =	strace $0x90000048  }
0xb6: {  	_ =	sfence  }
0xb7: {  	s30 =	sld [smem:$0x0];
	_ =	sdelay $0x2  }
0xb8: {  	s31 =	sshll.u32 s1, $0xD;
	s1 =	sshrl.u32 s1, $0x2  }
0xb9: {  	s3 =	sand.u32 $0x4000, s31;
	s1 =	sadd.s32 s1, s30  }
0xba: {  	s0 =	sor.u32 s3, s0;
	s1 =	sshll.u32 s1, $0x11  }
0xbb: {  	s0 =	sor.u32 s1, s0  }
0xbc: {  	s0 =	sadd.s32 $0x8F2B, s0  }
0xbd: {  	[sflag:s0] =	ssyncadd.remote.s32 $0x1  }
0xbe: {  	_ =	sfence.sel $0xFFFF  }
0xbf: {  	[dreg:$0x0] =	wrdreg $0xFFFFFFFF;
	(pc) =	sbr.abs _section_cstart, $3  }
0xc0: {  	[dreg:$0x1] =	wrdreg $0xFFFFFFFF  }
0xc1: {  	_ =	task.clear_ibuf [dreg:s6], $0x2FFFF;
	_ =	strace $0x9FFFFFFF  }
0xc2: {  	(tm) =	ssettm $0x7FFFFFFF  }
0xc3: {  	_ =	shalt  }
tec
execute0_lowered:
.L_overlay_start_1:
0x0: {  	(tag) =	ssettag $0x1  }
0x1: {  	s0 =	rddreg [dreg:$0x0]  }
0x2: {  	s2 =	rddreg [dreg:$0x1]  }
0x3: {  	s1 =	srdreg.scid;
	s9 =	stileid.u32  }
0x4: {  	s3 =	simm.s32 $0x0;
	s28 =	simm.s32 $0x3;
	s29 =	simm.s32 $0x4  }
0x5: {  	s30 =	simm.s32 $0x5;
	s31 =	simm.s32 $0x6;
	s4 =	smul.u32 $0x500, s9  }
0x6: {  	s1 =	sand.u32 $0x1, s1;
	[smem:$0x7FF] =	sst s3;
	s7 =	smul.u32 $0xA00, s9  }
0x7: {  	s5 =	sshll.u32 s1, $0x4;
	s6 =	sshll.u32 s1, $0x7;
	_ =	strace $0x80000047  }
0x8: {  	s14 =	ssub.s32 $0x2, s1;
	s1 =	smul.u32 $0x27100, s1;
	s5 =	sor.u32 s9, s5  }
0x9: {  	s6 =	sor.u32 s6, s4;
	s4 =	sadd.s32 $0x2000, s0;
	s8 =	sshrl.u32 s14, $0x1  }
0xa: {  	s9 =	smul.u32 $0x2710, s9;
	s15 =	sshrl.u32 s7, $0x2;
	s6 =	sshrl.u32 s6, $0x3  }
0xb: {  	s5 =	smul.u32 $0x2710, s5;
	s8 =	ssub.s32 s14, s8;
	s0 =	sadd.s32 s6, s0  }
0xc: {  	s6 =	sadd.s32 s15, s2;
	s1 =	sadd.s32 s9, s1;
	s21 =	smax.u32 s8, $0x1  }
0xd: {  	s8 =	simm.s32 $0xA;
	s9 =	simm.s32 $0x0;
	s5 =	sshrl.u32 s5, $0x3  }
0xe: {  	s19 =	sadd.s32 $0x2D0, s1;
	s0 =	sadd.s32 $0xBE00, s0;
	[dreg:$0xb] =	wrdreg s21  }
0xf: {  	s22 =	sadd.s32 $0x280, s1;
	s24 =	sadd.s32 $0x230, s1;
	s25 =	sadd.s32 $0x1E0, s1  }
0x10: {  	s15 =	sadd.s32 $0x190, s1;
	s21 =	simm.s32 $0x700;
	s1 =	simm.s32 $0x8  }
0x11: {  	s5 =	sadd.s32 s4, s5;
	[dreg:$0xa] =	wrdreg s0;
	s20 =	sshrl.u32 s19, $0x3  }
0x12: {  	s23 =	sshrl.u32 s22, $0x3;
	s7 =	sshrl.u32 s24, $0x3;
	s26 =	sshrl.u32 s25, $0x3  }
0x13: {  	s19 =	simm.s32 $0x600;
	s22 =	simm.s32 $0x780;
	s24 =	simm.s32 $0x50  }
0x14: {  	s25 =	simm.s32 $0x500;
	s16 =	sadd.s32 $0xA, s5;
	[dreg:$0x5] =	wrdreg s5  }
0x15: {  	s17 =	sadd.s32 $0x14, s5;
	s18 =	sadd.s32 $0x1E, s5;
	[dreg:$0x6] =	wrdreg s16  }
0x16: {  	s5 =	sadd.s32 $0x28, s5;
	s0 =	sadd.s32 s20, s4;
	[dreg:$0x7] =	wrdreg s17  }
0x17: {  	s13 =	sadd.s32 s7, s4;
	s14 =	sadd.s32 s26, s4;
	[dreg:$0x8] =	wrdreg s18  }
0x18: {  	s20 =	simm.s32 $0x680;
	s26 =	simm.s32 $0x2;
	[dreg:$0x9] =	wrdreg s5  }
0x19: {  	s7 =	simm.s32 $0x9;
	[dreg:$0x3] =	wrdreg s0;
	s0 =	sadd.s32 s23, s4  }
0x1a: {  	s16 =	simm.s32 $0x280;
	s17 =	simm.s32 $0xB;
	s18 =	simm.s32 $0x580  }
0x1b: {  	v0 =	vimm.f32 $0.0e+00;
	v1 =	vimm.f32 $1.000000000e+00;
	s23 =	simm.s32 $0x1;
	[dreg:$0x4] =	wrdreg s0;
	s0 =	simm.s32 $0x7  }
.LBB2_1:
0x1c: {  	[tilespmem:$0x280] =	vst v0  }
0x1d: {  	[tilespmem:$0x290] =	vst v0  }
0x1e: {  	[tilespmem:$0x2A0] =	vst v0  }
0x1f: {  	[tilespmem:$0x2B0] =	vst v0  }
0x20: {  	[tilespmem:$0x2C0] =	vst v0  }
0x21: {  	[tilespmem:$0x2D0] =	vst v0  }
0x22: {  	[tilespmem:$0x2E0] =	vst v0  }
0x23: {  	[tilespmem:$0x2F0] =	vst v0  }
0x24: {  	[tilespmem:$0x300] =	vst v0  }
0x25: {  	[tilespmem:$0x310] =	vst v0  }
0x26: {  	[tilespmem:$0x320] =	vst v0  }
0x27: {  	[tilespmem:$0x330] =	vst v0  }
0x28: {  	[tilespmem:$0x340] =	vst v0  }
0x29: {  	[tilespmem:$0x350] =	vst v0  }
0x2a: {  	[tilespmem:$0x360] =	vst v0  }
0x2b: {  	[tilespmem:$0x370] =	vst v0  }
0x2c: {  	[tilespmem:$0x380] =	vst v0  }
0x2d: {  	[tilespmem:$0x390] =	vst v0  }
0x2e: {  	[tilespmem:$0x3A0] =	vst v0  }
0x2f: {  	[tilespmem:$0x3B0] =	vst v0  }
0x30: {  	[tilespmem:$0x3C0] =	vst v0  }
0x31: {  	[tilespmem:$0x3D0] =	vst v0  }
0x32: {  	[tilespmem:$0x3E0] =	vst v0  }
0x33: {  	[tilespmem:$0x3F0] =	vst v0  }
0x34: {  	[tilespmem:$0x400] =	vst v0  }
0x35: {  	[tilespmem:$0x410] =	vst v0  }
0x36: {  	[tilespmem:$0x420] =	vst v0  }
0x37: {  	[tilespmem:$0x430] =	vst v0  }
0x38: {  	[tilespmem:$0x440] =	vst v0  }
0x39: {  	[tilespmem:$0x450] =	vst v0  }
0x3a: {  	[tilespmem:$0x460] =	vst v0  }
0x3b: {  	[tilespmem:$0x470] =	vst v0  }
0x3c: {  	[tilespmem:$0x480] =	vst v0  }
0x3d: {  	[tilespmem:$0x490] =	vst v0  }
0x3e: {  	[tilespmem:$0x4A0] =	vst v0  }
0x3f: {  	[tilespmem:$0x4B0] =	vst v0  }
0x40: {  	[tilespmem:$0x4C0] =	vst v0  }
0x41: {  	[tilespmem:$0x4D0] =	vst v0  }
0x42: {  	[tilespmem:$0x4E0] =	vst v0  }
0x43: {  	[tilespmem:$0x4F0] =	vst v0  }
0x44: {  	[tilespmem:$0x500] =	vst v1  }
0x45: {  	[tilespmem:$0x510] =	vst v1  }
0x46: {  	[tilespmem:$0x520] =	vst v1  }
0x47: {  	[tilespmem:$0x530] =	vst v1  }
0x48: {  	[tilespmem:$0x540] =	vst v1  }
0x49: {  	[spmem:s6] =	stream.linear.scatter [tilespmem:s16], [sflag:$0xB], $0x280, $0x38;
	[tilespmem:$0x800] =	vst v63  }
0x4a: {  	_ =	swait.ge [sflag:s17], $0x280  }
0x4b: {  	[sflag:s17] =	ssyncset.done $0x0  }
0x4c: {  	[sflag:s17] =	ssyncadd.s32 $0xFFFFFD80  }
0x4d: {  	[bflag:$0x0] =	sbarrier.arrive $0xFFFF  }
0x4e: {  	s5 =	rddreg [dreg:$0x5]  }
0x4f: {  	[tilespmem:s18], [sflag:$0x1] =	stream.linear.gather [hbm4b:s5+s3], $0x50, $0x38;
	[tilespmem:$0x800] =	vst v63  }
0x50: {  	s11 =	rddreg [dreg:$0x6]  }
0x51: {  	[tilespmem:s19], [sflag:$0x2] =	stream.linear.gather [hbm4b:s11+s3], $0x50, $0x38;
	[tilespmem:$0x800] =	vst v63  }
0x52: {  	s12 =	rddreg [dreg:$0x7]  }
0x53: {  	[tilespmem:s20], [sflag:$0x3] =	stream.linear.gather [hbm4b:s12+s3], $0x50, $0x38;
	[tilespmem:$0x800] =	vst v63  }
0x54: {  	s10 =	rddreg [dreg:$0x8]  }
0x55: {  	[tilespmem:s21], [sflag:$0x4] =	stream.linear.gather [hbm4b:s10+s3], $0x50, $0x38;
	[tilespmem:$0x800] =	vst v63  }
0x56: {  	s11 =	rddreg [dreg:$0x9]  }
0x57: {  	[tilespmem:s22], [sflag:$0x5] =	stream.linear.gather [hbm4b:s11+s3], $0x50, $0x38;
	[tilespmem:$0x800] =	vst v63  }
0x58: {  	_ =	swait.ge [sflag:s23], $0x50  }
0x59: {  	[sflag:s23] =	ssyncset.done $0x0  }
0x5a: {  	[sflag:s23] =	ssyncadd.s32 $0xFFFFFFB0  }
0x5b: {  	[spmem:s2] =	stream.indirect.scatter.add.f32 [tilespmem:s25], [sflag:$0x6], $0x1, s18, s24, $0xb8;
	[tilespmem:$0x800] =	vst v63  }
0x5c: {  	_ =	swait.ge [sflag:s26], $0x50  }
0x5d: {  	[sflag:s26] =	ssyncset.done $0x0  }
0x5e: {  	[sflag:s26] =	ssyncadd.s32 $0xFFFFFFB0  }
0x5f: {  	[spmem:s2] =	stream.indirect.scatter.add.f32 [tilespmem:s25], [sflag:$0x7], $0x1, s19, s24, $0xb8;
	[tilespmem:$0x800] =	vst v63  }
0x60: {  	_ =	swait.ge [sflag:s28], $0x50  }
0x61: {  	[sflag:s28] =	ssyncset.done $0x0  }
0x62: {  	[sflag:s28] =	ssyncadd.s32 $0xFFFFFFB0  }
0x63: {  	[spmem:s2] =	stream.indirect.scatter.add.f32 [tilespmem:s25], [sflag:$0x8], $0x1, s20, s24, $0xb8;
	[tilespmem:$0x800] =	vst v63  }
0x64: {  	_ =	swait.ge [sflag:s29], $0x50  }
0x65: {  	[sflag:s29] =	ssyncset.done $0x0  }
0x66: {  	[sflag:s29] =	ssyncadd.s32 $0xFFFFFFB0  }
0x67: {  	[spmem:s2] =	stream.indirect.scatter.add.f32 [tilespmem:s25], [sflag:$0x9], $0x1, s21, s24, $0xb8;
	[tilespmem:$0x800] =	vst v63  }
0x68: {  	_ =	swait.ge [sflag:s30], $0x50  }
0x69: {  	[sflag:s30] =	ssyncset.done $0x0  }
0x6a: {  	[sflag:s30] =	ssyncadd.s32 $0xFFFFFFB0  }
0x6b: {  	[spmem:s2] =	stream.indirect.scatter.add.f32 [tilespmem:s25], [sflag:$0xA], $0x1, s22, s24, $0xb8;
	[tilespmem:$0x800] =	vst v63  }
0x6c: {  	_ =	swait.ge [sflag:s31], $0x50  }
0x6d: {  	s10 =	sshrl.u32 s15, $0x3;
	[sflag:s31] =	ssyncset.done $0x0  }
0x6e: {  	s10 =	sadd.s32 s4, s10;
	[sflag:s31] =	ssyncadd.s32 $0xFFFFFFB0  }
0x6f: {  	[tilespmem:s18], [sflag:$0x1] =	stream.linear.gather [hbm4b:s10+s3], $0x50, $0x38;
	[tilespmem:$0x800] =	vst v63  }
0x70: {  	_ =	swait.ge [sflag:s0], $0x50  }
0x71: {  	[sflag:s0] =	ssyncset.done $0x0  }
0x72: {  	s12 =	sadd.s32 $0x0, s14;
	[sflag:s0] =	ssyncadd.s32 $0xFFFFFFB0  }
0x73: {  	[tilespmem:s19], [sflag:$0x2] =	stream.linear.gather [hbm4b:s12+s3], $0x50, $0x38;
	[tilespmem:$0x800] =	vst v63  }
0x74: {  	_ =	swait.ge [sflag:s1], $0x50  }
0x75: {  	[sflag:s1] =	ssyncset.done $0x0  }
0x76: {  	s5 =	sadd.s32 $0x0, s13;
	[sflag:s1] =	ssyncadd.s32 $0xFFFFFFB0  }
0x77: {  	[tilespmem:s20], [sflag:$0x3] =	stream.linear.gather [hbm4b:s5+s3], $0x50, $0x38;
	[tilespmem:$0x800] =	vst v63  }
0x78: {  	_ =	swait.ge [sflag:s7], $0x50  }
0x79: {  	s11 =	rddreg [dreg:$0x4];
	[sflag:s7] =	ssyncset.done $0x0  }
0x7a: {  	[sflag:s7] =	ssyncadd.s32 $0xFFFFFFB0;
	s10 =	sadd.s32 $0x0, s11  }
0x7b: {  	[tilespmem:s21], [sflag:$0x4] =	stream.linear.gather [hbm4b:s10+s3], $0x50, $0x38;
	[tilespmem:$0x800] =	vst v63  }
0x7c: {  	_ =	swait.ge [sflag:s8], $0x50  }
0x7d: {  	s12 =	rddreg [dreg:$0x3];
	[sflag:s8] =	ssyncset.done $0x0  }
0x7e: {  	[sflag:s8] =	ssyncadd.s32 $0xFFFFFFB0;
	s10 =	sadd.s32 $0x0, s12  }
0x7f: {  	[tilespmem:s22], [sflag:$0x5] =	stream.linear.gather [hbm4b:s10+s3], $0x50, $0x38;
	[tilespmem:$0x800] =	vst v63  }
0x80: {  	_ =	swait.ge [sflag:s23], $0x50  }
0x81: {  	[sflag:s23] =	ssyncset.done $0x0  }
0x82: {  	[sflag:s23] =	ssyncadd.s32 $0xFFFFFFB0  }
0x83: {  	[spmem:s2] =	stream.indirect.scatter.add.f32 [tilespmem:s25], [sflag:$0x6], $0x1, s18, s24, $0xb8;
	[tilespmem:$0x800] =	vst v63  }
0x84: {  	_ =	swait.ge [sflag:s26], $0x50  }
0x85: {  	[sflag:s26] =	ssyncset.done $0x0  }
0x86: {  	[sflag:s26] =	ssyncadd.s32 $0xFFFFFFB0  }
0x87: {  	[spmem:s2] =	stream.indirect.scatter.add.f32 [tilespmem:s25], [sflag:$0x7], $0x1, s19, s24, $0xb8;
	[tilespmem:$0x800] =	vst v63  }
0x88: {  	_ =	swait.ge [sflag:s28], $0x50  }
0x89: {  	[sflag:s28] =	ssyncset.done $0x0  }
0x8a: {  	[sflag:s28] =	ssyncadd.s32 $0xFFFFFFB0  }
0x8b: {  	[spmem:s2] =	stream.indirect.scatter.add.f32 [tilespmem:s25], [sflag:$0x8], $0x1, s20, s24, $0xb8;
	[tilespmem:$0x800] =	vst v63  }
0x8c: {  	_ =	swait.ge [sflag:s29], $0x50  }
0x8d: {  	[sflag:s29] =	ssyncset.done $0x0  }
0x8e: {  	[sflag:s29] =	ssyncadd.s32 $0xFFFFFFB0  }
0x8f: {  	[spmem:s2] =	stream.indirect.scatter.add.f32 [tilespmem:s25], [sflag:$0x9], $0x1, s21, s24, $0xb8;
	[tilespmem:$0x800] =	vst v63  }
0x90: {  	_ =	swait.ge [sflag:s30], $0x50  }
0x91: {  	[sflag:s30] =	ssyncset.done $0x0  }
0x92: {  	s11 =	sadd.s32 $0x190, s15;
	s10 =	simm.s32 $0x32;
	[sflag:s30] =	ssyncadd.s32 $0xFFFFFFB0  }
.LBB2_2:
0x93: {  	[spmem:s2] =	stream.indirect.scatter.add.f32 [tilespmem:s25], [sflag:$0xA], $0x1, s22, s24, $0xb8;
	[tilespmem:$0x800] =	vst v63  }
0x94: {  	_ =	swait.ge [sflag:s31], $0x50  }
0x95: {  	s5 =	sshrl.u32 s11, $0x3;
	[sflag:s31] =	ssyncset.done $0x0  }
0x96: {  	s5 =	sadd.s32 s4, s5;
	[sflag:s31] =	ssyncadd.s32 $0xFFFFFFB0  }
0x97: {  	[tilespmem:s18], [sflag:$0x1] =	stream.linear.gather [hbm4b:s5+s3], $0x50, $0x38;
	[tilespmem:$0x800] =	vst v63  }
0x98: {  	_ =	swait.ge [sflag:s0], $0x50  }
0x99: {  	s12 =	smov.u32 s10;
	[sflag:s0] =	ssyncset.done $0x0  }
0x9a: {  	s5 =	sadd.s32 s12, s14;
	[sflag:s0] =	ssyncadd.s32 $0xFFFFFFB0  }
0x9b: {  	[tilespmem:s19], [sflag:$0x2] =	stream.linear.gather [hbm4b:s5+s3], $0x50, $0x38;
	[tilespmem:$0x800] =	vst v63  }
0x9c: {  	_ =	swait.ge [sflag:s1], $0x50  }
0x9d: {  	[sflag:s1] =	ssyncset.done $0x0  }
0x9e: {  	s5 =	sadd.s32 s12, s13;
	[sflag:s1] =	ssyncadd.s32 $0xFFFFFFB0  }
0x9f: {  	[tilespmem:s20], [sflag:$0x3] =	stream.linear.gather [hbm4b:s5+s3], $0x50, $0x38;
	[tilespmem:$0x800] =	vst v63  }
0xa0: {  	_ =	swait.ge [sflag:s7], $0x50  }
0xa1: {  	s5 =	rddreg [dreg:$0x4];
	[sflag:s7] =	ssyncset.done $0x0  }
0xa2: {  	[sflag:s7] =	ssyncadd.s32 $0xFFFFFFB0;
	s5 =	sadd.s32 s12, s5  }
0xa3: {  	[tilespmem:s21], [sflag:$0x4] =	stream.linear.gather [hbm4b:s5+s3], $0x50, $0x38;
	[tilespmem:$0x800] =	vst v63  }
0xa4: {  	_ =	swait.ge [sflag:s8], $0x50  }
0xa5: {  	s5 =	rddreg [dreg:$0x3];
	[sflag:s8] =	ssyncset.done $0x0  }
0xa6: {  	[sflag:s8] =	ssyncadd.s32 $0xFFFFFFB0;
	s5 =	sadd.s32 s12, s5  }
0xa7: {  	[tilespmem:s22], [sflag:$0x5] =	stream.linear.gather [hbm4b:s5+s3], $0x50, $0x38;
	[tilespmem:$0x800] =	vst v63  }
0xa8: {  	_ =	swait.ge [sflag:s23], $0x50  }
0xa9: {  	[sflag:s23] =	ssyncset.done $0x0  }
0xaa: {  	[sflag:s23] =	ssyncadd.s32 $0xFFFFFFB0  }
0xab: {  	[spmem:s2] =	stream.indirect.scatter.add.f32 [tilespmem:s25], [sflag:$0x6], $0x1, s18, s24, $0xb8;
	[tilespmem:$0x800] =	vst v63  }
0xac: {  	_ =	swait.ge [sflag:s26], $0x50  }
0xad: {  	[sflag:s26] =	ssyncset.done $0x0  }
0xae: {  	[sflag:s26] =	ssyncadd.s32 $0xFFFFFFB0  }
0xaf: {  	[spmem:s2] =	stream.indirect.scatter.add.f32 [tilespmem:s25], [sflag:$0x7], $0x1, s19, s24, $0xb8;
	[tilespmem:$0x800] =	vst v63  }
0xb0: {  	_ =	swait.ge [sflag:s28], $0x50  }
0xb1: {  	[sflag:s28] =	ssyncset.done $0x0  }
0xb2: {  	[sflag:s28] =	ssyncadd.s32 $0xFFFFFFB0  }
0xb3: {  	[spmem:s2] =	stream.indirect.scatter.add.f32 [tilespmem:s25], [sflag:$0x8], $0x1, s20, s24, $0xb8;
	[tilespmem:$0x800] =	vst v63  }
0xb4: {  	_ =	swait.ge [sflag:s29], $0x50  }
0xb5: {  	p0 =	sne.s32 s10, $0x47E;
	[sflag:s29] =	ssyncset.done $0x0  }
.Ltmp0:
0xb6: {  	[sflag:s29] =	ssyncadd.s32 $0xFFFFFFB0;
	(pc) =	sbr.rel @p0 .LBB2_2-.Ltmp0, $4  }
0xb7: {  	[spmem:s2] =	stream.indirect.scatter.add.f32 [tilespmem:s25], [sflag:$0x9], $0x1, s21, s24, $0xb8;
	[tilespmem:$0x800] =	vst v63  }
0xb8: {  	_ =	swait.ge [sflag:s30], $0x50  }
0xb9: {  	[sflag:s30] =	ssyncset.done $0x0  }
0xba: {  	s10 =	sadd.s32 $0x32, s10;
	s11 =	sadd.s32 $0x190, s11;
	[sflag:s30] =	ssyncadd.s32 $0xFFFFFFB0  }
0xbb: {  	[spmem:s2] =	stream.indirect.scatter.add.f32 [tilespmem:s25], [sflag:$0xA], $0x1, s22, s24, $0xb8;
	[tilespmem:$0x800] =	vst v63  }
0xbc: {  	_ =	swait.ge [sflag:s31], $0x50  }
0xbd: {  	[sflag:s31] =	ssyncset.done $0x0  }
0xbe: {  	[sflag:s31] =	ssyncadd.s32 $0xFFFFFFB0  }
0xbf: {  	_ =	swait.ge [sflag:s0], $0x50  }
0xc0: {  	[sflag:s0] =	ssyncset.done $0x0  }
0xc1: {  	[sflag:s0] =	ssyncadd.s32 $0xFFFFFFB0  }
0xc2: {  	_ =	swait.ge [sflag:s1], $0x50  }
0xc3: {  	[sflag:s1] =	ssyncset.done $0x0  }
0xc4: {  	[sflag:s1] =	ssyncadd.s32 $0xFFFFFFB0  }
0xc5: {  	_ =	swait.ge [sflag:s7], $0x50  }
0xc6: {  	[sflag:s7] =	ssyncset.done $0x0  }
0xc7: {  	[sflag:s7] =	ssyncadd.s32 $0xFFFFFFB0  }
0xc8: {  	_ =	swait.ge [sflag:s8], $0x50  }
0xc9: {  	[sflag:s8] =	ssyncset.done $0x0  }
0xca: {  	[sflag:s8] =	ssyncadd.s32 $0xFFFFFFB0  }
0xcb: {  	[bflag:$0x0] =	sbarrier.arrive $0xFFFF  }
0xcc: {  	[tilespmem:s16], [sflag:$0xB] =	stream.linear.gather [spmem:s6], $0x280, $0x38;
	[tilespmem:$0x800] =	vst v63  }
0xcd: {  	_ =	swait.ge [sflag:s17], $0x280  }
0xce: {  	s10 =	simm.s32 $0x80;
	[sflag:s17] =	ssyncset.done $0x0  }
0xcf: {  	s11 =	simm.s32 $0x100;
	s5 =	rddreg [dreg:$0xa];
	[sflag:s17] =	ssyncadd.s32 $0xFFFFFD80  }
0xd0: {  	[hbm4b:s5+s10] =	stream.strided.scatter [tilespmem:s16], [sflag:$0xB], $0x280, s11, s10, $0x38;
	[tilespmem:$0x800] =	vst v63  }
0xd1: {  	_ =	swait.ge [sflag:s17], $0x280  }
0xd2: {  	s9 =	sadd.s32 $0x1, s9;
	s12 =	rddreg [dreg:$0xb]  }
0xd3: {  	p0 =	sne.s32 s9, s12  }
.Ltmp1:
0xd4: {  	_ = 	snop;
	(pc) =	sbr.rel @p0 .LBB2_1-.Ltmp1, $3  }
0xd5: {  	_ =	sdelay $0x1  }
0xd6: {  	[sflag:s17] =	ssyncset.done $0x0  }
0xd7: {  	[sflag:s17] =	ssyncadd.s32 $0xFFFFFD80  }
0xd8: {  	_ =	sfence.sel $0x180000  }
0xd9: {  	[bflag:$0x0] =	sbarrier.arrive $0xFFFF  }
0xda: {  	_ =	strace $0x90000047  }
0xdb: {  	s0 =	stileid.u32;
	[bflag:$0x2] =	sbarrier.arrive $0xFFFF  }
0xdc: {  	p0 =	sne.s32 s0, $0x0;
	s0 =	rddreg [dreg:$0x2]  }
0xdd: {  	s0 =	sadd.s32 @!p0 $0x100000, s0  }
0xde: {  	[sflag:s0] =	ssyncadd.tile.s32 @!p0 $0x1;
	_ =	shalt  }
.Lfunc_end2:
_tile_overlayer_lowered:
.L_overlay_start_2:
0xdf: {  	(tag) =	ssettag $0x2  }
0xe0: {  	s0 =	rddreg [dreg:$0x0];
	s2 =	stileid.u32  }
0xe1: {  	s1 =	rddreg [dreg:$0x1];
	p0 =	sne.s32 s2, $0x0  }
0xe2: {  	s3 =	rddreg [dreg:$0x2];
	[bflag:$0x3] =	sbarrier.arrive $0xFFFF;
	s2 =	simm.s32 @!p0 $0x1C0B  }
0xe3: {  	[timem:s3], [sflag:s2] =	dma.local @!p0 [hbm:s0], s1  }
0xe4: {  	s0 =	simm.s32 @!p0 $0xB  }
0xe5: {  	_ =	swait.ge @!p0 [sflag:s0], s1  }
0xe6: {  	s1 =	ssub.s32 @!p0 $0x0, s1;
	[sflag:s0] =	ssyncset.done @!p0 $0x0  }
0xe7: {  	[sflag:s0] =	ssyncadd.s32 @!p0 s1  }
0xe8: {  	[bflag:$0x3] =	sbarrier.arrive $0xFFFF  }
0xe9: {  	_ =	shalt  }

</sc_bundles>
